<compile_context>
chip_gen: v7x
topology: tpu7x:2x2x1
jax: 0.10.2.dev20260603
libtpu: 0.0.44.dev20260713+nightly
codegen_flags: <defaults>
</compile_context>

<pallas_src>
import jax
import jax.numpy as jnp
import numpy as np
from jax import lax
from jax.experimental import pallas as pl
from jax.experimental.pallas import tpu as pltpu
from jax.experimental.pallas import tpu_sc as plsc

N = 10000
E = 320000
C = 128
OUT = 128
SEEDS = 1024

NC = 2
NS = 16
NW = NC * NS
L = 16

EW = E // NW
EK = 80
ENCHUNK = EW // EK
ZSTRIPE = 640
ZTAIL = N - (NS - 1) * ZSTRIPE

EK2 = 80
CAP2 = 10080
TRASH = SEEDS
AGG2_ROWS = 1152
Z2STRIPE = AGG2_ROWS // NS


def _sc_mesh():
    return plsc.VectorSubcoreMesh(core_axis_name="c", subcore_axis_name="s",
                                  num_cores=NC, num_subcores=NS)


def _sc_scatter(h, src, dst, zeros_hbm):
    def body(h_hbm, src_hbm, dst_hbm, zeros_hbm,
             out_hbm, cpk_hbm, cnt_hbm,
             sidx0, sidx1, sidx2, didx0, didx1, didx2,
             rows0, rows1, rows2, cbuf, cnt_v, agg,
             gsem0, gsem1, gsem2, ssem0, ssem1, ssem2,
             isem0, isem1, isem2, dsem0, dsem1, dsem2):
        sidx = [sidx0, sidx1, sidx2]
        didx = [didx0, didx1, didx2]
        rows = [rows0, rows1, rows2]
        gsem = [gsem0, gsem1, gsem2]
        ssem = [ssem0, ssem1, ssem2]
        isem = [isem0, isem1, isem2]
        dsem = [dsem0, dsem1, dsem2]
        c = lax.axis_index("c")
        s = lax.axis_index("s")
        wid = s * NC + c

        @pl.when(s < NS - 1)
        def _():
            pltpu.sync_copy(zeros_hbm, agg.at[pl.ds(s * ZSTRIPE, ZSTRIPE)])

        @pl.when(s == NS - 1)
        def _():
            pltpu.sync_copy(zeros_hbm.at[pl.ds(0, ZTAIL)],
                            agg.at[pl.ds((NS - 1) * ZSTRIPE, ZTAIL)])

        plsc.subcore_barrier()

        e0 = wid * EW
        for kp in range(3):
            pltpu.sync_copy(src_hbm.at[pl.ds(e0 + kp * EK, EK)], sidx[kp])
        for kp in range(2):
            pltpu.sync_copy(dst_hbm.at[pl.ds(e0 + kp * EK, EK)], didx[kp])

        def fire_sidx(k, b):
            pltpu.async_copy(src_hbm.at[pl.ds(e0 + k * EK, EK)],
                             sidx[b], isem[b])

        def wait_sidx(b):
            pltpu.make_async_copy(src_hbm.at[pl.ds(0, EK)], sidx[b],
                                  isem[b]).wait()

        def fire_didx(k, b):
            pltpu.async_copy(dst_hbm.at[pl.ds(e0 + k * EK, EK)],
                             didx[b], dsem[b])

        def wait_didx(b):
            pltpu.make_async_copy(dst_hbm.at[pl.ds(0, EK)], didx[b],
                                  dsem[b]).wait()

        def fire_gather(b):
            pltpu.async_copy(h_hbm.at[sidx[b]], rows[b], gsem[b])

        def wait_gather(b):
            pltpu.make_async_copy(h_hbm.at[pl.ds(0, EK)], rows[b],
                                  gsem[b]).wait()

        def drain_scatter(b):
            pltpu.make_async_copy(h_hbm.at[pl.ds(0, EK)], rows[b],
                                  ssem[b]).wait()

        def compact(b, off_v):
            for i in range(EK // L):
                sv = sidx[b][pl.ds(i * L, L)]
                dv = didx[b][pl.ds(i * L, L)]
                m = dv < SEEDS
                cum = plsc.cumsum(m.astype(jnp.int32))
                pos = off_v + cum - 1
                plsc.store_scatter(cbuf, [pos], sv | (dv << 16), mask=m)
                off_v = off_v + plsc.all_reduce_population_count(m)
            return off_v

        fire_gather(0)
        fire_gather(1)

        def triple(j, off_v):
            for b in range(3):
                k = 3 * j + b
                wait_gather(b)

                @pl.when(k >= 2)
                def _():
                    wait_didx(b)

                pltpu.async_copy(rows[b], agg.at[didx[b]], ssem[b],
                                 add=True)
                off_v = compact(b, off_v)

                @pl.when(k + 3 < ENCHUNK)
                def _():
                    fire_sidx(k + 3, b)

                @pl.when(k >= 1)
                def _():
                    drain_scatter((b + 2) % 3)

                @pl.when(k + 2 < ENCHUNK)
                def _():
                    fire_didx(k + 2, (b + 2) % 3)

                @pl.when(k >= 1)
                def _():
                    wait_sidx((b + 2) % 3)

                fire_gather((b + 2) % 3)
            return off_v

        nmain = (ENCHUNK - 2) // 3
        off_v = lax.fori_loop(0, nmain, triple, jnp.zeros((L,), jnp.int32))
        for k in range(3 * nmain, ENCHUNK):
            b = k % 3
            wait_gather(b)
            wait_didx(b)
            pltpu.async_copy(rows[b], agg.at[didx[b]], ssem[b], add=True)
            off_v = compact(b, off_v)
            drain_scatter((b + 2) % 3)
        drain_scatter((ENCHUNK - 1) % 3)

        ramp = lax.iota(jnp.int32, L)
        trash_v = jnp.zeros((L,), jnp.int32) + (TRASH << 16)
        for i in range(EK2 // L):
            plsc.store_scatter(cbuf, [off_v + i * L + ramp], trash_v)
        off = jnp.max(off_v)
        cnt_v[...] = jnp.zeros((L,), jnp.int32) + (off + EK2 - 1) // EK2
        pltpu.sync_copy(cbuf, cpk_hbm.at[wid])
        pltpu.sync_copy(cnt_v, cnt_hbm.at[wid])

        plsc.subcore_barrier()
        @pl.when(s < NS - 1)
        def _():
            pltpu.sync_copy(agg.at[pl.ds(s * ZSTRIPE, ZSTRIPE)],
                            out_hbm.at[c, pl.ds(s * ZSTRIPE, ZSTRIPE)])

        @pl.when(s == NS - 1)
        def _():
            pltpu.sync_copy(agg.at[pl.ds((NS - 1) * ZSTRIPE, ZTAIL)],
                            out_hbm.at[c, pl.ds((NS - 1) * ZSTRIPE, ZTAIL)])

    k = pl.kernel(
        body,
        out_type=(
            jax.ShapeDtypeStruct((NC, N, C), jnp.float32),
            jax.ShapeDtypeStruct((NW, CAP2), jnp.int32),
            jax.ShapeDtypeStruct((NW, L), jnp.int32),
        ),
        mesh=_sc_mesh(),
        scratch_types=(
            [pltpu.VMEM((EK,), jnp.int32) for _ in range(6)]
            + [pltpu.VMEM((EK, C), jnp.float32) for _ in range(3)]
            + [pltpu.VMEM((CAP2,), jnp.int32),
               pltpu.VMEM((L,), jnp.int32)]
            + [pltpu.VMEM_SHARED((N, C), jnp.float32)]
            + [pltpu.SemaphoreType.DMA for _ in range(12)]
        ),
        compiler_params=pltpu.CompilerParams(needs_layout_passes=False),
    )
    return k(h, src, dst, zeros_hbm)


def _sc_scatter_seeds(h1, cpk, cnt, zeros_hbm):
    def body(h_hbm, cpk_hbm, cnt_hbm, zeros_hbm, out_hbm,
             sv, cnt_v, si_all, di2d,
             rows0, rows1, rows2, rows3, rows4, rows5, agg,
             gsem0, gsem1, gsem2, gsem3, gsem4, gsem5,
             ssem0, ssem1, ssem2, ssem3, ssem4, ssem5):
        rows = [rows0, rows1, rows2, rows3, rows4, rows5]
        gsem = [gsem0, gsem1, gsem2, gsem3, gsem4, gsem5]
        ssem = [ssem0, ssem1, ssem2, ssem3, ssem4, ssem5]
        c = lax.axis_index("c")
        s = lax.axis_index("s")
        wid = s * NC + c

        pltpu.sync_copy(zeros_hbm.at[pl.ds(0, Z2STRIPE)],
                        agg.at[pl.ds(s * Z2STRIPE, Z2STRIPE)])
        plsc.subcore_barrier()

        pltpu.sync_copy(cpk_hbm.at[wid], sv)
        pltpu.sync_copy(cnt_hbm.at[wid], cnt_v)
        nch = jnp.max(cnt_v[...])

        ramp = lax.iota(jnp.int32, L)
        krow = jnp.zeros((L,), jnp.int32)

        def unpack(k, _):
            for i in range(EK2 // L):
                pv = sv[pl.ds(k * EK2 + i * L, L)]
                plsc.store_scatter(si_all, [k * EK2 + i * L + ramp],
                                   pv & 0xFFFF)
                plsc.store_scatter(di2d, [krow + k, i * L + ramp],
                                   pv >> 16)
            return _

        lax.fori_loop(0, nch, unpack, None)

        def fire_gather(k, b):
            pltpu.async_copy(h_hbm.at[si_all.at[pl.ds(k * EK2, EK2)]],
                             rows[b], gsem[b])

        def wait_gather(b):
            pltpu.make_async_copy(h_hbm.at[pl.ds(0, EK2)], rows[b],
                                  gsem[b]).wait()

        def drain_scatter(b):
            pltpu.make_async_copy(h_hbm.at[pl.ds(0, EK2)], rows[b],
                                  ssem[b]).wait()

        for kp in range(4):
            @pl.when(kp < nch)
            def _():
                fire_gather(kp, kp)

        def hexa(j, _):
            for b in range(6):
                k = 6 * j + b

                @pl.when(k < nch)
                def _():
                    wait_gather(b)
                    pltpu.async_copy(rows[b], agg.at[di2d.at[k]], ssem[b],
                                     add=True)

                    @pl.when(k >= 2)
                    def _():
                        drain_scatter((b + 4) % 6)

                    @pl.when(k + 4 < nch)
                    def _():
                        fire_gather(k + 4, (b + 4) % 6)
            return _

        lax.fori_loop(0, (nch + 5) // 6, hexa, None)
        for d in range(6):
            @pl.when((nch >= 1) & ((nch - 1) % 6 == d))
            def _():
                drain_scatter(d)
        for d in range(6):
            @pl.when((nch >= 2) & ((nch - 2) % 6 == d))
            def _():
                drain_scatter(d)

        plsc.subcore_barrier()
        wpt = SEEDS // NS
        pltpu.sync_copy(agg.at[pl.ds(s * wpt, wpt)],
                        out_hbm.at[c, pl.ds(s * wpt, wpt)])

    k = pl.kernel(
        body,
        out_type=jax.ShapeDtypeStruct((NC, SEEDS, C), jnp.float32),
        mesh=_sc_mesh(),
        scratch_types=(
            [pltpu.VMEM((CAP2,), jnp.int32),
             pltpu.VMEM((L,), jnp.int32),
             pltpu.VMEM((CAP2,), jnp.int32),
             pltpu.VMEM((CAP2 // EK2 + 1, EK2), jnp.int32)]
            + [pltpu.VMEM((EK2, C), jnp.float32) for _ in range(6)]
            + [pltpu.VMEM_SHARED((AGG2_ROWS, C), jnp.float32)]
            + [pltpu.SemaphoreType.DMA for _ in range(12)]
        ),
        compiler_params=pltpu.CompilerParams(needs_layout_passes=False),
    )
    return k(h1, cpk, cnt, zeros_hbm)


_RBLK = 2000


def _encoder_body(x_ref, bid_ref, nt_ref, seed_ref,
                  wf_ref, bf_ref, wn_ref, bn_ref,
                  lg_ref, lb_ref, wt_ref, bt_ref, o_ref):
    x = x_ref[...]
    h = jnp.dot(x, wf_ref[...], preferred_element_type=jnp.float32) + bf_ref[...]
    t = jnp.dot(h, wn_ref[...], preferred_element_type=jnp.float32) + bn_ref[...]
    t = jnp.maximum(t, 0.0)
    mu = jnp.mean(t, axis=-1, keepdims=True)
    var = jnp.mean((t - mu) ** 2, axis=-1, keepdims=True)
    t = (t - mu) * lax.rsqrt(var + 1e-5) * lg_ref[...] + lb_ref[...]
    iot = lax.broadcasted_iota(jnp.int32, (_RBLK, SEEDS), 1)
    oh = jnp.where(iot == bid_ref[...], seed_ref[...], 0.0)
    rel = jnp.sum(oh, axis=1, keepdims=True) - nt_ref[...]
    half = C // 2
    f = lax.broadcasted_iota(jnp.int32, (1, half), 1).astype(jnp.float32)
    freqs = jnp.exp(f * (-np.log(10000.0) / half))
    ang = rel * freqs
    pe = jnp.concatenate([jnp.sin(ang), jnp.cos(ang)], axis=-1)
    o_ref[...] = t + jnp.dot(pe, wt_ref[...],
                             preferred_element_type=jnp.float32) + bt_ref[...]


def _tc_encoder(x, batch_ids, node_time, seed_time,
                W_feat, b_feat, W_node, b_node, ln_g, ln_b,
                W_time, b_time):
    grid = N // _RBLK
    w2 = pl.BlockSpec((C, C), lambda i: (0, 0))
    w1 = pl.BlockSpec((C,), lambda i: (0,))
    return pl.pallas_call(
        _encoder_body,
        grid=(grid,),
        in_specs=[
            pl.BlockSpec((_RBLK, C), lambda i: (i, 0)),
            pl.BlockSpec((_RBLK, 1), lambda i: (i, 0)),
            pl.BlockSpec((_RBLK, 1), lambda i: (i, 0)),
            pl.BlockSpec((1, SEEDS), lambda i: (0, 0)),
            w2, w1, w2, w1, w1, w1, w2, w1,
        ],
        out_specs=pl.BlockSpec((_RBLK, C), lambda i: (i, 0)),
        out_shape=jax.ShapeDtypeStruct((N, C), jnp.float32),
    )(x, batch_ids, node_time, seed_time,
      W_feat, b_feat, W_node, b_node, ln_g, ln_b, W_time, b_time)


def _layer_body(h_ref, p0_ref, p1_ref, ws_ref, wn_ref, b_ref, o_ref):
    agg = p0_ref[0] + p1_ref[0]
    o = (jnp.dot(h_ref[...], ws_ref[...], preferred_element_type=jnp.float32)
         + jnp.dot(agg, wn_ref[...], preferred_element_type=jnp.float32)
         + b_ref[...])
    o_ref[...] = jnp.maximum(o, 0.0)


def _tc_layer1(h, p, W_self, W_neigh, b):
    grid = N // _RBLK
    blk = pl.BlockSpec((_RBLK, C), lambda i: (i, 0))
    p0s = pl.BlockSpec((1, _RBLK, C), lambda i: (0, i, 0))
    p1s = pl.BlockSpec((1, _RBLK, C), lambda i: (1, i, 0))
    w2 = pl.BlockSpec((C, C), lambda i: (0, 0))
    w1 = pl.BlockSpec((C,), lambda i: (0,))
    return pl.pallas_call(
        _layer_body,
        grid=(grid,),
        in_specs=[blk, p0s, p1s, w2, w2, w1],
        out_specs=blk,
        out_shape=jax.ShapeDtypeStruct((N, C), jnp.float32),
    )(h, p, p, W_self, W_neigh, b)


def _head_body(h_ref, q0_ref, q1_ref, ws_ref, wn_ref, b_ref,
               wh_ref, bh_ref, o_ref):
    agg = q0_ref[0] + q1_ref[0]
    t = (jnp.dot(h_ref[...], ws_ref[...], preferred_element_type=jnp.float32)
         + jnp.dot(agg, wn_ref[...], preferred_element_type=jnp.float32)
         + b_ref[...])
    t = jnp.maximum(t, 0.0)
    o_ref[...] = jnp.dot(t, wh_ref[...],
                         preferred_element_type=jnp.float32) + bh_ref[...]


def _tc_head(h1, q, W_self, W_neigh, b, W_head, b_head):
    return pl.pallas_call(
        _head_body,
        grid=(1,),
        in_specs=[
            pl.BlockSpec((SEEDS, C), lambda i: (0, 0)),
            pl.BlockSpec((1, SEEDS, C), lambda i: (0, 0, 0)),
            pl.BlockSpec((1, SEEDS, C), lambda i: (1, 0, 0)),
            pl.BlockSpec((C, C), lambda i: (0, 0)),
            pl.BlockSpec((C, C), lambda i: (0, 0)),
            pl.BlockSpec((C,), lambda i: (0,)),
            pl.BlockSpec((C, OUT), lambda i: (0, 0)),
            pl.BlockSpec((OUT,), lambda i: (0,)),
        ],
        out_specs=pl.BlockSpec((SEEDS, OUT), lambda i: (0, 0)),
        out_shape=jax.ShapeDtypeStruct((SEEDS, OUT), jnp.float32),
    )(h1, q, q, W_self, W_neigh, b, W_head, b_head)


def kernel(x, edge_index, node_time, seed_time, batch_ids,
           W_feat, b_feat, W_node, b_node, ln_g, ln_b,
           W_time, b_time,
           W_self1, W_neigh1, b1, W_self2, W_neigh2, b2,
           W_head, b_head):
    h = _tc_encoder(x, batch_ids.reshape(N, 1), node_time.reshape(N, 1),
                    seed_time.reshape(1, SEEDS),
                    W_feat, b_feat, W_node, b_node, ln_g, ln_b,
                    W_time, b_time)

    zeros_hbm = jnp.zeros((ZSTRIPE, C), jnp.float32)
    src = edge_index[0]
    dst = edge_index[1]
    p, cpk, cnt = _sc_scatter(h, src, dst, zeros_hbm)
    h1 = _tc_layer1(h, p, W_self1, W_neigh1, b1)

    q = _sc_scatter_seeds(h1, cpk, cnt, zeros_hbm)
    return _tc_head(h1, q, W_self2, W_neigh2, b2, W_head, b_head)

# --- scband reference (transcript-rebuilt; emitter-appended) ---
"""Pipeline reference for scband-rdbmodel-20839181320408 (READ-ONLY COPY).

The authoritative reference and input builder live on the scoring server;
editing this copy changes nothing except your own understanding.
"""

import jax, jax.numpy as jnp
import numpy as np

N = 10000
E = 320000
C = 128
OUT = 128
SEEDS = 1024


def setup_inputs(seed: int = 0) -> dict:
    key = jax.random.key(seed)
    ks = jax.random.split(key, 24)
    inp = {}
    inp["x"] = jax.random.normal(ks[0], (N, C), dtype=jnp.float32)
    inp["edge_index"] = jax.random.randint(ks[1], (2, E), 0, N, dtype=jnp.int32)
    inp["node_time"] = jax.random.uniform(ks[2], (N,), dtype=jnp.float32)
    inp["seed_time"] = jax.random.uniform(ks[3], (SEEDS,), dtype=jnp.float32)
    inp["batch_ids"] = jax.random.randint(ks[4], (N,), 0, SEEDS, dtype=jnp.int32)
    # feature encoder (tf_dict encoder collapsed to a linear projection)
    inp["W_feat"] = jax.random.normal(ks[5], (C, C), dtype=jnp.float32) * 0.05
    inp["b_feat"] = jnp.zeros((C,), dtype=jnp.float32)
    # node representation part: 1-layer MLP + layer_norm
    inp["W_node"] = jax.random.normal(ks[6], (C, C), dtype=jnp.float32) * 0.05
    inp["b_node"] = jnp.zeros((C,), dtype=jnp.float32)
    inp["ln_g"] = jnp.ones((C,), dtype=jnp.float32)
    inp["ln_b"] = jnp.zeros((C,), dtype=jnp.float32)
    # temporal encoder: sinusoidal encoding of rel_time -> linear to channels
    inp["W_time"] = jax.random.normal(ks[7], (C, C), dtype=jnp.float32) * 0.05
    inp["b_time"] = jnp.zeros((C,), dtype=jnp.float32)
    # HeteroGraphSAGE (homogeneous collapse), 2 layers, sum aggr
    inp["W_self1"] = jax.random.normal(ks[8], (C, C), dtype=jnp.float32) * 0.05
    inp["W_neigh1"] = jax.random.normal(ks[9], (C, C), dtype=jnp.float32) * 0.05
    inp["b1"] = jnp.zeros((C,), dtype=jnp.float32)
    inp["W_self2"] = jax.random.normal(ks[10], (C, C), dtype=jnp.float32) * 0.05
    inp["W_neigh2"] = jax.random.normal(ks[11], (C, C), dtype=jnp.float32) * 0.05
    inp["b2"] = jnp.zeros((C,), dtype=jnp.float32)
    # head MLP (num_layers=1)
    inp["W_head"] = jax.random.normal(ks[12], (C, OUT), dtype=jnp.float32) * 0.05
    inp["b_head"] = jnp.zeros((OUT,), dtype=jnp.float32)
    return inp


def _layer_norm(h, g, b):
    mu = jnp.mean(h, axis=-1, keepdims=True)
    var = jnp.var(h, axis=-1, keepdims=True)
    return (h - mu) / jnp.sqrt(var + 1e-5) * g + b


def reference(x, edge_index, node_time, seed_time, batch_ids,
              W_feat, b_feat, W_node, b_node, ln_g, ln_b,
              W_time, b_time,
              W_self1, W_neigh1, b1, W_self2, W_neigh2, b2,
              W_head, b_head):
    # feature encoder
    h = x @ W_feat + b_feat
    # node encoder: linear -> relu -> layer_norm
    h = _layer_norm(jax.nn.relu(h @ W_node + b_node), ln_g, ln_b)
    # temporal encoder: rel_time = seed_time[batch] - node_time, sinusoidal PE -> linear
    rel = seed_time[batch_ids] - node_time
    half = C // 2
    freqs = jnp.exp(-jnp.arange(half, dtype=jnp.float32) * (np.log(10000.0) / half))
    ang = rel[:, None] * freqs[None, :]
    pe = jnp.concatenate([jnp.sin(ang), jnp.cos(ang)], axis=-1)
    h = h + pe @ W_time + b_time
    # GraphSAGE layers with sum aggregation (scatter-add over edges)
    src = edge_index[0]
    dst = edge_index[1]
    agg1 = jnp.zeros_like(h).at[dst].add(h[src])
    h = jax.nn.relu(h @ W_self1 + agg1 @ W_neigh1 + b1)
    agg2 = jnp.zeros_like(h).at[dst].add(h[src])
    h = jax.nn.relu(h @ W_self2 + agg2 @ W_neigh2 + b2)
    # head over seed nodes only
    out = h[:SEEDS] @ W_head + b_head
    return out

if __name__ == "__main__":
    import jax
    _d = setup_inputs()
    print(jax.jit(kernel)(*tuple(_d.values())))

</pallas_src>

<mosaic_0001>
#map = affine_map<(d0, d1) -> (0, 0)>
#map1 = affine_map<(d0, d1) -> (0)>
#map2 = affine_map<(d0, d1) -> (0, 0, 0)>
module attributes {stable_mosaic.version = 14 : i64} {
  func.func @body(%arg0: i32, %arg1: i32, %arg2: memref<10000x128xf32, #tpu.memory_space<hbm>>, %arg3: memref<320000xi32, #tpu.memory_space<hbm>>, %arg4: memref<320000xi32, #tpu.memory_space<hbm>>, %arg5: memref<640x128xf32, #tpu.memory_space<hbm>>, %arg6: memref<2x10000x128xf32, #tpu.memory_space<hbm>>, %arg7: memref<32x10080xi32, #tpu.memory_space<hbm>>, %arg8: memref<32x16xi32, #tpu.memory_space<hbm>>, %arg9: memref<80xi32, #tpu.memory_space<vmem>>, %arg10: memref<80xi32, #tpu.memory_space<vmem>>, %arg11: memref<80xi32, #tpu.memory_space<vmem>>, %arg12: memref<80xi32, #tpu.memory_space<vmem>>, %arg13: memref<80xi32, #tpu.memory_space<vmem>>, %arg14: memref<80xi32, #tpu.memory_space<vmem>>, %arg15: memref<80x128xf32, #tpu.memory_space<vmem>>, %arg16: memref<80x128xf32, #tpu.memory_space<vmem>>, %arg17: memref<80x128xf32, #tpu.memory_space<vmem>>, %arg18: memref<10080xi32, #tpu.memory_space<vmem>>, %arg19: memref<16xi32, #tpu.memory_space<vmem>>, %arg20: memref<10000x128xf32, #tpu.memory_space<vmem_shared>>, %arg21: memref<!tpu.dma_semaphore, #tpu.memory_space<semaphore_mem>>, %arg22: memref<!tpu.dma_semaphore, #tpu.memory_space<semaphore_mem>>, %arg23: memref<!tpu.dma_semaphore, #tpu.memory_space<semaphore_mem>>, %arg24: memref<!tpu.dma_semaphore, #tpu.memory_space<semaphore_mem>>, %arg25: memref<!tpu.dma_semaphore, #tpu.memory_space<semaphore_mem>>, %arg26: memref<!tpu.dma_semaphore, #tpu.memory_space<semaphore_mem>>, %arg27: memref<!tpu.dma_semaphore, #tpu.memory_space<semaphore_mem>>, %arg28: memref<!tpu.dma_semaphore, #tpu.memory_space<semaphore_mem>>, %arg29: memref<!tpu.dma_semaphore, #tpu.memory_space<semaphore_mem>>, %arg30: memref<!tpu.dma_semaphore, #tpu.memory_space<semaphore_mem>>, %arg31: memref<!tpu.dma_semaphore, #tpu.memory_space<semaphore_mem>>, %arg32: memref<!tpu.dma_semaphore, #tpu.memory_space<semaphore_mem>>) attributes {dimension_semantics = [#tpu.dimension_semantics<core_parallel>, #tpu.dimension_semantics<subcore_parallel>], iteration_bounds = array<i64: 2, 16>, scalar_prefetch = 0 : i64, scratch_operands = 24 : i64, tpu.core_type = #tpu.core_type<sc_vector_subcore>, window_params = [{transform_indices = #map}, {transform_indices = #map1}, {transform_indices = #map1}, {transform_indices = #map}, {transform_indices = #map2}, {transform_indices = #map}, {transform_indices = #map}]} {
    %mul3A = arith.constant 2 : i32
    %mul3A_0 = arith.muli %arg1, %mul3A : i32
    %add3A = arith.addi %mul3A_0, %arg0 : i32
    %lt3A = arith.constant 15 : i32
    %lt3A_1 = arith.cmpi slt, %arg1, %lt3A : i32
    %convert_element_type3A = arith.extui %lt3A_1 : i1 to i32
    %cond3A = arith.constant 0 : i32
    %cond3A_2 = arith.cmpi ne, %convert_element_type3A, %cond3A : i32
    scf.if %cond3A_2 {
      %mul3A_346 = arith.constant 640 : i32
      %mul3A_347 = arith.muli %arg1, %mul3A_346 : i32
      "tpu.region"() ({
        %run_scoped3A = tpu.sem_alloc : memref<!tpu.dma_semaphore, #tpu.memory_space<semaphore_mem>>
        %dma_start3A_348 = arith.constant 0 : i32
        %dma_start3A_349 = tpu.memref_slice %arg20[%mul3A_347, %dma_start3A_348] : memref<10000x128xf32, #tpu.memory_space<vmem_shared>> -> memref<640x128xf32, #tpu.memory_space<vmem_shared>>
        tpu.enqueue_dma source(%arg5 : memref<640x128xf32, #tpu.memory_space<hbm>>) target(%dma_start3A_349 : memref<640x128xf32, #tpu.memory_space<vmem_shared>>) target_semaphore(%run_scoped3A : memref<!tpu.dma_semaphore, #tpu.memory_space<semaphore_mem>>)
        %dma_wait3A_350 = arith.constant 0 : i32
        %dma_wait3A_351 = tpu.memref_slice %arg20[%mul3A_347, %dma_wait3A_350] : memref<10000x128xf32, #tpu.memory_space<vmem_shared>> -> memref<640x128xf32, #tpu.memory_space<vmem_shared>>
        tpu.wait_dma2 semaphore(%run_scoped3A : memref<!tpu.dma_semaphore, #tpu.memory_space<semaphore_mem>>) src(%arg5 : memref<640x128xf32, #tpu.memory_space<hbm>>) dst(%dma_wait3A_351 : memref<640x128xf32, #tpu.memory_space<vmem_shared>>)
        tpu.yield
      }) : () -> ()
    } else {
    }
    %eq3A = arith.constant 15 : i32
    %eq3A_3 = arith.cmpi eq, %arg1, %eq3A : i32
    %convert_element_type3A_4 = arith.extui %eq3A_3 : i1 to i32
    %cond3A_5 = arith.constant 0 : i32
    %cond3A_6 = arith.cmpi ne, %convert_element_type3A_4, %cond3A_5 : i32
    scf.if %cond3A_6 {
      "tpu.region"() ({
        %run_scoped3A = tpu.sem_alloc : memref<!tpu.dma_semaphore, #tpu.memory_space<semaphore_mem>>
        %dma_start3A_346 = arith.constant 9600 : i32
        %dma_start3A_347 = arith.constant 0 : i32
        %dma_start3A_348 = tpu.memref_slice %arg20[%dma_start3A_346, %dma_start3A_347] : memref<10000x128xf32, #tpu.memory_space<vmem_shared>> -> memref<400x128xf32, #tpu.memory_space<vmem_shared>>
        %dma_start3A_349 = arith.constant 0 : i32
        %dma_start3A_350 = arith.constant 0 : i32
        %dma_start3A_351 = tpu.memref_slice %arg5[%dma_start3A_349, %dma_start3A_350] : memref<640x128xf32, #tpu.memory_space<hbm>> -> memref<400x128xf32, #tpu.memory_space<hbm>>
        tpu.enqueue_dma source(%dma_start3A_351 : memref<400x128xf32, #tpu.memory_space<hbm>>) target(%dma_start3A_348 : memref<400x128xf32, #tpu.memory_space<vmem_shared>>) target_semaphore(%run_scoped3A : memref<!tpu.dma_semaphore, #tpu.memory_space<semaphore_mem>>)
        %dma_wait3A_352 = arith.constant 9600 : i32
        %dma_wait3A_353 = arith.constant 0 : i32
        %dma_wait3A_354 = tpu.memref_slice %arg20[%dma_wait3A_352, %dma_wait3A_353] : memref<10000x128xf32, #tpu.memory_space<vmem_shared>> -> memref<400x128xf32, #tpu.memory_space<vmem_shared>>
        %dma_wait3A_355 = arith.constant 0 : i32
        %dma_wait3A_356 = arith.constant 0 : i32
        %dma_wait3A_357 = tpu.memref_slice %arg5[%dma_wait3A_355, %dma_wait3A_356] : memref<640x128xf32, #tpu.memory_space<hbm>> -> memref<400x128xf32, #tpu.memory_space<hbm>>
        tpu.wait_dma2 semaphore(%run_scoped3A : memref<!tpu.dma_semaphore, #tpu.memory_space<semaphore_mem>>) src(%dma_wait3A_357 : memref<400x128xf32, #tpu.memory_space<hbm>>) dst(%dma_wait3A_354 : memref<400x128xf32, #tpu.memory_space<vmem_shared>>)
        tpu.yield
      }) : () -> ()
    } else {
    }
    %barrier3A = arith.constant 0 : index
    tpu.barrier barrier_id(%barrier3A)
    %mul3A_7 = arith.constant 10000 : i32
    %mul3A_8 = arith.muli %add3A, %mul3A_7 : i32
    %add3A_9 = arith.constant 0 : i32
    %add3A_10 = arith.addi %mul3A_8, %add3A_9 : i32
    "tpu.region"() ({
      %run_scoped3A = tpu.sem_alloc : memref<!tpu.dma_semaphore, #tpu.memory_space<semaphore_mem>>
      %dma_start3A_346 = tpu.memref_slice %arg3[%add3A_10] : memref<320000xi32, #tpu.memory_space<hbm>> -> memref<80xi32, #tpu.memory_space<hbm>>
      %dma_start3A_347 = tpu.memref_slice %arg3[%add3A_10] : memref<320000xi32, #tpu.memory_space<hbm>> -> memref<80xi32, #tpu.memory_space<hbm>>
      tpu.enqueue_dma source(%dma_start3A_347 : memref<80xi32, #tpu.memory_space<hbm>>) target(%arg9 : memref<80xi32, #tpu.memory_space<vmem>>) target_semaphore(%run_scoped3A : memref<!tpu.dma_semaphore, #tpu.memory_space<semaphore_mem>>)
      %dma_wait3A_348 = tpu.memref_slice %arg3[%add3A_10] : memref<320000xi32, #tpu.memory_space<hbm>> -> memref<80xi32, #tpu.memory_space<hbm>>
      %dma_wait3A_349 = tpu.memref_slice %arg3[%add3A_10] : memref<320000xi32, #tpu.memory_space<hbm>> -> memref<80xi32, #tpu.memory_space<hbm>>
      tpu.wait_dma2 semaphore(%run_scoped3A : memref<!tpu.dma_semaphore, #tpu.memory_space<semaphore_mem>>) src(%dma_wait3A_349 : memref<80xi32, #tpu.memory_space<hbm>>) dst(%arg9 : memref<80xi32, #tpu.memory_space<vmem>>)
      tpu.yield
    }) : () -> ()
    %add3A_11 = arith.constant 80 : i32
    %add3A_12 = arith.addi %mul3A_8, %add3A_11 : i32
    "tpu.region"() ({
      %run_scoped3A = tpu.sem_alloc : memref<!tpu.dma_semaphore, #tpu.memory_space<semaphore_mem>>
      %dma_start3A_346 = tpu.memref_slice %arg3[%add3A_12] : memref<320000xi32, #tpu.memory_space<hbm>> -> memref<80xi32, #tpu.memory_space<hbm>>
      %dma_start3A_347 = tpu.memref_slice %arg3[%add3A_12] : memref<320000xi32, #tpu.memory_space<hbm>> -> memref<80xi32, #tpu.memory_space<hbm>>
      tpu.enqueue_dma source(%dma_start3A_347 : memref<80xi32, #tpu.memory_space<hbm>>) target(%arg10 : memref<80xi32, #tpu.memory_space<vmem>>) target_semaphore(%run_scoped3A : memref<!tpu.dma_semaphore, #tpu.memory_space<semaphore_mem>>)
      %dma_wait3A_348 = tpu.memref_slice %arg3[%add3A_12] : memref<320000xi32, #tpu.memory_space<hbm>> -> memref<80xi32, #tpu.memory_space<hbm>>
      %dma_wait3A_349 = tpu.memref_slice %arg3[%add3A_12] : memref<320000xi32, #tpu.memory_space<hbm>> -> memref<80xi32, #tpu.memory_space<hbm>>
      tpu.wait_dma2 semaphore(%run_scoped3A : memref<!tpu.dma_semaphore, #tpu.memory_space<semaphore_mem>>) src(%dma_wait3A_349 : memref<80xi32, #tpu.memory_space<hbm>>) dst(%arg10 : memref<80xi32, #tpu.memory_space<vmem>>)
      tpu.yield
    }) : () -> ()
    %add3A_13 = arith.constant 160 : i32
    %add3A_14 = arith.addi %mul3A_8, %add3A_13 : i32
    "tpu.region"() ({
      %run_scoped3A = tpu.sem_alloc : memref<!tpu.dma_semaphore, #tpu.memory_space<semaphore_mem>>
      %dma_start3A_346 = tpu.memref_slice %arg3[%add3A_14] : memref<320000xi32, #tpu.memory_space<hbm>> -> memref<80xi32, #tpu.memory_space<hbm>>
      %dma_start3A_347 = tpu.memref_slice %arg3[%add3A_14] : memref<320000xi32, #tpu.memory_space<hbm>> -> memref<80xi32, #tpu.memory_space<hbm>>
      tpu.enqueue_dma source(%dma_start3A_347 : memref<80xi32, #tpu.memory_space<hbm>>) target(%arg11 : memref<80xi32, #tpu.memory_space<vmem>>) target_semaphore(%run_scoped3A : memref<!tpu.dma_semaphore, #tpu.memory_space<semaphore_mem>>)
      %dma_wait3A_348 = tpu.memref_slice %arg3[%add3A_14] : memref<320000xi32, #tpu.memory_space<hbm>> -> memref<80xi32, #tpu.memory_space<hbm>>
      %dma_wait3A_349 = tpu.memref_slice %arg3[%add3A_14] : memref<320000xi32, #tpu.memory_space<hbm>> -> memref<80xi32, #tpu.memory_space<hbm>>
      tpu.wait_dma2 semaphore(%run_scoped3A : memref<!tpu.dma_semaphore, #tpu.memory_space<semaphore_mem>>) src(%dma_wait3A_349 : memref<80xi32, #tpu.memory_space<hbm>>) dst(%arg11 : memref<80xi32, #tpu.memory_space<vmem>>)
      tpu.yield
    }) : () -> ()
    %add3A_15 = arith.constant 0 : i32
    %add3A_16 = arith.addi %mul3A_8, %add3A_15 : i32
    "tpu.region"() ({
      %run_scoped3A = tpu.sem_alloc : memref<!tpu.dma_semaphore, #tpu.memory_space<semaphore_mem>>
      %dma_start3A_346 = tpu.memref_slice %arg4[%add3A_16] : memref<320000xi32, #tpu.memory_space<hbm>> -> memref<80xi32, #tpu.memory_space<hbm>>
      %dma_start3A_347 = tpu.memref_slice %arg4[%add3A_16] : memref<320000xi32, #tpu.memory_space<hbm>> -> memref<80xi32, #tpu.memory_space<hbm>>
      tpu.enqueue_dma source(%dma_start3A_347 : memref<80xi32, #tpu.memory_space<hbm>>) target(%arg12 : memref<80xi32, #tpu.memory_space<vmem>>) target_semaphore(%run_scoped3A : memref<!tpu.dma_semaphore, #tpu.memory_space<semaphore_mem>>)
      %dma_wait3A_348 = tpu.memref_slice %arg4[%add3A_16] : memref<320000xi32, #tpu.memory_space<hbm>> -> memref<80xi32, #tpu.memory_space<hbm>>
      %dma_wait3A_349 = tpu.memref_slice %arg4[%add3A_16] : memref<320000xi32, #tpu.memory_space<hbm>> -> memref<80xi32, #tpu.memory_space<hbm>>
      tpu.wait_dma2 semaphore(%run_scoped3A : memref<!tpu.dma_semaphore, #tpu.memory_space<semaphore_mem>>) src(%dma_wait3A_349 : memref<80xi32, #tpu.memory_space<hbm>>) dst(%arg12 : memref<80xi32, #tpu.memory_space<vmem>>)
      tpu.yield
    }) : () -> ()
    %add3A_17 = arith.constant 80 : i32
    %add3A_18 = arith.addi %mul3A_8, %add3A_17 : i32
    "tpu.region"() ({
      %run_scoped3A = tpu.sem_alloc : memref<!tpu.dma_semaphore, #tpu.memory_space<semaphore_mem>>
      %dma_start3A_346 = tpu.memref_slice %arg4[%add3A_18] : memref<320000xi32, #tpu.memory_space<hbm>> -> memref<80xi32, #tpu.memory_space<hbm>>
      %dma_start3A_347 = tpu.memref_slice %arg4[%add3A_18] : memref<320000xi32, #tpu.memory_space<hbm>> -> memref<80xi32, #tpu.memory_space<hbm>>
      tpu.enqueue_dma source(%dma_start3A_347 : memref<80xi32, #tpu.memory_space<hbm>>) target(%arg13 : memref<80xi32, #tpu.memory_space<vmem>>) target_semaphore(%run_scoped3A : memref<!tpu.dma_semaphore, #tpu.memory_space<semaphore_mem>>)
      %dma_wait3A_348 = tpu.memref_slice %arg4[%add3A_18] : memref<320000xi32, #tpu.memory_space<hbm>> -> memref<80xi32, #tpu.memory_space<hbm>>
      %dma_wait3A_349 = tpu.memref_slice %arg4[%add3A_18] : memref<320000xi32, #tpu.memory_space<hbm>> -> memref<80xi32, #tpu.memory_space<hbm>>
      tpu.wait_dma2 semaphore(%run_scoped3A : memref<!tpu.dma_semaphore, #tpu.memory_space<semaphore_mem>>) src(%dma_wait3A_349 : memref<80xi32, #tpu.memory_space<hbm>>) dst(%arg13 : memref<80xi32, #tpu.memory_space<vmem>>)
      tpu.yield
    }) : () -> ()
    %dma_start3A = arith.constant 0 : i32
    %dma_start3A_19 = arith.constant 0 : i32
    %dma_start3A_20 = tpu.memref_slice %arg2[%dma_start3A, %dma_start3A_19] : memref<10000x128xf32, #tpu.memory_space<hbm>> -> memref<10000x128xf32, #tpu.memory_space<hbm>>
    tpu.enqueue_indirect_dma source(%dma_start3A_20 : memref<10000x128xf32, #tpu.memory_space<hbm>>) target(%arg15 : memref<80x128xf32, #tpu.memory_space<vmem>>) offsets(%arg9 : memref<80xi32, #tpu.memory_space<vmem>>) semaphore(%arg21 : memref<!tpu.dma_semaphore, #tpu.memory_space<semaphore_mem>>)
    %dma_start3A_21 = arith.constant 0 : i32
    %dma_start3A_22 = arith.constant 0 : i32
    %dma_start3A_23 = tpu.memref_slice %arg2[%dma_start3A_21, %dma_start3A_22] : memref<10000x128xf32, #tpu.memory_space<hbm>> -> memref<10000x128xf32, #tpu.memory_space<hbm>>
    tpu.enqueue_indirect_dma source(%dma_start3A_23 : memref<10000x128xf32, #tpu.memory_space<hbm>>) target(%arg16 : memref<80x128xf32, #tpu.memory_space<vmem>>) offsets(%arg10 : memref<80xi32, #tpu.memory_space<vmem>>) semaphore(%arg22 : memref<!tpu.dma_semaphore, #tpu.memory_space<semaphore_mem>>)
    %broadcast_in_dim3A = arith.constant 0 : i32
    %broadcast_in_dim3A_24 = vector.broadcast %broadcast_in_dim3A : i32 to vector<16xi32>
    %scan3A = arith.constant 0 : i32
    %scan3A_25 = arith.constant 41 : i32
    %scan3A_26 = arith.addi %scan3A, %scan3A_25 : i32
    %scan3A_27 = arith.constant 1 : i32
    %scan3A_28 = scf.for %scan3A_346 = %scan3A to %scan3A_26 step %scan3A_27 iter_args(%scan3A_347 = %broadcast_in_dim3A_24) -> (vector<16xi32>)  : i32 {
      %mul3A_348 = arith.constant 3 : i32
      %mul3A_349 = arith.muli %mul3A_348, %scan3A_346 : i32
      %add3A_350 = arith.constant 0 : i32
      %add3A_351 = arith.addi %mul3A_349, %add3A_350 : i32
      %dma_wait3A_352 = arith.constant 0 : i32
      %dma_wait3A_353 = arith.constant 0 : i32
      %dma_wait3A_354 = tpu.memref_slice %arg2[%dma_wait3A_352, %dma_wait3A_353] : memref<10000x128xf32, #tpu.memory_space<hbm>> -> memref<80x128xf32, #tpu.memory_space<hbm>>
      %dma_wait3A_355 = arith.constant 0 : i32
      %dma_wait3A_356 = arith.constant 0 : i32
      %dma_wait3A_357 = tpu.memref_slice %arg2[%dma_wait3A_355, %dma_wait3A_356] : memref<10000x128xf32, #tpu.memory_space<hbm>> -> memref<80x128xf32, #tpu.memory_space<hbm>>
      tpu.wait_dma2 semaphore(%arg21 : memref<!tpu.dma_semaphore, #tpu.memory_space<semaphore_mem>>) src(%dma_wait3A_357 : memref<80x128xf32, #tpu.memory_space<hbm>>) dst(%arg15 : memref<80x128xf32, #tpu.memory_space<vmem>>)
      %ge3A = arith.constant 2 : i32
      %ge3A_358 = arith.cmpi sge, %add3A_351, %ge3A : i32
      %convert_element_type3A_359 = arith.extui %ge3A_358 : i1 to i32
      %cond3A_360 = arith.constant 0 : i32
      %cond3A_361 = arith.cmpi ne, %convert_element_type3A_359, %cond3A_360 : i32
      scf.if %cond3A_361 {
        %dma_wait3A_797 = arith.constant 0 : i32
        %dma_wait3A_798 = tpu.memref_slice %arg4[%dma_wait3A_797] : memref<320000xi32, #tpu.memory_space<hbm>> -> memref<80xi32, #tpu.memory_space<hbm>>
        %dma_wait3A_799 = arith.constant 0 : i32
        %dma_wait3A_800 = tpu.memref_slice %arg4[%dma_wait3A_799] : memref<320000xi32, #tpu.memory_space<hbm>> -> memref<80xi32, #tpu.memory_space<hbm>>
        tpu.wait_dma2 semaphore(%arg30 : memref<!tpu.dma_semaphore, #tpu.memory_space<semaphore_mem>>) src(%dma_wait3A_800 : memref<80xi32, #tpu.memory_space<hbm>>) dst(%arg12 : memref<80xi32, #tpu.memory_space<vmem>>)
      } else {
      }
      %dma_start3A_362 = arith.constant 0 : i32
      %dma_start3A_363 = arith.constant 0 : i32
      %dma_start3A_364 = tpu.memref_slice %arg20[%dma_start3A_362, %dma_start3A_363] : memref<10000x128xf32, #tpu.memory_space<vmem_shared>> -> memref<10000x128xf32, #tpu.memory_space<vmem_shared>>
      tpu.enqueue_indirect_dma source(%arg15 : memref<80x128xf32, #tpu.memory_space<vmem>>) target(%dma_start3A_364 : memref<10000x128xf32, #tpu.memory_space<vmem_shared>>) offsets(%arg12 : memref<80xi32, #tpu.memory_space<vmem>>) semaphore(%arg24 : memref<!tpu.dma_semaphore, #tpu.memory_space<semaphore_mem>>) {add = true}
      %get3A_365 = arith.constant 0 : index
      %get3A_366 = tpu.vector_load %arg9[%get3A_365] {strides = array<i32>} : memref<80xi32, #tpu.memory_space<vmem>>, vector<16xi32>,
      %get3A_367 = arith.constant 0 : index
      %get3A_368 = tpu.vector_load %arg12[%get3A_367] {strides = array<i32>} : memref<80xi32, #tpu.memory_space<vmem>>, vector<16xi32>,
      %lt3A_369 = arith.constant 1024 : i32
      %lt3A_370 = vector.broadcast %lt3A_369 : i32 to vector<16xi32>
      %lt3A_371 = arith.cmpi slt, %get3A_368, %lt3A_370 : vector<16xi32>
      %convert_element_type3A_372 = arith.extui %lt3A_371 : vector<16xi1> to vector<16xi32>
      %broadcast_in_dim3A_373 = arith.constant true
      %broadcast_in_dim3A_374 = vector.broadcast %broadcast_in_dim3A_373 : i1 to vector<16xi1>
      %masked_cumsum3A_375 = tpu.scan <sum>, %convert_element_type3A_372 masked %broadcast_in_dim3A_374 : vector<16xi32>, vector<16xi1> -> vector<16xi32>
      %add3A_376 = arith.addi %scan3A_347, %masked_cumsum3A_375 : vector<16xi32>
      %sub3A_377 = arith.constant 1 : i32
      %sub3A_378 = vector.broadcast %sub3A_377 : i32 to vector<16xi32>
      %sub3A_379 = arith.subi %add3A_376, %sub3A_378 : vector<16xi32>
      %shift_left3A_380 = arith.constant 16 : i32
      %shift_left3A_381 = vector.broadcast %shift_left3A_380 : i32 to vector<16xi32>
      %shift_left3A_382 = arith.shli %get3A_368, %shift_left3A_381 : vector<16xi32>
      %or3A_383 = arith.ori %get3A_366, %shift_left3A_382 : vector<16xi32>
      tpu.vector_store_idx %arg18[%sub3A_379], %or3A_383 masked %lt3A_371 : memref<10080xi32, #tpu.memory_space<vmem>>[vector<16xi32>], vector<16xi32>, vector<16xi1>
      %all_reduce_population_count3A_384 = tpu.all_reduce %lt3A_371 {dim = 0 : i64, kind = #tpu.reduction_kind<sum>} : vector<16xi1> -> vector<16xi32>
      %add3A_385 = arith.addi %scan3A_347, %all_reduce_population_count3A_384 : vector<16xi32>
      %get3A_386 = arith.constant 16 : index
      %get3A_387 = tpu.vector_load %arg9[%get3A_386] {strides = array<i32>} : memref<80xi32, #tpu.memory_space<vmem>>, vector<16xi32>,
      %get3A_388 = arith.constant 16 : index
      %get3A_389 = tpu.vector_load %arg12[%get3A_388] {strides = array<i32>} : memref<80xi32, #tpu.memory_space<vmem>>, vector<16xi32>,
      %lt3A_390 = arith.constant 1024 : i32
      %lt3A_391 = vector.broadcast %lt3A_390 : i32 to vector<16xi32>
      %lt3A_392 = arith.cmpi slt, %get3A_389, %lt3A_391 : vector<16xi32>
      %convert_element_type3A_393 = arith.extui %lt3A_392 : vector<16xi1> to vector<16xi32>
      %broadcast_in_dim3A_394 = arith.constant true
      %broadcast_in_dim3A_395 = vector.broadcast %broadcast_in_dim3A_394 : i1 to vector<16xi1>
      %masked_cumsum3A_396 = tpu.scan <sum>, %convert_element_type3A_393 masked %broadcast_in_dim3A_395 : vector<16xi32>, vector<16xi1> -> vector<16xi32>
      %add3A_397 = arith.addi %add3A_385, %masked_cumsum3A_396 : vector<16xi32>
      %sub3A_398 = arith.constant 1 : i32
      %sub3A_399 = vector.broadcast %sub3A_398 : i32 to vector<16xi32>
      %sub3A_400 = arith.subi %add3A_397, %sub3A_399 : vector<16xi32>
      %shift_left3A_401 = arith.constant 16 : i32
      %shift_left3A_402 = vector.broadcast %shift_left3A_401 : i32 to vector<16xi32>
      %shift_left3A_403 = arith.shli %get3A_389, %shift_left3A_402 : vector<16xi32>
      %or3A_404 = arith.ori %get3A_387, %shift_left3A_403 : vector<16xi32>
      tpu.vector_store_idx %arg18[%sub3A_400], %or3A_404 masked %lt3A_392 : memref<10080xi32, #tpu.memory_space<vmem>>[vector<16xi32>], vector<16xi32>, vector<16xi1>
      %all_reduce_population_count3A_405 = tpu.all_reduce %lt3A_392 {dim = 0 : i64, kind = #tpu.reduction_kind<sum>} : vector<16xi1> -> vector<16xi32>
      %add3A_406 = arith.addi %add3A_385, %all_reduce_population_count3A_405 : vector<16xi32>
      %get3A_407 = arith.constant 32 : index
      %get3A_408 = tpu.vector_load %arg9[%get3A_407] {strides = array<i32>} : memref<80xi32, #tpu.memory_space<vmem>>, vector<16xi32>,
      %get3A_409 = arith.constant 32 : index
      %get3A_410 = tpu.vector_load %arg12[%get3A_409] {strides = array<i32>} : memref<80xi32, #tpu.memory_space<vmem>>, vector<16xi32>,
      %lt3A_411 = arith.constant 1024 : i32
      %lt3A_412 = vector.broadcast %lt3A_411 : i32 to vector<16xi32>
      %lt3A_413 = arith.cmpi slt, %get3A_410, %lt3A_412 : vector<16xi32>
      %convert_element_type3A_414 = arith.extui %lt3A_413 : vector<16xi1> to vector<16xi32>
      %broadcast_in_dim3A_415 = arith.constant true
      %broadcast_in_dim3A_416 = vector.broadcast %broadcast_in_dim3A_415 : i1 to vector<16xi1>
      %masked_cumsum3A_417 = tpu.scan <sum>, %convert_element_type3A_414 masked %broadcast_in_dim3A_416 : vector<16xi32>, vector<16xi1> -> vector<16xi32>
      %add3A_418 = arith.addi %add3A_406, %masked_cumsum3A_417 : vector<16xi32>
      %sub3A_419 = arith.constant 1 : i32
      %sub3A_420 = vector.broadcast %sub3A_419 : i32 to vector<16xi32>
      %sub3A_421 = arith.subi %add3A_418, %sub3A_420 : vector<16xi32>
      %shift_left3A_422 = arith.constant 16 : i32
      %shift_left3A_423 = vector.broadcast %shift_left3A_422 : i32 to vector<16xi32>
      %shift_left3A_424 = arith.shli %get3A_410, %shift_left3A_423 : vector<16xi32>
      %or3A_425 = arith.ori %get3A_408, %shift_left3A_424 : vector<16xi32>
      tpu.vector_store_idx %arg18[%sub3A_421], %or3A_425 masked %lt3A_413 : memref<10080xi32, #tpu.memory_space<vmem>>[vector<16xi32>], vector<16xi32>, vector<16xi1>
      %all_reduce_population_count3A_426 = tpu.all_reduce %lt3A_413 {dim = 0 : i64, kind = #tpu.reduction_kind<sum>} : vector<16xi1> -> vector<16xi32>
      %add3A_427 = arith.addi %add3A_406, %all_reduce_population_count3A_426 : vector<16xi32>
      %get3A_428 = arith.constant 48 : index
      %get3A_429 = tpu.vector_load %arg9[%get3A_428] {strides = array<i32>} : memref<80xi32, #tpu.memory_space<vmem>>, vector<16xi32>,
      %get3A_430 = arith.constant 48 : index
      %get3A_431 = tpu.vector_load %arg12[%get3A_430] {strides = array<i32>} : memref<80xi32, #tpu.memory_space<vmem>>, vector<16xi32>,
      %lt3A_432 = arith.constant 1024 : i32
      %lt3A_433 = vector.broadcast %lt3A_432 : i32 to vector<16xi32>
      %lt3A_434 = arith.cmpi slt, %get3A_431, %lt3A_433 : vector<16xi32>
      %convert_element_type3A_435 = arith.extui %lt3A_434 : vector<16xi1> to vector<16xi32>
      %broadcast_in_dim3A_436 = arith.constant true
      %broadcast_in_dim3A_437 = vector.broadcast %broadcast_in_dim3A_436 : i1 to vector<16xi1>
      %masked_cumsum3A_438 = tpu.scan <sum>, %convert_element_type3A_435 masked %broadcast_in_dim3A_437 : vector<16xi32>, vector<16xi1> -> vector<16xi32>
      %add3A_439 = arith.addi %add3A_427, %masked_cumsum3A_438 : vector<16xi32>
      %sub3A_440 = arith.constant 1 : i32
      %sub3A_441 = vector.broadcast %sub3A_440 : i32 to vector<16xi32>
      %sub3A_442 = arith.subi %add3A_439, %sub3A_441 : vector<16xi32>
      %shift_left3A_443 = arith.constant 16 : i32
      %shift_left3A_444 = vector.broadcast %shift_left3A_443 : i32 to vector<16xi32>
      %shift_left3A_445 = arith.shli %get3A_431, %shift_left3A_444 : vector<16xi32>
      %or3A_446 = arith.ori %get3A_429, %shift_left3A_445 : vector<16xi32>
      tpu.vector_store_idx %arg18[%sub3A_442], %or3A_446 masked %lt3A_434 : memref<10080xi32, #tpu.memory_space<vmem>>[vector<16xi32>], vector<16xi32>, vector<16xi1>
      %all_reduce_population_count3A_447 = tpu.all_reduce %lt3A_434 {dim = 0 : i64, kind = #tpu.reduction_kind<sum>} : vector<16xi1> -> vector<16xi32>
      %add3A_448 = arith.addi %add3A_427, %all_reduce_population_count3A_447 : vector<16xi32>
      %get3A_449 = arith.constant 64 : index
      %get3A_450 = tpu.vector_load %arg9[%get3A_449] {strides = array<i32>} : memref<80xi32, #tpu.memory_space<vmem>>, vector<16xi32>,
      %get3A_451 = arith.constant 64 : index
      %get3A_452 = tpu.vector_load %arg12[%get3A_451] {strides = array<i32>} : memref<80xi32, #tpu.memory_space<vmem>>, vector<16xi32>,
      %lt3A_453 = arith.constant 1024 : i32
      %lt3A_454 = vector.broadcast %lt3A_453 : i32 to vector<16xi32>
      %lt3A_455 = arith.cmpi slt, %get3A_452, %lt3A_454 : vector<16xi32>
      %convert_element_type3A_456 = arith.extui %lt3A_455 : vector<16xi1> to vector<16xi32>
      %broadcast_in_dim3A_457 = arith.constant true
      %broadcast_in_dim3A_458 = vector.broadcast %broadcast_in_dim3A_457 : i1 to vector<16xi1>
      %masked_cumsum3A_459 = tpu.scan <sum>, %convert_element_type3A_456 masked %broadcast_in_dim3A_458 : vector<16xi32>, vector<16xi1> -> vector<16xi32>
      %add3A_460 = arith.addi %add3A_448, %masked_cumsum3A_459 : vector<16xi32>
      %sub3A_461 = arith.constant 1 : i32
      %sub3A_462 = vector.broadcast %sub3A_461 : i32 to vector<16xi32>
      %sub3A_463 = arith.subi %add3A_460, %sub3A_462 : vector<16xi32>
      %shift_left3A_464 = arith.constant 16 : i32
      %shift_left3A_465 = vector.broadcast %shift_left3A_464 : i32 to vector<16xi32>
      %shift_left3A_466 = arith.shli %get3A_452, %shift_left3A_465 : vector<16xi32>
      %or3A_467 = arith.ori %get3A_450, %shift_left3A_466 : vector<16xi32>
      tpu.vector_store_idx %arg18[%sub3A_463], %or3A_467 masked %lt3A_455 : memref<10080xi32, #tpu.memory_space<vmem>>[vector<16xi32>], vector<16xi32>, vector<16xi1>
      %all_reduce_population_count3A_468 = tpu.all_reduce %lt3A_455 {dim = 0 : i64, kind = #tpu.reduction_kind<sum>} : vector<16xi1> -> vector<16xi32>
      %add3A_469 = arith.addi %add3A_448, %all_reduce_population_count3A_468 : vector<16xi32>
      %add3A_470 = arith.constant 3 : i32
      %add3A_471 = arith.addi %add3A_351, %add3A_470 : i32
      %lt3A_472 = arith.constant 125 : i32
      %lt3A_473 = arith.cmpi slt, %add3A_471, %lt3A_472 : i32
      %convert_element_type3A_474 = arith.extui %lt3A_473 : i1 to i32
      %cond3A_475 = arith.constant 0 : i32
      %cond3A_476 = arith.cmpi ne, %convert_element_type3A_474, %cond3A_475 : i32
      scf.if %cond3A_476 {
        %add3A_797 = arith.constant 3 : i32
        %add3A_798 = arith.addi %add3A_351, %add3A_797 : i32
        %mul3A_799 = arith.constant 80 : i32
        %mul3A_800 = arith.muli %add3A_798, %mul3A_799 : i32
        %add3A_801 = arith.addi %mul3A_8, %mul3A_800 : i32
        %dma_start3A_802 = tpu.memref_slice %arg3[%add3A_801] : memref<320000xi32, #tpu.memory_space<hbm>> -> memref<80xi32, #tpu.memory_space<hbm>>
        %dma_start3A_803 = tpu.memref_slice %arg3[%add3A_801] : memref<320000xi32, #tpu.memory_space<hbm>> -> memref<80xi32, #tpu.memory_space<hbm>>
        tpu.enqueue_dma source(%dma_start3A_803 : memref<80xi32, #tpu.memory_space<hbm>>) target(%arg9 : memref<80xi32, #tpu.memory_space<vmem>>) target_semaphore(%arg27 : memref<!tpu.dma_semaphore, #tpu.memory_space<semaphore_mem>>)
      } else {
      }
      %ge3A_477 = arith.constant 1 : i32
      %ge3A_478 = arith.cmpi sge, %add3A_351, %ge3A_477 : i32
      %convert_element_type3A_479 = arith.extui %ge3A_478 : i1 to i32
      %cond3A_480 = arith.constant 0 : i32
      %cond3A_481 = arith.cmpi ne, %convert_element_type3A_479, %cond3A_480 : i32
      scf.if %cond3A_481 {
        %dma_wait3A_797 = arith.constant 0 : i32
        %dma_wait3A_798 = arith.constant 0 : i32
        %dma_wait3A_799 = tpu.memref_slice %arg2[%dma_wait3A_797, %dma_wait3A_798] : memref<10000x128xf32, #tpu.memory_space<hbm>> -> memref<80x128xf32, #tpu.memory_space<hbm>>
        %dma_wait3A_800 = arith.constant 0 : i32
        %dma_wait3A_801 = arith.constant 0 : i32
        %dma_wait3A_802 = tpu.memref_slice %arg2[%dma_wait3A_800, %dma_wait3A_801] : memref<10000x128xf32, #tpu.memory_space<hbm>> -> memref<80x128xf32, #tpu.memory_space<hbm>>
        tpu.wait_dma2 semaphore(%arg26 : memref<!tpu.dma_semaphore, #tpu.memory_space<semaphore_mem>>) src(%dma_wait3A_802 : memref<80x128xf32, #tpu.memory_space<hbm>>) dst(%arg17 : memref<80x128xf32, #tpu.memory_space<vmem>>)
      } else {
      }
      %add3A_482 = arith.constant 2 : i32
      %add3A_483 = arith.addi %add3A_351, %add3A_482 : i32
      %lt3A_484 = arith.constant 125 : i32
      %lt3A_485 = arith.cmpi slt, %add3A_483, %lt3A_484 : i32
      %convert_element_type3A_486 = arith.extui %lt3A_485 : i1 to i32
      %cond3A_487 = arith.constant 0 : i32
      %cond3A_488 = arith.cmpi ne, %convert_element_type3A_486, %cond3A_487 : i32
      scf.if %cond3A_488 {
        %add3A_797 = arith.constant 2 : i32
        %add3A_798 = arith.addi %add3A_351, %add3A_797 : i32
        %mul3A_799 = arith.constant 80 : i32
        %mul3A_800 = arith.muli %add3A_798, %mul3A_799 : i32
        %add3A_801 = arith.addi %mul3A_8, %mul3A_800 : i32
        %dma_start3A_802 = tpu.memref_slice %arg4[%add3A_801] : memref<320000xi32, #tpu.memory_space<hbm>> -> memref<80xi32, #tpu.memory_space<hbm>>
        %dma_start3A_803 = tpu.memref_slice %arg4[%add3A_801] : memref<320000xi32, #tpu.memory_space<hbm>> -> memref<80xi32, #tpu.memory_space<hbm>>
        tpu.enqueue_dma source(%dma_start3A_803 : memref<80xi32, #tpu.memory_space<hbm>>) target(%arg14 : memref<80xi32, #tpu.memory_space<vmem>>) target_semaphore(%arg32 : memref<!tpu.dma_semaphore, #tpu.memory_space<semaphore_mem>>)
      } else {
      }
      %ge3A_489 = arith.constant 1 : i32
      %ge3A_490 = arith.cmpi sge, %add3A_351, %ge3A_489 : i32
      %convert_element_type3A_491 = arith.extui %ge3A_490 : i1 to i32
      %cond3A_492 = arith.constant 0 : i32
      %cond3A_493 = arith.cmpi ne, %convert_element_type3A_491, %cond3A_492 : i32
      scf.if %cond3A_493 {
        %dma_wait3A_797 = arith.constant 0 : i32
        %dma_wait3A_798 = tpu.memref_slice %arg3[%dma_wait3A_797] : memref<320000xi32, #tpu.memory_space<hbm>> -> memref<80xi32, #tpu.memory_space<hbm>>
        %dma_wait3A_799 = arith.constant 0 : i32
        %dma_wait3A_800 = tpu.memref_slice %arg3[%dma_wait3A_799] : memref<320000xi32, #tpu.memory_space<hbm>> -> memref<80xi32, #tpu.memory_space<hbm>>
        tpu.wait_dma2 semaphore(%arg29 : memref<!tpu.dma_semaphore, #tpu.memory_space<semaphore_mem>>) src(%dma_wait3A_800 : memref<80xi32, #tpu.memory_space<hbm>>) dst(%arg11 : memref<80xi32, #tpu.memory_space<vmem>>)
      } else {
      }
      %dma_start3A_494 = arith.constant 0 : i32
      %dma_start3A_495 = arith.constant 0 : i32
      %dma_start3A_496 = tpu.memref_slice %arg2[%dma_start3A_494, %dma_start3A_495] : memref<10000x128xf32, #tpu.memory_space<hbm>> -> memref<10000x128xf32, #tpu.memory_space<hbm>>
      tpu.enqueue_indirect_dma source(%dma_start3A_496 : memref<10000x128xf32, #tpu.memory_space<hbm>>) target(%arg17 : memref<80x128xf32, #tpu.memory_space<vmem>>) offsets(%arg11 : memref<80xi32, #tpu.memory_space<vmem>>) semaphore(%arg23 : memref<!tpu.dma_semaphore, #tpu.memory_space<semaphore_mem>>)
      %mul3A_497 = arith.constant 3 : i32
      %mul3A_498 = arith.muli %mul3A_497, %scan3A_346 : i32
      %add3A_499 = arith.constant 1 : i32
      %add3A_500 = arith.addi %mul3A_498, %add3A_499 : i32
      %dma_wait3A_501 = arith.constant 0 : i32
      %dma_wait3A_502 = arith.constant 0 : i32
      %dma_wait3A_503 = tpu.memref_slice %arg2[%dma_wait3A_501, %dma_wait3A_502] : memref<10000x128xf32, #tpu.memory_space<hbm>> -> memref<80x128xf32, #tpu.memory_space<hbm>>
      %dma_wait3A_504 = arith.constant 0 : i32
      %dma_wait3A_505 = arith.constant 0 : i32
      %dma_wait3A_506 = tpu.memref_slice %arg2[%dma_wait3A_504, %dma_wait3A_505] : memref<10000x128xf32, #tpu.memory_space<hbm>> -> memref<80x128xf32, #tpu.memory_space<hbm>>
      tpu.wait_dma2 semaphore(%arg22 : memref<!tpu.dma_semaphore, #tpu.memory_space<semaphore_mem>>) src(%dma_wait3A_506 : memref<80x128xf32, #tpu.memory_space<hbm>>) dst(%arg16 : memref<80x128xf32, #tpu.memory_space<vmem>>)
      %ge3A_507 = arith.constant 2 : i32
      %ge3A_508 = arith.cmpi sge, %add3A_500, %ge3A_507 : i32
      %convert_element_type3A_509 = arith.extui %ge3A_508 : i1 to i32
      %cond3A_510 = arith.constant 0 : i32
      %cond3A_511 = arith.cmpi ne, %convert_element_type3A_509, %cond3A_510 : i32
      scf.if %cond3A_511 {
        %dma_wait3A_797 = arith.constant 0 : i32
        %dma_wait3A_798 = tpu.memref_slice %arg4[%dma_wait3A_797] : memref<320000xi32, #tpu.memory_space<hbm>> -> memref<80xi32, #tpu.memory_space<hbm>>
        %dma_wait3A_799 = arith.constant 0 : i32
        %dma_wait3A_800 = tpu.memref_slice %arg4[%dma_wait3A_799] : memref<320000xi32, #tpu.memory_space<hbm>> -> memref<80xi32, #tpu.memory_space<hbm>>
        tpu.wait_dma2 semaphore(%arg31 : memref<!tpu.dma_semaphore, #tpu.memory_space<semaphore_mem>>) src(%dma_wait3A_800 : memref<80xi32, #tpu.memory_space<hbm>>) dst(%arg13 : memref<80xi32, #tpu.memory_space<vmem>>)
      } else {
      }
      %dma_start3A_512 = arith.constant 0 : i32
      %dma_start3A_513 = arith.constant 0 : i32
      %dma_start3A_514 = tpu.memref_slice %arg20[%dma_start3A_512, %dma_start3A_513] : memref<10000x128xf32, #tpu.memory_space<vmem_shared>> -> memref<10000x128xf32, #tpu.memory_space<vmem_shared>>
      tpu.enqueue_indirect_dma source(%arg16 : memref<80x128xf32, #tpu.memory_space<vmem>>) target(%dma_start3A_514 : memref<10000x128xf32, #tpu.memory_space<vmem_shared>>) offsets(%arg13 : memref<80xi32, #tpu.memory_space<vmem>>) semaphore(%arg25 : memref<!tpu.dma_semaphore, #tpu.memory_space<semaphore_mem>>) {add = true}
      %get3A_515 = arith.constant 0 : index
      %get3A_516 = tpu.vector_load %arg10[%get3A_515] {strides = array<i32>} : memref<80xi32, #tpu.memory_space<vmem>>, vector<16xi32>,
      %get3A_517 = arith.constant 0 : index
      %get3A_518 = tpu.vector_load %arg13[%get3A_517] {strides = array<i32>} : memref<80xi32, #tpu.memory_space<vmem>>, vector<16xi32>,
      %lt3A_519 = arith.constant 1024 : i32
      %lt3A_520 = vector.broadcast %lt3A_519 : i32 to vector<16xi32>
      %lt3A_521 = arith.cmpi slt, %get3A_518, %lt3A_520 : vector<16xi32>
      %convert_element_type3A_522 = arith.extui %lt3A_521 : vector<16xi1> to vector<16xi32>
      %broadcast_in_dim3A_523 = arith.constant true
      %broadcast_in_dim3A_524 = vector.broadcast %broadcast_in_dim3A_523 : i1 to vector<16xi1>
      %masked_cumsum3A_525 = tpu.scan <sum>, %convert_element_type3A_522 masked %broadcast_in_dim3A_524 : vector<16xi32>, vector<16xi1> -> vector<16xi32>
      %add3A_526 = arith.addi %add3A_469, %masked_cumsum3A_525 : vector<16xi32>
      %sub3A_527 = arith.constant 1 : i32
      %sub3A_528 = vector.broadcast %sub3A_527 : i32 to vector<16xi32>
      %sub3A_529 = arith.subi %add3A_526, %sub3A_528 : vector<16xi32>
      %shift_left3A_530 = arith.constant 16 : i32
      %shift_left3A_531 = vector.broadcast %shift_left3A_530 : i32 to vector<16xi32>
      %shift_left3A_532 = arith.shli %get3A_518, %shift_left3A_531 : vector<16xi32>
      %or3A_533 = arith.ori %get3A_516, %shift_left3A_532 : vector<16xi32>
      tpu.vector_store_idx %arg18[%sub3A_529], %or3A_533 masked %lt3A_521 : memref<10080xi32, #tpu.memory_space<vmem>>[vector<16xi32>], vector<16xi32>, vector<16xi1>
      %all_reduce_population_count3A_534 = tpu.all_reduce %lt3A_521 {dim = 0 : i64, kind = #tpu.reduction_kind<sum>} : vector<16xi1> -> vector<16xi32>
      %add3A_535 = arith.addi %add3A_469, %all_reduce_population_count3A_534 : vector<16xi32>
      %get3A_536 = arith.constant 16 : index
      %get3A_537 = tpu.vector_load %arg10[%get3A_536] {strides = array<i32>} : memref<80xi32, #tpu.memory_space<vmem>>, vector<16xi32>,
      %get3A_538 = arith.constant 16 : index
      %get3A_539 = tpu.vector_load %arg13[%get3A_538] {strides = array<i32>} : memref<80xi32, #tpu.memory_space<vmem>>, vector<16xi32>,
      %lt3A_540 = arith.constant 1024 : i32
      %lt3A_541 = vector.broadcast %lt3A_540 : i32 to vector<16xi32>
      %lt3A_542 = arith.cmpi slt, %get3A_539, %lt3A_541 : vector<16xi32>
      %convert_element_type3A_543 = arith.extui %lt3A_542 : vector<16xi1> to vector<16xi32>
      %broadcast_in_dim3A_544 = arith.constant true
      %broadcast_in_dim3A_545 = vector.broadcast %broadcast_in_dim3A_544 : i1 to vector<16xi1>
      %masked_cumsum3A_546 = tpu.scan <sum>, %convert_element_type3A_543 masked %broadcast_in_dim3A_545 : vector<16xi32>, vector<16xi1> -> vector<16xi32>
      %add3A_547 = arith.addi %add3A_535, %masked_cumsum3A_546 : vector<16xi32>
      %sub3A_548 = arith.constant 1 : i32
      %sub3A_549 = vector.broadcast %sub3A_548 : i32 to vector<16xi32>
      %sub3A_550 = arith.subi %add3A_547, %sub3A_549 : vector<16xi32>
      %shift_left3A_551 = arith.constant 16 : i32
      %shift_left3A_552 = vector.broadcast %shift_left3A_551 : i32 to vector<16xi32>
      %shift_left3A_553 = arith.shli %get3A_539, %shift_left3A_552 : vector<16xi32>
      %or3A_554 = arith.ori %get3A_537, %shift_left3A_553 : vector<16xi32>
      tpu.vector_store_idx %arg18[%sub3A_550], %or3A_554 masked %lt3A_542 : memref<10080xi32, #tpu.memory_space<vmem>>[vector<16xi32>], vector<16xi32>, vector<16xi1>
      %all_reduce_population_count3A_555 = tpu.all_reduce %lt3A_542 {dim = 0 : i64, kind = #tpu.reduction_kind<sum>} : vector<16xi1> -> vector<16xi32>
      %add3A_556 = arith.addi %add3A_535, %all_reduce_population_count3A_555 : vector<16xi32>
      %get3A_557 = arith.constant 32 : index
      %get3A_558 = tpu.vector_load %arg10[%get3A_557] {strides = array<i32>} : memref<80xi32, #tpu.memory_space<vmem>>, vector<16xi32>,
      %get3A_559 = arith.constant 32 : index
      %get3A_560 = tpu.vector_load %arg13[%get3A_559] {strides = array<i32>} : memref<80xi32, #tpu.memory_space<vmem>>, vector<16xi32>,
      %lt3A_561 = arith.constant 1024 : i32
      %lt3A_562 = vector.broadcast %lt3A_561 : i32 to vector<16xi32>
      %lt3A_563 = arith.cmpi slt, %get3A_560, %lt3A_562 : vector<16xi32>
      %convert_element_type3A_564 = arith.extui %lt3A_563 : vector<16xi1> to vector<16xi32>
      %broadcast_in_dim3A_565 = arith.constant true
      %broadcast_in_dim3A_566 = vector.broadcast %broadcast_in_dim3A_565 : i1 to vector<16xi1>
      %masked_cumsum3A_567 = tpu.scan <sum>, %convert_element_type3A_564 masked %broadcast_in_dim3A_566 : vector<16xi32>, vector<16xi1> -> vector<16xi32>
      %add3A_568 = arith.addi %add3A_556, %masked_cumsum3A_567 : vector<16xi32>
      %sub3A_569 = arith.constant 1 : i32
      %sub3A_570 = vector.broadcast %sub3A_569 : i32 to vector<16xi32>
      %sub3A_571 = arith.subi %add3A_568, %sub3A_570 : vector<16xi32>
      %shift_left3A_572 = arith.constant 16 : i32
      %shift_left3A_573 = vector.broadcast %shift_left3A_572 : i32 to vector<16xi32>
      %shift_left3A_574 = arith.shli %get3A_560, %shift_left3A_573 : vector<16xi32>
      %or3A_575 = arith.ori %get3A_558, %shift_left3A_574 : vector<16xi32>
      tpu.vector_store_idx %arg18[%sub3A_571], %or3A_575 masked %lt3A_563 : memref<10080xi32, #tpu.memory_space<vmem>>[vector<16xi32>], vector<16xi32>, vector<16xi1>
      %all_reduce_population_count3A_576 = tpu.all_reduce %lt3A_563 {dim = 0 : i64, kind = #tpu.reduction_kind<sum>} : vector<16xi1> -> vector<16xi32>
      %add3A_577 = arith.addi %add3A_556, %all_reduce_population_count3A_576 : vector<16xi32>
      %get3A_578 = arith.constant 48 : index
      %get3A_579 = tpu.vector_load %arg10[%get3A_578] {strides = array<i32>} : memref<80xi32, #tpu.memory_space<vmem>>, vector<16xi32>,
      %get3A_580 = arith.constant 48 : index
      %get3A_581 = tpu.vector_load %arg13[%get3A_580] {strides = array<i32>} : memref<80xi32, #tpu.memory_space<vmem>>, vector<16xi32>,
      %lt3A_582 = arith.constant 1024 : i32
      %lt3A_583 = vector.broadcast %lt3A_582 : i32 to vector<16xi32>
      %lt3A_584 = arith.cmpi slt, %get3A_581, %lt3A_583 : vector<16xi32>
      %convert_element_type3A_585 = arith.extui %lt3A_584 : vector<16xi1> to vector<16xi32>
      %broadcast_in_dim3A_586 = arith.constant true
      %broadcast_in_dim3A_587 = vector.broadcast %broadcast_in_dim3A_586 : i1 to vector<16xi1>
      %masked_cumsum3A_588 = tpu.scan <sum>, %convert_element_type3A_585 masked %broadcast_in_dim3A_587 : vector<16xi32>, vector<16xi1> -> vector<16xi32>
      %add3A_589 = arith.addi %add3A_577, %masked_cumsum3A_588 : vector<16xi32>
      %sub3A_590 = arith.constant 1 : i32
      %sub3A_591 = vector.broadcast %sub3A_590 : i32 to vector<16xi32>
      %sub3A_592 = arith.subi %add3A_589, %sub3A_591 : vector<16xi32>
      %shift_left3A_593 = arith.constant 16 : i32
      %shift_left3A_594 = vector.broadcast %shift_left3A_593 : i32 to vector<16xi32>
      %shift_left3A_595 = arith.shli %get3A_581, %shift_left3A_594 : vector<16xi32>
      %or3A_596 = arith.ori %get3A_579, %shift_left3A_595 : vector<16xi32>
      tpu.vector_store_idx %arg18[%sub3A_592], %or3A_596 masked %lt3A_584 : memref<10080xi32, #tpu.memory_space<vmem>>[vector<16xi32>], vector<16xi32>, vector<16xi1>
      %all_reduce_population_count3A_597 = tpu.all_reduce %lt3A_584 {dim = 0 : i64, kind = #tpu.reduction_kind<sum>} : vector<16xi1> -> vector<16xi32>
      %add3A_598 = arith.addi %add3A_577, %all_reduce_population_count3A_597 : vector<16xi32>
      %get3A_599 = arith.constant 64 : index
      %get3A_600 = tpu.vector_load %arg10[%get3A_599] {strides = array<i32>} : memref<80xi32, #tpu.memory_space<vmem>>, vector<16xi32>,
      %get3A_601 = arith.constant 64 : index
      %get3A_602 = tpu.vector_load %arg13[%get3A_601] {strides = array<i32>} : memref<80xi32, #tpu.memory_space<vmem>>, vector<16xi32>,
      %lt3A_603 = arith.constant 1024 : i32
      %lt3A_604 = vector.broadcast %lt3A_603 : i32 to vector<16xi32>
      %lt3A_605 = arith.cmpi slt, %get3A_602, %lt3A_604 : vector<16xi32>
      %convert_element_type3A_606 = arith.extui %lt3A_605 : vector<16xi1> to vector<16xi32>
      %broadcast_in_dim3A_607 = arith.constant true
      %broadcast_in_dim3A_608 = vector.broadcast %broadcast_in_dim3A_607 : i1 to vector<16xi1>
      %masked_cumsum3A_609 = tpu.scan <sum>, %convert_element_type3A_606 masked %broadcast_in_dim3A_608 : vector<16xi32>, vector<16xi1> -> vector<16xi32>
      %add3A_610 = arith.addi %add3A_598, %masked_cumsum3A_609 : vector<16xi32>
      %sub3A_611 = arith.constant 1 : i32
      %sub3A_612 = vector.broadcast %sub3A_611 : i32 to vector<16xi32>
      %sub3A_613 = arith.subi %add3A_610, %sub3A_612 : vector<16xi32>
      %shift_left3A_614 = arith.constant 16 : i32
      %shift_left3A_615 = vector.broadcast %shift_left3A_614 : i32 to vector<16xi32>
      %shift_left3A_616 = arith.shli %get3A_602, %shift_left3A_615 : vector<16xi32>
      %or3A_617 = arith.ori %get3A_600, %shift_left3A_616 : vector<16xi32>
      tpu.vector_store_idx %arg18[%sub3A_613], %or3A_617 masked %lt3A_605 : memref<10080xi32, #tpu.memory_space<vmem>>[vector<16xi32>], vector<16xi32>, vector<16xi1>
      %all_reduce_population_count3A_618 = tpu.all_reduce %lt3A_605 {dim = 0 : i64, kind = #tpu.reduction_kind<sum>} : vector<16xi1> -> vector<16xi32>
      %add3A_619 = arith.addi %add3A_598, %all_reduce_population_count3A_618 : vector<16xi32>
      %add3A_620 = arith.constant 3 : i32
      %add3A_621 = arith.addi %add3A_500, %add3A_620 : i32
      %lt3A_622 = arith.constant 125 : i32
      %lt3A_623 = arith.cmpi slt, %add3A_621, %lt3A_622 : i32
      %convert_element_type3A_624 = arith.extui %lt3A_623 : i1 to i32
      %cond3A_625 = arith.constant 0 : i32
      %cond3A_626 = arith.cmpi ne, %convert_element_type3A_624, %cond3A_625 : i32
      scf.if %cond3A_626 {
        %add3A_797 = arith.constant 3 : i32
        %add3A_798 = arith.addi %add3A_500, %add3A_797 : i32
        %mul3A_799 = arith.constant 80 : i32
        %mul3A_800 = arith.muli %add3A_798, %mul3A_799 : i32
        %add3A_801 = arith.addi %mul3A_8, %mul3A_800 : i32
        %dma_start3A_802 = tpu.memref_slice %arg3[%add3A_801] : memref<320000xi32, #tpu.memory_space<hbm>> -> memref<80xi32, #tpu.memory_space<hbm>>
        %dma_start3A_803 = tpu.memref_slice %arg3[%add3A_801] : memref<320000xi32, #tpu.memory_space<hbm>> -> memref<80xi32, #tpu.memory_space<hbm>>
        tpu.enqueue_dma source(%dma_start3A_803 : memref<80xi32, #tpu.memory_space<hbm>>) target(%arg10 : memref<80xi32, #tpu.memory_space<vmem>>) target_semaphore(%arg28 : memref<!tpu.dma_semaphore, #tpu.memory_space<semaphore_mem>>)
      } else {
      }
      %ge3A_627 = arith.constant 1 : i32
      %ge3A_628 = arith.cmpi sge, %add3A_500, %ge3A_627 : i32
      %convert_element_type3A_629 = arith.extui %ge3A_628 : i1 to i32
      %cond3A_630 = arith.constant 0 : i32
      %cond3A_631 = arith.cmpi ne, %convert_element_type3A_629, %cond3A_630 : i32
      scf.if %cond3A_631 {
        %dma_wait3A_797 = arith.constant 0 : i32
        %dma_wait3A_798 = arith.constant 0 : i32
        %dma_wait3A_799 = tpu.memref_slice %arg2[%dma_wait3A_797, %dma_wait3A_798] : memref<10000x128xf32, #tpu.memory_space<hbm>> -> memref<80x128xf32, #tpu.memory_space<hbm>>
        %dma_wait3A_800 = arith.constant 0 : i32
        %dma_wait3A_801 = arith.constant 0 : i32
        %dma_wait3A_802 = tpu.memref_slice %arg2[%dma_wait3A_800, %dma_wait3A_801] : memref<10000x128xf32, #tpu.memory_space<hbm>> -> memref<80x128xf32, #tpu.memory_space<hbm>>
        tpu.wait_dma2 semaphore(%arg24 : memref<!tpu.dma_semaphore, #tpu.memory_space<semaphore_mem>>) src(%dma_wait3A_802 : memref<80x128xf32, #tpu.memory_space<hbm>>) dst(%arg15 : memref<80x128xf32, #tpu.memory_space<vmem>>)
      } else {
      }
      %add3A_632 = arith.constant 2 : i32
      %add3A_633 = arith.addi %add3A_500, %add3A_632 : i32
      %lt3A_634 = arith.constant 125 : i32
      %lt3A_635 = arith.cmpi slt, %add3A_633, %lt3A_634 : i32
      %convert_element_type3A_636 = arith.extui %lt3A_635 : i1 to i32
      %cond3A_637 = arith.constant 0 : i32
      %cond3A_638 = arith.cmpi ne, %convert_element_type3A_636, %cond3A_637 : i32
      scf.if %cond3A_638 {
        %add3A_797 = arith.constant 2 : i32
        %add3A_798 = arith.addi %add3A_500, %add3A_797 : i32
        %mul3A_799 = arith.constant 80 : i32
        %mul3A_800 = arith.muli %add3A_798, %mul3A_799 : i32
        %add3A_801 = arith.addi %mul3A_8, %mul3A_800 : i32
        %dma_start3A_802 = tpu.memref_slice %arg4[%add3A_801] : memref<320000xi32, #tpu.memory_space<hbm>> -> memref<80xi32, #tpu.memory_space<hbm>>
        %dma_start3A_803 = tpu.memref_slice %arg4[%add3A_801] : memref<320000xi32, #tpu.memory_space<hbm>> -> memref<80xi32, #tpu.memory_space<hbm>>
        tpu.enqueue_dma source(%dma_start3A_803 : memref<80xi32, #tpu.memory_space<hbm>>) target(%arg12 : memref<80xi32, #tpu.memory_space<vmem>>) target_semaphore(%arg30 : memref<!tpu.dma_semaphore, #tpu.memory_space<semaphore_mem>>)
      } else {
      }
      %ge3A_639 = arith.constant 1 : i32
      %ge3A_640 = arith.cmpi sge, %add3A_500, %ge3A_639 : i32
      %convert_element_type3A_641 = arith.extui %ge3A_640 : i1 to i32
      %cond3A_642 = arith.constant 0 : i32
      %cond3A_643 = arith.cmpi ne, %convert_element_type3A_641, %cond3A_642 : i32
      scf.if %cond3A_643 {
        %dma_wait3A_797 = arith.constant 0 : i32
        %dma_wait3A_798 = tpu.memref_slice %arg3[%dma_wait3A_797] : memref<320000xi32, #tpu.memory_space<hbm>> -> memref<80xi32, #tpu.memory_space<hbm>>
        %dma_wait3A_799 = arith.constant 0 : i32
        %dma_wait3A_800 = tpu.memref_slice %arg3[%dma_wait3A_799] : memref<320000xi32, #tpu.memory_space<hbm>> -> memref<80xi32, #tpu.memory_space<hbm>>
        tpu.wait_dma2 semaphore(%arg27 : memref<!tpu.dma_semaphore, #tpu.memory_space<semaphore_mem>>) src(%dma_wait3A_800 : memref<80xi32, #tpu.memory_space<hbm>>) dst(%arg9 : memref<80xi32, #tpu.memory_space<vmem>>)
      } else {
      }
      %dma_start3A_644 = arith.constant 0 : i32
      %dma_start3A_645 = arith.constant 0 : i32
      %dma_start3A_646 = tpu.memref_slice %arg2[%dma_start3A_644, %dma_start3A_645] : memref<10000x128xf32, #tpu.memory_space<hbm>> -> memref<10000x128xf32, #tpu.memory_space<hbm>>
      tpu.enqueue_indirect_dma source(%dma_start3A_646 : memref<10000x128xf32, #tpu.memory_space<hbm>>) target(%arg15 : memref<80x128xf32, #tpu.memory_space<vmem>>) offsets(%arg9 : memref<80xi32, #tpu.memory_space<vmem>>) semaphore(%arg21 : memref<!tpu.dma_semaphore, #tpu.memory_space<semaphore_mem>>)
      %mul3A_647 = arith.constant 3 : i32
      %mul3A_648 = arith.muli %mul3A_647, %scan3A_346 : i32
      %add3A_649 = arith.constant 2 : i32
      %add3A_650 = arith.addi %mul3A_648, %add3A_649 : i32
      %dma_wait3A_651 = arith.constant 0 : i32
      %dma_wait3A_652 = arith.constant 0 : i32
      %dma_wait3A_653 = tpu.memref_slice %arg2[%dma_wait3A_651, %dma_wait3A_652] : memref<10000x128xf32, #tpu.memory_space<hbm>> -> memref<80x128xf32, #tpu.memory_space<hbm>>
      %dma_wait3A_654 = arith.constant 0 : i32
      %dma_wait3A_655 = arith.constant 0 : i32
      %dma_wait3A_656 = tpu.memref_slice %arg2[%dma_wait3A_654, %dma_wait3A_655] : memref<10000x128xf32, #tpu.memory_space<hbm>> -> memref<80x128xf32, #tpu.memory_space<hbm>>
      tpu.wait_dma2 semaphore(%arg23 : memref<!tpu.dma_semaphore, #tpu.memory_space<semaphore_mem>>) src(%dma_wait3A_656 : memref<80x128xf32, #tpu.memory_space<hbm>>) dst(%arg17 : memref<80x128xf32, #tpu.memory_space<vmem>>)
      %ge3A_657 = arith.constant 2 : i32
      %ge3A_658 = arith.cmpi sge, %add3A_650, %ge3A_657 : i32
      %convert_element_type3A_659 = arith.extui %ge3A_658 : i1 to i32
      %cond3A_660 = arith.constant 0 : i32
      %cond3A_661 = arith.cmpi ne, %convert_element_type3A_659, %cond3A_660 : i32
      scf.if %cond3A_661 {
        %dma_wait3A_797 = arith.constant 0 : i32
        %dma_wait3A_798 = tpu.memref_slice %arg4[%dma_wait3A_797] : memref<320000xi32, #tpu.memory_space<hbm>> -> memref<80xi32, #tpu.memory_space<hbm>>
        %dma_wait3A_799 = arith.constant 0 : i32
        %dma_wait3A_800 = tpu.memref_slice %arg4[%dma_wait3A_799] : memref<320000xi32, #tpu.memory_space<hbm>> -> memref<80xi32, #tpu.memory_space<hbm>>
        tpu.wait_dma2 semaphore(%arg32 : memref<!tpu.dma_semaphore, #tpu.memory_space<semaphore_mem>>) src(%dma_wait3A_800 : memref<80xi32, #tpu.memory_space<hbm>>) dst(%arg14 : memref<80xi32, #tpu.memory_space<vmem>>)
      } else {
      }
      %dma_start3A_662 = arith.constant 0 : i32
      %dma_start3A_663 = arith.constant 0 : i32
      %dma_start3A_664 = tpu.memref_slice %arg20[%dma_start3A_662, %dma_start3A_663] : memref<10000x128xf32, #tpu.memory_space<vmem_shared>> -> memref<10000x128xf32, #tpu.memory_space<vmem_shared>>
      tpu.enqueue_indirect_dma source(%arg17 : memref<80x128xf32, #tpu.memory_space<vmem>>) target(%dma_start3A_664 : memref<10000x128xf32, #tpu.memory_space<vmem_shared>>) offsets(%arg14 : memref<80xi32, #tpu.memory_space<vmem>>) semaphore(%arg26 : memref<!tpu.dma_semaphore, #tpu.memory_space<semaphore_mem>>) {add = true}
      %get3A_665 = arith.constant 0 : index
      %get3A_666 = tpu.vector_load %arg11[%get3A_665] {strides = array<i32>} : memref<80xi32, #tpu.memory_space<vmem>>, vector<16xi32>,
      %get3A_667 = arith.constant 0 : index
      %get3A_668 = tpu.vector_load %arg14[%get3A_667] {strides = array<i32>} : memref<80xi32, #tpu.memory_space<vmem>>, vector<16xi32>,
      %lt3A_669 = arith.constant 1024 : i32
      %lt3A_670 = vector.broadcast %lt3A_669 : i32 to vector<16xi32>
      %lt3A_671 = arith.cmpi slt, %get3A_668, %lt3A_670 : vector<16xi32>
      %convert_element_type3A_672 = arith.extui %lt3A_671 : vector<16xi1> to vector<16xi32>
      %broadcast_in_dim3A_673 = arith.constant true
      %broadcast_in_dim3A_674 = vector.broadcast %broadcast_in_dim3A_673 : i1 to vector<16xi1>
      %masked_cumsum3A_675 = tpu.scan <sum>, %convert_element_type3A_672 masked %broadcast_in_dim3A_674 : vector<16xi32>, vector<16xi1> -> vector<16xi32>
      %add3A_676 = arith.addi %add3A_619, %masked_cumsum3A_675 : vector<16xi32>
      %sub3A_677 = arith.constant 1 : i32
      %sub3A_678 = vector.broadcast %sub3A_677 : i32 to vector<16xi32>
      %sub3A_679 = arith.subi %add3A_676, %sub3A_678 : vector<16xi32>
      %shift_left3A_680 = arith.constant 16 : i32
      %shift_left3A_681 = vector.broadcast %shift_left3A_680 : i32 to vector<16xi32>
      %shift_left3A_682 = arith.shli %get3A_668, %shift_left3A_681 : vector<16xi32>
      %or3A_683 = arith.ori %get3A_666, %shift_left3A_682 : vector<16xi32>
      tpu.vector_store_idx %arg18[%sub3A_679], %or3A_683 masked %lt3A_671 : memref<10080xi32, #tpu.memory_space<vmem>>[vector<16xi32>], vector<16xi32>, vector<16xi1>
      %all_reduce_population_count3A_684 = tpu.all_reduce %lt3A_671 {dim = 0 : i64, kind = #tpu.reduction_kind<sum>} : vector<16xi1> -> vector<16xi32>
      %add3A_685 = arith.addi %add3A_619, %all_reduce_population_count3A_684 : vector<16xi32>
      %get3A_686 = arith.constant 16 : index
      %get3A_687 = tpu.vector_load %arg11[%get3A_686] {strides = array<i32>} : memref<80xi32, #tpu.memory_space<vmem>>, vector<16xi32>,
      %get3A_688 = arith.constant 16 : index
      %get3A_689 = tpu.vector_load %arg14[%get3A_688] {strides = array<i32>} : memref<80xi32, #tpu.memory_space<vmem>>, vector<16xi32>,
      %lt3A_690 = arith.constant 1024 : i32
      %lt3A_691 = vector.broadcast %lt3A_690 : i32 to vector<16xi32>
      %lt3A_692 = arith.cmpi slt, %get3A_689, %lt3A_691 : vector<16xi32>
      %convert_element_type3A_693 = arith.extui %lt3A_692 : vector<16xi1> to vector<16xi32>
      %broadcast_in_dim3A_694 = arith.constant true
      %broadcast_in_dim3A_695 = vector.broadcast %broadcast_in_dim3A_694 : i1 to vector<16xi1>
      %masked_cumsum3A_696 = tpu.scan <sum>, %convert_element_type3A_693 masked %broadcast_in_dim3A_695 : vector<16xi32>, vector<16xi1> -> vector<16xi32>
      %add3A_697 = arith.addi %add3A_685, %masked_cumsum3A_696 : vector<16xi32>
      %sub3A_698 = arith.constant 1 : i32
      %sub3A_699 = vector.broadcast %sub3A_698 : i32 to vector<16xi32>
      %sub3A_700 = arith.subi %add3A_697, %sub3A_699 : vector<16xi32>
      %shift_left3A_701 = arith.constant 16 : i32
      %shift_left3A_702 = vector.broadcast %shift_left3A_701 : i32 to vector<16xi32>
      %shift_left3A_703 = arith.shli %get3A_689, %shift_left3A_702 : vector<16xi32>
      %or3A_704 = arith.ori %get3A_687, %shift_left3A_703 : vector<16xi32>
      tpu.vector_store_idx %arg18[%sub3A_700], %or3A_704 masked %lt3A_692 : memref<10080xi32, #tpu.memory_space<vmem>>[vector<16xi32>], vector<16xi32>, vector<16xi1>
      %all_reduce_population_count3A_705 = tpu.all_reduce %lt3A_692 {dim = 0 : i64, kind = #tpu.reduction_kind<sum>} : vector<16xi1> -> vector<16xi32>
      %add3A_706 = arith.addi %add3A_685, %all_reduce_population_count3A_705 : vector<16xi32>
      %get3A_707 = arith.constant 32 : index
      %get3A_708 = tpu.vector_load %arg11[%get3A_707] {strides = array<i32>} : memref<80xi32, #tpu.memory_space<vmem>>, vector<16xi32>,
      %get3A_709 = arith.constant 32 : index
      %get3A_710 = tpu.vector_load %arg14[%get3A_709] {strides = array<i32>} : memref<80xi32, #tpu.memory_space<vmem>>, vector<16xi32>,
      %lt3A_711 = arith.constant 1024 : i32
      %lt3A_712 = vector.broadcast %lt3A_711 : i32 to vector<16xi32>
      %lt3A_713 = arith.cmpi slt, %get3A_710, %lt3A_712 : vector<16xi32>
      %convert_element_type3A_714 = arith.extui %lt3A_713 : vector<16xi1> to vector<16xi32>
      %broadcast_in_dim3A_715 = arith.constant true
      %broadcast_in_dim3A_716 = vector.broadcast %broadcast_in_dim3A_715 : i1 to vector<16xi1>
      %masked_cumsum3A_717 = tpu.scan <sum>, %convert_element_type3A_714 masked %broadcast_in_dim3A_716 : vector<16xi32>, vector<16xi1> -> vector<16xi32>
      %add3A_718 = arith.addi %add3A_706, %masked_cumsum3A_717 : vector<16xi32>
      %sub3A_719 = arith.constant 1 : i32
      %sub3A_720 = vector.broadcast %sub3A_719 : i32 to vector<16xi32>
      %sub3A_721 = arith.subi %add3A_718, %sub3A_720 : vector<16xi32>
      %shift_left3A_722 = arith.constant 16 : i32
      %shift_left3A_723 = vector.broadcast %shift_left3A_722 : i32 to vector<16xi32>
      %shift_left3A_724 = arith.shli %get3A_710, %shift_left3A_723 : vector<16xi32>
      %or3A_725 = arith.ori %get3A_708, %shift_left3A_724 : vector<16xi32>
      tpu.vector_store_idx %arg18[%sub3A_721], %or3A_725 masked %lt3A_713 : memref<10080xi32, #tpu.memory_space<vmem>>[vector<16xi32>], vector<16xi32>, vector<16xi1>
      %all_reduce_population_count3A_726 = tpu.all_reduce %lt3A_713 {dim = 0 : i64, kind = #tpu.reduction_kind<sum>} : vector<16xi1> -> vector<16xi32>
      %add3A_727 = arith.addi %add3A_706, %all_reduce_population_count3A_726 : vector<16xi32>
      %get3A_728 = arith.constant 48 : index
      %get3A_729 = tpu.vector_load %arg11[%get3A_728] {strides = array<i32>} : memref<80xi32, #tpu.memory_space<vmem>>, vector<16xi32>,
      %get3A_730 = arith.constant 48 : index
      %get3A_731 = tpu.vector_load %arg14[%get3A_730] {strides = array<i32>} : memref<80xi32, #tpu.memory_space<vmem>>, vector<16xi32>,
      %lt3A_732 = arith.constant 1024 : i32
      %lt3A_733 = vector.broadcast %lt3A_732 : i32 to vector<16xi32>
      %lt3A_734 = arith.cmpi slt, %get3A_731, %lt3A_733 : vector<16xi32>
      %convert_element_type3A_735 = arith.extui %lt3A_734 : vector<16xi1> to vector<16xi32>
      %broadcast_in_dim3A_736 = arith.constant true
      %broadcast_in_dim3A_737 = vector.broadcast %broadcast_in_dim3A_736 : i1 to vector<16xi1>
      %masked_cumsum3A_738 = tpu.scan <sum>, %convert_element_type3A_735 masked %broadcast_in_dim3A_737 : vector<16xi32>, vector<16xi1> -> vector<16xi32>
      %add3A_739 = arith.addi %add3A_727, %masked_cumsum3A_738 : vector<16xi32>
      %sub3A_740 = arith.constant 1 : i32
      %sub3A_741 = vector.broadcast %sub3A_740 : i32 to vector<16xi32>
      %sub3A_742 = arith.subi %add3A_739, %sub3A_741 : vector<16xi32>
      %shift_left3A_743 = arith.constant 16 : i32
      %shift_left3A_744 = vector.broadcast %shift_left3A_743 : i32 to vector<16xi32>
      %shift_left3A_745 = arith.shli %get3A_731, %shift_left3A_744 : vector<16xi32>
      %or3A_746 = arith.ori %get3A_729, %shift_left3A_745 : vector<16xi32>
      tpu.vector_store_idx %arg18[%sub3A_742], %or3A_746 masked %lt3A_734 : memref<10080xi32, #tpu.memory_space<vmem>>[vector<16xi32>], vector<16xi32>, vector<16xi1>
      %all_reduce_population_count3A_747 = tpu.all_reduce %lt3A_734 {dim = 0 : i64, kind = #tpu.reduction_kind<sum>} : vector<16xi1> -> vector<16xi32>
      %add3A_748 = arith.addi %add3A_727, %all_reduce_population_count3A_747 : vector<16xi32>
      %get3A_749 = arith.constant 64 : index
      %get3A_750 = tpu.vector_load %arg11[%get3A_749] {strides = array<i32>} : memref<80xi32, #tpu.memory_space<vmem>>, vector<16xi32>,
      %get3A_751 = arith.constant 64 : index
      %get3A_752 = tpu.vector_load %arg14[%get3A_751] {strides = array<i32>} : memref<80xi32, #tpu.memory_space<vmem>>, vector<16xi32>,
      %lt3A_753 = arith.constant 1024 : i32
      %lt3A_754 = vector.broadcast %lt3A_753 : i32 to vector<16xi32>
      %lt3A_755 = arith.cmpi slt, %get3A_752, %lt3A_754 : vector<16xi32>
      %convert_element_type3A_756 = arith.extui %lt3A_755 : vector<16xi1> to vector<16xi32>
      %broadcast_in_dim3A_757 = arith.constant true
      %broadcast_in_dim3A_758 = vector.broadcast %broadcast_in_dim3A_757 : i1 to vector<16xi1>
      %masked_cumsum3A_759 = tpu.scan <sum>, %convert_element_type3A_756 masked %broadcast_in_dim3A_758 : vector<16xi32>, vector<16xi1> -> vector<16xi32>
      %add3A_760 = arith.addi %add3A_748, %masked_cumsum3A_759 : vector<16xi32>
      %sub3A_761 = arith.constant 1 : i32
      %sub3A_762 = vector.broadcast %sub3A_761 : i32 to vector<16xi32>
      %sub3A_763 = arith.subi %add3A_760, %sub3A_762 : vector<16xi32>
      %shift_left3A_764 = arith.constant 16 : i32
      %shift_left3A_765 = vector.broadcast %shift_left3A_764 : i32 to vector<16xi32>
      %shift_left3A_766 = arith.shli %get3A_752, %shift_left3A_765 : vector<16xi32>
      %or3A_767 = arith.ori %get3A_750, %shift_left3A_766 : vector<16xi32>
      tpu.vector_store_idx %arg18[%sub3A_763], %or3A_767 masked %lt3A_755 : memref<10080xi32, #tpu.memory_space<vmem>>[vector<16xi32>], vector<16xi32>, vector<16xi1>
      %all_reduce_population_count3A_768 = tpu.all_reduce %lt3A_755 {dim = 0 : i64, kind = #tpu.reduction_kind<sum>} : vector<16xi1> -> vector<16xi32>
      %add3A_769 = arith.addi %add3A_748, %all_reduce_population_count3A_768 : vector<16xi32>
      %add3A_770 = arith.constant 3 : i32
      %add3A_771 = arith.addi %add3A_650, %add3A_770 : i32
      %lt3A_772 = arith.constant 125 : i32
      %lt3A_773 = arith.cmpi slt, %add3A_771, %lt3A_772 : i32
      %convert_element_type3A_774 = arith.extui %lt3A_773 : i1 to i32
      %cond3A_775 = arith.constant 0 : i32
      %cond3A_776 = arith.cmpi ne, %convert_element_type3A_774, %cond3A_775 : i32
      scf.if %cond3A_776 {
        %add3A_797 = arith.constant 3 : i32
        %add3A_798 = arith.addi %add3A_650, %add3A_797 : i32
        %mul3A_799 = arith.constant 80 : i32
        %mul3A_800 = arith.muli %add3A_798, %mul3A_799 : i32
        %add3A_801 = arith.addi %mul3A_8, %mul3A_800 : i32
        %dma_start3A_802 = tpu.memref_slice %arg3[%add3A_801] : memref<320000xi32, #tpu.memory_space<hbm>> -> memref<80xi32, #tpu.memory_space<hbm>>
        %dma_start3A_803 = tpu.memref_slice %arg3[%add3A_801] : memref<320000xi32, #tpu.memory_space<hbm>> -> memref<80xi32, #tpu.memory_space<hbm>>
        tpu.enqueue_dma source(%dma_start3A_803 : memref<80xi32, #tpu.memory_space<hbm>>) target(%arg11 : memref<80xi32, #tpu.memory_space<vmem>>) target_semaphore(%arg29 : memref<!tpu.dma_semaphore, #tpu.memory_space<semaphore_mem>>)
      } else {
      }
      %ge3A_777 = arith.constant 1 : i32
      %ge3A_778 = arith.cmpi sge, %add3A_650, %ge3A_777 : i32
      %convert_element_type3A_779 = arith.extui %ge3A_778 : i1 to i32
      %cond3A_780 = arith.constant 0 : i32
      %cond3A_781 = arith.cmpi ne, %convert_element_type3A_779, %cond3A_780 : i32
      scf.if %cond3A_781 {
        %dma_wait3A_797 = arith.constant 0 : i32
        %dma_wait3A_798 = arith.constant 0 : i32
        %dma_wait3A_799 = tpu.memref_slice %arg2[%dma_wait3A_797, %dma_wait3A_798] : memref<10000x128xf32, #tpu.memory_space<hbm>> -> memref<80x128xf32, #tpu.memory_space<hbm>>
        %dma_wait3A_800 = arith.constant 0 : i32
        %dma_wait3A_801 = arith.constant 0 : i32
        %dma_wait3A_802 = tpu.memref_slice %arg2[%dma_wait3A_800, %dma_wait3A_801] : memref<10000x128xf32, #tpu.memory_space<hbm>> -> memref<80x128xf32, #tpu.memory_space<hbm>>
        tpu.wait_dma2 semaphore(%arg25 : memref<!tpu.dma_semaphore, #tpu.memory_space<semaphore_mem>>) src(%dma_wait3A_802 : memref<80x128xf32, #tpu.memory_space<hbm>>) dst(%arg16 : memref<80x128xf32, #tpu.memory_space<vmem>>)
      } else {
      }
      %add3A_782 = arith.constant 2 : i32
      %add3A_783 = arith.addi %add3A_650, %add3A_782 : i32
      %lt3A_784 = arith.constant 125 : i32
      %lt3A_785 = arith.cmpi slt, %add3A_783, %lt3A_784 : i32
      %convert_element_type3A_786 = arith.extui %lt3A_785 : i1 to i32
      %cond3A_787 = arith.constant 0 : i32
      %cond3A_788 = arith.cmpi ne, %convert_element_type3A_786, %cond3A_787 : i32
      scf.if %cond3A_788 {
        %add3A_797 = arith.constant 2 : i32
        %add3A_798 = arith.addi %add3A_650, %add3A_797 : i32
        %mul3A_799 = arith.constant 80 : i32
        %mul3A_800 = arith.muli %add3A_798, %mul3A_799 : i32
        %add3A_801 = arith.addi %mul3A_8, %mul3A_800 : i32
        %dma_start3A_802 = tpu.memref_slice %arg4[%add3A_801] : memref<320000xi32, #tpu.memory_space<hbm>> -> memref<80xi32, #tpu.memory_space<hbm>>
        %dma_start3A_803 = tpu.memref_slice %arg4[%add3A_801] : memref<320000xi32, #tpu.memory_space<hbm>> -> memref<80xi32, #tpu.memory_space<hbm>>
        tpu.enqueue_dma source(%dma_start3A_803 : memref<80xi32, #tpu.memory_space<hbm>>) target(%arg13 : memref<80xi32, #tpu.memory_space<vmem>>) target_semaphore(%arg31 : memref<!tpu.dma_semaphore, #tpu.memory_space<semaphore_mem>>)
      } else {
      }
      %ge3A_789 = arith.constant 1 : i32
      %ge3A_790 = arith.cmpi sge, %add3A_650, %ge3A_789 : i32
      %convert_element_type3A_791 = arith.extui %ge3A_790 : i1 to i32
      %cond3A_792 = arith.constant 0 : i32
      %cond3A_793 = arith.cmpi ne, %convert_element_type3A_791, %cond3A_792 : i32
      scf.if %cond3A_793 {
        %dma_wait3A_797 = arith.constant 0 : i32
        %dma_wait3A_798 = tpu.memref_slice %arg3[%dma_wait3A_797] : memref<320000xi32, #tpu.memory_space<hbm>> -> memref<80xi32, #tpu.memory_space<hbm>>
        %dma_wait3A_799 = arith.constant 0 : i32
        %dma_wait3A_800 = tpu.memref_slice %arg3[%dma_wait3A_799] : memref<320000xi32, #tpu.memory_space<hbm>> -> memref<80xi32, #tpu.memory_space<hbm>>
        tpu.wait_dma2 semaphore(%arg28 : memref<!tpu.dma_semaphore, #tpu.memory_space<semaphore_mem>>) src(%dma_wait3A_800 : memref<80xi32, #tpu.memory_space<hbm>>) dst(%arg10 : memref<80xi32, #tpu.memory_space<vmem>>)
      } else {
      }
      %dma_start3A_794 = arith.constant 0 : i32
      %dma_start3A_795 = arith.constant 0 : i32
      %dma_start3A_796 = tpu.memref_slice %arg2[%dma_start3A_794, %dma_start3A_795] : memref<10000x128xf32, #tpu.memory_space<hbm>> -> memref<10000x128xf32, #tpu.memory_space<hbm>>
      tpu.enqueue_indirect_dma source(%dma_start3A_796 : memref<10000x128xf32, #tpu.memory_space<hbm>>) target(%arg16 : memref<80x128xf32, #tpu.memory_space<vmem>>) offsets(%arg10 : memref<80xi32, #tpu.memory_space<vmem>>) semaphore(%arg22 : memref<!tpu.dma_semaphore, #tpu.memory_space<semaphore_mem>>)
      scf.yield %add3A_769 : vector<16xi32>
    }
    %scan3A_29 = arith.constant 41 : i32
    %dma_wait3A = arith.constant 0 : i32
    %dma_wait3A_30 = arith.constant 0 : i32
    %dma_wait3A_31 = tpu.memref_slice %arg2[%dma_wait3A, %dma_wait3A_30] : memref<10000x128xf32, #tpu.memory_space<hbm>> -> memref<80x128xf32, #tpu.memory_space<hbm>>
    %dma_wait3A_32 = arith.constant 0 : i32
    %dma_wait3A_33 = arith.constant 0 : i32
    %dma_wait3A_34 = tpu.memref_slice %arg2[%dma_wait3A_32, %dma_wait3A_33] : memref<10000x128xf32, #tpu.memory_space<hbm>> -> memref<80x128xf32, #tpu.memory_space<hbm>>
    tpu.wait_dma2 semaphore(%arg21 : memref<!tpu.dma_semaphore, #tpu.memory_space<semaphore_mem>>) src(%dma_wait3A_34 : memref<80x128xf32, #tpu.memory_space<hbm>>) dst(%arg15 : memref<80x128xf32, #tpu.memory_space<vmem>>)
    %dma_wait3A_35 = arith.constant 0 : i32
    %dma_wait3A_36 = tpu.memref_slice %arg4[%dma_wait3A_35] : memref<320000xi32, #tpu.memory_space<hbm>> -> memref<80xi32, #tpu.memory_space<hbm>>
    %dma_wait3A_37 = arith.constant 0 : i32
    %dma_wait3A_38 = tpu.memref_slice %arg4[%dma_wait3A_37] : memref<320000xi32, #tpu.memory_space<hbm>> -> memref<80xi32, #tpu.memory_space<hbm>>
    tpu.wait_dma2 semaphore(%arg30 : memref<!tpu.dma_semaphore, #tpu.memory_space<semaphore_mem>>) src(%dma_wait3A_38 : memref<80xi32, #tpu.memory_space<hbm>>) dst(%arg12 : memref<80xi32, #tpu.memory_space<vmem>>)
    %dma_start3A_39 = arith.constant 0 : i32
    %dma_start3A_40 = arith.constant 0 : i32
    %dma_start3A_41 = tpu.memref_slice %arg20[%dma_start3A_39, %dma_start3A_40] : memref<10000x128xf32, #tpu.memory_space<vmem_shared>> -> memref<10000x128xf32, #tpu.memory_space<vmem_shared>>
    tpu.enqueue_indirect_dma source(%arg15 : memref<80x128xf32, #tpu.memory_space<vmem>>) target(%dma_start3A_41 : memref<10000x128xf32, #tpu.memory_space<vmem_shared>>) offsets(%arg12 : memref<80xi32, #tpu.memory_space<vmem>>) semaphore(%arg24 : memref<!tpu.dma_semaphore, #tpu.memory_space<semaphore_mem>>) {add = true}
    %get3A = arith.constant 0 : index
    %get3A_42 = tpu.vector_load %arg9[%get3A] {strides = array<i32>} : memref<80xi32, #tpu.memory_space<vmem>>, vector<16xi32>,
    %get3A_43 = arith.constant 0 : index
    %get3A_44 = tpu.vector_load %arg12[%get3A_43] {strides = array<i32>} : memref<80xi32, #tpu.memory_space<vmem>>, vector<16xi32>,
    %lt3A_45 = arith.constant 1024 : i32
    %lt3A_46 = vector.broadcast %lt3A_45 : i32 to vector<16xi32>
    %lt3A_47 = arith.cmpi slt, %get3A_44, %lt3A_46 : vector<16xi32>
    %convert_element_type3A_48 = arith.extui %lt3A_47 : vector<16xi1> to vector<16xi32>
    %broadcast_in_dim3A_49 = arith.constant true
    %broadcast_in_dim3A_50 = vector.broadcast %broadcast_in_dim3A_49 : i1 to vector<16xi1>
    %masked_cumsum3A = tpu.scan <sum>, %convert_element_type3A_48 masked %broadcast_in_dim3A_50 : vector<16xi32>, vector<16xi1> -> vector<16xi32>
    %add3A_51 = arith.addi %scan3A_28, %masked_cumsum3A : vector<16xi32>
    %sub3A = arith.constant 1 : i32
    %sub3A_52 = vector.broadcast %sub3A : i32 to vector<16xi32>
    %sub3A_53 = arith.subi %add3A_51, %sub3A_52 : vector<16xi32>
    %shift_left3A = arith.constant 16 : i32
    %shift_left3A_54 = vector.broadcast %shift_left3A : i32 to vector<16xi32>
    %shift_left3A_55 = arith.shli %get3A_44, %shift_left3A_54 : vector<16xi32>
    %or3A = arith.ori %get3A_42, %shift_left3A_55 : vector<16xi32>
    tpu.vector_store_idx %arg18[%sub3A_53], %or3A masked %lt3A_47 : memref<10080xi32, #tpu.memory_space<vmem>>[vector<16xi32>], vector<16xi32>, vector<16xi1>
    %all_reduce_population_count3A = tpu.all_reduce %lt3A_47 {dim = 0 : i64, kind = #tpu.reduction_kind<sum>} : vector<16xi1> -> vector<16xi32>
    %add3A_56 = arith.addi %scan3A_28, %all_reduce_population_count3A : vector<16xi32>
    %get3A_57 = arith.constant 16 : index
    %get3A_58 = tpu.vector_load %arg9[%get3A_57] {strides = array<i32>} : memref<80xi32, #tpu.memory_space<vmem>>, vector<16xi32>,
    %get3A_59 = arith.constant 16 : index
    %get3A_60 = tpu.vector_load %arg12[%get3A_59] {strides = array<i32>} : memref<80xi32, #tpu.memory_space<vmem>>, vector<16xi32>,
    %lt3A_61 = arith.constant 1024 : i32
    %lt3A_62 = vector.broadcast %lt3A_61 : i32 to vector<16xi32>
    %lt3A_63 = arith.cmpi slt, %get3A_60, %lt3A_62 : vector<16xi32>
    %convert_element_type3A_64 = arith.extui %lt3A_63 : vector<16xi1> to vector<16xi32>
    %broadcast_in_dim3A_65 = arith.constant true
    %broadcast_in_dim3A_66 = vector.broadcast %broadcast_in_dim3A_65 : i1 to vector<16xi1>
    %masked_cumsum3A_67 = tpu.scan <sum>, %convert_element_type3A_64 masked %broadcast_in_dim3A_66 : vector<16xi32>, vector<16xi1> -> vector<16xi32>
    %add3A_68 = arith.addi %add3A_56, %masked_cumsum3A_67 : vector<16xi32>
    %sub3A_69 = arith.constant 1 : i32
    %sub3A_70 = vector.broadcast %sub3A_69 : i32 to vector<16xi32>
    %sub3A_71 = arith.subi %add3A_68, %sub3A_70 : vector<16xi32>
    %shift_left3A_72 = arith.constant 16 : i32
    %shift_left3A_73 = vector.broadcast %shift_left3A_72 : i32 to vector<16xi32>
    %shift_left3A_74 = arith.shli %get3A_60, %shift_left3A_73 : vector<16xi32>
    %or3A_75 = arith.ori %get3A_58, %shift_left3A_74 : vector<16xi32>
    tpu.vector_store_idx %arg18[%sub3A_71], %or3A_75 masked %lt3A_63 : memref<10080xi32, #tpu.memory_space<vmem>>[vector<16xi32>], vector<16xi32>, vector<16xi1>
    %all_reduce_population_count3A_76 = tpu.all_reduce %lt3A_63 {dim = 0 : i64, kind = #tpu.reduction_kind<sum>} : vector<16xi1> -> vector<16xi32>
    %add3A_77 = arith.addi %add3A_56, %all_reduce_population_count3A_76 : vector<16xi32>
    %get3A_78 = arith.constant 32 : index
    %get3A_79 = tpu.vector_load %arg9[%get3A_78] {strides = array<i32>} : memref<80xi32, #tpu.memory_space<vmem>>, vector<16xi32>,
    %get3A_80 = arith.constant 32 : index
    %get3A_81 = tpu.vector_load %arg12[%get3A_80] {strides = array<i32>} : memref<80xi32, #tpu.memory_space<vmem>>, vector<16xi32>,
    %lt3A_82 = arith.constant 1024 : i32
    %lt3A_83 = vector.broadcast %lt3A_82 : i32 to vector<16xi32>
    %lt3A_84 = arith.cmpi slt, %get3A_81, %lt3A_83 : vector<16xi32>
    %convert_element_type3A_85 = arith.extui %lt3A_84 : vector<16xi1> to vector<16xi32>
    %broadcast_in_dim3A_86 = arith.constant true
    %broadcast_in_dim3A_87 = vector.broadcast %broadcast_in_dim3A_86 : i1 to vector<16xi1>
    %masked_cumsum3A_88 = tpu.scan <sum>, %convert_element_type3A_85 masked %broadcast_in_dim3A_87 : vector<16xi32>, vector<16xi1> -> vector<16xi32>
    %add3A_89 = arith.addi %add3A_77, %masked_cumsum3A_88 : vector<16xi32>
    %sub3A_90 = arith.constant 1 : i32
    %sub3A_91 = vector.broadcast %sub3A_90 : i32 to vector<16xi32>
    %sub3A_92 = arith.subi %add3A_89, %sub3A_91 : vector<16xi32>
    %shift_left3A_93 = arith.constant 16 : i32
    %shift_left3A_94 = vector.broadcast %shift_left3A_93 : i32 to vector<16xi32>
    %shift_left3A_95 = arith.shli %get3A_81, %shift_left3A_94 : vector<16xi32>
    %or3A_96 = arith.ori %get3A_79, %shift_left3A_95 : vector<16xi32>
    tpu.vector_store_idx %arg18[%sub3A_92], %or3A_96 masked %lt3A_84 : memref<10080xi32, #tpu.memory_space<vmem>>[vector<16xi32>], vector<16xi32>, vector<16xi1>
    %all_reduce_population_count3A_97 = tpu.all_reduce %lt3A_84 {dim = 0 : i64, kind = #tpu.reduction_kind<sum>} : vector<16xi1> -> vector<16xi32>
    %add3A_98 = arith.addi %add3A_77, %all_reduce_population_count3A_97 : vector<16xi32>
    %get3A_99 = arith.constant 48 : index
    %get3A_100 = tpu.vector_load %arg9[%get3A_99] {strides = array<i32>} : memref<80xi32, #tpu.memory_space<vmem>>, vector<16xi32>,
    %get3A_101 = arith.constant 48 : index
    %get3A_102 = tpu.vector_load %arg12[%get3A_101] {strides = array<i32>} : memref<80xi32, #tpu.memory_space<vmem>>, vector<16xi32>,
    %lt3A_103 = arith.constant 1024 : i32
    %lt3A_104 = vector.broadcast %lt3A_103 : i32 to vector<16xi32>
    %lt3A_105 = arith.cmpi slt, %get3A_102, %lt3A_104 : vector<16xi32>
    %convert_element_type3A_106 = arith.extui %lt3A_105 : vector<16xi1> to vector<16xi32>
    %broadcast_in_dim3A_107 = arith.constant true
    %broadcast_in_dim3A_108 = vector.broadcast %broadcast_in_dim3A_107 : i1 to vector<16xi1>
    %masked_cumsum3A_109 = tpu.scan <sum>, %convert_element_type3A_106 masked %broadcast_in_dim3A_108 : vector<16xi32>, vector<16xi1> -> vector<16xi32>
    %add3A_110 = arith.addi %add3A_98, %masked_cumsum3A_109 : vector<16xi32>
    %sub3A_111 = arith.constant 1 : i32
    %sub3A_112 = vector.broadcast %sub3A_111 : i32 to vector<16xi32>
    %sub3A_113 = arith.subi %add3A_110, %sub3A_112 : vector<16xi32>
    %shift_left3A_114 = arith.constant 16 : i32
    %shift_left3A_115 = vector.broadcast %shift_left3A_114 : i32 to vector<16xi32>
    %shift_left3A_116 = arith.shli %get3A_102, %shift_left3A_115 : vector<16xi32>
    %or3A_117 = arith.ori %get3A_100, %shift_left3A_116 : vector<16xi32>
    tpu.vector_store_idx %arg18[%sub3A_113], %or3A_117 masked %lt3A_105 : memref<10080xi32, #tpu.memory_space<vmem>>[vector<16xi32>], vector<16xi32>, vector<16xi1>
    %all_reduce_population_count3A_118 = tpu.all_reduce %lt3A_105 {dim = 0 : i64, kind = #tpu.reduction_kind<sum>} : vector<16xi1> -> vector<16xi32>
    %add3A_119 = arith.addi %add3A_98, %all_reduce_population_count3A_118 : vector<16xi32>
    %get3A_120 = arith.constant 64 : index
    %get3A_121 = tpu.vector_load %arg9[%get3A_120] {strides = array<i32>} : memref<80xi32, #tpu.memory_space<vmem>>, vector<16xi32>,
    %get3A_122 = arith.constant 64 : index
    %get3A_123 = tpu.vector_load %arg12[%get3A_122] {strides = array<i32>} : memref<80xi32, #tpu.memory_space<vmem>>, vector<16xi32>,
    %lt3A_124 = arith.constant 1024 : i32
    %lt3A_125 = vector.broadcast %lt3A_124 : i32 to vector<16xi32>
    %lt3A_126 = arith.cmpi slt, %get3A_123, %lt3A_125 : vector<16xi32>
    %convert_element_type3A_127 = arith.extui %lt3A_126 : vector<16xi1> to vector<16xi32>
    %broadcast_in_dim3A_128 = arith.constant true
    %broadcast_in_dim3A_129 = vector.broadcast %broadcast_in_dim3A_128 : i1 to vector<16xi1>
    %masked_cumsum3A_130 = tpu.scan <sum>, %convert_element_type3A_127 masked %broadcast_in_dim3A_129 : vector<16xi32>, vector<16xi1> -> vector<16xi32>
    %add3A_131 = arith.addi %add3A_119, %masked_cumsum3A_130 : vector<16xi32>
    %sub3A_132 = arith.constant 1 : i32
    %sub3A_133 = vector.broadcast %sub3A_132 : i32 to vector<16xi32>
    %sub3A_134 = arith.subi %add3A_131, %sub3A_133 : vector<16xi32>
    %shift_left3A_135 = arith.constant 16 : i32
    %shift_left3A_136 = vector.broadcast %shift_left3A_135 : i32 to vector<16xi32>
    %shift_left3A_137 = arith.shli %get3A_123, %shift_left3A_136 : vector<16xi32>
    %or3A_138 = arith.ori %get3A_121, %shift_left3A_137 : vector<16xi32>
    tpu.vector_store_idx %arg18[%sub3A_134], %or3A_138 masked %lt3A_126 : memref<10080xi32, #tpu.memory_space<vmem>>[vector<16xi32>], vector<16xi32>, vector<16xi1>
    %all_reduce_population_count3A_139 = tpu.all_reduce %lt3A_126 {dim = 0 : i64, kind = #tpu.reduction_kind<sum>} : vector<16xi1> -> vector<16xi32>
    %add3A_140 = arith.addi %add3A_119, %all_reduce_population_count3A_139 : vector<16xi32>
    %dma_wait3A_141 = arith.constant 0 : i32
    %dma_wait3A_142 = arith.constant 0 : i32
    %dma_wait3A_143 = tpu.memref_slice %arg2[%dma_wait3A_141, %dma_wait3A_142] : memref<10000x128xf32, #tpu.memory_space<hbm>> -> memref<80x128xf32, #tpu.memory_space<hbm>>
    %dma_wait3A_144 = arith.constant 0 : i32
    %dma_wait3A_145 = arith.constant 0 : i32
    %dma_wait3A_146 = tpu.memref_slice %arg2[%dma_wait3A_144, %dma_wait3A_145] : memref<10000x128xf32, #tpu.memory_space<hbm>> -> memref<80x128xf32, #tpu.memory_space<hbm>>
    tpu.wait_dma2 semaphore(%arg26 : memref<!tpu.dma_semaphore, #tpu.memory_space<semaphore_mem>>) src(%dma_wait3A_146 : memref<80x128xf32, #tpu.memory_space<hbm>>) dst(%arg17 : memref<80x128xf32, #tpu.memory_space<vmem>>)
    %dma_wait3A_147 = arith.constant 0 : i32
    %dma_wait3A_148 = arith.constant 0 : i32
    %dma_wait3A_149 = tpu.memref_slice %arg2[%dma_wait3A_147, %dma_wait3A_148] : memref<10000x128xf32, #tpu.memory_space<hbm>> -> memref<80x128xf32, #tpu.memory_space<hbm>>
    %dma_wait3A_150 = arith.constant 0 : i32
    %dma_wait3A_151 = arith.constant 0 : i32
    %dma_wait3A_152 = tpu.memref_slice %arg2[%dma_wait3A_150, %dma_wait3A_151] : memref<10000x128xf32, #tpu.memory_space<hbm>> -> memref<80x128xf32, #tpu.memory_space<hbm>>
    tpu.wait_dma2 semaphore(%arg22 : memref<!tpu.dma_semaphore, #tpu.memory_space<semaphore_mem>>) src(%dma_wait3A_152 : memref<80x128xf32, #tpu.memory_space<hbm>>) dst(%arg16 : memref<80x128xf32, #tpu.memory_space<vmem>>)
    %dma_wait3A_153 = arith.constant 0 : i32
    %dma_wait3A_154 = tpu.memref_slice %arg4[%dma_wait3A_153] : memref<320000xi32, #tpu.memory_space<hbm>> -> memref<80xi32, #tpu.memory_space<hbm>>
    %dma_wait3A_155 = arith.constant 0 : i32
    %dma_wait3A_156 = tpu.memref_slice %arg4[%dma_wait3A_155] : memref<320000xi32, #tpu.memory_space<hbm>> -> memref<80xi32, #tpu.memory_space<hbm>>
    tpu.wait_dma2 semaphore(%arg31 : memref<!tpu.dma_semaphore, #tpu.memory_space<semaphore_mem>>) src(%dma_wait3A_156 : memref<80xi32, #tpu.memory_space<hbm>>) dst(%arg13 : memref<80xi32, #tpu.memory_space<vmem>>)
    %dma_start3A_157 = arith.constant 0 : i32
    %dma_start3A_158 = arith.constant 0 : i32
    %dma_start3A_159 = tpu.memref_slice %arg20[%dma_start3A_157, %dma_start3A_158] : memref<10000x128xf32, #tpu.memory_space<vmem_shared>> -> memref<10000x128xf32, #tpu.memory_space<vmem_shared>>
    tpu.enqueue_indirect_dma source(%arg16 : memref<80x128xf32, #tpu.memory_space<vmem>>) target(%dma_start3A_159 : memref<10000x128xf32, #tpu.memory_space<vmem_shared>>) offsets(%arg13 : memref<80xi32, #tpu.memory_space<vmem>>) semaphore(%arg25 : memref<!tpu.dma_semaphore, #tpu.memory_space<semaphore_mem>>) {add = true}
    %get3A_160 = arith.constant 0 : index
    %get3A_161 = tpu.vector_load %arg10[%get3A_160] {strides = array<i32>} : memref<80xi32, #tpu.memory_space<vmem>>, vector<16xi32>,
    %get3A_162 = arith.constant 0 : index
    %get3A_163 = tpu.vector_load %arg13[%get3A_162] {strides = array<i32>} : memref<80xi32, #tpu.memory_space<vmem>>, vector<16xi32>,
    %lt3A_164 = arith.constant 1024 : i32
    %lt3A_165 = vector.broadcast %lt3A_164 : i32 to vector<16xi32>
    %lt3A_166 = arith.cmpi slt, %get3A_163, %lt3A_165 : vector<16xi32>
    %convert_element_type3A_167 = arith.extui %lt3A_166 : vector<16xi1> to vector<16xi32>
    %broadcast_in_dim3A_168 = arith.constant true
    %broadcast_in_dim3A_169 = vector.broadcast %broadcast_in_dim3A_168 : i1 to vector<16xi1>
    %masked_cumsum3A_170 = tpu.scan <sum>, %convert_element_type3A_167 masked %broadcast_in_dim3A_169 : vector<16xi32>, vector<16xi1> -> vector<16xi32>
    %add3A_171 = arith.addi %add3A_140, %masked_cumsum3A_170 : vector<16xi32>
    %sub3A_172 = arith.constant 1 : i32
    %sub3A_173 = vector.broadcast %sub3A_172 : i32 to vector<16xi32>
    %sub3A_174 = arith.subi %add3A_171, %sub3A_173 : vector<16xi32>
    %shift_left3A_175 = arith.constant 16 : i32
    %shift_left3A_176 = vector.broadcast %shift_left3A_175 : i32 to vector<16xi32>
    %shift_left3A_177 = arith.shli %get3A_163, %shift_left3A_176 : vector<16xi32>
    %or3A_178 = arith.ori %get3A_161, %shift_left3A_177 : vector<16xi32>
    tpu.vector_store_idx %arg18[%sub3A_174], %or3A_178 masked %lt3A_166 : memref<10080xi32, #tpu.memory_space<vmem>>[vector<16xi32>], vector<16xi32>, vector<16xi1>
    %all_reduce_population_count3A_179 = tpu.all_reduce %lt3A_166 {dim = 0 : i64, kind = #tpu.reduction_kind<sum>} : vector<16xi1> -> vector<16xi32>
    %add3A_180 = arith.addi %add3A_140, %all_reduce_population_count3A_179 : vector<16xi32>
    %get3A_181 = arith.constant 16 : index
    %get3A_182 = tpu.vector_load %arg10[%get3A_181] {strides = array<i32>} : memref<80xi32, #tpu.memory_space<vmem>>, vector<16xi32>,
    %get3A_183 = arith.constant 16 : index
    %get3A_184 = tpu.vector_load %arg13[%get3A_183] {strides = array<i32>} : memref<80xi32, #tpu.memory_space<vmem>>, vector<16xi32>,
    %lt3A_185 = arith.constant 1024 : i32
    %lt3A_186 = vector.broadcast %lt3A_185 : i32 to vector<16xi32>
    %lt3A_187 = arith.cmpi slt, %get3A_184, %lt3A_186 : vector<16xi32>
    %convert_element_type3A_188 = arith.extui %lt3A_187 : vector<16xi1> to vector<16xi32>
    %broadcast_in_dim3A_189 = arith.constant true
    %broadcast_in_dim3A_190 = vector.broadcast %broadcast_in_dim3A_189 : i1 to vector<16xi1>
    %masked_cumsum3A_191 = tpu.scan <sum>, %convert_element_type3A_188 masked %broadcast_in_dim3A_190 : vector<16xi32>, vector<16xi1> -> vector<16xi32>
    %add3A_192 = arith.addi %add3A_180, %masked_cumsum3A_191 : vector<16xi32>
    %sub3A_193 = arith.constant 1 : i32
    %sub3A_194 = vector.broadcast %sub3A_193 : i32 to vector<16xi32>
    %sub3A_195 = arith.subi %add3A_192, %sub3A_194 : vector<16xi32>
    %shift_left3A_196 = arith.constant 16 : i32
    %shift_left3A_197 = vector.broadcast %shift_left3A_196 : i32 to vector<16xi32>
    %shift_left3A_198 = arith.shli %get3A_184, %shift_left3A_197 : vector<16xi32>
    %or3A_199 = arith.ori %get3A_182, %shift_left3A_198 : vector<16xi32>
    tpu.vector_store_idx %arg18[%sub3A_195], %or3A_199 masked %lt3A_187 : memref<10080xi32, #tpu.memory_space<vmem>>[vector<16xi32>], vector<16xi32>, vector<16xi1>
    %all_reduce_population_count3A_200 = tpu.all_reduce %lt3A_187 {dim = 0 : i64, kind = #tpu.reduction_kind<sum>} : vector<16xi1> -> vector<16xi32>
    %add3A_201 = arith.addi %add3A_180, %all_reduce_population_count3A_200 : vector<16xi32>
    %get3A_202 = arith.constant 32 : index
    %get3A_203 = tpu.vector_load %arg10[%get3A_202] {strides = array<i32>} : memref<80xi32, #tpu.memory_space<vmem>>, vector<16xi32>,
    %get3A_204 = arith.constant 32 : index
    %get3A_205 = tpu.vector_load %arg13[%get3A_204] {strides = array<i32>} : memref<80xi32, #tpu.memory_space<vmem>>, vector<16xi32>,
    %lt3A_206 = arith.constant 1024 : i32
    %lt3A_207 = vector.broadcast %lt3A_206 : i32 to vector<16xi32>
    %lt3A_208 = arith.cmpi slt, %get3A_205, %lt3A_207 : vector<16xi32>
    %convert_element_type3A_209 = arith.extui %lt3A_208 : vector<16xi1> to vector<16xi32>
    %broadcast_in_dim3A_210 = arith.constant true
    %broadcast_in_dim3A_211 = vector.broadcast %broadcast_in_dim3A_210 : i1 to vector<16xi1>
    %masked_cumsum3A_212 = tpu.scan <sum>, %convert_element_type3A_209 masked %broadcast_in_dim3A_211 : vector<16xi32>, vector<16xi1> -> vector<16xi32>
    %add3A_213 = arith.addi %add3A_201, %masked_cumsum3A_212 : vector<16xi32>
    %sub3A_214 = arith.constant 1 : i32
    %sub3A_215 = vector.broadcast %sub3A_214 : i32 to vector<16xi32>
    %sub3A_216 = arith.subi %add3A_213, %sub3A_215 : vector<16xi32>
    %shift_left3A_217 = arith.constant 16 : i32
    %shift_left3A_218 = vector.broadcast %shift_left3A_217 : i32 to vector<16xi32>
    %shift_left3A_219 = arith.shli %get3A_205, %shift_left3A_218 : vector<16xi32>
    %or3A_220 = arith.ori %get3A_203, %shift_left3A_219 : vector<16xi32>
    tpu.vector_store_idx %arg18[%sub3A_216], %or3A_220 masked %lt3A_208 : memref<10080xi32, #tpu.memory_space<vmem>>[vector<16xi32>], vector<16xi32>, vector<16xi1>
    %all_reduce_population_count3A_221 = tpu.all_reduce %lt3A_208 {dim = 0 : i64, kind = #tpu.reduction_kind<sum>} : vector<16xi1> -> vector<16xi32>
    %add3A_222 = arith.addi %add3A_201, %all_reduce_population_count3A_221 : vector<16xi32>
    %get3A_223 = arith.constant 48 : index
    %get3A_224 = tpu.vector_load %arg10[%get3A_223] {strides = array<i32>} : memref<80xi32, #tpu.memory_space<vmem>>, vector<16xi32>,
    %get3A_225 = arith.constant 48 : index
    %get3A_226 = tpu.vector_load %arg13[%get3A_225] {strides = array<i32>} : memref<80xi32, #tpu.memory_space<vmem>>, vector<16xi32>,
    %lt3A_227 = arith.constant 1024 : i32
    %lt3A_228 = vector.broadcast %lt3A_227 : i32 to vector<16xi32>
    %lt3A_229 = arith.cmpi slt, %get3A_226, %lt3A_228 : vector<16xi32>
    %convert_element_type3A_230 = arith.extui %lt3A_229 : vector<16xi1> to vector<16xi32>
    %broadcast_in_dim3A_231 = arith.constant true
    %broadcast_in_dim3A_232 = vector.broadcast %broadcast_in_dim3A_231 : i1 to vector<16xi1>
    %masked_cumsum3A_233 = tpu.scan <sum>, %convert_element_type3A_230 masked %broadcast_in_dim3A_232 : vector<16xi32>, vector<16xi1> -> vector<16xi32>
    %add3A_234 = arith.addi %add3A_222, %masked_cumsum3A_233 : vector<16xi32>
    %sub3A_235 = arith.constant 1 : i32
    %sub3A_236 = vector.broadcast %sub3A_235 : i32 to vector<16xi32>
    %sub3A_237 = arith.subi %add3A_234, %sub3A_236 : vector<16xi32>
    %shift_left3A_238 = arith.constant 16 : i32
    %shift_left3A_239 = vector.broadcast %shift_left3A_238 : i32 to vector<16xi32>
    %shift_left3A_240 = arith.shli %get3A_226, %shift_left3A_239 : vector<16xi32>
    %or3A_241 = arith.ori %get3A_224, %shift_left3A_240 : vector<16xi32>
    tpu.vector_store_idx %arg18[%sub3A_237], %or3A_241 masked %lt3A_229 : memref<10080xi32, #tpu.memory_space<vmem>>[vector<16xi32>], vector<16xi32>, vector<16xi1>
    %all_reduce_population_count3A_242 = tpu.all_reduce %lt3A_229 {dim = 0 : i64, kind = #tpu.reduction_kind<sum>} : vector<16xi1> -> vector<16xi32>
    %add3A_243 = arith.addi %add3A_222, %all_reduce_population_count3A_242 : vector<16xi32>
    %get3A_244 = arith.constant 64 : index
    %get3A_245 = tpu.vector_load %arg10[%get3A_244] {strides = array<i32>} : memref<80xi32, #tpu.memory_space<vmem>>, vector<16xi32>,
    %get3A_246 = arith.constant 64 : index
    %get3A_247 = tpu.vector_load %arg13[%get3A_246] {strides = array<i32>} : memref<80xi32, #tpu.memory_space<vmem>>, vector<16xi32>,
    %lt3A_248 = arith.constant 1024 : i32
    %lt3A_249 = vector.broadcast %lt3A_248 : i32 to vector<16xi32>
    %lt3A_250 = arith.cmpi slt, %get3A_247, %lt3A_249 : vector<16xi32>
    %convert_element_type3A_251 = arith.extui %lt3A_250 : vector<16xi1> to vector<16xi32>
    %broadcast_in_dim3A_252 = arith.constant true
    %broadcast_in_dim3A_253 = vector.broadcast %broadcast_in_dim3A_252 : i1 to vector<16xi1>
    %masked_cumsum3A_254 = tpu.scan <sum>, %convert_element_type3A_251 masked %broadcast_in_dim3A_253 : vector<16xi32>, vector<16xi1> -> vector<16xi32>
    %add3A_255 = arith.addi %add3A_243, %masked_cumsum3A_254 : vector<16xi32>
    %sub3A_256 = arith.constant 1 : i32
    %sub3A_257 = vector.broadcast %sub3A_256 : i32 to vector<16xi32>
    %sub3A_258 = arith.subi %add3A_255, %sub3A_257 : vector<16xi32>
    %shift_left3A_259 = arith.constant 16 : i32
    %shift_left3A_260 = vector.broadcast %shift_left3A_259 : i32 to vector<16xi32>
    %shift_left3A_261 = arith.shli %get3A_247, %shift_left3A_260 : vector<16xi32>
    %or3A_262 = arith.ori %get3A_245, %shift_left3A_261 : vector<16xi32>
    tpu.vector_store_idx %arg18[%sub3A_258], %or3A_262 masked %lt3A_250 : memref<10080xi32, #tpu.memory_space<vmem>>[vector<16xi32>], vector<16xi32>, vector<16xi1>
    %all_reduce_population_count3A_263 = tpu.all_reduce %lt3A_250 {dim = 0 : i64, kind = #tpu.reduction_kind<sum>} : vector<16xi1> -> vector<16xi32>
    %add3A_264 = arith.addi %add3A_243, %all_reduce_population_count3A_263 : vector<16xi32>
    %dma_wait3A_265 = arith.constant 0 : i32
    %dma_wait3A_266 = arith.constant 0 : i32
    %dma_wait3A_267 = tpu.memref_slice %arg2[%dma_wait3A_265, %dma_wait3A_266] : memref<10000x128xf32, #tpu.memory_space<hbm>> -> memref<80x128xf32, #tpu.memory_space<hbm>>
    %dma_wait3A_268 = arith.constant 0 : i32
    %dma_wait3A_269 = arith.constant 0 : i32
    %dma_wait3A_270 = tpu.memref_slice %arg2[%dma_wait3A_268, %dma_wait3A_269] : memref<10000x128xf32, #tpu.memory_space<hbm>> -> memref<80x128xf32, #tpu.memory_space<hbm>>
    tpu.wait_dma2 semaphore(%arg24 : memref<!tpu.dma_semaphore, #tpu.memory_space<semaphore_mem>>) src(%dma_wait3A_270 : memref<80x128xf32, #tpu.memory_space<hbm>>) dst(%arg15 : memref<80x128xf32, #tpu.memory_space<vmem>>)
    %dma_wait3A_271 = arith.constant 0 : i32
    %dma_wait3A_272 = arith.constant 0 : i32
    %dma_wait3A_273 = tpu.memref_slice %arg2[%dma_wait3A_271, %dma_wait3A_272] : memref<10000x128xf32, #tpu.memory_space<hbm>> -> memref<80x128xf32, #tpu.memory_space<hbm>>
    %dma_wait3A_274 = arith.constant 0 : i32
    %dma_wait3A_275 = arith.constant 0 : i32
    %dma_wait3A_276 = tpu.memref_slice %arg2[%dma_wait3A_274, %dma_wait3A_275] : memref<10000x128xf32, #tpu.memory_space<hbm>> -> memref<80x128xf32, #tpu.memory_space<hbm>>
    tpu.wait_dma2 semaphore(%arg25 : memref<!tpu.dma_semaphore, #tpu.memory_space<semaphore_mem>>) src(%dma_wait3A_276 : memref<80x128xf32, #tpu.memory_space<hbm>>) dst(%arg16 : memref<80x128xf32, #tpu.memory_space<vmem>>)
    %iota3A = tpu.iota {dimensions = array<i32: 0>} : vector<16xi32>
    %broadcast_in_dim3A_277 = arith.constant 0 : i32
    %broadcast_in_dim3A_278 = vector.broadcast %broadcast_in_dim3A_277 : i32 to vector<16xi32>
    %add3A_279 = arith.constant 67108864 : i32
    %add3A_280 = vector.broadcast %add3A_279 : i32 to vector<16xi32>
    %add3A_281 = arith.addi %broadcast_in_dim3A_278, %add3A_280 : vector<16xi32>
    %add3A_282 = arith.constant 0 : i32
    %add3A_283 = vector.broadcast %add3A_282 : i32 to vector<16xi32>
    %add3A_284 = arith.addi %add3A_264, %add3A_283 : vector<16xi32>
    %add3A_285 = arith.addi %add3A_284, %iota3A : vector<16xi32>
    tpu.vector_store_idx %arg18[%add3A_285], %add3A_281 : memref<10080xi32, #tpu.memory_space<vmem>>[vector<16xi32>], vector<16xi32>,
    %add3A_286 = arith.constant 16 : i32
    %add3A_287 = vector.broadcast %add3A_286 : i32 to vector<16xi32>
    %add3A_288 = arith.addi %add3A_264, %add3A_287 : vector<16xi32>
    %add3A_289 = arith.addi %add3A_288, %iota3A : vector<16xi32>
    tpu.vector_store_idx %arg18[%add3A_289], %add3A_281 : memref<10080xi32, #tpu.memory_space<vmem>>[vector<16xi32>], vector<16xi32>,
    %add3A_290 = arith.constant 32 : i32
    %add3A_291 = vector.broadcast %add3A_290 : i32 to vector<16xi32>
    %add3A_292 = arith.addi %add3A_264, %add3A_291 : vector<16xi32>
    %add3A_293 = arith.addi %add3A_292, %iota3A : vector<16xi32>
    tpu.vector_store_idx %arg18[%add3A_293], %add3A_281 : memref<10080xi32, #tpu.memory_space<vmem>>[vector<16xi32>], vector<16xi32>,
    %add3A_294 = arith.constant 48 : i32
    %add3A_295 = vector.broadcast %add3A_294 : i32 to vector<16xi32>
    %add3A_296 = arith.addi %add3A_264, %add3A_295 : vector<16xi32>
    %add3A_297 = arith.addi %add3A_296, %iota3A : vector<16xi32>
    tpu.vector_store_idx %arg18[%add3A_297], %add3A_281 : memref<10080xi32, #tpu.memory_space<vmem>>[vector<16xi32>], vector<16xi32>,
    %add3A_298 = arith.constant 64 : i32
    %add3A_299 = vector.broadcast %add3A_298 : i32 to vector<16xi32>
    %add3A_300 = arith.addi %add3A_264, %add3A_299 : vector<16xi32>
    %add3A_301 = arith.addi %add3A_300, %iota3A : vector<16xi32>
    tpu.vector_store_idx %arg18[%add3A_301], %add3A_281 : memref<10080xi32, #tpu.memory_space<vmem>>[vector<16xi32>], vector<16xi32>,
    %reduce_max3A = arith.constant true
    %reduce_max3A_302 = vector.broadcast %reduce_max3A : i1 to vector<16xi1>
    %reduce_max3A_303 = arith.constant -2147483648 : i32
    %reduce_max3A_304 = vector.broadcast %reduce_max3A_303 : i32 to vector<16xi32>
    %reduce_max3A_305 = arith.xori %add3A_264, %reduce_max3A_304 : vector<16xi32>
    %reduce_max3A_306 = tpu.scan <max>, %reduce_max3A_305 masked %reduce_max3A_302 : vector<16xi32>, vector<16xi1> -> vector<16xi32>
    %reduce_max3A_307 = arith.xori %reduce_max3A_306, %reduce_max3A_304 : vector<16xi32>
    %reduce_max3A_308 = vector.extract %reduce_max3A_307[15] : i32 from vector<16xi32>
    %broadcast_in_dim3A_309 = arith.constant 0 : i32
    %broadcast_in_dim3A_310 = vector.broadcast %broadcast_in_dim3A_309 : i32 to vector<16xi32>
    %add3A_311 = arith.constant 80 : i32
    %add3A_312 = arith.addi %reduce_max3A_308, %add3A_311 : i32
    %sub3A_313 = arith.constant 1 : i32
    %sub3A_314 = arith.subi %add3A_312, %sub3A_313 : i32
    %jit3A = arith.constant 80 : i32
    %div3A = arith.divsi %sub3A_314, %jit3A : i32
    %sign3A = arith.constant 0 : i32
    %sign3A_315 = arith.cmpi sgt, %sub3A_314, %sign3A : i32
    %sign3A_316 = arith.extui %sign3A_315 : i1 to i32
    %sign3A_317 = arith.constant 0 : i32
    %sign3A_318 = arith.cmpi slt, %sub3A_314, %sign3A_317 : i32
    %sign3A_319 = arith.extui %sign3A_318 : i1 to i32
    %sign3A_320 = arith.subi %sign3A_316, %sign3A_319 : i32
    %sign3A_321 = arith.constant 0 : i32
    %sign3A_322 = arith.cmpi sgt, %jit3A, %sign3A_321 : i32
    %sign3A_323 = arith.extui %sign3A_322 : i1 to i32
    %sign3A_324 = arith.constant 0 : i32
    %sign3A_325 = arith.cmpi slt, %jit3A, %sign3A_324 : i32
    %sign3A_326 = arith.extui %sign3A_325 : i1 to i32
    %sign3A_327 = arith.subi %sign3A_323, %sign3A_326 : i32
    %ne3A = arith.cmpi ne, %sign3A_320, %sign3A_327 : i32
    %rem3A = arith.remsi %sub3A_314, %jit3A : i32
    %ne3A_328 = arith.constant 0 : i32
    %ne3A_329 = arith.cmpi ne, %rem3A, %ne3A_328 : i32
    %and3A = arith.andi %ne3A, %ne3A_329 : i1
    %sub3A_330 = arith.constant 1 : i32
    %sub3A_331 = arith.subi %div3A, %sub3A_330 : i32
    %select_n3A = arith.select %and3A, %sub3A_331, %div3A : i32
    %add3A_332 = vector.broadcast %select_n3A : i32 to vector<16xi32>
    %add3A_333 = arith.addi %broadcast_in_dim3A_310, %add3A_332 : vector<16xi32>
    %swap3A = arith.constant 0 : index
    %swap3A_334 = tpu.vector_load %arg19[%swap3A] {strides = array<i32>} : memref<16xi32, #tpu.memory_space<vmem>>, vector<16xi32>,
    tpu.vector_store %arg19[%swap3A], %add3A_333 {strides = array<i32>} : memref<16xi32, #tpu.memory_space<vmem>>, vector<16xi32>,
    "tpu.region"() ({
      %run_scoped3A = tpu.sem_alloc : memref<!tpu.dma_semaphore, #tpu.memory_space<semaphore_mem>>
      %dma_start3A_346 = arith.constant 0 : i32
      %dma_start3A_347 = tpu.memref_slice %arg7[%add3A, %dma_start3A_346] : memref<32x10080xi32, #tpu.memory_space<hbm>> -> memref<1x10080xi32, #tpu.memory_space<hbm>>
      %dma_start3A_348 = tpu.memref_squeeze %dma_start3A_347 : memref<1x10080xi32, #tpu.memory_space<hbm>> -> memref<10080xi32, #tpu.memory_space<hbm>>
      %dma_start3A_349 = arith.constant 0 : i32
      %dma_start3A_350 = tpu.memref_slice %arg7[%add3A, %dma_start3A_349] : memref<32x10080xi32, #tpu.memory_space<hbm>> -> memref<1x10080xi32, #tpu.memory_space<hbm>>
      %dma_start3A_351 = tpu.memref_squeeze %dma_start3A_350 : memref<1x10080xi32, #tpu.memory_space<hbm>> -> memref<10080xi32, #tpu.memory_space<hbm>>
      tpu.enqueue_dma source(%arg18 : memref<10080xi32, #tpu.memory_space<vmem>>) target(%dma_start3A_351 : memref<10080xi32, #tpu.memory_space<hbm>>) target_semaphore(%run_scoped3A : memref<!tpu.dma_semaphore, #tpu.memory_space<semaphore_mem>>)
      %dma_wait3A_352 = arith.constant 0 : i32
      %dma_wait3A_353 = tpu.memref_slice %arg7[%add3A, %dma_wait3A_352] : memref<32x10080xi32, #tpu.memory_space<hbm>> -> memref<1x10080xi32, #tpu.memory_space<hbm>>
      %dma_wait3A_354 = tpu.memref_squeeze %dma_wait3A_353 : memref<1x10080xi32, #tpu.memory_space<hbm>> -> memref<10080xi32, #tpu.memory_space<hbm>>
      %dma_wait3A_355 = arith.constant 0 : i32
      %dma_wait3A_356 = tpu.memref_slice %arg7[%add3A, %dma_wait3A_355] : memref<32x10080xi32, #tpu.memory_space<hbm>> -> memref<1x10080xi32, #tpu.memory_space<hbm>>
      %dma_wait3A_357 = tpu.memref_squeeze %dma_wait3A_356 : memref<1x10080xi32, #tpu.memory_space<hbm>> -> memref<10080xi32, #tpu.memory_space<hbm>>
      tpu.wait_dma2 semaphore(%run_scoped3A : memref<!tpu.dma_semaphore, #tpu.memory_space<semaphore_mem>>) src(%arg18 : memref<10080xi32, #tpu.memory_space<vmem>>) dst(%dma_wait3A_357 : memref<10080xi32, #tpu.memory_space<hbm>>)
      tpu.yield
    }) : () -> ()
    "tpu.region"() ({
      %run_scoped3A = tpu.sem_alloc : memref<!tpu.dma_semaphore, #tpu.memory_space<semaphore_mem>>
      %dma_start3A_346 = arith.constant 0 : i32
      %dma_start3A_347 = tpu.memref_slice %arg8[%add3A, %dma_start3A_346] : memref<32x16xi32, #tpu.memory_space<hbm>> -> memref<1x16xi32, #tpu.memory_space<hbm>>
      %dma_start3A_348 = tpu.memref_squeeze %dma_start3A_347 : memref<1x16xi32, #tpu.memory_space<hbm>> -> memref<16xi32, #tpu.memory_space<hbm>>
      %dma_start3A_349 = arith.constant 0 : i32
      %dma_start3A_350 = tpu.memref_slice %arg8[%add3A, %dma_start3A_349] : memref<32x16xi32, #tpu.memory_space<hbm>> -> memref<1x16xi32, #tpu.memory_space<hbm>>
      %dma_start3A_351 = tpu.memref_squeeze %dma_start3A_350 : memref<1x16xi32, #tpu.memory_space<hbm>> -> memref<16xi32, #tpu.memory_space<hbm>>
      tpu.enqueue_dma source(%arg19 : memref<16xi32, #tpu.memory_space<vmem>>) target(%dma_start3A_351 : memref<16xi32, #tpu.memory_space<hbm>>) target_semaphore(%run_scoped3A : memref<!tpu.dma_semaphore, #tpu.memory_space<semaphore_mem>>)
      %dma_wait3A_352 = arith.constant 0 : i32
      %dma_wait3A_353 = tpu.memref_slice %arg8[%add3A, %dma_wait3A_352] : memref<32x16xi32, #tpu.memory_space<hbm>> -> memref<1x16xi32, #tpu.memory_space<hbm>>
      %dma_wait3A_354 = tpu.memref_squeeze %dma_wait3A_353 : memref<1x16xi32, #tpu.memory_space<hbm>> -> memref<16xi32, #tpu.memory_space<hbm>>
      %dma_wait3A_355 = arith.constant 0 : i32
      %dma_wait3A_356 = tpu.memref_slice %arg8[%add3A, %dma_wait3A_355] : memref<32x16xi32, #tpu.memory_space<hbm>> -> memref<1x16xi32, #tpu.memory_space<hbm>>
      %dma_wait3A_357 = tpu.memref_squeeze %dma_wait3A_356 : memref<1x16xi32, #tpu.memory_space<hbm>> -> memref<16xi32, #tpu.memory_space<hbm>>
      tpu.wait_dma2 semaphore(%run_scoped3A : memref<!tpu.dma_semaphore, #tpu.memory_space<semaphore_mem>>) src(%arg19 : memref<16xi32, #tpu.memory_space<vmem>>) dst(%dma_wait3A_357 : memref<16xi32, #tpu.memory_space<hbm>>)
      tpu.yield
    }) : () -> ()
    %barrier3A_335 = arith.constant 0 : index
    tpu.barrier barrier_id(%barrier3A_335)
    %lt3A_336 = arith.constant 15 : i32
    %lt3A_337 = arith.cmpi slt, %arg1, %lt3A_336 : i32
    %convert_element_type3A_338 = arith.extui %lt3A_337 : i1 to i32
    %cond3A_339 = arith.constant 0 : i32
    %cond3A_340 = arith.cmpi ne, %convert_element_type3A_338, %cond3A_339 : i32
    scf.if %cond3A_340 {
      %mul3A_346 = arith.constant 640 : i32
      %mul3A_347 = arith.muli %arg1, %mul3A_346 : i32
      %mul3A_348 = arith.constant 640 : i32
      %mul3A_349 = arith.muli %arg1, %mul3A_348 : i32
      "tpu.region"() ({
        %run_scoped3A = tpu.sem_alloc : memref<!tpu.dma_semaphore, #tpu.memory_space<semaphore_mem>>
        %dma_start3A_350 = arith.constant 0 : i32
        %dma_start3A_351 = tpu.memref_slice %arg6[%arg0, %mul3A_349, %dma_start3A_350] : memref<2x10000x128xf32, #tpu.memory_space<hbm>> -> memref<1x640x128xf32, #tpu.memory_space<hbm>>
        %dma_start3A_352 = tpu.memref_squeeze %dma_start3A_351 : memref<1x640x128xf32, #tpu.memory_space<hbm>> -> memref<640x128xf32, #tpu.memory_space<hbm>>
        %dma_start3A_353 = arith.constant 0 : i32
        %dma_start3A_354 = tpu.memref_slice %arg20[%mul3A_347, %dma_start3A_353] : memref<10000x128xf32, #tpu.memory_space<vmem_shared>> -> memref<640x128xf32, #tpu.memory_space<vmem_shared>>
        tpu.enqueue_dma source(%dma_start3A_354 : memref<640x128xf32, #tpu.memory_space<vmem_shared>>) target(%dma_start3A_352 : memref<640x128xf32, #tpu.memory_space<hbm>>) target_semaphore(%run_scoped3A : memref<!tpu.dma_semaphore, #tpu.memory_space<semaphore_mem>>)
        %dma_wait3A_355 = arith.constant 0 : i32
        %dma_wait3A_356 = tpu.memref_slice %arg6[%arg0, %mul3A_349, %dma_wait3A_355] : memref<2x10000x128xf32, #tpu.memory_space<hbm>> -> memref<1x640x128xf32, #tpu.memory_space<hbm>>
        %dma_wait3A_357 = tpu.memref_squeeze %dma_wait3A_356 : memref<1x640x128xf32, #tpu.memory_space<hbm>> -> memref<640x128xf32, #tpu.memory_space<hbm>>
        %dma_wait3A_358 = arith.constant 0 : i32
        %dma_wait3A_359 = tpu.memref_slice %arg20[%mul3A_347, %dma_wait3A_358] : memref<10000x128xf32, #tpu.memory_space<vmem_shared>> -> memref<640x128xf32, #tpu.memory_space<vmem_shared>>
        tpu.wait_dma2 semaphore(%run_scoped3A : memref<!tpu.dma_semaphore, #tpu.memory_space<semaphore_mem>>) src(%dma_wait3A_359 : memref<640x128xf32, #tpu.memory_space<vmem_shared>>) dst(%dma_wait3A_357 : memref<640x128xf32, #tpu.memory_space<hbm>>)
        tpu.yield
      }) : () -> ()
    } else {
    }
    %eq3A_341 = arith.constant 15 : i32
    %eq3A_342 = arith.cmpi eq, %arg1, %eq3A_341 : i32
    %convert_element_type3A_343 = arith.extui %eq3A_342 : i1 to i32
    %cond3A_344 = arith.constant 0 : i32
    %cond3A_345 = arith.cmpi ne, %convert_element_type3A_343, %cond3A_344 : i32
    scf.if %cond3A_345 {
      "tpu.region"() ({
        %run_scoped3A = tpu.sem_alloc : memref<!tpu.dma_semaphore, #tpu.memory_space<semaphore_mem>>
        %dma_start3A_346 = arith.constant 9600 : i32
        %dma_start3A_347 = arith.constant 0 : i32
        %dma_start3A_348 = tpu.memref_slice %arg6[%arg0, %dma_start3A_346, %dma_start3A_347] : memref<2x10000x128xf32, #tpu.memory_space<hbm>> -> memref<1x400x128xf32, #tpu.memory_space<hbm>>
        %dma_start3A_349 = tpu.memref_squeeze %dma_start3A_348 : memref<1x400x128xf32, #tpu.memory_space<hbm>> -> memref<400x128xf32, #tpu.memory_space<hbm>>
        %dma_start3A_350 = arith.constant 9600 : i32
        %dma_start3A_351 = arith.constant 0 : i32
        %dma_start3A_352 = tpu.memref_slice %arg20[%dma_start3A_350, %dma_start3A_351] : memref<10000x128xf32, #tpu.memory_space<vmem_shared>> -> memref<400x128xf32, #tpu.memory_space<vmem_shared>>
        tpu.enqueue_dma source(%dma_start3A_352 : memref<400x128xf32, #tpu.memory_space<vmem_shared>>) target(%dma_start3A_349 : memref<400x128xf32, #tpu.memory_space<hbm>>) target_semaphore(%run_scoped3A : memref<!tpu.dma_semaphore, #tpu.memory_space<semaphore_mem>>)
        %dma_wait3A_353 = arith.constant 9600 : i32
        %dma_wait3A_354 = arith.constant 0 : i32
        %dma_wait3A_355 = tpu.memref_slice %arg6[%arg0, %dma_wait3A_353, %dma_wait3A_354] : memref<2x10000x128xf32, #tpu.memory_space<hbm>> -> memref<1x400x128xf32, #tpu.memory_space<hbm>>
        %dma_wait3A_356 = tpu.memref_squeeze %dma_wait3A_355 : memref<1x400x128xf32, #tpu.memory_space<hbm>> -> memref<400x128xf32, #tpu.memory_space<hbm>>
        %dma_wait3A_357 = arith.constant 9600 : i32
        %dma_wait3A_358 = arith.constant 0 : i32
        %dma_wait3A_359 = tpu.memref_slice %arg20[%dma_wait3A_357, %dma_wait3A_358] : memref<10000x128xf32, #tpu.memory_space<vmem_shared>> -> memref<400x128xf32, #tpu.memory_space<vmem_shared>>
        tpu.wait_dma2 semaphore(%run_scoped3A : memref<!tpu.dma_semaphore, #tpu.memory_space<semaphore_mem>>) src(%dma_wait3A_359 : memref<400x128xf32, #tpu.memory_space<vmem_shared>>) dst(%dma_wait3A_356 : memref<400x128xf32, #tpu.memory_space<hbm>>)
        tpu.yield
      }) : () -> ()
    } else {
    }
    return
  }
}

#map = affine_map<(d0, d1) -> (0, 0)>
#map1 = affine_map<(d0, d1) -> (0, 0, 0)>
module attributes {stable_mosaic.version = 14 : i64} {
  func.func @body(%arg0: i32, %arg1: i32, %arg2: memref<10000x128xf32, #tpu.memory_space<hbm>>, %arg3: memref<32x10080xi32, #tpu.memory_space<hbm>>, %arg4: memref<32x16xi32, #tpu.memory_space<hbm>>, %arg5: memref<640x128xf32, #tpu.memory_space<hbm>>, %arg6: memref<2x1024x128xf32, #tpu.memory_space<hbm>>, %arg7: memref<10080xi32, #tpu.memory_space<vmem>>, %arg8: memref<16xi32, #tpu.memory_space<vmem>>, %arg9: memref<10080xi32, #tpu.memory_space<vmem>>, %arg10: memref<127x80xi32, #tpu.memory_space<vmem>>, %arg11: memref<80x128xf32, #tpu.memory_space<vmem>>, %arg12: memref<80x128xf32, #tpu.memory_space<vmem>>, %arg13: memref<80x128xf32, #tpu.memory_space<vmem>>, %arg14: memref<80x128xf32, #tpu.memory_space<vmem>>, %arg15: memref<80x128xf32, #tpu.memory_space<vmem>>, %arg16: memref<80x128xf32, #tpu.memory_space<vmem>>, %arg17: memref<1152x128xf32, #tpu.memory_space<vmem_shared>>, %arg18: memref<!tpu.dma_semaphore, #tpu.memory_space<semaphore_mem>>, %arg19: memref<!tpu.dma_semaphore, #tpu.memory_space<semaphore_mem>>, %arg20: memref<!tpu.dma_semaphore, #tpu.memory_space<semaphore_mem>>, %arg21: memref<!tpu.dma_semaphore, #tpu.memory_space<semaphore_mem>>, %arg22: memref<!tpu.dma_semaphore, #tpu.memory_space<semaphore_mem>>, %arg23: memref<!tpu.dma_semaphore, #tpu.memory_space<semaphore_mem>>, %arg24: memref<!tpu.dma_semaphore, #tpu.memory_space<semaphore_mem>>, %arg25: memref<!tpu.dma_semaphore, #tpu.memory_space<semaphore_mem>>, %arg26: memref<!tpu.dma_semaphore, #tpu.memory_space<semaphore_mem>>, %arg27: memref<!tpu.dma_semaphore, #tpu.memory_space<semaphore_mem>>, %arg28: memref<!tpu.dma_semaphore, #tpu.memory_space<semaphore_mem>>, %arg29: memref<!tpu.dma_semaphore, #tpu.memory_space<semaphore_mem>>) attributes {dimension_semantics = [#tpu.dimension_semantics<core_parallel>, #tpu.dimension_semantics<subcore_parallel>], iteration_bounds = array<i64: 2, 16>, scalar_prefetch = 0 : i64, scratch_operands = 23 : i64, tpu.core_type = #tpu.core_type<sc_vector_subcore>, window_params = [{transform_indices = #map}, {transform_indices = #map}, {transform_indices = #map}, {transform_indices = #map}, {transform_indices = #map1}]} {
    %mul3A = arith.constant 2 : i32
    %mul3A_0 = arith.muli %arg1, %mul3A : i32
    %add3A = arith.addi %mul3A_0, %arg0 : i32
    %mul3A_1 = arith.constant 72 : i32
    %mul3A_2 = arith.muli %arg1, %mul3A_1 : i32
    "tpu.region"() ({
      %run_scoped3A = tpu.sem_alloc : memref<!tpu.dma_semaphore, #tpu.memory_space<semaphore_mem>>
      %dma_start3A = arith.constant 0 : i32
      %dma_start3A_378 = tpu.memref_slice %arg17[%mul3A_2, %dma_start3A] : memref<1152x128xf32, #tpu.memory_space<vmem_shared>> -> memref<72x128xf32, #tpu.memory_space<vmem_shared>>
      %dma_start3A_379 = arith.constant 0 : i32
      %dma_start3A_380 = arith.constant 0 : i32
      %dma_start3A_381 = tpu.memref_slice %arg5[%dma_start3A_379, %dma_start3A_380] : memref<640x128xf32, #tpu.memory_space<hbm>> -> memref<72x128xf32, #tpu.memory_space<hbm>>
      tpu.enqueue_dma source(%dma_start3A_381 : memref<72x128xf32, #tpu.memory_space<hbm>>) target(%dma_start3A_378 : memref<72x128xf32, #tpu.memory_space<vmem_shared>>) target_semaphore(%run_scoped3A : memref<!tpu.dma_semaphore, #tpu.memory_space<semaphore_mem>>)
      %dma_wait3A = arith.constant 0 : i32
      %dma_wait3A_382 = tpu.memref_slice %arg17[%mul3A_2, %dma_wait3A] : memref<1152x128xf32, #tpu.memory_space<vmem_shared>> -> memref<72x128xf32, #tpu.memory_space<vmem_shared>>
      %dma_wait3A_383 = arith.constant 0 : i32
      %dma_wait3A_384 = arith.constant 0 : i32
      %dma_wait3A_385 = tpu.memref_slice %arg5[%dma_wait3A_383, %dma_wait3A_384] : memref<640x128xf32, #tpu.memory_space<hbm>> -> memref<72x128xf32, #tpu.memory_space<hbm>>
      tpu.wait_dma2 semaphore(%run_scoped3A : memref<!tpu.dma_semaphore, #tpu.memory_space<semaphore_mem>>) src(%dma_wait3A_385 : memref<72x128xf32, #tpu.memory_space<hbm>>) dst(%dma_wait3A_382 : memref<72x128xf32, #tpu.memory_space<vmem_shared>>)
      tpu.yield
    }) : () -> ()
    %barrier3A = arith.constant 0 : index
    tpu.barrier barrier_id(%barrier3A)
    "tpu.region"() ({
      %run_scoped3A = tpu.sem_alloc : memref<!tpu.dma_semaphore, #tpu.memory_space<semaphore_mem>>
      %dma_start3A = arith.constant 0 : i32
      %dma_start3A_378 = tpu.memref_slice %arg3[%add3A, %dma_start3A] : memref<32x10080xi32, #tpu.memory_space<hbm>> -> memref<1x10080xi32, #tpu.memory_space<hbm>>
      %dma_start3A_379 = tpu.memref_squeeze %dma_start3A_378 : memref<1x10080xi32, #tpu.memory_space<hbm>> -> memref<10080xi32, #tpu.memory_space<hbm>>
      %dma_start3A_380 = arith.constant 0 : i32
      %dma_start3A_381 = tpu.memref_slice %arg3[%add3A, %dma_start3A_380] : memref<32x10080xi32, #tpu.memory_space<hbm>> -> memref<1x10080xi32, #tpu.memory_space<hbm>>
      %dma_start3A_382 = tpu.memref_squeeze %dma_start3A_381 : memref<1x10080xi32, #tpu.memory_space<hbm>> -> memref<10080xi32, #tpu.memory_space<hbm>>
      tpu.enqueue_dma source(%dma_start3A_382 : memref<10080xi32, #tpu.memory_space<hbm>>) target(%arg7 : memref<10080xi32, #tpu.memory_space<vmem>>) target_semaphore(%run_scoped3A : memref<!tpu.dma_semaphore, #tpu.memory_space<semaphore_mem>>)
      %dma_wait3A = arith.constant 0 : i32
      %dma_wait3A_383 = tpu.memref_slice %arg3[%add3A, %dma_wait3A] : memref<32x10080xi32, #tpu.memory_space<hbm>> -> memref<1x10080xi32, #tpu.memory_space<hbm>>
      %dma_wait3A_384 = tpu.memref_squeeze %dma_wait3A_383 : memref<1x10080xi32, #tpu.memory_space<hbm>> -> memref<10080xi32, #tpu.memory_space<hbm>>
      %dma_wait3A_385 = arith.constant 0 : i32
      %dma_wait3A_386 = tpu.memref_slice %arg3[%add3A, %dma_wait3A_385] : memref<32x10080xi32, #tpu.memory_space<hbm>> -> memref<1x10080xi32, #tpu.memory_space<hbm>>
      %dma_wait3A_387 = tpu.memref_squeeze %dma_wait3A_386 : memref<1x10080xi32, #tpu.memory_space<hbm>> -> memref<10080xi32, #tpu.memory_space<hbm>>
      tpu.wait_dma2 semaphore(%run_scoped3A : memref<!tpu.dma_semaphore, #tpu.memory_space<semaphore_mem>>) src(%dma_wait3A_387 : memref<10080xi32, #tpu.memory_space<hbm>>) dst(%arg7 : memref<10080xi32, #tpu.memory_space<vmem>>)
      tpu.yield
    }) : () -> ()
    "tpu.region"() ({
      %run_scoped3A = tpu.sem_alloc : memref<!tpu.dma_semaphore, #tpu.memory_space<semaphore_mem>>
      %dma_start3A = arith.constant 0 : i32
      %dma_start3A_378 = tpu.memref_slice %arg4[%add3A, %dma_start3A] : memref<32x16xi32, #tpu.memory_space<hbm>> -> memref<1x16xi32, #tpu.memory_space<hbm>>
      %dma_start3A_379 = tpu.memref_squeeze %dma_start3A_378 : memref<1x16xi32, #tpu.memory_space<hbm>> -> memref<16xi32, #tpu.memory_space<hbm>>
      %dma_start3A_380 = arith.constant 0 : i32
      %dma_start3A_381 = tpu.memref_slice %arg4[%add3A, %dma_start3A_380] : memref<32x16xi32, #tpu.memory_space<hbm>> -> memref<1x16xi32, #tpu.memory_space<hbm>>
      %dma_start3A_382 = tpu.memref_squeeze %dma_start3A_381 : memref<1x16xi32, #tpu.memory_space<hbm>> -> memref<16xi32, #tpu.memory_space<hbm>>
      tpu.enqueue_dma source(%dma_start3A_382 : memref<16xi32, #tpu.memory_space<hbm>>) target(%arg8 : memref<16xi32, #tpu.memory_space<vmem>>) target_semaphore(%run_scoped3A : memref<!tpu.dma_semaphore, #tpu.memory_space<semaphore_mem>>)
      %dma_wait3A = arith.constant 0 : i32
      %dma_wait3A_383 = tpu.memref_slice %arg4[%add3A, %dma_wait3A] : memref<32x16xi32, #tpu.memory_space<hbm>> -> memref<1x16xi32, #tpu.memory_space<hbm>>
      %dma_wait3A_384 = tpu.memref_squeeze %dma_wait3A_383 : memref<1x16xi32, #tpu.memory_space<hbm>> -> memref<16xi32, #tpu.memory_space<hbm>>
      %dma_wait3A_385 = arith.constant 0 : i32
      %dma_wait3A_386 = tpu.memref_slice %arg4[%add3A, %dma_wait3A_385] : memref<32x16xi32, #tpu.memory_space<hbm>> -> memref<1x16xi32, #tpu.memory_space<hbm>>
      %dma_wait3A_387 = tpu.memref_squeeze %dma_wait3A_386 : memref<1x16xi32, #tpu.memory_space<hbm>> -> memref<16xi32, #tpu.memory_space<hbm>>
      tpu.wait_dma2 semaphore(%run_scoped3A : memref<!tpu.dma_semaphore, #tpu.memory_space<semaphore_mem>>) src(%dma_wait3A_387 : memref<16xi32, #tpu.memory_space<hbm>>) dst(%arg8 : memref<16xi32, #tpu.memory_space<vmem>>)
      tpu.yield
    }) : () -> ()
    %get3A = arith.constant 0 : index
    %get3A_3 = tpu.vector_load %arg8[%get3A] {strides = array<i32>} : memref<16xi32, #tpu.memory_space<vmem>>, vector<16xi32>,
    %reduce_max3A = arith.constant true
    %reduce_max3A_4 = vector.broadcast %reduce_max3A : i1 to vector<16xi1>
    %reduce_max3A_5 = arith.constant -2147483648 : i32
    %reduce_max3A_6 = vector.broadcast %reduce_max3A_5 : i32 to vector<16xi32>
    %reduce_max3A_7 = arith.xori %get3A_3, %reduce_max3A_6 : vector<16xi32>
    %reduce_max3A_8 = tpu.scan <max>, %reduce_max3A_7 masked %reduce_max3A_4 : vector<16xi32>, vector<16xi1> -> vector<16xi32>
    %reduce_max3A_9 = arith.xori %reduce_max3A_8, %reduce_max3A_6 : vector<16xi32>
    %reduce_max3A_10 = vector.extract %reduce_max3A_9[15] : i32 from vector<16xi32>
    %iota3A = tpu.iota {dimensions = array<i32: 0>} : vector<16xi32>
    %broadcast_in_dim3A = arith.constant 0 : i32
    %broadcast_in_dim3A_11 = vector.broadcast %broadcast_in_dim3A : i32 to vector<16xi32>
    %while3A = arith.constant 0 : i32
    %while3A_12 = arith.subi %reduce_max3A_10, %while3A : i32
    %while3A_13 = arith.addi %while3A, %while3A_12 : i32
    %while3A_14 = arith.constant 1 : i32
    %while3A_15 = arith.divsi %while3A_12, %while3A_14 : i32
    %while3A_16 = arith.muli %while3A_15, %while3A_14 : i32
    %while3A_17 = arith.addi %while3A, %while3A_16 : i32
    %while3A_18 = arith.constant 1 : i32
    scf.for %while3A_378 = %while3A to %while3A_17 step %while3A_18  : i32 {
      %mul3A_379 = arith.constant 80 : i32
      %mul3A_380 = arith.muli %while3A_378, %mul3A_379 : i32
      %add3A_381 = arith.constant 0 : i32
      %add3A_382 = arith.addi %mul3A_380, %add3A_381 : i32
      %get3A_383 = arith.index_cast %add3A_382 : i32 to index
      %get3A_384 = tpu.vector_load %arg7[%get3A_383] {strides = array<i32>} : memref<10080xi32, #tpu.memory_space<vmem>>, vector<16xi32>,
      %mul3A_385 = arith.constant 80 : i32
      %mul3A_386 = arith.muli %while3A_378, %mul3A_385 : i32
      %add3A_387 = arith.constant 0 : i32
      %add3A_388 = arith.addi %mul3A_386, %add3A_387 : i32
      %add3A_389 = vector.broadcast %add3A_388 : i32 to vector<16xi32>
      %add3A_390 = arith.addi %add3A_389, %iota3A : vector<16xi32>
      %and3A_391 = arith.constant 65535 : i32
      %and3A_392 = vector.broadcast %and3A_391 : i32 to vector<16xi32>
      %and3A_393 = arith.andi %get3A_384, %and3A_392 : vector<16xi32>
      tpu.vector_store_idx %arg9[%add3A_390], %and3A_393 : memref<10080xi32, #tpu.memory_space<vmem>>[vector<16xi32>], vector<16xi32>,
      %add3A_394 = vector.broadcast %while3A_378 : i32 to vector<16xi32>
      %add3A_395 = arith.addi %broadcast_in_dim3A_11, %add3A_394 : vector<16xi32>
      %add3A_396 = arith.constant 0 : i32
      %add3A_397 = vector.broadcast %add3A_396 : i32 to vector<16xi32>
      %add3A_398 = arith.addi %add3A_397, %iota3A : vector<16xi32>
      %shift_right_arithmetic3A = arith.constant 16 : i32
      %shift_right_arithmetic3A_399 = vector.broadcast %shift_right_arithmetic3A : i32 to vector<16xi32>
      %shift_right_arithmetic3A_400 = arith.shrsi %get3A_384, %shift_right_arithmetic3A_399 : vector<16xi32>
      tpu.vector_store_idx %arg10[%add3A_395, %add3A_398], %shift_right_arithmetic3A_400 : memref<127x80xi32, #tpu.memory_space<vmem>>[vector<16xi32>, vector<16xi32>], vector<16xi32>,
      %mul3A_401 = arith.constant 80 : i32
      %mul3A_402 = arith.muli %while3A_378, %mul3A_401 : i32
      %add3A_403 = arith.constant 16 : i32
      %add3A_404 = arith.addi %mul3A_402, %add3A_403 : i32
      %get3A_405 = arith.index_cast %add3A_404 : i32 to index
      %get3A_406 = tpu.vector_load %arg7[%get3A_405] {strides = array<i32>} : memref<10080xi32, #tpu.memory_space<vmem>>, vector<16xi32>,
      %mul3A_407 = arith.constant 80 : i32
      %mul3A_408 = arith.muli %while3A_378, %mul3A_407 : i32
      %add3A_409 = arith.constant 16 : i32
      %add3A_410 = arith.addi %mul3A_408, %add3A_409 : i32
      %add3A_411 = vector.broadcast %add3A_410 : i32 to vector<16xi32>
      %add3A_412 = arith.addi %add3A_411, %iota3A : vector<16xi32>
      %and3A_413 = arith.constant 65535 : i32
      %and3A_414 = vector.broadcast %and3A_413 : i32 to vector<16xi32>
      %and3A_415 = arith.andi %get3A_406, %and3A_414 : vector<16xi32>
      tpu.vector_store_idx %arg9[%add3A_412], %and3A_415 : memref<10080xi32, #tpu.memory_space<vmem>>[vector<16xi32>], vector<16xi32>,
      %add3A_416 = vector.broadcast %while3A_378 : i32 to vector<16xi32>
      %add3A_417 = arith.addi %broadcast_in_dim3A_11, %add3A_416 : vector<16xi32>
      %add3A_418 = arith.constant 16 : i32
      %add3A_419 = vector.broadcast %add3A_418 : i32 to vector<16xi32>
      %add3A_420 = arith.addi %add3A_419, %iota3A : vector<16xi32>
      %shift_right_arithmetic3A_421 = arith.constant 16 : i32
      %shift_right_arithmetic3A_422 = vector.broadcast %shift_right_arithmetic3A_421 : i32 to vector<16xi32>
      %shift_right_arithmetic3A_423 = arith.shrsi %get3A_406, %shift_right_arithmetic3A_422 : vector<16xi32>
      tpu.vector_store_idx %arg10[%add3A_417, %add3A_420], %shift_right_arithmetic3A_423 : memref<127x80xi32, #tpu.memory_space<vmem>>[vector<16xi32>, vector<16xi32>], vector<16xi32>,
      %mul3A_424 = arith.constant 80 : i32
      %mul3A_425 = arith.muli %while3A_378, %mul3A_424 : i32
      %add3A_426 = arith.constant 32 : i32
      %add3A_427 = arith.addi %mul3A_425, %add3A_426 : i32
      %get3A_428 = arith.index_cast %add3A_427 : i32 to index
      %get3A_429 = tpu.vector_load %arg7[%get3A_428] {strides = array<i32>} : memref<10080xi32, #tpu.memory_space<vmem>>, vector<16xi32>,
      %mul3A_430 = arith.constant 80 : i32
      %mul3A_431 = arith.muli %while3A_378, %mul3A_430 : i32
      %add3A_432 = arith.constant 32 : i32
      %add3A_433 = arith.addi %mul3A_431, %add3A_432 : i32
      %add3A_434 = vector.broadcast %add3A_433 : i32 to vector<16xi32>
      %add3A_435 = arith.addi %add3A_434, %iota3A : vector<16xi32>
      %and3A_436 = arith.constant 65535 : i32
      %and3A_437 = vector.broadcast %and3A_436 : i32 to vector<16xi32>
      %and3A_438 = arith.andi %get3A_429, %and3A_437 : vector<16xi32>
      tpu.vector_store_idx %arg9[%add3A_435], %and3A_438 : memref<10080xi32, #tpu.memory_space<vmem>>[vector<16xi32>], vector<16xi32>,
      %add3A_439 = vector.broadcast %while3A_378 : i32 to vector<16xi32>
      %add3A_440 = arith.addi %broadcast_in_dim3A_11, %add3A_439 : vector<16xi32>
      %add3A_441 = arith.constant 32 : i32
      %add3A_442 = vector.broadcast %add3A_441 : i32 to vector<16xi32>
      %add3A_443 = arith.addi %add3A_442, %iota3A : vector<16xi32>
      %shift_right_arithmetic3A_444 = arith.constant 16 : i32
      %shift_right_arithmetic3A_445 = vector.broadcast %shift_right_arithmetic3A_444 : i32 to vector<16xi32>
      %shift_right_arithmetic3A_446 = arith.shrsi %get3A_429, %shift_right_arithmetic3A_445 : vector<16xi32>
      tpu.vector_store_idx %arg10[%add3A_440, %add3A_443], %shift_right_arithmetic3A_446 : memref<127x80xi32, #tpu.memory_space<vmem>>[vector<16xi32>, vector<16xi32>], vector<16xi32>,
      %mul3A_447 = arith.constant 80 : i32
      %mul3A_448 = arith.muli %while3A_378, %mul3A_447 : i32
      %add3A_449 = arith.constant 48 : i32
      %add3A_450 = arith.addi %mul3A_448, %add3A_449 : i32
      %get3A_451 = arith.index_cast %add3A_450 : i32 to index
      %get3A_452 = tpu.vector_load %arg7[%get3A_451] {strides = array<i32>} : memref<10080xi32, #tpu.memory_space<vmem>>, vector<16xi32>,
      %mul3A_453 = arith.constant 80 : i32
      %mul3A_454 = arith.muli %while3A_378, %mul3A_453 : i32
      %add3A_455 = arith.constant 48 : i32
      %add3A_456 = arith.addi %mul3A_454, %add3A_455 : i32
      %add3A_457 = vector.broadcast %add3A_456 : i32 to vector<16xi32>
      %add3A_458 = arith.addi %add3A_457, %iota3A : vector<16xi32>
      %and3A_459 = arith.constant 65535 : i32
      %and3A_460 = vector.broadcast %and3A_459 : i32 to vector<16xi32>
      %and3A_461 = arith.andi %get3A_452, %and3A_460 : vector<16xi32>
      tpu.vector_store_idx %arg9[%add3A_458], %and3A_461 : memref<10080xi32, #tpu.memory_space<vmem>>[vector<16xi32>], vector<16xi32>,
      %add3A_462 = vector.broadcast %while3A_378 : i32 to vector<16xi32>
      %add3A_463 = arith.addi %broadcast_in_dim3A_11, %add3A_462 : vector<16xi32>
      %add3A_464 = arith.constant 48 : i32
      %add3A_465 = vector.broadcast %add3A_464 : i32 to vector<16xi32>
      %add3A_466 = arith.addi %add3A_465, %iota3A : vector<16xi32>
      %shift_right_arithmetic3A_467 = arith.constant 16 : i32
      %shift_right_arithmetic3A_468 = vector.broadcast %shift_right_arithmetic3A_467 : i32 to vector<16xi32>
      %shift_right_arithmetic3A_469 = arith.shrsi %get3A_452, %shift_right_arithmetic3A_468 : vector<16xi32>
      tpu.vector_store_idx %arg10[%add3A_463, %add3A_466], %shift_right_arithmetic3A_469 : memref<127x80xi32, #tpu.memory_space<vmem>>[vector<16xi32>, vector<16xi32>], vector<16xi32>,
      %mul3A_470 = arith.constant 80 : i32
      %mul3A_471 = arith.muli %while3A_378, %mul3A_470 : i32
      %add3A_472 = arith.constant 64 : i32
      %add3A_473 = arith.addi %mul3A_471, %add3A_472 : i32
      %get3A_474 = arith.index_cast %add3A_473 : i32 to index
      %get3A_475 = tpu.vector_load %arg7[%get3A_474] {strides = array<i32>} : memref<10080xi32, #tpu.memory_space<vmem>>, vector<16xi32>,
      %mul3A_476 = arith.constant 80 : i32
      %mul3A_477 = arith.muli %while3A_378, %mul3A_476 : i32
      %add3A_478 = arith.constant 64 : i32
      %add3A_479 = arith.addi %mul3A_477, %add3A_478 : i32
      %add3A_480 = vector.broadcast %add3A_479 : i32 to vector<16xi32>
      %add3A_481 = arith.addi %add3A_480, %iota3A : vector<16xi32>
      %and3A_482 = arith.constant 65535 : i32
      %and3A_483 = vector.broadcast %and3A_482 : i32 to vector<16xi32>
      %and3A_484 = arith.andi %get3A_475, %and3A_483 : vector<16xi32>
      tpu.vector_store_idx %arg9[%add3A_481], %and3A_484 : memref<10080xi32, #tpu.memory_space<vmem>>[vector<16xi32>], vector<16xi32>,
      %add3A_485 = vector.broadcast %while3A_378 : i32 to vector<16xi32>
      %add3A_486 = arith.addi %broadcast_in_dim3A_11, %add3A_485 : vector<16xi32>
      %add3A_487 = arith.constant 64 : i32
      %add3A_488 = vector.broadcast %add3A_487 : i32 to vector<16xi32>
      %add3A_489 = arith.addi %add3A_488, %iota3A : vector<16xi32>
      %shift_right_arithmetic3A_490 = arith.constant 16 : i32
      %shift_right_arithmetic3A_491 = vector.broadcast %shift_right_arithmetic3A_490 : i32 to vector<16xi32>
      %shift_right_arithmetic3A_492 = arith.shrsi %get3A_475, %shift_right_arithmetic3A_491 : vector<16xi32>
      tpu.vector_store_idx %arg10[%add3A_486, %add3A_489], %shift_right_arithmetic3A_492 : memref<127x80xi32, #tpu.memory_space<vmem>>[vector<16xi32>, vector<16xi32>], vector<16xi32>,
    }
    %while3A_19 = arith.constant 1 : i32
    scf.for %while3A_378 = %while3A_17 to %while3A_13 step %while3A_19  : i32 {
      %mul3A_379 = arith.constant 80 : i32
      %mul3A_380 = arith.muli %while3A_378, %mul3A_379 : i32
      %add3A_381 = arith.constant 0 : i32
      %add3A_382 = arith.addi %mul3A_380, %add3A_381 : i32
      %get3A_383 = arith.index_cast %add3A_382 : i32 to index
      %get3A_384 = tpu.vector_load %arg7[%get3A_383] {strides = array<i32>} : memref<10080xi32, #tpu.memory_space<vmem>>, vector<16xi32>,
      %mul3A_385 = arith.constant 80 : i32
      %mul3A_386 = arith.muli %while3A_378, %mul3A_385 : i32
      %add3A_387 = arith.constant 0 : i32
      %add3A_388 = arith.addi %mul3A_386, %add3A_387 : i32
      %add3A_389 = vector.broadcast %add3A_388 : i32 to vector<16xi32>
      %add3A_390 = arith.addi %add3A_389, %iota3A : vector<16xi32>
      %and3A_391 = arith.constant 65535 : i32
      %and3A_392 = vector.broadcast %and3A_391 : i32 to vector<16xi32>
      %and3A_393 = arith.andi %get3A_384, %and3A_392 : vector<16xi32>
      tpu.vector_store_idx %arg9[%add3A_390], %and3A_393 : memref<10080xi32, #tpu.memory_space<vmem>>[vector<16xi32>], vector<16xi32>,
      %add3A_394 = vector.broadcast %while3A_378 : i32 to vector<16xi32>
      %add3A_395 = arith.addi %broadcast_in_dim3A_11, %add3A_394 : vector<16xi32>
      %add3A_396 = arith.constant 0 : i32
      %add3A_397 = vector.broadcast %add3A_396 : i32 to vector<16xi32>
      %add3A_398 = arith.addi %add3A_397, %iota3A : vector<16xi32>
      %shift_right_arithmetic3A = arith.constant 16 : i32
      %shift_right_arithmetic3A_399 = vector.broadcast %shift_right_arithmetic3A : i32 to vector<16xi32>
      %shift_right_arithmetic3A_400 = arith.shrsi %get3A_384, %shift_right_arithmetic3A_399 : vector<16xi32>
      tpu.vector_store_idx %arg10[%add3A_395, %add3A_398], %shift_right_arithmetic3A_400 : memref<127x80xi32, #tpu.memory_space<vmem>>[vector<16xi32>, vector<16xi32>], vector<16xi32>,
      %mul3A_401 = arith.constant 80 : i32
      %mul3A_402 = arith.muli %while3A_378, %mul3A_401 : i32
      %add3A_403 = arith.constant 16 : i32
      %add3A_404 = arith.addi %mul3A_402, %add3A_403 : i32
      %get3A_405 = arith.index_cast %add3A_404 : i32 to index
      %get3A_406 = tpu.vector_load %arg7[%get3A_405] {strides = array<i32>} : memref<10080xi32, #tpu.memory_space<vmem>>, vector<16xi32>,
      %mul3A_407 = arith.constant 80 : i32
      %mul3A_408 = arith.muli %while3A_378, %mul3A_407 : i32
      %add3A_409 = arith.constant 16 : i32
      %add3A_410 = arith.addi %mul3A_408, %add3A_409 : i32
      %add3A_411 = vector.broadcast %add3A_410 : i32 to vector<16xi32>
      %add3A_412 = arith.addi %add3A_411, %iota3A : vector<16xi32>
      %and3A_413 = arith.constant 65535 : i32
      %and3A_414 = vector.broadcast %and3A_413 : i32 to vector<16xi32>
      %and3A_415 = arith.andi %get3A_406, %and3A_414 : vector<16xi32>
      tpu.vector_store_idx %arg9[%add3A_412], %and3A_415 : memref<10080xi32, #tpu.memory_space<vmem>>[vector<16xi32>], vector<16xi32>,
      %add3A_416 = vector.broadcast %while3A_378 : i32 to vector<16xi32>
      %add3A_417 = arith.addi %broadcast_in_dim3A_11, %add3A_416 : vector<16xi32>
      %add3A_418 = arith.constant 16 : i32
      %add3A_419 = vector.broadcast %add3A_418 : i32 to vector<16xi32>
      %add3A_420 = arith.addi %add3A_419, %iota3A : vector<16xi32>
      %shift_right_arithmetic3A_421 = arith.constant 16 : i32
      %shift_right_arithmetic3A_422 = vector.broadcast %shift_right_arithmetic3A_421 : i32 to vector<16xi32>
      %shift_right_arithmetic3A_423 = arith.shrsi %get3A_406, %shift_right_arithmetic3A_422 : vector<16xi32>
      tpu.vector_store_idx %arg10[%add3A_417, %add3A_420], %shift_right_arithmetic3A_423 : memref<127x80xi32, #tpu.memory_space<vmem>>[vector<16xi32>, vector<16xi32>], vector<16xi32>,
      %mul3A_424 = arith.constant 80 : i32
      %mul3A_425 = arith.muli %while3A_378, %mul3A_424 : i32
      %add3A_426 = arith.constant 32 : i32
      %add3A_427 = arith.addi %mul3A_425, %add3A_426 : i32
      %get3A_428 = arith.index_cast %add3A_427 : i32 to index
      %get3A_429 = tpu.vector_load %arg7[%get3A_428] {strides = array<i32>} : memref<10080xi32, #tpu.memory_space<vmem>>, vector<16xi32>,
      %mul3A_430 = arith.constant 80 : i32
      %mul3A_431 = arith.muli %while3A_378, %mul3A_430 : i32
      %add3A_432 = arith.constant 32 : i32
      %add3A_433 = arith.addi %mul3A_431, %add3A_432 : i32
      %add3A_434 = vector.broadcast %add3A_433 : i32 to vector<16xi32>
      %add3A_435 = arith.addi %add3A_434, %iota3A : vector<16xi32>
      %and3A_436 = arith.constant 65535 : i32
      %and3A_437 = vector.broadcast %and3A_436 : i32 to vector<16xi32>
      %and3A_438 = arith.andi %get3A_429, %and3A_437 : vector<16xi32>
      tpu.vector_store_idx %arg9[%add3A_435], %and3A_438 : memref<10080xi32, #tpu.memory_space<vmem>>[vector<16xi32>], vector<16xi32>,
      %add3A_439 = vector.broadcast %while3A_378 : i32 to vector<16xi32>
      %add3A_440 = arith.addi %broadcast_in_dim3A_11, %add3A_439 : vector<16xi32>
      %add3A_441 = arith.constant 32 : i32
      %add3A_442 = vector.broadcast %add3A_441 : i32 to vector<16xi32>
      %add3A_443 = arith.addi %add3A_442, %iota3A : vector<16xi32>
      %shift_right_arithmetic3A_444 = arith.constant 16 : i32
      %shift_right_arithmetic3A_445 = vector.broadcast %shift_right_arithmetic3A_444 : i32 to vector<16xi32>
      %shift_right_arithmetic3A_446 = arith.shrsi %get3A_429, %shift_right_arithmetic3A_445 : vector<16xi32>
      tpu.vector_store_idx %arg10[%add3A_440, %add3A_443], %shift_right_arithmetic3A_446 : memref<127x80xi32, #tpu.memory_space<vmem>>[vector<16xi32>, vector<16xi32>], vector<16xi32>,
      %mul3A_447 = arith.constant 80 : i32
      %mul3A_448 = arith.muli %while3A_378, %mul3A_447 : i32
      %add3A_449 = arith.constant 48 : i32
      %add3A_450 = arith.addi %mul3A_448, %add3A_449 : i32
      %get3A_451 = arith.index_cast %add3A_450 : i32 to index
      %get3A_452 = tpu.vector_load %arg7[%get3A_451] {strides = array<i32>} : memref<10080xi32, #tpu.memory_space<vmem>>, vector<16xi32>,
      %mul3A_453 = arith.constant 80 : i32
      %mul3A_454 = arith.muli %while3A_378, %mul3A_453 : i32
      %add3A_455 = arith.constant 48 : i32
      %add3A_456 = arith.addi %mul3A_454, %add3A_455 : i32
      %add3A_457 = vector.broadcast %add3A_456 : i32 to vector<16xi32>
      %add3A_458 = arith.addi %add3A_457, %iota3A : vector<16xi32>
      %and3A_459 = arith.constant 65535 : i32
      %and3A_460 = vector.broadcast %and3A_459 : i32 to vector<16xi32>
      %and3A_461 = arith.andi %get3A_452, %and3A_460 : vector<16xi32>
      tpu.vector_store_idx %arg9[%add3A_458], %and3A_461 : memref<10080xi32, #tpu.memory_space<vmem>>[vector<16xi32>], vector<16xi32>,
      %add3A_462 = vector.broadcast %while3A_378 : i32 to vector<16xi32>
      %add3A_463 = arith.addi %broadcast_in_dim3A_11, %add3A_462 : vector<16xi32>
      %add3A_464 = arith.constant 48 : i32
      %add3A_465 = vector.broadcast %add3A_464 : i32 to vector<16xi32>
      %add3A_466 = arith.addi %add3A_465, %iota3A : vector<16xi32>
      %shift_right_arithmetic3A_467 = arith.constant 16 : i32
      %shift_right_arithmetic3A_468 = vector.broadcast %shift_right_arithmetic3A_467 : i32 to vector<16xi32>
      %shift_right_arithmetic3A_469 = arith.shrsi %get3A_452, %shift_right_arithmetic3A_468 : vector<16xi32>
      tpu.vector_store_idx %arg10[%add3A_463, %add3A_466], %shift_right_arithmetic3A_469 : memref<127x80xi32, #tpu.memory_space<vmem>>[vector<16xi32>, vector<16xi32>], vector<16xi32>,
      %mul3A_470 = arith.constant 80 : i32
      %mul3A_471 = arith.muli %while3A_378, %mul3A_470 : i32
      %add3A_472 = arith.constant 64 : i32
      %add3A_473 = arith.addi %mul3A_471, %add3A_472 : i32
      %get3A_474 = arith.index_cast %add3A_473 : i32 to index
      %get3A_475 = tpu.vector_load %arg7[%get3A_474] {strides = array<i32>} : memref<10080xi32, #tpu.memory_space<vmem>>, vector<16xi32>,
      %mul3A_476 = arith.constant 80 : i32
      %mul3A_477 = arith.muli %while3A_378, %mul3A_476 : i32
      %add3A_478 = arith.constant 64 : i32
      %add3A_479 = arith.addi %mul3A_477, %add3A_478 : i32
      %add3A_480 = vector.broadcast %add3A_479 : i32 to vector<16xi32>
      %add3A_481 = arith.addi %add3A_480, %iota3A : vector<16xi32>
      %and3A_482 = arith.constant 65535 : i32
      %and3A_483 = vector.broadcast %and3A_482 : i32 to vector<16xi32>
      %and3A_484 = arith.andi %get3A_475, %and3A_483 : vector<16xi32>
      tpu.vector_store_idx %arg9[%add3A_481], %and3A_484 : memref<10080xi32, #tpu.memory_space<vmem>>[vector<16xi32>], vector<16xi32>,
      %add3A_485 = vector.broadcast %while3A_378 : i32 to vector<16xi32>
      %add3A_486 = arith.addi %broadcast_in_dim3A_11, %add3A_485 : vector<16xi32>
      %add3A_487 = arith.constant 64 : i32
      %add3A_488 = vector.broadcast %add3A_487 : i32 to vector<16xi32>
      %add3A_489 = arith.addi %add3A_488, %iota3A : vector<16xi32>
      %shift_right_arithmetic3A_490 = arith.constant 16 : i32
      %shift_right_arithmetic3A_491 = vector.broadcast %shift_right_arithmetic3A_490 : i32 to vector<16xi32>
      %shift_right_arithmetic3A_492 = arith.shrsi %get3A_475, %shift_right_arithmetic3A_491 : vector<16xi32>
      tpu.vector_store_idx %arg10[%add3A_486, %add3A_489], %shift_right_arithmetic3A_492 : memref<127x80xi32, #tpu.memory_space<vmem>>[vector<16xi32>, vector<16xi32>], vector<16xi32>,
    }
    %gt3A = arith.constant 0 : i32
    %gt3A_20 = arith.cmpi sgt, %reduce_max3A_10, %gt3A : i32
    %convert_element_type3A = arith.extui %gt3A_20 : i1 to i32
    %cond3A = arith.constant 0 : i32
    %cond3A_21 = arith.cmpi ne, %convert_element_type3A, %cond3A : i32
    scf.if %cond3A_21 {
      %dma_start3A = arith.constant 0 : i32
      %dma_start3A_378 = tpu.memref_slice %arg9[%dma_start3A] : memref<10080xi32, #tpu.memory_space<vmem>> -> memref<80xi32, #tpu.memory_space<vmem>>
      %dma_start3A_379 = arith.constant 0 : i32
      %dma_start3A_380 = arith.constant 0 : i32
      %dma_start3A_381 = tpu.memref_slice %arg2[%dma_start3A_379, %dma_start3A_380] : memref<10000x128xf32, #tpu.memory_space<hbm>> -> memref<10000x128xf32, #tpu.memory_space<hbm>>
      tpu.enqueue_indirect_dma source(%dma_start3A_381 : memref<10000x128xf32, #tpu.memory_space<hbm>>) target(%arg11 : memref<80x128xf32, #tpu.memory_space<vmem>>) offsets(%dma_start3A_378 : memref<80xi32, #tpu.memory_space<vmem>>) semaphore(%arg18 : memref<!tpu.dma_semaphore, #tpu.memory_space<semaphore_mem>>)
    } else {
    }
    %gt3A_22 = arith.constant 1 : i32
    %gt3A_23 = arith.cmpi sgt, %reduce_max3A_10, %gt3A_22 : i32
    %convert_element_type3A_24 = arith.extui %gt3A_23 : i1 to i32
    %cond3A_25 = arith.constant 0 : i32
    %cond3A_26 = arith.cmpi ne, %convert_element_type3A_24, %cond3A_25 : i32
    scf.if %cond3A_26 {
      %dma_start3A = arith.constant 80 : i32
      %dma_start3A_378 = tpu.memref_slice %arg9[%dma_start3A] : memref<10080xi32, #tpu.memory_space<vmem>> -> memref<80xi32, #tpu.memory_space<vmem>>
      %dma_start3A_379 = arith.constant 0 : i32
      %dma_start3A_380 = arith.constant 0 : i32
      %dma_start3A_381 = tpu.memref_slice %arg2[%dma_start3A_379, %dma_start3A_380] : memref<10000x128xf32, #tpu.memory_space<hbm>> -> memref<10000x128xf32, #tpu.memory_space<hbm>>
      tpu.enqueue_indirect_dma source(%dma_start3A_381 : memref<10000x128xf32, #tpu.memory_space<hbm>>) target(%arg12 : memref<80x128xf32, #tpu.memory_space<vmem>>) offsets(%dma_start3A_378 : memref<80xi32, #tpu.memory_space<vmem>>) semaphore(%arg19 : memref<!tpu.dma_semaphore, #tpu.memory_space<semaphore_mem>>)
    } else {
    }
    %gt3A_27 = arith.constant 2 : i32
    %gt3A_28 = arith.cmpi sgt, %reduce_max3A_10, %gt3A_27 : i32
    %convert_element_type3A_29 = arith.extui %gt3A_28 : i1 to i32
    %cond3A_30 = arith.constant 0 : i32
    %cond3A_31 = arith.cmpi ne, %convert_element_type3A_29, %cond3A_30 : i32
    scf.if %cond3A_31 {
      %dma_start3A = arith.constant 160 : i32
      %dma_start3A_378 = tpu.memref_slice %arg9[%dma_start3A] : memref<10080xi32, #tpu.memory_space<vmem>> -> memref<80xi32, #tpu.memory_space<vmem>>
      %dma_start3A_379 = arith.constant 0 : i32
      %dma_start3A_380 = arith.constant 0 : i32
      %dma_start3A_381 = tpu.memref_slice %arg2[%dma_start3A_379, %dma_start3A_380] : memref<10000x128xf32, #tpu.memory_space<hbm>> -> memref<10000x128xf32, #tpu.memory_space<hbm>>
      tpu.enqueue_indirect_dma source(%dma_start3A_381 : memref<10000x128xf32, #tpu.memory_space<hbm>>) target(%arg13 : memref<80x128xf32, #tpu.memory_space<vmem>>) offsets(%dma_start3A_378 : memref<80xi32, #tpu.memory_space<vmem>>) semaphore(%arg20 : memref<!tpu.dma_semaphore, #tpu.memory_space<semaphore_mem>>)
    } else {
    }
    %gt3A_32 = arith.constant 3 : i32
    %gt3A_33 = arith.cmpi sgt, %reduce_max3A_10, %gt3A_32 : i32
    %convert_element_type3A_34 = arith.extui %gt3A_33 : i1 to i32
    %cond3A_35 = arith.constant 0 : i32
    %cond3A_36 = arith.cmpi ne, %convert_element_type3A_34, %cond3A_35 : i32
    scf.if %cond3A_36 {
      %dma_start3A = arith.constant 240 : i32
      %dma_start3A_378 = tpu.memref_slice %arg9[%dma_start3A] : memref<10080xi32, #tpu.memory_space<vmem>> -> memref<80xi32, #tpu.memory_space<vmem>>
      %dma_start3A_379 = arith.constant 0 : i32
      %dma_start3A_380 = arith.constant 0 : i32
      %dma_start3A_381 = tpu.memref_slice %arg2[%dma_start3A_379, %dma_start3A_380] : memref<10000x128xf32, #tpu.memory_space<hbm>> -> memref<10000x128xf32, #tpu.memory_space<hbm>>
      tpu.enqueue_indirect_dma source(%dma_start3A_381 : memref<10000x128xf32, #tpu.memory_space<hbm>>) target(%arg14 : memref<80x128xf32, #tpu.memory_space<vmem>>) offsets(%dma_start3A_378 : memref<80xi32, #tpu.memory_space<vmem>>) semaphore(%arg21 : memref<!tpu.dma_semaphore, #tpu.memory_space<semaphore_mem>>)
    } else {
    }
    %add3A_37 = arith.constant 5 : i32
    %add3A_38 = arith.addi %reduce_max3A_10, %add3A_37 : i32
    %jit3A = arith.constant 6 : i32
    %div3A = arith.divsi %add3A_38, %jit3A : i32
    %sign3A = arith.constant 0 : i32
    %sign3A_39 = arith.cmpi sgt, %add3A_38, %sign3A : i32
    %sign3A_40 = arith.extui %sign3A_39 : i1 to i32
    %sign3A_41 = arith.constant 0 : i32
    %sign3A_42 = arith.cmpi slt, %add3A_38, %sign3A_41 : i32
    %sign3A_43 = arith.extui %sign3A_42 : i1 to i32
    %sign3A_44 = arith.subi %sign3A_40, %sign3A_43 : i32
    %sign3A_45 = arith.constant 0 : i32
    %sign3A_46 = arith.cmpi sgt, %jit3A, %sign3A_45 : i32
    %sign3A_47 = arith.extui %sign3A_46 : i1 to i32
    %sign3A_48 = arith.constant 0 : i32
    %sign3A_49 = arith.cmpi slt, %jit3A, %sign3A_48 : i32
    %sign3A_50 = arith.extui %sign3A_49 : i1 to i32
    %sign3A_51 = arith.subi %sign3A_47, %sign3A_50 : i32
    %ne3A = arith.cmpi ne, %sign3A_44, %sign3A_51 : i32
    %rem3A = arith.remsi %add3A_38, %jit3A : i32
    %ne3A_52 = arith.constant 0 : i32
    %ne3A_53 = arith.cmpi ne, %rem3A, %ne3A_52 : i32
    %and3A = arith.andi %ne3A, %ne3A_53 : i1
    %sub3A = arith.constant 1 : i32
    %sub3A_54 = arith.subi %div3A, %sub3A : i32
    %select_n3A = arith.select %and3A, %sub3A_54, %div3A : i32
    %while3A_55 = arith.constant 0 : i32
    %while3A_56 = arith.subi %select_n3A, %while3A_55 : i32
    %while3A_57 = arith.addi %while3A_55, %while3A_56 : i32
    %while3A_58 = arith.constant 1 : i32
    %while3A_59 = arith.divsi %while3A_56, %while3A_58 : i32
    %while3A_60 = arith.muli %while3A_59, %while3A_58 : i32
    %while3A_61 = arith.addi %while3A_55, %while3A_60 : i32
    %while3A_62 = arith.constant 1 : i32
    scf.for %while3A_378 = %while3A_55 to %while3A_61 step %while3A_62  : i32 {
      %mul3A_379 = arith.constant 6 : i32
      %mul3A_380 = arith.muli %mul3A_379, %while3A_378 : i32
      %add3A_381 = arith.constant 0 : i32
      %add3A_382 = arith.addi %mul3A_380, %add3A_381 : i32
      %lt3A_383 = arith.cmpi slt, %add3A_382, %reduce_max3A_10 : i32
      %convert_element_type3A_384 = arith.extui %lt3A_383 : i1 to i32
      %cond3A_385 = arith.constant 0 : i32
      %cond3A_386 = arith.cmpi ne, %convert_element_type3A_384, %cond3A_385 : i32
      scf.if %cond3A_386 {
        %dma_wait3A = arith.constant 0 : i32
        %dma_wait3A_427 = arith.constant 0 : i32
        %dma_wait3A_428 = tpu.memref_slice %arg2[%dma_wait3A, %dma_wait3A_427] : memref<10000x128xf32, #tpu.memory_space<hbm>> -> memref<80x128xf32, #tpu.memory_space<hbm>>
        %dma_wait3A_429 = arith.constant 0 : i32
        %dma_wait3A_430 = arith.constant 0 : i32
        %dma_wait3A_431 = tpu.memref_slice %arg2[%dma_wait3A_429, %dma_wait3A_430] : memref<10000x128xf32, #tpu.memory_space<hbm>> -> memref<80x128xf32, #tpu.memory_space<hbm>>
        tpu.wait_dma2 semaphore(%arg18 : memref<!tpu.dma_semaphore, #tpu.memory_space<semaphore_mem>>) src(%dma_wait3A_431 : memref<80x128xf32, #tpu.memory_space<hbm>>) dst(%arg11 : memref<80x128xf32, #tpu.memory_space<vmem>>)
        %dma_start3A = arith.constant 0 : i32
        %dma_start3A_432 = tpu.memref_slice %arg10[%add3A_382, %dma_start3A] : memref<127x80xi32, #tpu.memory_space<vmem>> -> memref<1x80xi32, #tpu.memory_space<vmem>>
        %dma_start3A_433 = tpu.memref_squeeze %dma_start3A_432 : memref<1x80xi32, #tpu.memory_space<vmem>> -> memref<80xi32, #tpu.memory_space<vmem>>
        %dma_start3A_434 = arith.constant 0 : i32
        %dma_start3A_435 = arith.constant 0 : i32
        %dma_start3A_436 = tpu.memref_slice %arg17[%dma_start3A_434, %dma_start3A_435] : memref<1152x128xf32, #tpu.memory_space<vmem_shared>> -> memref<1152x128xf32, #tpu.memory_space<vmem_shared>>
        tpu.enqueue_indirect_dma source(%arg11 : memref<80x128xf32, #tpu.memory_space<vmem>>) target(%dma_start3A_436 : memref<1152x128xf32, #tpu.memory_space<vmem_shared>>) offsets(%dma_start3A_433 : memref<80xi32, #tpu.memory_space<vmem>>) semaphore(%arg24 : memref<!tpu.dma_semaphore, #tpu.memory_space<semaphore_mem>>) {add = true}
        %ge3A_437 = arith.constant 2 : i32
        %ge3A_438 = arith.cmpi sge, %add3A_382, %ge3A_437 : i32
        %convert_element_type3A_439 = arith.extui %ge3A_438 : i1 to i32
        %cond3A_440 = arith.constant 0 : i32
        %cond3A_441 = arith.cmpi ne, %convert_element_type3A_439, %cond3A_440 : i32
        scf.if %cond3A_441 {
          %dma_wait3A_448 = arith.constant 0 : i32
          %dma_wait3A_449 = arith.constant 0 : i32
          %dma_wait3A_450 = tpu.memref_slice %arg2[%dma_wait3A_448, %dma_wait3A_449] : memref<10000x128xf32, #tpu.memory_space<hbm>> -> memref<80x128xf32, #tpu.memory_space<hbm>>
          %dma_wait3A_451 = arith.constant 0 : i32
          %dma_wait3A_452 = arith.constant 0 : i32
          %dma_wait3A_453 = tpu.memref_slice %arg2[%dma_wait3A_451, %dma_wait3A_452] : memref<10000x128xf32, #tpu.memory_space<hbm>> -> memref<80x128xf32, #tpu.memory_space<hbm>>
          tpu.wait_dma2 semaphore(%arg28 : memref<!tpu.dma_semaphore, #tpu.memory_space<semaphore_mem>>) src(%dma_wait3A_453 : memref<80x128xf32, #tpu.memory_space<hbm>>) dst(%arg15 : memref<80x128xf32, #tpu.memory_space<vmem>>)
        } else {
        }
        %add3A_442 = arith.constant 4 : i32
        %add3A_443 = arith.addi %add3A_382, %add3A_442 : i32
        %lt3A_444 = arith.cmpi slt, %add3A_443, %reduce_max3A_10 : i32
        %convert_element_type3A_445 = arith.extui %lt3A_444 : i1 to i32
        %cond3A_446 = arith.constant 0 : i32
        %cond3A_447 = arith.cmpi ne, %convert_element_type3A_445, %cond3A_446 : i32
        scf.if %cond3A_447 {
          %add3A_448 = arith.constant 4 : i32
          %add3A_449 = arith.addi %add3A_382, %add3A_448 : i32
          %mul3A_450 = arith.constant 80 : i32
          %mul3A_451 = arith.muli %add3A_449, %mul3A_450 : i32
          %dma_start3A_452 = tpu.memref_slice %arg9[%mul3A_451] : memref<10080xi32, #tpu.memory_space<vmem>> -> memref<80xi32, #tpu.memory_space<vmem>>
          %dma_start3A_453 = arith.constant 0 : i32
          %dma_start3A_454 = arith.constant 0 : i32
          %dma_start3A_455 = tpu.memref_slice %arg2[%dma_start3A_453, %dma_start3A_454] : memref<10000x128xf32, #tpu.memory_space<hbm>> -> memref<10000x128xf32, #tpu.memory_space<hbm>>
          tpu.enqueue_indirect_dma source(%dma_start3A_455 : memref<10000x128xf32, #tpu.memory_space<hbm>>) target(%arg15 : memref<80x128xf32, #tpu.memory_space<vmem>>) offsets(%dma_start3A_452 : memref<80xi32, #tpu.memory_space<vmem>>) semaphore(%arg22 : memref<!tpu.dma_semaphore, #tpu.memory_space<semaphore_mem>>)
        } else {
        }
      } else {
      }
      %mul3A_387 = arith.constant 6 : i32
      %mul3A_388 = arith.muli %mul3A_387, %while3A_378 : i32
      %add3A_389 = arith.constant 1 : i32
      %add3A_390 = arith.addi %mul3A_388, %add3A_389 : i32
      %lt3A_391 = arith.cmpi slt, %add3A_390, %reduce_max3A_10 : i32
      %convert_element_type3A_392 = arith.extui %lt3A_391 : i1 to i32
      %cond3A_393 = arith.constant 0 : i32
      %cond3A_394 = arith.cmpi ne, %convert_element_type3A_392, %cond3A_393 : i32
      scf.if %cond3A_394 {
        %dma_wait3A = arith.constant 0 : i32
        %dma_wait3A_427 = arith.constant 0 : i32
        %dma_wait3A_428 = tpu.memref_slice %arg2[%dma_wait3A, %dma_wait3A_427] : memref<10000x128xf32, #tpu.memory_space<hbm>> -> memref<80x128xf32, #tpu.memory_space<hbm>>
        %dma_wait3A_429 = arith.constant 0 : i32
        %dma_wait3A_430 = arith.constant 0 : i32
        %dma_wait3A_431 = tpu.memref_slice %arg2[%dma_wait3A_429, %dma_wait3A_430] : memref<10000x128xf32, #tpu.memory_space<hbm>> -> memref<80x128xf32, #tpu.memory_space<hbm>>
        tpu.wait_dma2 semaphore(%arg19 : memref<!tpu.dma_semaphore, #tpu.memory_space<semaphore_mem>>) src(%dma_wait3A_431 : memref<80x128xf32, #tpu.memory_space<hbm>>) dst(%arg12 : memref<80x128xf32, #tpu.memory_space<vmem>>)
        %dma_start3A = arith.constant 0 : i32
        %dma_start3A_432 = tpu.memref_slice %arg10[%add3A_390, %dma_start3A] : memref<127x80xi32, #tpu.memory_space<vmem>> -> memref<1x80xi32, #tpu.memory_space<vmem>>
        %dma_start3A_433 = tpu.memref_squeeze %dma_start3A_432 : memref<1x80xi32, #tpu.memory_space<vmem>> -> memref<80xi32, #tpu.memory_space<vmem>>
        %dma_start3A_434 = arith.constant 0 : i32
        %dma_start3A_435 = arith.constant 0 : i32
        %dma_start3A_436 = tpu.memref_slice %arg17[%dma_start3A_434, %dma_start3A_435] : memref<1152x128xf32, #tpu.memory_space<vmem_shared>> -> memref<1152x128xf32, #tpu.memory_space<vmem_shared>>
        tpu.enqueue_indirect_dma source(%arg12 : memref<80x128xf32, #tpu.memory_space<vmem>>) target(%dma_start3A_436 : memref<1152x128xf32, #tpu.memory_space<vmem_shared>>) offsets(%dma_start3A_433 : memref<80xi32, #tpu.memory_space<vmem>>) semaphore(%arg25 : memref<!tpu.dma_semaphore, #tpu.memory_space<semaphore_mem>>) {add = true}
        %ge3A_437 = arith.constant 2 : i32
        %ge3A_438 = arith.cmpi sge, %add3A_390, %ge3A_437 : i32
        %convert_element_type3A_439 = arith.extui %ge3A_438 : i1 to i32
        %cond3A_440 = arith.constant 0 : i32
        %cond3A_441 = arith.cmpi ne, %convert_element_type3A_439, %cond3A_440 : i32
        scf.if %cond3A_441 {
          %dma_wait3A_448 = arith.constant 0 : i32
          %dma_wait3A_449 = arith.constant 0 : i32
          %dma_wait3A_450 = tpu.memref_slice %arg2[%dma_wait3A_448, %dma_wait3A_449] : memref<10000x128xf32, #tpu.memory_space<hbm>> -> memref<80x128xf32, #tpu.memory_space<hbm>>
          %dma_wait3A_451 = arith.constant 0 : i32
          %dma_wait3A_452 = arith.constant 0 : i32
          %dma_wait3A_453 = tpu.memref_slice %arg2[%dma_wait3A_451, %dma_wait3A_452] : memref<10000x128xf32, #tpu.memory_space<hbm>> -> memref<80x128xf32, #tpu.memory_space<hbm>>
          tpu.wait_dma2 semaphore(%arg29 : memref<!tpu.dma_semaphore, #tpu.memory_space<semaphore_mem>>) src(%dma_wait3A_453 : memref<80x128xf32, #tpu.memory_space<hbm>>) dst(%arg16 : memref<80x128xf32, #tpu.memory_space<vmem>>)
        } else {
        }
        %add3A_442 = arith.constant 4 : i32
        %add3A_443 = arith.addi %add3A_390, %add3A_442 : i32
        %lt3A_444 = arith.cmpi slt, %add3A_443, %reduce_max3A_10 : i32
        %convert_element_type3A_445 = arith.extui %lt3A_444 : i1 to i32
        %cond3A_446 = arith.constant 0 : i32
        %cond3A_447 = arith.cmpi ne, %convert_element_type3A_445, %cond3A_446 : i32
        scf.if %cond3A_447 {
          %add3A_448 = arith.constant 4 : i32
          %add3A_449 = arith.addi %add3A_390, %add3A_448 : i32
          %mul3A_450 = arith.constant 80 : i32
          %mul3A_451 = arith.muli %add3A_449, %mul3A_450 : i32
          %dma_start3A_452 = tpu.memref_slice %arg9[%mul3A_451] : memref<10080xi32, #tpu.memory_space<vmem>> -> memref<80xi32, #tpu.memory_space<vmem>>
          %dma_start3A_453 = arith.constant 0 : i32
          %dma_start3A_454 = arith.constant 0 : i32
          %dma_start3A_455 = tpu.memref_slice %arg2[%dma_start3A_453, %dma_start3A_454] : memref<10000x128xf32, #tpu.memory_space<hbm>> -> memref<10000x128xf32, #tpu.memory_space<hbm>>
          tpu.enqueue_indirect_dma source(%dma_start3A_455 : memref<10000x128xf32, #tpu.memory_space<hbm>>) target(%arg16 : memref<80x128xf32, #tpu.memory_space<vmem>>) offsets(%dma_start3A_452 : memref<80xi32, #tpu.memory_space<vmem>>) semaphore(%arg23 : memref<!tpu.dma_semaphore, #tpu.memory_space<semaphore_mem>>)
        } else {
        }
      } else {
      }
      %mul3A_395 = arith.constant 6 : i32
      %mul3A_396 = arith.muli %mul3A_395, %while3A_378 : i32
      %add3A_397 = arith.constant 2 : i32
      %add3A_398 = arith.addi %mul3A_396, %add3A_397 : i32
      %lt3A_399 = arith.cmpi slt, %add3A_398, %reduce_max3A_10 : i32
      %convert_element_type3A_400 = arith.extui %lt3A_399 : i1 to i32
      %cond3A_401 = arith.constant 0 : i32
      %cond3A_402 = arith.cmpi ne, %convert_element_type3A_400, %cond3A_401 : i32
      scf.if %cond3A_402 {
        %dma_wait3A = arith.constant 0 : i32
        %dma_wait3A_427 = arith.constant 0 : i32
        %dma_wait3A_428 = tpu.memref_slice %arg2[%dma_wait3A, %dma_wait3A_427] : memref<10000x128xf32, #tpu.memory_space<hbm>> -> memref<80x128xf32, #tpu.memory_space<hbm>>
        %dma_wait3A_429 = arith.constant 0 : i32
        %dma_wait3A_430 = arith.constant 0 : i32
        %dma_wait3A_431 = tpu.memref_slice %arg2[%dma_wait3A_429, %dma_wait3A_430] : memref<10000x128xf32, #tpu.memory_space<hbm>> -> memref<80x128xf32, #tpu.memory_space<hbm>>
        tpu.wait_dma2 semaphore(%arg20 : memref<!tpu.dma_semaphore, #tpu.memory_space<semaphore_mem>>) src(%dma_wait3A_431 : memref<80x128xf32, #tpu.memory_space<hbm>>) dst(%arg13 : memref<80x128xf32, #tpu.memory_space<vmem>>)
        %dma_start3A = arith.constant 0 : i32
        %dma_start3A_432 = tpu.memref_slice %arg10[%add3A_398, %dma_start3A] : memref<127x80xi32, #tpu.memory_space<vmem>> -> memref<1x80xi32, #tpu.memory_space<vmem>>
        %dma_start3A_433 = tpu.memref_squeeze %dma_start3A_432 : memref<1x80xi32, #tpu.memory_space<vmem>> -> memref<80xi32, #tpu.memory_space<vmem>>
        %dma_start3A_434 = arith.constant 0 : i32
        %dma_start3A_435 = arith.constant 0 : i32
        %dma_start3A_436 = tpu.memref_slice %arg17[%dma_start3A_434, %dma_start3A_435] : memref<1152x128xf32, #tpu.memory_space<vmem_shared>> -> memref<1152x128xf32, #tpu.memory_space<vmem_shared>>
        tpu.enqueue_indirect_dma source(%arg13 : memref<80x128xf32, #tpu.memory_space<vmem>>) target(%dma_start3A_436 : memref<1152x128xf32, #tpu.memory_space<vmem_shared>>) offsets(%dma_start3A_433 : memref<80xi32, #tpu.memory_space<vmem>>) semaphore(%arg26 : memref<!tpu.dma_semaphore, #tpu.memory_space<semaphore_mem>>) {add = true}
        %ge3A_437 = arith.constant 2 : i32
        %ge3A_438 = arith.cmpi sge, %add3A_398, %ge3A_437 : i32
        %convert_element_type3A_439 = arith.extui %ge3A_438 : i1 to i32
        %cond3A_440 = arith.constant 0 : i32
        %cond3A_441 = arith.cmpi ne, %convert_element_type3A_439, %cond3A_440 : i32
        scf.if %cond3A_441 {
          %dma_wait3A_448 = arith.constant 0 : i32
          %dma_wait3A_449 = arith.constant 0 : i32
          %dma_wait3A_450 = tpu.memref_slice %arg2[%dma_wait3A_448, %dma_wait3A_449] : memref<10000x128xf32, #tpu.memory_space<hbm>> -> memref<80x128xf32, #tpu.memory_space<hbm>>
          %dma_wait3A_451 = arith.constant 0 : i32
          %dma_wait3A_452 = arith.constant 0 : i32
          %dma_wait3A_453 = tpu.memref_slice %arg2[%dma_wait3A_451, %dma_wait3A_452] : memref<10000x128xf32, #tpu.memory_space<hbm>> -> memref<80x128xf32, #tpu.memory_space<hbm>>
          tpu.wait_dma2 semaphore(%arg24 : memref<!tpu.dma_semaphore, #tpu.memory_space<semaphore_mem>>) src(%dma_wait3A_453 : memref<80x128xf32, #tpu.memory_space<hbm>>) dst(%arg11 : memref<80x128xf32, #tpu.memory_space<vmem>>)
        } else {
        }
        %add3A_442 = arith.constant 4 : i32
        %add3A_443 = arith.addi %add3A_398, %add3A_442 : i32
        %lt3A_444 = arith.cmpi slt, %add3A_443, %reduce_max3A_10 : i32
        %convert_element_type3A_445 = arith.extui %lt3A_444 : i1 to i32
        %cond3A_446 = arith.constant 0 : i32
        %cond3A_447 = arith.cmpi ne, %convert_element_type3A_445, %cond3A_446 : i32
        scf.if %cond3A_447 {
          %add3A_448 = arith.constant 4 : i32
          %add3A_449 = arith.addi %add3A_398, %add3A_448 : i32
          %mul3A_450 = arith.constant 80 : i32
          %mul3A_451 = arith.muli %add3A_449, %mul3A_450 : i32
          %dma_start3A_452 = tpu.memref_slice %arg9[%mul3A_451] : memref<10080xi32, #tpu.memory_space<vmem>> -> memref<80xi32, #tpu.memory_space<vmem>>
          %dma_start3A_453 = arith.constant 0 : i32
          %dma_start3A_454 = arith.constant 0 : i32
          %dma_start3A_455 = tpu.memref_slice %arg2[%dma_start3A_453, %dma_start3A_454] : memref<10000x128xf32, #tpu.memory_space<hbm>> -> memref<10000x128xf32, #tpu.memory_space<hbm>>
          tpu.enqueue_indirect_dma source(%dma_start3A_455 : memref<10000x128xf32, #tpu.memory_space<hbm>>) target(%arg11 : memref<80x128xf32, #tpu.memory_space<vmem>>) offsets(%dma_start3A_452 : memref<80xi32, #tpu.memory_space<vmem>>) semaphore(%arg18 : memref<!tpu.dma_semaphore, #tpu.memory_space<semaphore_mem>>)
        } else {
        }
      } else {
      }
      %mul3A_403 = arith.constant 6 : i32
      %mul3A_404 = arith.muli %mul3A_403, %while3A_378 : i32
      %add3A_405 = arith.constant 3 : i32
      %add3A_406 = arith.addi %mul3A_404, %add3A_405 : i32
      %lt3A_407 = arith.cmpi slt, %add3A_406, %reduce_max3A_10 : i32
      %convert_element_type3A_408 = arith.extui %lt3A_407 : i1 to i32
      %cond3A_409 = arith.constant 0 : i32
      %cond3A_410 = arith.cmpi ne, %convert_element_type3A_408, %cond3A_409 : i32
      scf.if %cond3A_410 {
        %dma_wait3A = arith.constant 0 : i32
        %dma_wait3A_427 = arith.constant 0 : i32
        %dma_wait3A_428 = tpu.memref_slice %arg2[%dma_wait3A, %dma_wait3A_427] : memref<10000x128xf32, #tpu.memory_space<hbm>> -> memref<80x128xf32, #tpu.memory_space<hbm>>
        %dma_wait3A_429 = arith.constant 0 : i32
        %dma_wait3A_430 = arith.constant 0 : i32
        %dma_wait3A_431 = tpu.memref_slice %arg2[%dma_wait3A_429, %dma_wait3A_430] : memref<10000x128xf32, #tpu.memory_space<hbm>> -> memref<80x128xf32, #tpu.memory_space<hbm>>
        tpu.wait_dma2 semaphore(%arg21 : memref<!tpu.dma_semaphore, #tpu.memory_space<semaphore_mem>>) src(%dma_wait3A_431 : memref<80x128xf32, #tpu.memory_space<hbm>>) dst(%arg14 : memref<80x128xf32, #tpu.memory_space<vmem>>)
        %dma_start3A = arith.constant 0 : i32
        %dma_start3A_432 = tpu.memref_slice %arg10[%add3A_406, %dma_start3A] : memref<127x80xi32, #tpu.memory_space<vmem>> -> memref<1x80xi32, #tpu.memory_space<vmem>>
        %dma_start3A_433 = tpu.memref_squeeze %dma_start3A_432 : memref<1x80xi32, #tpu.memory_space<vmem>> -> memref<80xi32, #tpu.memory_space<vmem>>
        %dma_start3A_434 = arith.constant 0 : i32
        %dma_start3A_435 = arith.constant 0 : i32
        %dma_start3A_436 = tpu.memref_slice %arg17[%dma_start3A_434, %dma_start3A_435] : memref<1152x128xf32, #tpu.memory_space<vmem_shared>> -> memref<1152x128xf32, #tpu.memory_space<vmem_shared>>
        tpu.enqueue_indirect_dma source(%arg14 : memref<80x128xf32, #tpu.memory_space<vmem>>) target(%dma_start3A_436 : memref<1152x128xf32, #tpu.memory_space<vmem_shared>>) offsets(%dma_start3A_433 : memref<80xi32, #tpu.memory_space<vmem>>) semaphore(%arg27 : memref<!tpu.dma_semaphore, #tpu.memory_space<semaphore_mem>>) {add = true}
        %ge3A_437 = arith.constant 2 : i32
        %ge3A_438 = arith.cmpi sge, %add3A_406, %ge3A_437 : i32
        %convert_element_type3A_439 = arith.extui %ge3A_438 : i1 to i32
        %cond3A_440 = arith.constant 0 : i32
        %cond3A_441 = arith.cmpi ne, %convert_element_type3A_439, %cond3A_440 : i32
        scf.if %cond3A_441 {
          %dma_wait3A_448 = arith.constant 0 : i32
          %dma_wait3A_449 = arith.constant 0 : i32
          %dma_wait3A_450 = tpu.memref_slice %arg2[%dma_wait3A_448, %dma_wait3A_449] : memref<10000x128xf32, #tpu.memory_space<hbm>> -> memref<80x128xf32, #tpu.memory_space<hbm>>
          %dma_wait3A_451 = arith.constant 0 : i32
          %dma_wait3A_452 = arith.constant 0 : i32
          %dma_wait3A_453 = tpu.memref_slice %arg2[%dma_wait3A_451, %dma_wait3A_452] : memref<10000x128xf32, #tpu.memory_space<hbm>> -> memref<80x128xf32, #tpu.memory_space<hbm>>
          tpu.wait_dma2 semaphore(%arg25 : memref<!tpu.dma_semaphore, #tpu.memory_space<semaphore_mem>>) src(%dma_wait3A_453 : memref<80x128xf32, #tpu.memory_space<hbm>>) dst(%arg12 : memref<80x128xf32, #tpu.memory_space<vmem>>)
        } else {
        }
        %add3A_442 = arith.constant 4 : i32
        %add3A_443 = arith.addi %add3A_406, %add3A_442 : i32
        %lt3A_444 = arith.cmpi slt, %add3A_443, %reduce_max3A_10 : i32
        %convert_element_type3A_445 = arith.extui %lt3A_444 : i1 to i32
        %cond3A_446 = arith.constant 0 : i32
        %cond3A_447 = arith.cmpi ne, %convert_element_type3A_445, %cond3A_446 : i32
        scf.if %cond3A_447 {
          %add3A_448 = arith.constant 4 : i32
          %add3A_449 = arith.addi %add3A_406, %add3A_448 : i32
          %mul3A_450 = arith.constant 80 : i32
          %mul3A_451 = arith.muli %add3A_449, %mul3A_450 : i32
          %dma_start3A_452 = tpu.memref_slice %arg9[%mul3A_451] : memref<10080xi32, #tpu.memory_space<vmem>> -> memref<80xi32, #tpu.memory_space<vmem>>
          %dma_start3A_453 = arith.constant 0 : i32
          %dma_start3A_454 = arith.constant 0 : i32
          %dma_start3A_455 = tpu.memref_slice %arg2[%dma_start3A_453, %dma_start3A_454] : memref<10000x128xf32, #tpu.memory_space<hbm>> -> memref<10000x128xf32, #tpu.memory_space<hbm>>
          tpu.enqueue_indirect_dma source(%dma_start3A_455 : memref<10000x128xf32, #tpu.memory_space<hbm>>) target(%arg12 : memref<80x128xf32, #tpu.memory_space<vmem>>) offsets(%dma_start3A_452 : memref<80xi32, #tpu.memory_space<vmem>>) semaphore(%arg19 : memref<!tpu.dma_semaphore, #tpu.memory_space<semaphore_mem>>)
        } else {
        }
      } else {
      }
      %mul3A_411 = arith.constant 6 : i32
      %mul3A_412 = arith.muli %mul3A_411, %while3A_378 : i32
      %add3A_413 = arith.constant 4 : i32
      %add3A_414 = arith.addi %mul3A_412, %add3A_413 : i32
      %lt3A_415 = arith.cmpi slt, %add3A_414, %reduce_max3A_10 : i32
      %convert_element_type3A_416 = arith.extui %lt3A_415 : i1 to i32
      %cond3A_417 = arith.constant 0 : i32
      %cond3A_418 = arith.cmpi ne, %convert_element_type3A_416, %cond3A_417 : i32
      scf.if %cond3A_418 {
        %dma_wait3A = arith.constant 0 : i32
        %dma_wait3A_427 = arith.constant 0 : i32
        %dma_wait3A_428 = tpu.memref_slice %arg2[%dma_wait3A, %dma_wait3A_427] : memref<10000x128xf32, #tpu.memory_space<hbm>> -> memref<80x128xf32, #tpu.memory_space<hbm>>
        %dma_wait3A_429 = arith.constant 0 : i32
        %dma_wait3A_430 = arith.constant 0 : i32
        %dma_wait3A_431 = tpu.memref_slice %arg2[%dma_wait3A_429, %dma_wait3A_430] : memref<10000x128xf32, #tpu.memory_space<hbm>> -> memref<80x128xf32, #tpu.memory_space<hbm>>
        tpu.wait_dma2 semaphore(%arg22 : memref<!tpu.dma_semaphore, #tpu.memory_space<semaphore_mem>>) src(%dma_wait3A_431 : memref<80x128xf32, #tpu.memory_space<hbm>>) dst(%arg15 : memref<80x128xf32, #tpu.memory_space<vmem>>)
        %dma_start3A = arith.constant 0 : i32
        %dma_start3A_432 = tpu.memref_slice %arg10[%add3A_414, %dma_start3A] : memref<127x80xi32, #tpu.memory_space<vmem>> -> memref<1x80xi32, #tpu.memory_space<vmem>>
        %dma_start3A_433 = tpu.memref_squeeze %dma_start3A_432 : memref<1x80xi32, #tpu.memory_space<vmem>> -> memref<80xi32, #tpu.memory_space<vmem>>
        %dma_start3A_434 = arith.constant 0 : i32
        %dma_start3A_435 = arith.constant 0 : i32
        %dma_start3A_436 = tpu.memref_slice %arg17[%dma_start3A_434, %dma_start3A_435] : memref<1152x128xf32, #tpu.memory_space<vmem_shared>> -> memref<1152x128xf32, #tpu.memory_space<vmem_shared>>
        tpu.enqueue_indirect_dma source(%arg15 : memref<80x128xf32, #tpu.memory_space<vmem>>) target(%dma_start3A_436 : memref<1152x128xf32, #tpu.memory_space<vmem_shared>>) offsets(%dma_start3A_433 : memref<80xi32, #tpu.memory_space<vmem>>) semaphore(%arg28 : memref<!tpu.dma_semaphore, #tpu.memory_space<semaphore_mem>>) {add = true}
        %ge3A_437 = arith.constant 2 : i32
        %ge3A_438 = arith.cmpi sge, %add3A_414, %ge3A_437 : i32
        %convert_element_type3A_439 = arith.extui %ge3A_438 : i1 to i32
        %cond3A_440 = arith.constant 0 : i32
        %cond3A_441 = arith.cmpi ne, %convert_element_type3A_439, %cond3A_440 : i32
        scf.if %cond3A_441 {
          %dma_wait3A_448 = arith.constant 0 : i32
          %dma_wait3A_449 = arith.constant 0 : i32
          %dma_wait3A_450 = tpu.memref_slice %arg2[%dma_wait3A_448, %dma_wait3A_449] : memref<10000x128xf32, #tpu.memory_space<hbm>> -> memref<80x128xf32, #tpu.memory_space<hbm>>
          %dma_wait3A_451 = arith.constant 0 : i32
          %dma_wait3A_452 = arith.constant 0 : i32
          %dma_wait3A_453 = tpu.memref_slice %arg2[%dma_wait3A_451, %dma_wait3A_452] : memref<10000x128xf32, #tpu.memory_space<hbm>> -> memref<80x128xf32, #tpu.memory_space<hbm>>
          tpu.wait_dma2 semaphore(%arg26 : memref<!tpu.dma_semaphore, #tpu.memory_space<semaphore_mem>>) src(%dma_wait3A_453 : memref<80x128xf32, #tpu.memory_space<hbm>>) dst(%arg13 : memref<80x128xf32, #tpu.memory_space<vmem>>)
        } else {
        }
        %add3A_442 = arith.constant 4 : i32
        %add3A_443 = arith.addi %add3A_414, %add3A_442 : i32
        %lt3A_444 = arith.cmpi slt, %add3A_443, %reduce_max3A_10 : i32
        %convert_element_type3A_445 = arith.extui %lt3A_444 : i1 to i32
        %cond3A_446 = arith.constant 0 : i32
        %cond3A_447 = arith.cmpi ne, %convert_element_type3A_445, %cond3A_446 : i32
        scf.if %cond3A_447 {
          %add3A_448 = arith.constant 4 : i32
          %add3A_449 = arith.addi %add3A_414, %add3A_448 : i32
          %mul3A_450 = arith.constant 80 : i32
          %mul3A_451 = arith.muli %add3A_449, %mul3A_450 : i32
          %dma_start3A_452 = tpu.memref_slice %arg9[%mul3A_451] : memref<10080xi32, #tpu.memory_space<vmem>> -> memref<80xi32, #tpu.memory_space<vmem>>
          %dma_start3A_453 = arith.constant 0 : i32
          %dma_start3A_454 = arith.constant 0 : i32
          %dma_start3A_455 = tpu.memref_slice %arg2[%dma_start3A_453, %dma_start3A_454] : memref<10000x128xf32, #tpu.memory_space<hbm>> -> memref<10000x128xf32, #tpu.memory_space<hbm>>
          tpu.enqueue_indirect_dma source(%dma_start3A_455 : memref<10000x128xf32, #tpu.memory_space<hbm>>) target(%arg13 : memref<80x128xf32, #tpu.memory_space<vmem>>) offsets(%dma_start3A_452 : memref<80xi32, #tpu.memory_space<vmem>>) semaphore(%arg20 : memref<!tpu.dma_semaphore, #tpu.memory_space<semaphore_mem>>)
        } else {
        }
      } else {
      }
      %mul3A_419 = arith.constant 6 : i32
      %mul3A_420 = arith.muli %mul3A_419, %while3A_378 : i32
      %add3A_421 = arith.constant 5 : i32
      %add3A_422 = arith.addi %mul3A_420, %add3A_421 : i32
      %lt3A_423 = arith.cmpi slt, %add3A_422, %reduce_max3A_10 : i32
      %convert_element_type3A_424 = arith.extui %lt3A_423 : i1 to i32
      %cond3A_425 = arith.constant 0 : i32
      %cond3A_426 = arith.cmpi ne, %convert_element_type3A_424, %cond3A_425 : i32
      scf.if %cond3A_426 {
        %dma_wait3A = arith.constant 0 : i32
        %dma_wait3A_427 = arith.constant 0 : i32
        %dma_wait3A_428 = tpu.memref_slice %arg2[%dma_wait3A, %dma_wait3A_427] : memref<10000x128xf32, #tpu.memory_space<hbm>> -> memref<80x128xf32, #tpu.memory_space<hbm>>
        %dma_wait3A_429 = arith.constant 0 : i32
        %dma_wait3A_430 = arith.constant 0 : i32
        %dma_wait3A_431 = tpu.memref_slice %arg2[%dma_wait3A_429, %dma_wait3A_430] : memref<10000x128xf32, #tpu.memory_space<hbm>> -> memref<80x128xf32, #tpu.memory_space<hbm>>
        tpu.wait_dma2 semaphore(%arg23 : memref<!tpu.dma_semaphore, #tpu.memory_space<semaphore_mem>>) src(%dma_wait3A_431 : memref<80x128xf32, #tpu.memory_space<hbm>>) dst(%arg16 : memref<80x128xf32, #tpu.memory_space<vmem>>)
        %dma_start3A = arith.constant 0 : i32
        %dma_start3A_432 = tpu.memref_slice %arg10[%add3A_422, %dma_start3A] : memref<127x80xi32, #tpu.memory_space<vmem>> -> memref<1x80xi32, #tpu.memory_space<vmem>>
        %dma_start3A_433 = tpu.memref_squeeze %dma_start3A_432 : memref<1x80xi32, #tpu.memory_space<vmem>> -> memref<80xi32, #tpu.memory_space<vmem>>
        %dma_start3A_434 = arith.constant 0 : i32
        %dma_start3A_435 = arith.constant 0 : i32
        %dma_start3A_436 = tpu.memref_slice %arg17[%dma_start3A_434, %dma_start3A_435] : memref<1152x128xf32, #tpu.memory_space<vmem_shared>> -> memref<1152x128xf32, #tpu.memory_space<vmem_shared>>
        tpu.enqueue_indirect_dma source(%arg16 : memref<80x128xf32, #tpu.memory_space<vmem>>) target(%dma_start3A_436 : memref<1152x128xf32, #tpu.memory_space<vmem_shared>>) offsets(%dma_start3A_433 : memref<80xi32, #tpu.memory_space<vmem>>) semaphore(%arg29 : memref<!tpu.dma_semaphore, #tpu.memory_space<semaphore_mem>>) {add = true}
        %ge3A_437 = arith.constant 2 : i32
        %ge3A_438 = arith.cmpi sge, %add3A_422, %ge3A_437 : i32
        %convert_element_type3A_439 = arith.extui %ge3A_438 : i1 to i32
        %cond3A_440 = arith.constant 0 : i32
        %cond3A_441 = arith.cmpi ne, %convert_element_type3A_439, %cond3A_440 : i32
        scf.if %cond3A_441 {
          %dma_wait3A_448 = arith.constant 0 : i32
          %dma_wait3A_449 = arith.constant 0 : i32
          %dma_wait3A_450 = tpu.memref_slice %arg2[%dma_wait3A_448, %dma_wait3A_449] : memref<10000x128xf32, #tpu.memory_space<hbm>> -> memref<80x128xf32, #tpu.memory_space<hbm>>
          %dma_wait3A_451 = arith.constant 0 : i32
          %dma_wait3A_452 = arith.constant 0 : i32
          %dma_wait3A_453 = tpu.memref_slice %arg2[%dma_wait3A_451, %dma_wait3A_452] : memref<10000x128xf32, #tpu.memory_space<hbm>> -> memref<80x128xf32, #tpu.memory_space<hbm>>
          tpu.wait_dma2 semaphore(%arg27 : memref<!tpu.dma_semaphore, #tpu.memory_space<semaphore_mem>>) src(%dma_wait3A_453 : memref<80x128xf32, #tpu.memory_space<hbm>>) dst(%arg14 : memref<80x128xf32, #tpu.memory_space<vmem>>)
        } else {
        }
        %add3A_442 = arith.constant 4 : i32
        %add3A_443 = arith.addi %add3A_422, %add3A_442 : i32
        %lt3A_444 = arith.cmpi slt, %add3A_443, %reduce_max3A_10 : i32
        %convert_element_type3A_445 = arith.extui %lt3A_444 : i1 to i32
        %cond3A_446 = arith.constant 0 : i32
        %cond3A_447 = arith.cmpi ne, %convert_element_type3A_445, %cond3A_446 : i32
        scf.if %cond3A_447 {
          %add3A_448 = arith.constant 4 : i32
          %add3A_449 = arith.addi %add3A_422, %add3A_448 : i32
          %mul3A_450 = arith.constant 80 : i32
          %mul3A_451 = arith.muli %add3A_449, %mul3A_450 : i32
          %dma_start3A_452 = tpu.memref_slice %arg9[%mul3A_451] : memref<10080xi32, #tpu.memory_space<vmem>> -> memref<80xi32, #tpu.memory_space<vmem>>
          %dma_start3A_453 = arith.constant 0 : i32
          %dma_start3A_454 = arith.constant 0 : i32
          %dma_start3A_455 = tpu.memref_slice %arg2[%dma_start3A_453, %dma_start3A_454] : memref<10000x128xf32, #tpu.memory_space<hbm>> -> memref<10000x128xf32, #tpu.memory_space<hbm>>
          tpu.enqueue_indirect_dma source(%dma_start3A_455 : memref<10000x128xf32, #tpu.memory_space<hbm>>) target(%arg14 : memref<80x128xf32, #tpu.memory_space<vmem>>) offsets(%dma_start3A_452 : memref<80xi32, #tpu.memory_space<vmem>>) semaphore(%arg21 : memref<!tpu.dma_semaphore, #tpu.memory_space<semaphore_mem>>)
        } else {
        }
      } else {
      }
    }
    %while3A_63 = arith.constant 1 : i32
    scf.for %while3A_378 = %while3A_61 to %while3A_57 step %while3A_63  : i32 {
      %mul3A_379 = arith.constant 6 : i32
      %mul3A_380 = arith.muli %mul3A_379, %while3A_378 : i32
      %add3A_381 = arith.constant 0 : i32
      %add3A_382 = arith.addi %mul3A_380, %add3A_381 : i32
      %lt3A_383 = arith.cmpi slt, %add3A_382, %reduce_max3A_10 : i32
      %convert_element_type3A_384 = arith.extui %lt3A_383 : i1 to i32
      %cond3A_385 = arith.constant 0 : i32
      %cond3A_386 = arith.cmpi ne, %convert_element_type3A_384, %cond3A_385 : i32
      scf.if %cond3A_386 {
        %dma_wait3A = arith.constant 0 : i32
        %dma_wait3A_427 = arith.constant 0 : i32
        %dma_wait3A_428 = tpu.memref_slice %arg2[%dma_wait3A, %dma_wait3A_427] : memref<10000x128xf32, #tpu.memory_space<hbm>> -> memref<80x128xf32, #tpu.memory_space<hbm>>
        %dma_wait3A_429 = arith.constant 0 : i32
        %dma_wait3A_430 = arith.constant 0 : i32
        %dma_wait3A_431 = tpu.memref_slice %arg2[%dma_wait3A_429, %dma_wait3A_430] : memref<10000x128xf32, #tpu.memory_space<hbm>> -> memref<80x128xf32, #tpu.memory_space<hbm>>
        tpu.wait_dma2 semaphore(%arg18 : memref<!tpu.dma_semaphore, #tpu.memory_space<semaphore_mem>>) src(%dma_wait3A_431 : memref<80x128xf32, #tpu.memory_space<hbm>>) dst(%arg11 : memref<80x128xf32, #tpu.memory_space<vmem>>)
        %dma_start3A = arith.constant 0 : i32
        %dma_start3A_432 = tpu.memref_slice %arg10[%add3A_382, %dma_start3A] : memref<127x80xi32, #tpu.memory_space<vmem>> -> memref<1x80xi32, #tpu.memory_space<vmem>>
        %dma_start3A_433 = tpu.memref_squeeze %dma_start3A_432 : memref<1x80xi32, #tpu.memory_space<vmem>> -> memref<80xi32, #tpu.memory_space<vmem>>
        %dma_start3A_434 = arith.constant 0 : i32
        %dma_start3A_435 = arith.constant 0 : i32
        %dma_start3A_436 = tpu.memref_slice %arg17[%dma_start3A_434, %dma_start3A_435] : memref<1152x128xf32, #tpu.memory_space<vmem_shared>> -> memref<1152x128xf32, #tpu.memory_space<vmem_shared>>
        tpu.enqueue_indirect_dma source(%arg11 : memref<80x128xf32, #tpu.memory_space<vmem>>) target(%dma_start3A_436 : memref<1152x128xf32, #tpu.memory_space<vmem_shared>>) offsets(%dma_start3A_433 : memref<80xi32, #tpu.memory_space<vmem>>) semaphore(%arg24 : memref<!tpu.dma_semaphore, #tpu.memory_space<semaphore_mem>>) {add = true}
        %ge3A_437 = arith.constant 2 : i32
        %ge3A_438 = arith.cmpi sge, %add3A_382, %ge3A_437 : i32
        %convert_element_type3A_439 = arith.extui %ge3A_438 : i1 to i32
        %cond3A_440 = arith.constant 0 : i32
        %cond3A_441 = arith.cmpi ne, %convert_element_type3A_439, %cond3A_440 : i32
        scf.if %cond3A_441 {
          %dma_wait3A_448 = arith.constant 0 : i32
          %dma_wait3A_449 = arith.constant 0 : i32
          %dma_wait3A_450 = tpu.memref_slice %arg2[%dma_wait3A_448, %dma_wait3A_449] : memref<10000x128xf32, #tpu.memory_space<hbm>> -> memref<80x128xf32, #tpu.memory_space<hbm>>
          %dma_wait3A_451 = arith.constant 0 : i32
          %dma_wait3A_452 = arith.constant 0 : i32
          %dma_wait3A_453 = tpu.memref_slice %arg2[%dma_wait3A_451, %dma_wait3A_452] : memref<10000x128xf32, #tpu.memory_space<hbm>> -> memref<80x128xf32, #tpu.memory_space<hbm>>
          tpu.wait_dma2 semaphore(%arg28 : memref<!tpu.dma_semaphore, #tpu.memory_space<semaphore_mem>>) src(%dma_wait3A_453 : memref<80x128xf32, #tpu.memory_space<hbm>>) dst(%arg15 : memref<80x128xf32, #tpu.memory_space<vmem>>)
        } else {
        }
        %add3A_442 = arith.constant 4 : i32
        %add3A_443 = arith.addi %add3A_382, %add3A_442 : i32
        %lt3A_444 = arith.cmpi slt, %add3A_443, %reduce_max3A_10 : i32
        %convert_element_type3A_445 = arith.extui %lt3A_444 : i1 to i32
        %cond3A_446 = arith.constant 0 : i32
        %cond3A_447 = arith.cmpi ne, %convert_element_type3A_445, %cond3A_446 : i32
        scf.if %cond3A_447 {
          %add3A_448 = arith.constant 4 : i32
          %add3A_449 = arith.addi %add3A_382, %add3A_448 : i32
          %mul3A_450 = arith.constant 80 : i32
          %mul3A_451 = arith.muli %add3A_449, %mul3A_450 : i32
          %dma_start3A_452 = tpu.memref_slice %arg9[%mul3A_451] : memref<10080xi32, #tpu.memory_space<vmem>> -> memref<80xi32, #tpu.memory_space<vmem>>
          %dma_start3A_453 = arith.constant 0 : i32
          %dma_start3A_454 = arith.constant 0 : i32
          %dma_start3A_455 = tpu.memref_slice %arg2[%dma_start3A_453, %dma_start3A_454] : memref<10000x128xf32, #tpu.memory_space<hbm>> -> memref<10000x128xf32, #tpu.memory_space<hbm>>
          tpu.enqueue_indirect_dma source(%dma_start3A_455 : memref<10000x128xf32, #tpu.memory_space<hbm>>) target(%arg15 : memref<80x128xf32, #tpu.memory_space<vmem>>) offsets(%dma_start3A_452 : memref<80xi32, #tpu.memory_space<vmem>>) semaphore(%arg22 : memref<!tpu.dma_semaphore, #tpu.memory_space<semaphore_mem>>)
        } else {
        }
      } else {
      }
      %mul3A_387 = arith.constant 6 : i32
      %mul3A_388 = arith.muli %mul3A_387, %while3A_378 : i32
      %add3A_389 = arith.constant 1 : i32
      %add3A_390 = arith.addi %mul3A_388, %add3A_389 : i32
      %lt3A_391 = arith.cmpi slt, %add3A_390, %reduce_max3A_10 : i32
      %convert_element_type3A_392 = arith.extui %lt3A_391 : i1 to i32
      %cond3A_393 = arith.constant 0 : i32
      %cond3A_394 = arith.cmpi ne, %convert_element_type3A_392, %cond3A_393 : i32
      scf.if %cond3A_394 {
        %dma_wait3A = arith.constant 0 : i32
        %dma_wait3A_427 = arith.constant 0 : i32
        %dma_wait3A_428 = tpu.memref_slice %arg2[%dma_wait3A, %dma_wait3A_427] : memref<10000x128xf32, #tpu.memory_space<hbm>> -> memref<80x128xf32, #tpu.memory_space<hbm>>
        %dma_wait3A_429 = arith.constant 0 : i32
        %dma_wait3A_430 = arith.constant 0 : i32
        %dma_wait3A_431 = tpu.memref_slice %arg2[%dma_wait3A_429, %dma_wait3A_430] : memref<10000x128xf32, #tpu.memory_space<hbm>> -> memref<80x128xf32, #tpu.memory_space<hbm>>
        tpu.wait_dma2 semaphore(%arg19 : memref<!tpu.dma_semaphore, #tpu.memory_space<semaphore_mem>>) src(%dma_wait3A_431 : memref<80x128xf32, #tpu.memory_space<hbm>>) dst(%arg12 : memref<80x128xf32, #tpu.memory_space<vmem>>)
        %dma_start3A = arith.constant 0 : i32
        %dma_start3A_432 = tpu.memref_slice %arg10[%add3A_390, %dma_start3A] : memref<127x80xi32, #tpu.memory_space<vmem>> -> memref<1x80xi32, #tpu.memory_space<vmem>>
        %dma_start3A_433 = tpu.memref_squeeze %dma_start3A_432 : memref<1x80xi32, #tpu.memory_space<vmem>> -> memref<80xi32, #tpu.memory_space<vmem>>
        %dma_start3A_434 = arith.constant 0 : i32
        %dma_start3A_435 = arith.constant 0 : i32
        %dma_start3A_436 = tpu.memref_slice %arg17[%dma_start3A_434, %dma_start3A_435] : memref<1152x128xf32, #tpu.memory_space<vmem_shared>> -> memref<1152x128xf32, #tpu.memory_space<vmem_shared>>
        tpu.enqueue_indirect_dma source(%arg12 : memref<80x128xf32, #tpu.memory_space<vmem>>) target(%dma_start3A_436 : memref<1152x128xf32, #tpu.memory_space<vmem_shared>>) offsets(%dma_start3A_433 : memref<80xi32, #tpu.memory_space<vmem>>) semaphore(%arg25 : memref<!tpu.dma_semaphore, #tpu.memory_space<semaphore_mem>>) {add = true}
        %ge3A_437 = arith.constant 2 : i32
        %ge3A_438 = arith.cmpi sge, %add3A_390, %ge3A_437 : i32
        %convert_element_type3A_439 = arith.extui %ge3A_438 : i1 to i32
        %cond3A_440 = arith.constant 0 : i32
        %cond3A_441 = arith.cmpi ne, %convert_element_type3A_439, %cond3A_440 : i32
        scf.if %cond3A_441 {
          %dma_wait3A_448 = arith.constant 0 : i32
          %dma_wait3A_449 = arith.constant 0 : i32
          %dma_wait3A_450 = tpu.memref_slice %arg2[%dma_wait3A_448, %dma_wait3A_449] : memref<10000x128xf32, #tpu.memory_space<hbm>> -> memref<80x128xf32, #tpu.memory_space<hbm>>
          %dma_wait3A_451 = arith.constant 0 : i32
          %dma_wait3A_452 = arith.constant 0 : i32
          %dma_wait3A_453 = tpu.memref_slice %arg2[%dma_wait3A_451, %dma_wait3A_452] : memref<10000x128xf32, #tpu.memory_space<hbm>> -> memref<80x128xf32, #tpu.memory_space<hbm>>
          tpu.wait_dma2 semaphore(%arg29 : memref<!tpu.dma_semaphore, #tpu.memory_space<semaphore_mem>>) src(%dma_wait3A_453 : memref<80x128xf32, #tpu.memory_space<hbm>>) dst(%arg16 : memref<80x128xf32, #tpu.memory_space<vmem>>)
        } else {
        }
        %add3A_442 = arith.constant 4 : i32
        %add3A_443 = arith.addi %add3A_390, %add3A_442 : i32
        %lt3A_444 = arith.cmpi slt, %add3A_443, %reduce_max3A_10 : i32
        %convert_element_type3A_445 = arith.extui %lt3A_444 : i1 to i32
        %cond3A_446 = arith.constant 0 : i32
        %cond3A_447 = arith.cmpi ne, %convert_element_type3A_445, %cond3A_446 : i32
        scf.if %cond3A_447 {
          %add3A_448 = arith.constant 4 : i32
          %add3A_449 = arith.addi %add3A_390, %add3A_448 : i32
          %mul3A_450 = arith.constant 80 : i32
          %mul3A_451 = arith.muli %add3A_449, %mul3A_450 : i32
          %dma_start3A_452 = tpu.memref_slice %arg9[%mul3A_451] : memref<10080xi32, #tpu.memory_space<vmem>> -> memref<80xi32, #tpu.memory_space<vmem>>
          %dma_start3A_453 = arith.constant 0 : i32
          %dma_start3A_454 = arith.constant 0 : i32
          %dma_start3A_455 = tpu.memref_slice %arg2[%dma_start3A_453, %dma_start3A_454] : memref<10000x128xf32, #tpu.memory_space<hbm>> -> memref<10000x128xf32, #tpu.memory_space<hbm>>
          tpu.enqueue_indirect_dma source(%dma_start3A_455 : memref<10000x128xf32, #tpu.memory_space<hbm>>) target(%arg16 : memref<80x128xf32, #tpu.memory_space<vmem>>) offsets(%dma_start3A_452 : memref<80xi32, #tpu.memory_space<vmem>>) semaphore(%arg23 : memref<!tpu.dma_semaphore, #tpu.memory_space<semaphore_mem>>)
        } else {
        }
      } else {
      }
      %mul3A_395 = arith.constant 6 : i32
      %mul3A_396 = arith.muli %mul3A_395, %while3A_378 : i32
      %add3A_397 = arith.constant 2 : i32
      %add3A_398 = arith.addi %mul3A_396, %add3A_397 : i32
      %lt3A_399 = arith.cmpi slt, %add3A_398, %reduce_max3A_10 : i32
      %convert_element_type3A_400 = arith.extui %lt3A_399 : i1 to i32
      %cond3A_401 = arith.constant 0 : i32
      %cond3A_402 = arith.cmpi ne, %convert_element_type3A_400, %cond3A_401 : i32
      scf.if %cond3A_402 {
        %dma_wait3A = arith.constant 0 : i32
        %dma_wait3A_427 = arith.constant 0 : i32
        %dma_wait3A_428 = tpu.memref_slice %arg2[%dma_wait3A, %dma_wait3A_427] : memref<10000x128xf32, #tpu.memory_space<hbm>> -> memref<80x128xf32, #tpu.memory_space<hbm>>
        %dma_wait3A_429 = arith.constant 0 : i32
        %dma_wait3A_430 = arith.constant 0 : i32
        %dma_wait3A_431 = tpu.memref_slice %arg2[%dma_wait3A_429, %dma_wait3A_430] : memref<10000x128xf32, #tpu.memory_space<hbm>> -> memref<80x128xf32, #tpu.memory_space<hbm>>
        tpu.wait_dma2 semaphore(%arg20 : memref<!tpu.dma_semaphore, #tpu.memory_space<semaphore_mem>>) src(%dma_wait3A_431 : memref<80x128xf32, #tpu.memory_space<hbm>>) dst(%arg13 : memref<80x128xf32, #tpu.memory_space<vmem>>)
        %dma_start3A = arith.constant 0 : i32
        %dma_start3A_432 = tpu.memref_slice %arg10[%add3A_398, %dma_start3A] : memref<127x80xi32, #tpu.memory_space<vmem>> -> memref<1x80xi32, #tpu.memory_space<vmem>>
        %dma_start3A_433 = tpu.memref_squeeze %dma_start3A_432 : memref<1x80xi32, #tpu.memory_space<vmem>> -> memref<80xi32, #tpu.memory_space<vmem>>
        %dma_start3A_434 = arith.constant 0 : i32
        %dma_start3A_435 = arith.constant 0 : i32
        %dma_start3A_436 = tpu.memref_slice %arg17[%dma_start3A_434, %dma_start3A_435] : memref<1152x128xf32, #tpu.memory_space<vmem_shared>> -> memref<1152x128xf32, #tpu.memory_space<vmem_shared>>
        tpu.enqueue_indirect_dma source(%arg13 : memref<80x128xf32, #tpu.memory_space<vmem>>) target(%dma_start3A_436 : memref<1152x128xf32, #tpu.memory_space<vmem_shared>>) offsets(%dma_start3A_433 : memref<80xi32, #tpu.memory_space<vmem>>) semaphore(%arg26 : memref<!tpu.dma_semaphore, #tpu.memory_space<semaphore_mem>>) {add = true}
        %ge3A_437 = arith.constant 2 : i32
        %ge3A_438 = arith.cmpi sge, %add3A_398, %ge3A_437 : i32
        %convert_element_type3A_439 = arith.extui %ge3A_438 : i1 to i32
        %cond3A_440 = arith.constant 0 : i32
        %cond3A_441 = arith.cmpi ne, %convert_element_type3A_439, %cond3A_440 : i32
        scf.if %cond3A_441 {
          %dma_wait3A_448 = arith.constant 0 : i32
          %dma_wait3A_449 = arith.constant 0 : i32
          %dma_wait3A_450 = tpu.memref_slice %arg2[%dma_wait3A_448, %dma_wait3A_449] : memref<10000x128xf32, #tpu.memory_space<hbm>> -> memref<80x128xf32, #tpu.memory_space<hbm>>
          %dma_wait3A_451 = arith.constant 0 : i32
          %dma_wait3A_452 = arith.constant 0 : i32
          %dma_wait3A_453 = tpu.memref_slice %arg2[%dma_wait3A_451, %dma_wait3A_452] : memref<10000x128xf32, #tpu.memory_space<hbm>> -> memref<80x128xf32, #tpu.memory_space<hbm>>
          tpu.wait_dma2 semaphore(%arg24 : memref<!tpu.dma_semaphore, #tpu.memory_space<semaphore_mem>>) src(%dma_wait3A_453 : memref<80x128xf32, #tpu.memory_space<hbm>>) dst(%arg11 : memref<80x128xf32, #tpu.memory_space<vmem>>)
        } else {
        }
        %add3A_442 = arith.constant 4 : i32
        %add3A_443 = arith.addi %add3A_398, %add3A_442 : i32
        %lt3A_444 = arith.cmpi slt, %add3A_443, %reduce_max3A_10 : i32
        %convert_element_type3A_445 = arith.extui %lt3A_444 : i1 to i32
        %cond3A_446 = arith.constant 0 : i32
        %cond3A_447 = arith.cmpi ne, %convert_element_type3A_445, %cond3A_446 : i32
        scf.if %cond3A_447 {
          %add3A_448 = arith.constant 4 : i32
          %add3A_449 = arith.addi %add3A_398, %add3A_448 : i32
          %mul3A_450 = arith.constant 80 : i32
          %mul3A_451 = arith.muli %add3A_449, %mul3A_450 : i32
          %dma_start3A_452 = tpu.memref_slice %arg9[%mul3A_451] : memref<10080xi32, #tpu.memory_space<vmem>> -> memref<80xi32, #tpu.memory_space<vmem>>
          %dma_start3A_453 = arith.constant 0 : i32
          %dma_start3A_454 = arith.constant 0 : i32
          %dma_start3A_455 = tpu.memref_slice %arg2[%dma_start3A_453, %dma_start3A_454] : memref<10000x128xf32, #tpu.memory_space<hbm>> -> memref<10000x128xf32, #tpu.memory_space<hbm>>
          tpu.enqueue_indirect_dma source(%dma_start3A_455 : memref<10000x128xf32, #tpu.memory_space<hbm>>) target(%arg11 : memref<80x128xf32, #tpu.memory_space<vmem>>) offsets(%dma_start3A_452 : memref<80xi32, #tpu.memory_space<vmem>>) semaphore(%arg18 : memref<!tpu.dma_semaphore, #tpu.memory_space<semaphore_mem>>)
        } else {
        }
      } else {
      }
      %mul3A_403 = arith.constant 6 : i32
      %mul3A_404 = arith.muli %mul3A_403, %while3A_378 : i32
      %add3A_405 = arith.constant 3 : i32
      %add3A_406 = arith.addi %mul3A_404, %add3A_405 : i32
      %lt3A_407 = arith.cmpi slt, %add3A_406, %reduce_max3A_10 : i32
      %convert_element_type3A_408 = arith.extui %lt3A_407 : i1 to i32
      %cond3A_409 = arith.constant 0 : i32
      %cond3A_410 = arith.cmpi ne, %convert_element_type3A_408, %cond3A_409 : i32
      scf.if %cond3A_410 {
        %dma_wait3A = arith.constant 0 : i32
        %dma_wait3A_427 = arith.constant 0 : i32
        %dma_wait3A_428 = tpu.memref_slice %arg2[%dma_wait3A, %dma_wait3A_427] : memref<10000x128xf32, #tpu.memory_space<hbm>> -> memref<80x128xf32, #tpu.memory_space<hbm>>
        %dma_wait3A_429 = arith.constant 0 : i32
        %dma_wait3A_430 = arith.constant 0 : i32
        %dma_wait3A_431 = tpu.memref_slice %arg2[%dma_wait3A_429, %dma_wait3A_430] : memref<10000x128xf32, #tpu.memory_space<hbm>> -> memref<80x128xf32, #tpu.memory_space<hbm>>
        tpu.wait_dma2 semaphore(%arg21 : memref<!tpu.dma_semaphore, #tpu.memory_space<semaphore_mem>>) src(%dma_wait3A_431 : memref<80x128xf32, #tpu.memory_space<hbm>>) dst(%arg14 : memref<80x128xf32, #tpu.memory_space<vmem>>)
        %dma_start3A = arith.constant 0 : i32
        %dma_start3A_432 = tpu.memref_slice %arg10[%add3A_406, %dma_start3A] : memref<127x80xi32, #tpu.memory_space<vmem>> -> memref<1x80xi32, #tpu.memory_space<vmem>>
        %dma_start3A_433 = tpu.memref_squeeze %dma_start3A_432 : memref<1x80xi32, #tpu.memory_space<vmem>> -> memref<80xi32, #tpu.memory_space<vmem>>
        %dma_start3A_434 = arith.constant 0 : i32
        %dma_start3A_435 = arith.constant 0 : i32
        %dma_start3A_436 = tpu.memref_slice %arg17[%dma_start3A_434, %dma_start3A_435] : memref<1152x128xf32, #tpu.memory_space<vmem_shared>> -> memref<1152x128xf32, #tpu.memory_space<vmem_shared>>
        tpu.enqueue_indirect_dma source(%arg14 : memref<80x128xf32, #tpu.memory_space<vmem>>) target(%dma_start3A_436 : memref<1152x128xf32, #tpu.memory_space<vmem_shared>>) offsets(%dma_start3A_433 : memref<80xi32, #tpu.memory_space<vmem>>) semaphore(%arg27 : memref<!tpu.dma_semaphore, #tpu.memory_space<semaphore_mem>>) {add = true}
        %ge3A_437 = arith.constant 2 : i32
        %ge3A_438 = arith.cmpi sge, %add3A_406, %ge3A_437 : i32
        %convert_element_type3A_439 = arith.extui %ge3A_438 : i1 to i32
        %cond3A_440 = arith.constant 0 : i32
        %cond3A_441 = arith.cmpi ne, %convert_element_type3A_439, %cond3A_440 : i32
        scf.if %cond3A_441 {
          %dma_wait3A_448 = arith.constant 0 : i32
          %dma_wait3A_449 = arith.constant 0 : i32
          %dma_wait3A_450 = tpu.memref_slice %arg2[%dma_wait3A_448, %dma_wait3A_449] : memref<10000x128xf32, #tpu.memory_space<hbm>> -> memref<80x128xf32, #tpu.memory_space<hbm>>
          %dma_wait3A_451 = arith.constant 0 : i32
          %dma_wait3A_452 = arith.constant 0 : i32
          %dma_wait3A_453 = tpu.memref_slice %arg2[%dma_wait3A_451, %dma_wait3A_452] : memref<10000x128xf32, #tpu.memory_space<hbm>> -> memref<80x128xf32, #tpu.memory_space<hbm>>
          tpu.wait_dma2 semaphore(%arg25 : memref<!tpu.dma_semaphore, #tpu.memory_space<semaphore_mem>>) src(%dma_wait3A_453 : memref<80x128xf32, #tpu.memory_space<hbm>>) dst(%arg12 : memref<80x128xf32, #tpu.memory_space<vmem>>)
        } else {
        }
        %add3A_442 = arith.constant 4 : i32
        %add3A_443 = arith.addi %add3A_406, %add3A_442 : i32
        %lt3A_444 = arith.cmpi slt, %add3A_443, %reduce_max3A_10 : i32
        %convert_element_type3A_445 = arith.extui %lt3A_444 : i1 to i32
        %cond3A_446 = arith.constant 0 : i32
        %cond3A_447 = arith.cmpi ne, %convert_element_type3A_445, %cond3A_446 : i32
        scf.if %cond3A_447 {
          %add3A_448 = arith.constant 4 : i32
          %add3A_449 = arith.addi %add3A_406, %add3A_448 : i32
          %mul3A_450 = arith.constant 80 : i32
          %mul3A_451 = arith.muli %add3A_449, %mul3A_450 : i32
          %dma_start3A_452 = tpu.memref_slice %arg9[%mul3A_451] : memref<10080xi32, #tpu.memory_space<vmem>> -> memref<80xi32, #tpu.memory_space<vmem>>
          %dma_start3A_453 = arith.constant 0 : i32
          %dma_start3A_454 = arith.constant 0 : i32
          %dma_start3A_455 = tpu.memref_slice %arg2[%dma_start3A_453, %dma_start3A_454] : memref<10000x128xf32, #tpu.memory_space<hbm>> -> memref<10000x128xf32, #tpu.memory_space<hbm>>
          tpu.enqueue_indirect_dma source(%dma_start3A_455 : memref<10000x128xf32, #tpu.memory_space<hbm>>) target(%arg12 : memref<80x128xf32, #tpu.memory_space<vmem>>) offsets(%dma_start3A_452 : memref<80xi32, #tpu.memory_space<vmem>>) semaphore(%arg19 : memref<!tpu.dma_semaphore, #tpu.memory_space<semaphore_mem>>)
        } else {
        }
      } else {
      }
      %mul3A_411 = arith.constant 6 : i32
      %mul3A_412 = arith.muli %mul3A_411, %while3A_378 : i32
      %add3A_413 = arith.constant 4 : i32
      %add3A_414 = arith.addi %mul3A_412, %add3A_413 : i32
      %lt3A_415 = arith.cmpi slt, %add3A_414, %reduce_max3A_10 : i32
      %convert_element_type3A_416 = arith.extui %lt3A_415 : i1 to i32
      %cond3A_417 = arith.constant 0 : i32
      %cond3A_418 = arith.cmpi ne, %convert_element_type3A_416, %cond3A_417 : i32
      scf.if %cond3A_418 {
        %dma_wait3A = arith.constant 0 : i32
        %dma_wait3A_427 = arith.constant 0 : i32
        %dma_wait3A_428 = tpu.memref_slice %arg2[%dma_wait3A, %dma_wait3A_427] : memref<10000x128xf32, #tpu.memory_space<hbm>> -> memref<80x128xf32, #tpu.memory_space<hbm>>
        %dma_wait3A_429 = arith.constant 0 : i32
        %dma_wait3A_430 = arith.constant 0 : i32
        %dma_wait3A_431 = tpu.memref_slice %arg2[%dma_wait3A_429, %dma_wait3A_430] : memref<10000x128xf32, #tpu.memory_space<hbm>> -> memref<80x128xf32, #tpu.memory_space<hbm>>
        tpu.wait_dma2 semaphore(%arg22 : memref<!tpu.dma_semaphore, #tpu.memory_space<semaphore_mem>>) src(%dma_wait3A_431 : memref<80x128xf32, #tpu.memory_space<hbm>>) dst(%arg15 : memref<80x128xf32, #tpu.memory_space<vmem>>)
        %dma_start3A = arith.constant 0 : i32
        %dma_start3A_432 = tpu.memref_slice %arg10[%add3A_414, %dma_start3A] : memref<127x80xi32, #tpu.memory_space<vmem>> -> memref<1x80xi32, #tpu.memory_space<vmem>>
        %dma_start3A_433 = tpu.memref_squeeze %dma_start3A_432 : memref<1x80xi32, #tpu.memory_space<vmem>> -> memref<80xi32, #tpu.memory_space<vmem>>
        %dma_start3A_434 = arith.constant 0 : i32
        %dma_start3A_435 = arith.constant 0 : i32
        %dma_start3A_436 = tpu.memref_slice %arg17[%dma_start3A_434, %dma_start3A_435] : memref<1152x128xf32, #tpu.memory_space<vmem_shared>> -> memref<1152x128xf32, #tpu.memory_space<vmem_shared>>
        tpu.enqueue_indirect_dma source(%arg15 : memref<80x128xf32, #tpu.memory_space<vmem>>) target(%dma_start3A_436 : memref<1152x128xf32, #tpu.memory_space<vmem_shared>>) offsets(%dma_start3A_433 : memref<80xi32, #tpu.memory_space<vmem>>) semaphore(%arg28 : memref<!tpu.dma_semaphore, #tpu.memory_space<semaphore_mem>>) {add = true}
        %ge3A_437 = arith.constant 2 : i32
        %ge3A_438 = arith.cmpi sge, %add3A_414, %ge3A_437 : i32
        %convert_element_type3A_439 = arith.extui %ge3A_438 : i1 to i32
        %cond3A_440 = arith.constant 0 : i32
        %cond3A_441 = arith.cmpi ne, %convert_element_type3A_439, %cond3A_440 : i32
        scf.if %cond3A_441 {
          %dma_wait3A_448 = arith.constant 0 : i32
          %dma_wait3A_449 = arith.constant 0 : i32
          %dma_wait3A_450 = tpu.memref_slice %arg2[%dma_wait3A_448, %dma_wait3A_449] : memref<10000x128xf32, #tpu.memory_space<hbm>> -> memref<80x128xf32, #tpu.memory_space<hbm>>
          %dma_wait3A_451 = arith.constant 0 : i32
          %dma_wait3A_452 = arith.constant 0 : i32
          %dma_wait3A_453 = tpu.memref_slice %arg2[%dma_wait3A_451, %dma_wait3A_452] : memref<10000x128xf32, #tpu.memory_space<hbm>> -> memref<80x128xf32, #tpu.memory_space<hbm>>
          tpu.wait_dma2 semaphore(%arg26 : memref<!tpu.dma_semaphore, #tpu.memory_space<semaphore_mem>>) src(%dma_wait3A_453 : memref<80x128xf32, #tpu.memory_space<hbm>>) dst(%arg13 : memref<80x128xf32, #tpu.memory_space<vmem>>)
        } else {
        }
        %add3A_442 = arith.constant 4 : i32
        %add3A_443 = arith.addi %add3A_414, %add3A_442 : i32
        %lt3A_444 = arith.cmpi slt, %add3A_443, %reduce_max3A_10 : i32
        %convert_element_type3A_445 = arith.extui %lt3A_444 : i1 to i32
        %cond3A_446 = arith.constant 0 : i32
        %cond3A_447 = arith.cmpi ne, %convert_element_type3A_445, %cond3A_446 : i32
        scf.if %cond3A_447 {
          %add3A_448 = arith.constant 4 : i32
          %add3A_449 = arith.addi %add3A_414, %add3A_448 : i32
          %mul3A_450 = arith.constant 80 : i32
          %mul3A_451 = arith.muli %add3A_449, %mul3A_450 : i32
          %dma_start3A_452 = tpu.memref_slice %arg9[%mul3A_451] : memref<10080xi32, #tpu.memory_space<vmem>> -> memref<80xi32, #tpu.memory_space<vmem>>
          %dma_start3A_453 = arith.constant 0 : i32
          %dma_start3A_454 = arith.constant 0 : i32
          %dma_start3A_455 = tpu.memref_slice %arg2[%dma_start3A_453, %dma_start3A_454] : memref<10000x128xf32, #tpu.memory_space<hbm>> -> memref<10000x128xf32, #tpu.memory_space<hbm>>
          tpu.enqueue_indirect_dma source(%dma_start3A_455 : memref<10000x128xf32, #tpu.memory_space<hbm>>) target(%arg13 : memref<80x128xf32, #tpu.memory_space<vmem>>) offsets(%dma_start3A_452 : memref<80xi32, #tpu.memory_space<vmem>>) semaphore(%arg20 : memref<!tpu.dma_semaphore, #tpu.memory_space<semaphore_mem>>)
        } else {
        }
      } else {
      }
      %mul3A_419 = arith.constant 6 : i32
      %mul3A_420 = arith.muli %mul3A_419, %while3A_378 : i32
      %add3A_421 = arith.constant 5 : i32
      %add3A_422 = arith.addi %mul3A_420, %add3A_421 : i32
      %lt3A_423 = arith.cmpi slt, %add3A_422, %reduce_max3A_10 : i32
      %convert_element_type3A_424 = arith.extui %lt3A_423 : i1 to i32
      %cond3A_425 = arith.constant 0 : i32
      %cond3A_426 = arith.cmpi ne, %convert_element_type3A_424, %cond3A_425 : i32
      scf.if %cond3A_426 {
        %dma_wait3A = arith.constant 0 : i32
        %dma_wait3A_427 = arith.constant 0 : i32
        %dma_wait3A_428 = tpu.memref_slice %arg2[%dma_wait3A, %dma_wait3A_427] : memref<10000x128xf32, #tpu.memory_space<hbm>> -> memref<80x128xf32, #tpu.memory_space<hbm>>
        %dma_wait3A_429 = arith.constant 0 : i32
        %dma_wait3A_430 = arith.constant 0 : i32
        %dma_wait3A_431 = tpu.memref_slice %arg2[%dma_wait3A_429, %dma_wait3A_430] : memref<10000x128xf32, #tpu.memory_space<hbm>> -> memref<80x128xf32, #tpu.memory_space<hbm>>
        tpu.wait_dma2 semaphore(%arg23 : memref<!tpu.dma_semaphore, #tpu.memory_space<semaphore_mem>>) src(%dma_wait3A_431 : memref<80x128xf32, #tpu.memory_space<hbm>>) dst(%arg16 : memref<80x128xf32, #tpu.memory_space<vmem>>)
        %dma_start3A = arith.constant 0 : i32
        %dma_start3A_432 = tpu.memref_slice %arg10[%add3A_422, %dma_start3A] : memref<127x80xi32, #tpu.memory_space<vmem>> -> memref<1x80xi32, #tpu.memory_space<vmem>>
        %dma_start3A_433 = tpu.memref_squeeze %dma_start3A_432 : memref<1x80xi32, #tpu.memory_space<vmem>> -> memref<80xi32, #tpu.memory_space<vmem>>
        %dma_start3A_434 = arith.constant 0 : i32
        %dma_start3A_435 = arith.constant 0 : i32
        %dma_start3A_436 = tpu.memref_slice %arg17[%dma_start3A_434, %dma_start3A_435] : memref<1152x128xf32, #tpu.memory_space<vmem_shared>> -> memref<1152x128xf32, #tpu.memory_space<vmem_shared>>
        tpu.enqueue_indirect_dma source(%arg16 : memref<80x128xf32, #tpu.memory_space<vmem>>) target(%dma_start3A_436 : memref<1152x128xf32, #tpu.memory_space<vmem_shared>>) offsets(%dma_start3A_433 : memref<80xi32, #tpu.memory_space<vmem>>) semaphore(%arg29 : memref<!tpu.dma_semaphore, #tpu.memory_space<semaphore_mem>>) {add = true}
        %ge3A_437 = arith.constant 2 : i32
        %ge3A_438 = arith.cmpi sge, %add3A_422, %ge3A_437 : i32
        %convert_element_type3A_439 = arith.extui %ge3A_438 : i1 to i32
        %cond3A_440 = arith.constant 0 : i32
        %cond3A_441 = arith.cmpi ne, %convert_element_type3A_439, %cond3A_440 : i32
        scf.if %cond3A_441 {
          %dma_wait3A_448 = arith.constant 0 : i32
          %dma_wait3A_449 = arith.constant 0 : i32
          %dma_wait3A_450 = tpu.memref_slice %arg2[%dma_wait3A_448, %dma_wait3A_449] : memref<10000x128xf32, #tpu.memory_space<hbm>> -> memref<80x128xf32, #tpu.memory_space<hbm>>
          %dma_wait3A_451 = arith.constant 0 : i32
          %dma_wait3A_452 = arith.constant 0 : i32
          %dma_wait3A_453 = tpu.memref_slice %arg2[%dma_wait3A_451, %dma_wait3A_452] : memref<10000x128xf32, #tpu.memory_space<hbm>> -> memref<80x128xf32, #tpu.memory_space<hbm>>
          tpu.wait_dma2 semaphore(%arg27 : memref<!tpu.dma_semaphore, #tpu.memory_space<semaphore_mem>>) src(%dma_wait3A_453 : memref<80x128xf32, #tpu.memory_space<hbm>>) dst(%arg14 : memref<80x128xf32, #tpu.memory_space<vmem>>)
        } else {
        }
        %add3A_442 = arith.constant 4 : i32
        %add3A_443 = arith.addi %add3A_422, %add3A_442 : i32
        %lt3A_444 = arith.cmpi slt, %add3A_443, %reduce_max3A_10 : i32
        %convert_element_type3A_445 = arith.extui %lt3A_444 : i1 to i32
        %cond3A_446 = arith.constant 0 : i32
        %cond3A_447 = arith.cmpi ne, %convert_element_type3A_445, %cond3A_446 : i32
        scf.if %cond3A_447 {
          %add3A_448 = arith.constant 4 : i32
          %add3A_449 = arith.addi %add3A_422, %add3A_448 : i32
          %mul3A_450 = arith.constant 80 : i32
          %mul3A_451 = arith.muli %add3A_449, %mul3A_450 : i32
          %dma_start3A_452 = tpu.memref_slice %arg9[%mul3A_451] : memref<10080xi32, #tpu.memory_space<vmem>> -> memref<80xi32, #tpu.memory_space<vmem>>
          %dma_start3A_453 = arith.constant 0 : i32
          %dma_start3A_454 = arith.constant 0 : i32
          %dma_start3A_455 = tpu.memref_slice %arg2[%dma_start3A_453, %dma_start3A_454] : memref<10000x128xf32, #tpu.memory_space<hbm>> -> memref<10000x128xf32, #tpu.memory_space<hbm>>
          tpu.enqueue_indirect_dma source(%dma_start3A_455 : memref<10000x128xf32, #tpu.memory_space<hbm>>) target(%arg14 : memref<80x128xf32, #tpu.memory_space<vmem>>) offsets(%dma_start3A_452 : memref<80xi32, #tpu.memory_space<vmem>>) semaphore(%arg21 : memref<!tpu.dma_semaphore, #tpu.memory_space<semaphore_mem>>)
        } else {
        }
      } else {
      }
    }
    %ge3A = arith.constant 1 : i32
    %ge3A_64 = arith.cmpi sge, %reduce_max3A_10, %ge3A : i32
    %sub3A_65 = arith.constant 1 : i32
    %sub3A_66 = arith.subi %reduce_max3A_10, %sub3A_65 : i32
    %jit3A_67 = arith.constant 6 : i32
    %eq3A = arith.constant 0 : i32
    %eq3A_68 = arith.cmpi eq, %jit3A_67, %eq3A : i32
    %jit3A_69 = arith.constant 1 : i32
    %select_n3A_70 = arith.select %eq3A_68, %jit3A_69, %jit3A_67 : i32
    %rem3A_71 = arith.remsi %sub3A_66, %select_n3A_70 : i32
    %ne3A_72 = arith.constant 0 : i32
    %ne3A_73 = arith.cmpi ne, %rem3A_71, %ne3A_72 : i32
    %lt3A = arith.constant 0 : i32
    %lt3A_74 = arith.cmpi slt, %rem3A_71, %lt3A : i32
    %lt3A_75 = arith.constant 0 : i32
    %lt3A_76 = arith.cmpi slt, %select_n3A_70, %lt3A_75 : i32
    %ne3A_77 = arith.xori %lt3A_74, %lt3A_76 : i1
    %and3A_78 = arith.andi %ne3A_77, %ne3A_73 : i1
    %add3A_79 = arith.addi %rem3A_71, %select_n3A_70 : i32
    %select_n3A_80 = arith.select %and3A_78, %add3A_79, %rem3A_71 : i32
    %eq3A_81 = arith.constant 0 : i32
    %eq3A_82 = arith.cmpi eq, %select_n3A_80, %eq3A_81 : i32
    %and3A_83 = arith.andi %ge3A_64, %eq3A_82 : i1
    %convert_element_type3A_84 = arith.extui %and3A_83 : i1 to i32
    %cond3A_85 = arith.constant 0 : i32
    %cond3A_86 = arith.cmpi ne, %convert_element_type3A_84, %cond3A_85 : i32
    scf.if %cond3A_86 {
      %dma_wait3A = arith.constant 0 : i32
      %dma_wait3A_378 = arith.constant 0 : i32
      %dma_wait3A_379 = tpu.memref_slice %arg2[%dma_wait3A, %dma_wait3A_378] : memref<10000x128xf32, #tpu.memory_space<hbm>> -> memref<80x128xf32, #tpu.memory_space<hbm>>
      %dma_wait3A_380 = arith.constant 0 : i32
      %dma_wait3A_381 = arith.constant 0 : i32
      %dma_wait3A_382 = tpu.memref_slice %arg2[%dma_wait3A_380, %dma_wait3A_381] : memref<10000x128xf32, #tpu.memory_space<hbm>> -> memref<80x128xf32, #tpu.memory_space<hbm>>
      tpu.wait_dma2 semaphore(%arg24 : memref<!tpu.dma_semaphore, #tpu.memory_space<semaphore_mem>>) src(%dma_wait3A_382 : memref<80x128xf32, #tpu.memory_space<hbm>>) dst(%arg11 : memref<80x128xf32, #tpu.memory_space<vmem>>)
    } else {
    }
    %ge3A_87 = arith.constant 1 : i32
    %ge3A_88 = arith.cmpi sge, %reduce_max3A_10, %ge3A_87 : i32
    %sub3A_89 = arith.constant 1 : i32
    %sub3A_90 = arith.subi %reduce_max3A_10, %sub3A_89 : i32
    %jit3A_91 = arith.constant 6 : i32
    %eq3A_92 = arith.constant 0 : i32
    %eq3A_93 = arith.cmpi eq, %jit3A_91, %eq3A_92 : i32
    %jit3A_94 = arith.constant 1 : i32
    %select_n3A_95 = arith.select %eq3A_93, %jit3A_94, %jit3A_91 : i32
    %rem3A_96 = arith.remsi %sub3A_90, %select_n3A_95 : i32
    %ne3A_97 = arith.constant 0 : i32
    %ne3A_98 = arith.cmpi ne, %rem3A_96, %ne3A_97 : i32
    %lt3A_99 = arith.constant 0 : i32
    %lt3A_100 = arith.cmpi slt, %rem3A_96, %lt3A_99 : i32
    %lt3A_101 = arith.constant 0 : i32
    %lt3A_102 = arith.cmpi slt, %select_n3A_95, %lt3A_101 : i32
    %ne3A_103 = arith.xori %lt3A_100, %lt3A_102 : i1
    %and3A_104 = arith.andi %ne3A_103, %ne3A_98 : i1
    %add3A_105 = arith.addi %rem3A_96, %select_n3A_95 : i32
    %select_n3A_106 = arith.select %and3A_104, %add3A_105, %rem3A_96 : i32
    %eq3A_107 = arith.constant 1 : i32
    %eq3A_108 = arith.cmpi eq, %select_n3A_106, %eq3A_107 : i32
    %and3A_109 = arith.andi %ge3A_88, %eq3A_108 : i1
    %convert_element_type3A_110 = arith.extui %and3A_109 : i1 to i32
    %cond3A_111 = arith.constant 0 : i32
    %cond3A_112 = arith.cmpi ne, %convert_element_type3A_110, %cond3A_111 : i32
    scf.if %cond3A_112 {
      %dma_wait3A = arith.constant 0 : i32
      %dma_wait3A_378 = arith.constant 0 : i32
      %dma_wait3A_379 = tpu.memref_slice %arg2[%dma_wait3A, %dma_wait3A_378] : memref<10000x128xf32, #tpu.memory_space<hbm>> -> memref<80x128xf32, #tpu.memory_space<hbm>>
      %dma_wait3A_380 = arith.constant 0 : i32
      %dma_wait3A_381 = arith.constant 0 : i32
      %dma_wait3A_382 = tpu.memref_slice %arg2[%dma_wait3A_380, %dma_wait3A_381] : memref<10000x128xf32, #tpu.memory_space<hbm>> -> memref<80x128xf32, #tpu.memory_space<hbm>>
      tpu.wait_dma2 semaphore(%arg25 : memref<!tpu.dma_semaphore, #tpu.memory_space<semaphore_mem>>) src(%dma_wait3A_382 : memref<80x128xf32, #tpu.memory_space<hbm>>) dst(%arg12 : memref<80x128xf32, #tpu.memory_space<vmem>>)
    } else {
    }
    %ge3A_113 = arith.constant 1 : i32
    %ge3A_114 = arith.cmpi sge, %reduce_max3A_10, %ge3A_113 : i32
    %sub3A_115 = arith.constant 1 : i32
    %sub3A_116 = arith.subi %reduce_max3A_10, %sub3A_115 : i32
    %jit3A_117 = arith.constant 6 : i32
    %eq3A_118 = arith.constant 0 : i32
    %eq3A_119 = arith.cmpi eq, %jit3A_117, %eq3A_118 : i32
    %jit3A_120 = arith.constant 1 : i32
    %select_n3A_121 = arith.select %eq3A_119, %jit3A_120, %jit3A_117 : i32
    %rem3A_122 = arith.remsi %sub3A_116, %select_n3A_121 : i32
    %ne3A_123 = arith.constant 0 : i32
    %ne3A_124 = arith.cmpi ne, %rem3A_122, %ne3A_123 : i32
    %lt3A_125 = arith.constant 0 : i32
    %lt3A_126 = arith.cmpi slt, %rem3A_122, %lt3A_125 : i32
    %lt3A_127 = arith.constant 0 : i32
    %lt3A_128 = arith.cmpi slt, %select_n3A_121, %lt3A_127 : i32
    %ne3A_129 = arith.xori %lt3A_126, %lt3A_128 : i1
    %and3A_130 = arith.andi %ne3A_129, %ne3A_124 : i1
    %add3A_131 = arith.addi %rem3A_122, %select_n3A_121 : i32
    %select_n3A_132 = arith.select %and3A_130, %add3A_131, %rem3A_122 : i32
    %eq3A_133 = arith.constant 2 : i32
    %eq3A_134 = arith.cmpi eq, %select_n3A_132, %eq3A_133 : i32
    %and3A_135 = arith.andi %ge3A_114, %eq3A_134 : i1
    %convert_element_type3A_136 = arith.extui %and3A_135 : i1 to i32
    %cond3A_137 = arith.constant 0 : i32
    %cond3A_138 = arith.cmpi ne, %convert_element_type3A_136, %cond3A_137 : i32
    scf.if %cond3A_138 {
      %dma_wait3A = arith.constant 0 : i32
      %dma_wait3A_378 = arith.constant 0 : i32
      %dma_wait3A_379 = tpu.memref_slice %arg2[%dma_wait3A, %dma_wait3A_378] : memref<10000x128xf32, #tpu.memory_space<hbm>> -> memref<80x128xf32, #tpu.memory_space<hbm>>
      %dma_wait3A_380 = arith.constant 0 : i32
      %dma_wait3A_381 = arith.constant 0 : i32
      %dma_wait3A_382 = tpu.memref_slice %arg2[%dma_wait3A_380, %dma_wait3A_381] : memref<10000x128xf32, #tpu.memory_space<hbm>> -> memref<80x128xf32, #tpu.memory_space<hbm>>
      tpu.wait_dma2 semaphore(%arg26 : memref<!tpu.dma_semaphore, #tpu.memory_space<semaphore_mem>>) src(%dma_wait3A_382 : memref<80x128xf32, #tpu.memory_space<hbm>>) dst(%arg13 : memref<80x128xf32, #tpu.memory_space<vmem>>)
    } else {
    }
    %ge3A_139 = arith.constant 1 : i32
    %ge3A_140 = arith.cmpi sge, %reduce_max3A_10, %ge3A_139 : i32
    %sub3A_141 = arith.constant 1 : i32
    %sub3A_142 = arith.subi %reduce_max3A_10, %sub3A_141 : i32
    %jit3A_143 = arith.constant 6 : i32
    %eq3A_144 = arith.constant 0 : i32
    %eq3A_145 = arith.cmpi eq, %jit3A_143, %eq3A_144 : i32
    %jit3A_146 = arith.constant 1 : i32
    %select_n3A_147 = arith.select %eq3A_145, %jit3A_146, %jit3A_143 : i32
    %rem3A_148 = arith.remsi %sub3A_142, %select_n3A_147 : i32
    %ne3A_149 = arith.constant 0 : i32
    %ne3A_150 = arith.cmpi ne, %rem3A_148, %ne3A_149 : i32
    %lt3A_151 = arith.constant 0 : i32
    %lt3A_152 = arith.cmpi slt, %rem3A_148, %lt3A_151 : i32
    %lt3A_153 = arith.constant 0 : i32
    %lt3A_154 = arith.cmpi slt, %select_n3A_147, %lt3A_153 : i32
    %ne3A_155 = arith.xori %lt3A_152, %lt3A_154 : i1
    %and3A_156 = arith.andi %ne3A_155, %ne3A_150 : i1
    %add3A_157 = arith.addi %rem3A_148, %select_n3A_147 : i32
    %select_n3A_158 = arith.select %and3A_156, %add3A_157, %rem3A_148 : i32
    %eq3A_159 = arith.constant 3 : i32
    %eq3A_160 = arith.cmpi eq, %select_n3A_158, %eq3A_159 : i32
    %and3A_161 = arith.andi %ge3A_140, %eq3A_160 : i1
    %convert_element_type3A_162 = arith.extui %and3A_161 : i1 to i32
    %cond3A_163 = arith.constant 0 : i32
    %cond3A_164 = arith.cmpi ne, %convert_element_type3A_162, %cond3A_163 : i32
    scf.if %cond3A_164 {
      %dma_wait3A = arith.constant 0 : i32
      %dma_wait3A_378 = arith.constant 0 : i32
      %dma_wait3A_379 = tpu.memref_slice %arg2[%dma_wait3A, %dma_wait3A_378] : memref<10000x128xf32, #tpu.memory_space<hbm>> -> memref<80x128xf32, #tpu.memory_space<hbm>>
      %dma_wait3A_380 = arith.constant 0 : i32
      %dma_wait3A_381 = arith.constant 0 : i32
      %dma_wait3A_382 = tpu.memref_slice %arg2[%dma_wait3A_380, %dma_wait3A_381] : memref<10000x128xf32, #tpu.memory_space<hbm>> -> memref<80x128xf32, #tpu.memory_space<hbm>>
      tpu.wait_dma2 semaphore(%arg27 : memref<!tpu.dma_semaphore, #tpu.memory_space<semaphore_mem>>) src(%dma_wait3A_382 : memref<80x128xf32, #tpu.memory_space<hbm>>) dst(%arg14 : memref<80x128xf32, #tpu.memory_space<vmem>>)
    } else {
    }
    %ge3A_165 = arith.constant 1 : i32
    %ge3A_166 = arith.cmpi sge, %reduce_max3A_10, %ge3A_165 : i32
    %sub3A_167 = arith.constant 1 : i32
    %sub3A_168 = arith.subi %reduce_max3A_10, %sub3A_167 : i32
    %jit3A_169 = arith.constant 6 : i32
    %eq3A_170 = arith.constant 0 : i32
    %eq3A_171 = arith.cmpi eq, %jit3A_169, %eq3A_170 : i32
    %jit3A_172 = arith.constant 1 : i32
    %select_n3A_173 = arith.select %eq3A_171, %jit3A_172, %jit3A_169 : i32
    %rem3A_174 = arith.remsi %sub3A_168, %select_n3A_173 : i32
    %ne3A_175 = arith.constant 0 : i32
    %ne3A_176 = arith.cmpi ne, %rem3A_174, %ne3A_175 : i32
    %lt3A_177 = arith.constant 0 : i32
    %lt3A_178 = arith.cmpi slt, %rem3A_174, %lt3A_177 : i32
    %lt3A_179 = arith.constant 0 : i32
    %lt3A_180 = arith.cmpi slt, %select_n3A_173, %lt3A_179 : i32
    %ne3A_181 = arith.xori %lt3A_178, %lt3A_180 : i1
    %and3A_182 = arith.andi %ne3A_181, %ne3A_176 : i1
    %add3A_183 = arith.addi %rem3A_174, %select_n3A_173 : i32
    %select_n3A_184 = arith.select %and3A_182, %add3A_183, %rem3A_174 : i32
    %eq3A_185 = arith.constant 4 : i32
    %eq3A_186 = arith.cmpi eq, %select_n3A_184, %eq3A_185 : i32
    %and3A_187 = arith.andi %ge3A_166, %eq3A_186 : i1
    %convert_element_type3A_188 = arith.extui %and3A_187 : i1 to i32
    %cond3A_189 = arith.constant 0 : i32
    %cond3A_190 = arith.cmpi ne, %convert_element_type3A_188, %cond3A_189 : i32
    scf.if %cond3A_190 {
      %dma_wait3A = arith.constant 0 : i32
      %dma_wait3A_378 = arith.constant 0 : i32
      %dma_wait3A_379 = tpu.memref_slice %arg2[%dma_wait3A, %dma_wait3A_378] : memref<10000x128xf32, #tpu.memory_space<hbm>> -> memref<80x128xf32, #tpu.memory_space<hbm>>
      %dma_wait3A_380 = arith.constant 0 : i32
      %dma_wait3A_381 = arith.constant 0 : i32
      %dma_wait3A_382 = tpu.memref_slice %arg2[%dma_wait3A_380, %dma_wait3A_381] : memref<10000x128xf32, #tpu.memory_space<hbm>> -> memref<80x128xf32, #tpu.memory_space<hbm>>
      tpu.wait_dma2 semaphore(%arg28 : memref<!tpu.dma_semaphore, #tpu.memory_space<semaphore_mem>>) src(%dma_wait3A_382 : memref<80x128xf32, #tpu.memory_space<hbm>>) dst(%arg15 : memref<80x128xf32, #tpu.memory_space<vmem>>)
    } else {
    }
    %ge3A_191 = arith.constant 1 : i32
    %ge3A_192 = arith.cmpi sge, %reduce_max3A_10, %ge3A_191 : i32
    %sub3A_193 = arith.constant 1 : i32
    %sub3A_194 = arith.subi %reduce_max3A_10, %sub3A_193 : i32
    %jit3A_195 = arith.constant 6 : i32
    %eq3A_196 = arith.constant 0 : i32
    %eq3A_197 = arith.cmpi eq, %jit3A_195, %eq3A_196 : i32
    %jit3A_198 = arith.constant 1 : i32
    %select_n3A_199 = arith.select %eq3A_197, %jit3A_198, %jit3A_195 : i32
    %rem3A_200 = arith.remsi %sub3A_194, %select_n3A_199 : i32
    %ne3A_201 = arith.constant 0 : i32
    %ne3A_202 = arith.cmpi ne, %rem3A_200, %ne3A_201 : i32
    %lt3A_203 = arith.constant 0 : i32
    %lt3A_204 = arith.cmpi slt, %rem3A_200, %lt3A_203 : i32
    %lt3A_205 = arith.constant 0 : i32
    %lt3A_206 = arith.cmpi slt, %select_n3A_199, %lt3A_205 : i32
    %ne3A_207 = arith.xori %lt3A_204, %lt3A_206 : i1
    %and3A_208 = arith.andi %ne3A_207, %ne3A_202 : i1
    %add3A_209 = arith.addi %rem3A_200, %select_n3A_199 : i32
    %select_n3A_210 = arith.select %and3A_208, %add3A_209, %rem3A_200 : i32
    %eq3A_211 = arith.constant 5 : i32
    %eq3A_212 = arith.cmpi eq, %select_n3A_210, %eq3A_211 : i32
    %and3A_213 = arith.andi %ge3A_192, %eq3A_212 : i1
    %convert_element_type3A_214 = arith.extui %and3A_213 : i1 to i32
    %cond3A_215 = arith.constant 0 : i32
    %cond3A_216 = arith.cmpi ne, %convert_element_type3A_214, %cond3A_215 : i32
    scf.if %cond3A_216 {
      %dma_wait3A = arith.constant 0 : i32
      %dma_wait3A_378 = arith.constant 0 : i32
      %dma_wait3A_379 = tpu.memref_slice %arg2[%dma_wait3A, %dma_wait3A_378] : memref<10000x128xf32, #tpu.memory_space<hbm>> -> memref<80x128xf32, #tpu.memory_space<hbm>>
      %dma_wait3A_380 = arith.constant 0 : i32
      %dma_wait3A_381 = arith.constant 0 : i32
      %dma_wait3A_382 = tpu.memref_slice %arg2[%dma_wait3A_380, %dma_wait3A_381] : memref<10000x128xf32, #tpu.memory_space<hbm>> -> memref<80x128xf32, #tpu.memory_space<hbm>>
      tpu.wait_dma2 semaphore(%arg29 : memref<!tpu.dma_semaphore, #tpu.memory_space<semaphore_mem>>) src(%dma_wait3A_382 : memref<80x128xf32, #tpu.memory_space<hbm>>) dst(%arg16 : memref<80x128xf32, #tpu.memory_space<vmem>>)
    } else {
    }
    %ge3A_217 = arith.constant 2 : i32
    %ge3A_218 = arith.cmpi sge, %reduce_max3A_10, %ge3A_217 : i32
    %sub3A_219 = arith.constant 2 : i32
    %sub3A_220 = arith.subi %reduce_max3A_10, %sub3A_219 : i32
    %jit3A_221 = arith.constant 6 : i32
    %eq3A_222 = arith.constant 0 : i32
    %eq3A_223 = arith.cmpi eq, %jit3A_221, %eq3A_222 : i32
    %jit3A_224 = arith.constant 1 : i32
    %select_n3A_225 = arith.select %eq3A_223, %jit3A_224, %jit3A_221 : i32
    %rem3A_226 = arith.remsi %sub3A_220, %select_n3A_225 : i32
    %ne3A_227 = arith.constant 0 : i32
    %ne3A_228 = arith.cmpi ne, %rem3A_226, %ne3A_227 : i32
    %lt3A_229 = arith.constant 0 : i32
    %lt3A_230 = arith.cmpi slt, %rem3A_226, %lt3A_229 : i32
    %lt3A_231 = arith.constant 0 : i32
    %lt3A_232 = arith.cmpi slt, %select_n3A_225, %lt3A_231 : i32
    %ne3A_233 = arith.xori %lt3A_230, %lt3A_232 : i1
    %and3A_234 = arith.andi %ne3A_233, %ne3A_228 : i1
    %add3A_235 = arith.addi %rem3A_226, %select_n3A_225 : i32
    %select_n3A_236 = arith.select %and3A_234, %add3A_235, %rem3A_226 : i32
    %eq3A_237 = arith.constant 0 : i32
    %eq3A_238 = arith.cmpi eq, %select_n3A_236, %eq3A_237 : i32
    %and3A_239 = arith.andi %ge3A_218, %eq3A_238 : i1
    %convert_element_type3A_240 = arith.extui %and3A_239 : i1 to i32
    %cond3A_241 = arith.constant 0 : i32
    %cond3A_242 = arith.cmpi ne, %convert_element_type3A_240, %cond3A_241 : i32
    scf.if %cond3A_242 {
      %dma_wait3A = arith.constant 0 : i32
      %dma_wait3A_378 = arith.constant 0 : i32
      %dma_wait3A_379 = tpu.memref_slice %arg2[%dma_wait3A, %dma_wait3A_378] : memref<10000x128xf32, #tpu.memory_space<hbm>> -> memref<80x128xf32, #tpu.memory_space<hbm>>
      %dma_wait3A_380 = arith.constant 0 : i32
      %dma_wait3A_381 = arith.constant 0 : i32
      %dma_wait3A_382 = tpu.memref_slice %arg2[%dma_wait3A_380, %dma_wait3A_381] : memref<10000x128xf32, #tpu.memory_space<hbm>> -> memref<80x128xf32, #tpu.memory_space<hbm>>
      tpu.wait_dma2 semaphore(%arg24 : memref<!tpu.dma_semaphore, #tpu.memory_space<semaphore_mem>>) src(%dma_wait3A_382 : memref<80x128xf32, #tpu.memory_space<hbm>>) dst(%arg11 : memref<80x128xf32, #tpu.memory_space<vmem>>)
    } else {
    }
    %ge3A_243 = arith.constant 2 : i32
    %ge3A_244 = arith.cmpi sge, %reduce_max3A_10, %ge3A_243 : i32
    %sub3A_245 = arith.constant 2 : i32
    %sub3A_246 = arith.subi %reduce_max3A_10, %sub3A_245 : i32
    %jit3A_247 = arith.constant 6 : i32
    %eq3A_248 = arith.constant 0 : i32
    %eq3A_249 = arith.cmpi eq, %jit3A_247, %eq3A_248 : i32
    %jit3A_250 = arith.constant 1 : i32
    %select_n3A_251 = arith.select %eq3A_249, %jit3A_250, %jit3A_247 : i32
    %rem3A_252 = arith.remsi %sub3A_246, %select_n3A_251 : i32
    %ne3A_253 = arith.constant 0 : i32
    %ne3A_254 = arith.cmpi ne, %rem3A_252, %ne3A_253 : i32
    %lt3A_255 = arith.constant 0 : i32
    %lt3A_256 = arith.cmpi slt, %rem3A_252, %lt3A_255 : i32
    %lt3A_257 = arith.constant 0 : i32
    %lt3A_258 = arith.cmpi slt, %select_n3A_251, %lt3A_257 : i32
    %ne3A_259 = arith.xori %lt3A_256, %lt3A_258 : i1
    %and3A_260 = arith.andi %ne3A_259, %ne3A_254 : i1
    %add3A_261 = arith.addi %rem3A_252, %select_n3A_251 : i32
    %select_n3A_262 = arith.select %and3A_260, %add3A_261, %rem3A_252 : i32
    %eq3A_263 = arith.constant 1 : i32
    %eq3A_264 = arith.cmpi eq, %select_n3A_262, %eq3A_263 : i32
    %and3A_265 = arith.andi %ge3A_244, %eq3A_264 : i1
    %convert_element_type3A_266 = arith.extui %and3A_265 : i1 to i32
    %cond3A_267 = arith.constant 0 : i32
    %cond3A_268 = arith.cmpi ne, %convert_element_type3A_266, %cond3A_267 : i32
    scf.if %cond3A_268 {
      %dma_wait3A = arith.constant 0 : i32
      %dma_wait3A_378 = arith.constant 0 : i32
      %dma_wait3A_379 = tpu.memref_slice %arg2[%dma_wait3A, %dma_wait3A_378] : memref<10000x128xf32, #tpu.memory_space<hbm>> -> memref<80x128xf32, #tpu.memory_space<hbm>>
      %dma_wait3A_380 = arith.constant 0 : i32
      %dma_wait3A_381 = arith.constant 0 : i32
      %dma_wait3A_382 = tpu.memref_slice %arg2[%dma_wait3A_380, %dma_wait3A_381] : memref<10000x128xf32, #tpu.memory_space<hbm>> -> memref<80x128xf32, #tpu.memory_space<hbm>>
      tpu.wait_dma2 semaphore(%arg25 : memref<!tpu.dma_semaphore, #tpu.memory_space<semaphore_mem>>) src(%dma_wait3A_382 : memref<80x128xf32, #tpu.memory_space<hbm>>) dst(%arg12 : memref<80x128xf32, #tpu.memory_space<vmem>>)
    } else {
    }
    %ge3A_269 = arith.constant 2 : i32
    %ge3A_270 = arith.cmpi sge, %reduce_max3A_10, %ge3A_269 : i32
    %sub3A_271 = arith.constant 2 : i32
    %sub3A_272 = arith.subi %reduce_max3A_10, %sub3A_271 : i32
    %jit3A_273 = arith.constant 6 : i32
    %eq3A_274 = arith.constant 0 : i32
    %eq3A_275 = arith.cmpi eq, %jit3A_273, %eq3A_274 : i32
    %jit3A_276 = arith.constant 1 : i32
    %select_n3A_277 = arith.select %eq3A_275, %jit3A_276, %jit3A_273 : i32
    %rem3A_278 = arith.remsi %sub3A_272, %select_n3A_277 : i32
    %ne3A_279 = arith.constant 0 : i32
    %ne3A_280 = arith.cmpi ne, %rem3A_278, %ne3A_279 : i32
    %lt3A_281 = arith.constant 0 : i32
    %lt3A_282 = arith.cmpi slt, %rem3A_278, %lt3A_281 : i32
    %lt3A_283 = arith.constant 0 : i32
    %lt3A_284 = arith.cmpi slt, %select_n3A_277, %lt3A_283 : i32
    %ne3A_285 = arith.xori %lt3A_282, %lt3A_284 : i1
    %and3A_286 = arith.andi %ne3A_285, %ne3A_280 : i1
    %add3A_287 = arith.addi %rem3A_278, %select_n3A_277 : i32
    %select_n3A_288 = arith.select %and3A_286, %add3A_287, %rem3A_278 : i32
    %eq3A_289 = arith.constant 2 : i32
    %eq3A_290 = arith.cmpi eq, %select_n3A_288, %eq3A_289 : i32
    %and3A_291 = arith.andi %ge3A_270, %eq3A_290 : i1
    %convert_element_type3A_292 = arith.extui %and3A_291 : i1 to i32
    %cond3A_293 = arith.constant 0 : i32
    %cond3A_294 = arith.cmpi ne, %convert_element_type3A_292, %cond3A_293 : i32
    scf.if %cond3A_294 {
      %dma_wait3A = arith.constant 0 : i32
      %dma_wait3A_378 = arith.constant 0 : i32
      %dma_wait3A_379 = tpu.memref_slice %arg2[%dma_wait3A, %dma_wait3A_378] : memref<10000x128xf32, #tpu.memory_space<hbm>> -> memref<80x128xf32, #tpu.memory_space<hbm>>
      %dma_wait3A_380 = arith.constant 0 : i32
      %dma_wait3A_381 = arith.constant 0 : i32
      %dma_wait3A_382 = tpu.memref_slice %arg2[%dma_wait3A_380, %dma_wait3A_381] : memref<10000x128xf32, #tpu.memory_space<hbm>> -> memref<80x128xf32, #tpu.memory_space<hbm>>
      tpu.wait_dma2 semaphore(%arg26 : memref<!tpu.dma_semaphore, #tpu.memory_space<semaphore_mem>>) src(%dma_wait3A_382 : memref<80x128xf32, #tpu.memory_space<hbm>>) dst(%arg13 : memref<80x128xf32, #tpu.memory_space<vmem>>)
    } else {
    }
    %ge3A_295 = arith.constant 2 : i32
    %ge3A_296 = arith.cmpi sge, %reduce_max3A_10, %ge3A_295 : i32
    %sub3A_297 = arith.constant 2 : i32
    %sub3A_298 = arith.subi %reduce_max3A_10, %sub3A_297 : i32
    %jit3A_299 = arith.constant 6 : i32
    %eq3A_300 = arith.constant 0 : i32
    %eq3A_301 = arith.cmpi eq, %jit3A_299, %eq3A_300 : i32
    %jit3A_302 = arith.constant 1 : i32
    %select_n3A_303 = arith.select %eq3A_301, %jit3A_302, %jit3A_299 : i32
    %rem3A_304 = arith.remsi %sub3A_298, %select_n3A_303 : i32
    %ne3A_305 = arith.constant 0 : i32
    %ne3A_306 = arith.cmpi ne, %rem3A_304, %ne3A_305 : i32
    %lt3A_307 = arith.constant 0 : i32
    %lt3A_308 = arith.cmpi slt, %rem3A_304, %lt3A_307 : i32
    %lt3A_309 = arith.constant 0 : i32
    %lt3A_310 = arith.cmpi slt, %select_n3A_303, %lt3A_309 : i32
    %ne3A_311 = arith.xori %lt3A_308, %lt3A_310 : i1
    %and3A_312 = arith.andi %ne3A_311, %ne3A_306 : i1
    %add3A_313 = arith.addi %rem3A_304, %select_n3A_303 : i32
    %select_n3A_314 = arith.select %and3A_312, %add3A_313, %rem3A_304 : i32
    %eq3A_315 = arith.constant 3 : i32
    %eq3A_316 = arith.cmpi eq, %select_n3A_314, %eq3A_315 : i32
    %and3A_317 = arith.andi %ge3A_296, %eq3A_316 : i1
    %convert_element_type3A_318 = arith.extui %and3A_317 : i1 to i32
    %cond3A_319 = arith.constant 0 : i32
    %cond3A_320 = arith.cmpi ne, %convert_element_type3A_318, %cond3A_319 : i32
    scf.if %cond3A_320 {
      %dma_wait3A = arith.constant 0 : i32
      %dma_wait3A_378 = arith.constant 0 : i32
      %dma_wait3A_379 = tpu.memref_slice %arg2[%dma_wait3A, %dma_wait3A_378] : memref<10000x128xf32, #tpu.memory_space<hbm>> -> memref<80x128xf32, #tpu.memory_space<hbm>>
      %dma_wait3A_380 = arith.constant 0 : i32
      %dma_wait3A_381 = arith.constant 0 : i32
      %dma_wait3A_382 = tpu.memref_slice %arg2[%dma_wait3A_380, %dma_wait3A_381] : memref<10000x128xf32, #tpu.memory_space<hbm>> -> memref<80x128xf32, #tpu.memory_space<hbm>>
      tpu.wait_dma2 semaphore(%arg27 : memref<!tpu.dma_semaphore, #tpu.memory_space<semaphore_mem>>) src(%dma_wait3A_382 : memref<80x128xf32, #tpu.memory_space<hbm>>) dst(%arg14 : memref<80x128xf32, #tpu.memory_space<vmem>>)
    } else {
    }
    %ge3A_321 = arith.constant 2 : i32
    %ge3A_322 = arith.cmpi sge, %reduce_max3A_10, %ge3A_321 : i32
    %sub3A_323 = arith.constant 2 : i32
    %sub3A_324 = arith.subi %reduce_max3A_10, %sub3A_323 : i32
    %jit3A_325 = arith.constant 6 : i32
    %eq3A_326 = arith.constant 0 : i32
    %eq3A_327 = arith.cmpi eq, %jit3A_325, %eq3A_326 : i32
    %jit3A_328 = arith.constant 1 : i32
    %select_n3A_329 = arith.select %eq3A_327, %jit3A_328, %jit3A_325 : i32
    %rem3A_330 = arith.remsi %sub3A_324, %select_n3A_329 : i32
    %ne3A_331 = arith.constant 0 : i32
    %ne3A_332 = arith.cmpi ne, %rem3A_330, %ne3A_331 : i32
    %lt3A_333 = arith.constant 0 : i32
    %lt3A_334 = arith.cmpi slt, %rem3A_330, %lt3A_333 : i32
    %lt3A_335 = arith.constant 0 : i32
    %lt3A_336 = arith.cmpi slt, %select_n3A_329, %lt3A_335 : i32
    %ne3A_337 = arith.xori %lt3A_334, %lt3A_336 : i1
    %and3A_338 = arith.andi %ne3A_337, %ne3A_332 : i1
    %add3A_339 = arith.addi %rem3A_330, %select_n3A_329 : i32
    %select_n3A_340 = arith.select %and3A_338, %add3A_339, %rem3A_330 : i32
    %eq3A_341 = arith.constant 4 : i32
    %eq3A_342 = arith.cmpi eq, %select_n3A_340, %eq3A_341 : i32
    %and3A_343 = arith.andi %ge3A_322, %eq3A_342 : i1
    %convert_element_type3A_344 = arith.extui %and3A_343 : i1 to i32
    %cond3A_345 = arith.constant 0 : i32
    %cond3A_346 = arith.cmpi ne, %convert_element_type3A_344, %cond3A_345 : i32
    scf.if %cond3A_346 {
      %dma_wait3A = arith.constant 0 : i32
      %dma_wait3A_378 = arith.constant 0 : i32
      %dma_wait3A_379 = tpu.memref_slice %arg2[%dma_wait3A, %dma_wait3A_378] : memref<10000x128xf32, #tpu.memory_space<hbm>> -> memref<80x128xf32, #tpu.memory_space<hbm>>
      %dma_wait3A_380 = arith.constant 0 : i32
      %dma_wait3A_381 = arith.constant 0 : i32
      %dma_wait3A_382 = tpu.memref_slice %arg2[%dma_wait3A_380, %dma_wait3A_381] : memref<10000x128xf32, #tpu.memory_space<hbm>> -> memref<80x128xf32, #tpu.memory_space<hbm>>
      tpu.wait_dma2 semaphore(%arg28 : memref<!tpu.dma_semaphore, #tpu.memory_space<semaphore_mem>>) src(%dma_wait3A_382 : memref<80x128xf32, #tpu.memory_space<hbm>>) dst(%arg15 : memref<80x128xf32, #tpu.memory_space<vmem>>)
    } else {
    }
    %ge3A_347 = arith.constant 2 : i32
    %ge3A_348 = arith.cmpi sge, %reduce_max3A_10, %ge3A_347 : i32
    %sub3A_349 = arith.constant 2 : i32
    %sub3A_350 = arith.subi %reduce_max3A_10, %sub3A_349 : i32
    %jit3A_351 = arith.constant 6 : i32
    %eq3A_352 = arith.constant 0 : i32
    %eq3A_353 = arith.cmpi eq, %jit3A_351, %eq3A_352 : i32
    %jit3A_354 = arith.constant 1 : i32
    %select_n3A_355 = arith.select %eq3A_353, %jit3A_354, %jit3A_351 : i32
    %rem3A_356 = arith.remsi %sub3A_350, %select_n3A_355 : i32
    %ne3A_357 = arith.constant 0 : i32
    %ne3A_358 = arith.cmpi ne, %rem3A_356, %ne3A_357 : i32
    %lt3A_359 = arith.constant 0 : i32
    %lt3A_360 = arith.cmpi slt, %rem3A_356, %lt3A_359 : i32
    %lt3A_361 = arith.constant 0 : i32
    %lt3A_362 = arith.cmpi slt, %select_n3A_355, %lt3A_361 : i32
    %ne3A_363 = arith.xori %lt3A_360, %lt3A_362 : i1
    %and3A_364 = arith.andi %ne3A_363, %ne3A_358 : i1
    %add3A_365 = arith.addi %rem3A_356, %select_n3A_355 : i32
    %select_n3A_366 = arith.select %and3A_364, %add3A_365, %rem3A_356 : i32
    %eq3A_367 = arith.constant 5 : i32
    %eq3A_368 = arith.cmpi eq, %select_n3A_366, %eq3A_367 : i32
    %and3A_369 = arith.andi %ge3A_348, %eq3A_368 : i1
    %convert_element_type3A_370 = arith.extui %and3A_369 : i1 to i32
    %cond3A_371 = arith.constant 0 : i32
    %cond3A_372 = arith.cmpi ne, %convert_element_type3A_370, %cond3A_371 : i32
    scf.if %cond3A_372 {
      %dma_wait3A = arith.constant 0 : i32
      %dma_wait3A_378 = arith.constant 0 : i32
      %dma_wait3A_379 = tpu.memref_slice %arg2[%dma_wait3A, %dma_wait3A_378] : memref<10000x128xf32, #tpu.memory_space<hbm>> -> memref<80x128xf32, #tpu.memory_space<hbm>>
      %dma_wait3A_380 = arith.constant 0 : i32
      %dma_wait3A_381 = arith.constant 0 : i32
      %dma_wait3A_382 = tpu.memref_slice %arg2[%dma_wait3A_380, %dma_wait3A_381] : memref<10000x128xf32, #tpu.memory_space<hbm>> -> memref<80x128xf32, #tpu.memory_space<hbm>>
      tpu.wait_dma2 semaphore(%arg29 : memref<!tpu.dma_semaphore, #tpu.memory_space<semaphore_mem>>) src(%dma_wait3A_382 : memref<80x128xf32, #tpu.memory_space<hbm>>) dst(%arg16 : memref<80x128xf32, #tpu.memory_space<vmem>>)
    } else {
    }
    %barrier3A_373 = arith.constant 0 : index
    tpu.barrier barrier_id(%barrier3A_373)
    %mul3A_374 = arith.constant 64 : i32
    %mul3A_375 = arith.muli %arg1, %mul3A_374 : i32
    %mul3A_376 = arith.constant 64 : i32
    %mul3A_377 = arith.muli %arg1, %mul3A_376 : i32
    "tpu.region"() ({
      %run_scoped3A = tpu.sem_alloc : memref<!tpu.dma_semaphore, #tpu.memory_space<semaphore_mem>>
      %dma_start3A = arith.constant 0 : i32
      %dma_start3A_378 = tpu.memref_slice %arg6[%arg0, %mul3A_377, %dma_start3A] : memref<2x1024x128xf32, #tpu.memory_space<hbm>> -> memref<1x64x128xf32, #tpu.memory_space<hbm>>
      %dma_start3A_379 = tpu.memref_squeeze %dma_start3A_378 : memref<1x64x128xf32, #tpu.memory_space<hbm>> -> memref<64x128xf32, #tpu.memory_space<hbm>>
      %dma_start3A_380 = arith.constant 0 : i32
      %dma_start3A_381 = tpu.memref_slice %arg17[%mul3A_375, %dma_start3A_380] : memref<1152x128xf32, #tpu.memory_space<vmem_shared>> -> memref<64x128xf32, #tpu.memory_space<vmem_shared>>
      tpu.enqueue_dma source(%dma_start3A_381 : memref<64x128xf32, #tpu.memory_space<vmem_shared>>) target(%dma_start3A_379 : memref<64x128xf32, #tpu.memory_space<hbm>>) target_semaphore(%run_scoped3A : memref<!tpu.dma_semaphore, #tpu.memory_space<semaphore_mem>>)
      %dma_wait3A = arith.constant 0 : i32
      %dma_wait3A_382 = tpu.memref_slice %arg6[%arg0, %mul3A_377, %dma_wait3A] : memref<2x1024x128xf32, #tpu.memory_space<hbm>> -> memref<1x64x128xf32, #tpu.memory_space<hbm>>
      %dma_wait3A_383 = tpu.memref_squeeze %dma_wait3A_382 : memref<1x64x128xf32, #tpu.memory_space<hbm>> -> memref<64x128xf32, #tpu.memory_space<hbm>>
      %dma_wait3A_384 = arith.constant 0 : i32
      %dma_wait3A_385 = tpu.memref_slice %arg17[%mul3A_375, %dma_wait3A_384] : memref<1152x128xf32, #tpu.memory_space<vmem_shared>> -> memref<64x128xf32, #tpu.memory_space<vmem_shared>>
      tpu.wait_dma2 semaphore(%run_scoped3A : memref<!tpu.dma_semaphore, #tpu.memory_space<semaphore_mem>>) src(%dma_wait3A_385 : memref<64x128xf32, #tpu.memory_space<vmem_shared>>) dst(%dma_wait3A_383 : memref<64x128xf32, #tpu.memory_space<hbm>>)
      tpu.yield
    }) : () -> ()
    return
  }
}

module attributes {stable_mosaic.version = 14 : i64} {
  func.func @_encoder_body(%arg0: i32, %arg1: memref<2000x128xf32, #tpu.memory_space<vmem>>, %arg2: memref<2000x1xi32, #tpu.memory_space<vmem>>, %arg3: memref<2000x1xf32, #tpu.memory_space<vmem>>, %arg4: memref<1x1024xf32, #tpu.memory_space<vmem>>, %arg5: memref<128x128xf32, #tpu.memory_space<vmem>>, %arg6: memref<128xf32, #tpu.memory_space<vmem>>, %arg7: memref<128x128xf32, #tpu.memory_space<vmem>>, %arg8: memref<128xf32, #tpu.memory_space<vmem>>, %arg9: memref<128xf32, #tpu.memory_space<vmem>>, %arg10: memref<128xf32, #tpu.memory_space<vmem>>, %arg11: memref<128x128xf32, #tpu.memory_space<vmem>>, %arg12: memref<128xf32, #tpu.memory_space<vmem>>, %arg13: memref<2000x128xf32, #tpu.memory_space<vmem>>) attributes {dimension_semantics = [#tpu.dimension_semantics<arbitrary>], iteration_bounds = array<i64: 5>, scalar_prefetch = 0 : i64, scratch_operands = 0 : i64, tpu.core_type = #tpu.core_type<tc>, window_params = [{transform_indices = @transform_0, window_bounds = array<i64: 2000, 128>}, {transform_indices = @transform_1, window_bounds = array<i64: 2000, 1>}, {transform_indices = @transform_2, window_bounds = array<i64: 2000, 1>}, {pipeline_mode = #tpu.pipeline_mode<synchronous>, transform_indices = @transform_3, window_bounds = array<i64: 1, 1024>}, {pipeline_mode = #tpu.pipeline_mode<synchronous>, transform_indices = @transform_4, window_bounds = array<i64: 128, 128>}, {pipeline_mode = #tpu.pipeline_mode<synchronous>, transform_indices = @transform_5, window_bounds = array<i64: 128>}, {pipeline_mode = #tpu.pipeline_mode<synchronous>, transform_indices = @transform_6, window_bounds = array<i64: 128, 128>}, {pipeline_mode = #tpu.pipeline_mode<synchronous>, transform_indices = @transform_7, window_bounds = array<i64: 128>}, {pipeline_mode = #tpu.pipeline_mode<synchronous>, transform_indices = @transform_8, window_bounds = array<i64: 128>}, {pipeline_mode = #tpu.pipeline_mode<synchronous>, transform_indices = @transform_9, window_bounds = array<i64: 128>}, {pipeline_mode = #tpu.pipeline_mode<synchronous>, transform_indices = @transform_10, window_bounds = array<i64: 128, 128>}, {pipeline_mode = #tpu.pipeline_mode<synchronous>, transform_indices = @transform_11, window_bounds = array<i64: 128>}, {transform_indices = @transform_12, window_bounds = array<i64: 2000, 128>}]} {
    %get3A = arith.constant 0 : index
    %get3A_0 = arith.constant 0 : index
    %get3A_1 = vector.load %arg1[%get3A, %get3A_0] : memref<2000x128xf32, #tpu.memory_space<vmem>>, vector<2000x128xf32>
    %get3A_2 = arith.constant 0 : index
    %get3A_3 = arith.constant 0 : index
    %get3A_4 = vector.load %arg5[%get3A_2, %get3A_3] : memref<128x128xf32, #tpu.memory_space<vmem>>, vector<128x128xf32>
    %dot_general3A = arith.constant dense<0.000000e+00> : vector<2000x128xf32>
    %dot_general3A_5 = tpu.matmul %get3A_1, %get3A_4, %dot_general3A {dimension_numbers = #tpu.dot_dimension_numbers<[1], [0], [0], [1], [0, 0, 1, 1], [], []>, transpose_lhs_hint = false} : vector<2000x128xf32>, vector<128x128xf32>, vector<2000x128xf32> -> vector<2000x128xf32>
    %get3A_6 = arith.constant 0 : index
    %get3A_7 = vector.load %arg6[%get3A_6] : memref<128xf32, #tpu.memory_space<vmem>>, vector<128xf32>
    %broadcast_in_dim3A = vector.shape_cast %get3A_7 : vector<128xf32> to vector<1x128xf32>
    %add3A = vector.broadcast %broadcast_in_dim3A : vector<1x128xf32> to vector<2000x128xf32>
    %add3A_8 = arith.addf %dot_general3A_5, %add3A : vector<2000x128xf32>
    %get3A_9 = arith.constant 0 : index
    %get3A_10 = arith.constant 0 : index
    %get3A_11 = vector.load %arg7[%get3A_9, %get3A_10] : memref<128x128xf32, #tpu.memory_space<vmem>>, vector<128x128xf32>
    %dot_general3A_12 = arith.constant dense<0.000000e+00> : vector<2000x128xf32>
    %dot_general3A_13 = tpu.matmul %add3A_8, %get3A_11, %dot_general3A_12 {dimension_numbers = #tpu.dot_dimension_numbers<[1], [0], [0], [1], [0, 0, 1, 1], [], []>, transpose_lhs_hint = false} : vector<2000x128xf32>, vector<128x128xf32>, vector<2000x128xf32> -> vector<2000x128xf32>
    %get3A_14 = arith.constant 0 : index
    %get3A_15 = vector.load %arg8[%get3A_14] : memref<128xf32, #tpu.memory_space<vmem>>, vector<128xf32>
    %broadcast_in_dim3A_16 = vector.shape_cast %get3A_15 : vector<128xf32> to vector<1x128xf32>
    %add3A_17 = vector.broadcast %broadcast_in_dim3A_16 : vector<1x128xf32> to vector<2000x128xf32>
    %add3A_18 = arith.addf %dot_general3A_13, %add3A_17 : vector<2000x128xf32>
    %max3A = arith.constant 0.000000e+00 : f32
    %max3A_19 = vector.broadcast %max3A : f32 to vector<2000x128xf32>
    %max3A_20 = arith.maximumf %add3A_18, %max3A_19 : vector<2000x128xf32>
    %reduce_sum3A = arith.constant dense<0.000000e+00> : vector<2000xf32>
    %reduce_sum3A_21 = vector.multi_reduction <add>, %max3A_20, %reduce_sum3A [1] : vector<2000x128xf32> to vector<2000xf32>
    %broadcast_in_dim3A_22 = vector.shape_cast %reduce_sum3A_21 : vector<2000xf32> to vector<2000x1xf32>
    %div3A = arith.constant 1.280000e+02 : f32
    %div3A_23 = vector.broadcast %div3A : f32 to vector<2000x1xf32>
    %div3A_24 = arith.divf %broadcast_in_dim3A_22, %div3A_23 : vector<2000x1xf32>
    %sub3A = vector.broadcast %div3A_24 : vector<2000x1xf32> to vector<2000x128xf32>
    %sub3A_25 = arith.subf %max3A_20, %sub3A : vector<2000x128xf32>
    %integer_pow3A = arith.mulf %sub3A_25, %sub3A_25 : vector<2000x128xf32>
    %reduce_sum3A_26 = arith.constant dense<0.000000e+00> : vector<2000xf32>
    %reduce_sum3A_27 = vector.multi_reduction <add>, %integer_pow3A, %reduce_sum3A_26 [1] : vector<2000x128xf32> to vector<2000xf32>
    %broadcast_in_dim3A_28 = vector.shape_cast %reduce_sum3A_27 : vector<2000xf32> to vector<2000x1xf32>
    %div3A_29 = arith.constant 1.280000e+02 : f32
    %div3A_30 = vector.broadcast %div3A_29 : f32 to vector<2000x1xf32>
    %div3A_31 = arith.divf %broadcast_in_dim3A_28, %div3A_30 : vector<2000x1xf32>
    %sub3A_32 = vector.broadcast %div3A_24 : vector<2000x1xf32> to vector<2000x128xf32>
    %sub3A_33 = arith.subf %max3A_20, %sub3A_32 : vector<2000x128xf32>
    %add3A_34 = arith.constant 9.99999974E-6 : f32
    %add3A_35 = vector.broadcast %add3A_34 : f32 to vector<2000x1xf32>
    %add3A_36 = arith.addf %div3A_31, %add3A_35 : vector<2000x1xf32>
    %rsqrt3A = math.rsqrt %add3A_36 : vector<2000x1xf32>
    %mul3A = vector.broadcast %rsqrt3A : vector<2000x1xf32> to vector<2000x128xf32>
    %mul3A_37 = arith.mulf %sub3A_33, %mul3A : vector<2000x128xf32>
    %get3A_38 = arith.constant 0 : index
    %get3A_39 = vector.load %arg9[%get3A_38] : memref<128xf32, #tpu.memory_space<vmem>>, vector<128xf32>
    %broadcast_in_dim3A_40 = vector.shape_cast %get3A_39 : vector<128xf32> to vector<1x128xf32>
    %mul3A_41 = vector.broadcast %broadcast_in_dim3A_40 : vector<1x128xf32> to vector<2000x128xf32>
    %mul3A_42 = arith.mulf %mul3A_37, %mul3A_41 : vector<2000x128xf32>
    %get3A_43 = arith.constant 0 : index
    %get3A_44 = vector.load %arg10[%get3A_43] : memref<128xf32, #tpu.memory_space<vmem>>, vector<128xf32>
    %broadcast_in_dim3A_45 = vector.shape_cast %get3A_44 : vector<128xf32> to vector<1x128xf32>
    %add3A_46 = vector.broadcast %broadcast_in_dim3A_45 : vector<1x128xf32> to vector<2000x128xf32>
    %add3A_47 = arith.addf %mul3A_42, %add3A_46 : vector<2000x128xf32>
    %iota3A = tpu.iota {dimensions = array<i32: 1>} : vector<2000x1024xi32>
    %get3A_48 = arith.constant 0 : index
    %get3A_49 = arith.constant 0 : index
    %get3A_50 = vector.load %arg2[%get3A_48, %get3A_49] : memref<2000x1xi32, #tpu.memory_space<vmem>>, vector<2000x1xi32>
    %eq3A = vector.broadcast %get3A_50 : vector<2000x1xi32> to vector<2000x1024xi32>
    %eq3A_51 = arith.cmpi eq, %iota3A, %eq3A : vector<2000x1024xi32>
    %get3A_52 = arith.constant 0 : index
    %get3A_53 = arith.constant 0 : index
    %get3A_54 = vector.load %arg4[%get3A_52, %get3A_53] : memref<1x1024xf32, #tpu.memory_space<vmem>>, vector<1x1024xf32>
    %jit3A = arith.constant 0.000000e+00 : f32
    %broadcast_in_dim3A_55 = vector.shape_cast %get3A_54 : vector<1x1024xf32> to vector<1x1024xf32>
    %broadcast_in_dim3A_56 = vector.broadcast %broadcast_in_dim3A_55 : vector<1x1024xf32> to vector<2000x1024xf32>
    %broadcast_in_dim3A_57 = vector.broadcast %jit3A : f32 to vector<2000x1024xf32>
    %select_n3A = arith.select %eq3A_51, %broadcast_in_dim3A_56, %broadcast_in_dim3A_57 : vector<2000x1024xi1>, vector<2000x1024xf32>
    %reduce_sum3A_58 = arith.constant dense<0.000000e+00> : vector<2000xf32>
    %reduce_sum3A_59 = vector.multi_reduction <add>, %select_n3A, %reduce_sum3A_58 [1] : vector<2000x1024xf32> to vector<2000xf32>
    %broadcast_in_dim3A_60 = vector.shape_cast %reduce_sum3A_59 : vector<2000xf32> to vector<2000x1xf32>
    %get3A_61 = arith.constant 0 : index
    %get3A_62 = arith.constant 0 : index
    %get3A_63 = vector.load %arg3[%get3A_61, %get3A_62] : memref<2000x1xf32, #tpu.memory_space<vmem>>, vector<2000x1xf32>
    %sub3A_64 = arith.subf %broadcast_in_dim3A_60, %get3A_63 : vector<2000x1xf32>
    %iota3A_65 = tpu.iota {dimensions = array<i32: 1>} : vector<1x64xi32>
    %convert_element_type3A = arith.sitofp %iota3A_65 : vector<1x64xi32> to vector<1x64xf32>
    %mul3A_66 = arith.constant -0.14391157 : f32
    %mul3A_67 = vector.broadcast %mul3A_66 : f32 to vector<1x64xf32>
    %mul3A_68 = arith.mulf %convert_element_type3A, %mul3A_67 : vector<1x64xf32>
    %exp3A = math.exp %mul3A_68 : vector<1x64xf32>
    %mul3A_69 = vector.broadcast %sub3A_64 : vector<2000x1xf32> to vector<2000x64xf32>
    %mul3A_70 = vector.broadcast %exp3A : vector<1x64xf32> to vector<2000x64xf32>
    %mul3A_71 = arith.mulf %mul3A_69, %mul3A_70 : vector<2000x64xf32>
    %sin3A = math.sin %mul3A_71 : vector<2000x64xf32>
    %cos3A = math.cos %mul3A_71 : vector<2000x64xf32>
    %concatenate3A = tpu.concatenate %sin3A, %cos3A in 1 : vector<2000x64xf32>, vector<2000x64xf32> -> vector<2000x128xf32>
    %get3A_72 = arith.constant 0 : index
    %get3A_73 = arith.constant 0 : index
    %get3A_74 = vector.load %arg11[%get3A_72, %get3A_73] : memref<128x128xf32, #tpu.memory_space<vmem>>, vector<128x128xf32>
    %dot_general3A_75 = arith.constant dense<0.000000e+00> : vector<2000x128xf32>
    %dot_general3A_76 = tpu.matmul %concatenate3A, %get3A_74, %dot_general3A_75 {dimension_numbers = #tpu.dot_dimension_numbers<[1], [0], [0], [1], [0, 0, 1, 1], [], []>, transpose_lhs_hint = false} : vector<2000x128xf32>, vector<128x128xf32>, vector<2000x128xf32> -> vector<2000x128xf32>
    %add3A_77 = arith.addf %add3A_47, %dot_general3A_76 : vector<2000x128xf32>
    %get3A_78 = arith.constant 0 : index
    %get3A_79 = vector.load %arg12[%get3A_78] : memref<128xf32, #tpu.memory_space<vmem>>, vector<128xf32>
    %broadcast_in_dim3A_80 = vector.shape_cast %get3A_79 : vector<128xf32> to vector<1x128xf32>
    %add3A_81 = vector.broadcast %broadcast_in_dim3A_80 : vector<1x128xf32> to vector<2000x128xf32>
    %add3A_82 = arith.addf %add3A_77, %add3A_81 : vector<2000x128xf32>
    %swap3A = arith.constant 0 : index
    %swap3A_83 = arith.constant 0 : index
    %swap3A_84 = vector.load %arg13[%swap3A, %swap3A_83] : memref<2000x128xf32, #tpu.memory_space<vmem>>, vector<2000x128xf32>
    tpu.vector_store %arg13[%swap3A, %swap3A_83], %add3A_82 {strides = array<i32>} : memref<2000x128xf32, #tpu.memory_space<vmem>>, vector<2000x128xf32>,
    return
  }
  func.func @transform_0(%arg0: i32) -> (i32, i32) {
    %c0_i32 = arith.constant 0 : i32
    %c0_i32_0 = arith.constant 0 : i32
    return %arg0, %c0_i32 : i32, i32
  }
  func.func @transform_1(%arg0: i32) -> (i32, i32) {
    %c0_i32 = arith.constant 0 : i32
    %c0_i32_0 = arith.constant 0 : i32
    return %arg0, %c0_i32 : i32, i32
  }
  func.func @transform_2(%arg0: i32) -> (i32, i32) {
    %c0_i32 = arith.constant 0 : i32
    %c0_i32_0 = arith.constant 0 : i32
    return %arg0, %c0_i32 : i32, i32
  }
  func.func @transform_3(%arg0: i32) -> (i32, i32) {
    %c0_i32 = arith.constant 0 : i32
    %c0_i32_0 = arith.constant 0 : i32
    %c0_i32_1 = arith.constant 0 : i32
    return %c0_i32, %c0_i32_0 : i32, i32
  }
  func.func @transform_4(%arg0: i32) -> (i32, i32) {
    %c0_i32 = arith.constant 0 : i32
    %c0_i32_0 = arith.constant 0 : i32
    %c0_i32_1 = arith.constant 0 : i32
    return %c0_i32, %c0_i32_0 : i32, i32
  }
  func.func @transform_5(%arg0: i32) -> i32 {
    %c0_i32 = arith.constant 0 : i32
    %c0_i32_0 = arith.constant 0 : i32
    return %c0_i32 : i32
  }
  func.func @transform_6(%arg0: i32) -> (i32, i32) {
    %c0_i32 = arith.constant 0 : i32
    %c0_i32_0 = arith.constant 0 : i32
    %c0_i32_1 = arith.constant 0 : i32
    return %c0_i32, %c0_i32_0 : i32, i32
  }
  func.func @transform_7(%arg0: i32) -> i32 {
    %c0_i32 = arith.constant 0 : i32
    %c0_i32_0 = arith.constant 0 : i32
    return %c0_i32 : i32
  }
  func.func @transform_8(%arg0: i32) -> i32 {
    %c0_i32 = arith.constant 0 : i32
    %c0_i32_0 = arith.constant 0 : i32
    return %c0_i32 : i32
  }
  func.func @transform_9(%arg0: i32) -> i32 {
    %c0_i32 = arith.constant 0 : i32
    %c0_i32_0 = arith.constant 0 : i32
    return %c0_i32 : i32
  }
  func.func @transform_10(%arg0: i32) -> (i32, i32) {
    %c0_i32 = arith.constant 0 : i32
    %c0_i32_0 = arith.constant 0 : i32
    %c0_i32_1 = arith.constant 0 : i32
    return %c0_i32, %c0_i32_0 : i32, i32
  }
  func.func @transform_11(%arg0: i32) -> i32 {
    %c0_i32 = arith.constant 0 : i32
    %c0_i32_0 = arith.constant 0 : i32
    return %c0_i32 : i32
  }
  func.func @transform_12(%arg0: i32) -> (i32, i32) {
    %c0_i32 = arith.constant 0 : i32
    %c0_i32_0 = arith.constant 0 : i32
    return %arg0, %c0_i32 : i32, i32
  }
}

module attributes {stable_mosaic.version = 14 : i64} {
  func.func @_layer_body(%arg0: i32, %arg1: memref<2000x128xf32, #tpu.memory_space<vmem>>, %arg2: memref<1x2000x128xf32, #tpu.memory_space<vmem>>, %arg3: memref<1x2000x128xf32, #tpu.memory_space<vmem>>, %arg4: memref<128x128xf32, #tpu.memory_space<vmem>>, %arg5: memref<128x128xf32, #tpu.memory_space<vmem>>, %arg6: memref<128xf32, #tpu.memory_space<vmem>>, %arg7: memref<2000x128xf32, #tpu.memory_space<vmem>>) attributes {dimension_semantics = [#tpu.dimension_semantics<arbitrary>], iteration_bounds = array<i64: 5>, scalar_prefetch = 0 : i64, scratch_operands = 0 : i64, tpu.core_type = #tpu.core_type<tc>, window_params = [{transform_indices = @transform_0, window_bounds = array<i64: 2000, 128>}, {transform_indices = @transform_1, window_bounds = array<i64: 1, 2000, 128>}, {transform_indices = @transform_2, window_bounds = array<i64: 1, 2000, 128>}, {pipeline_mode = #tpu.pipeline_mode<synchronous>, transform_indices = @transform_3, window_bounds = array<i64: 128, 128>}, {pipeline_mode = #tpu.pipeline_mode<synchronous>, transform_indices = @transform_4, window_bounds = array<i64: 128, 128>}, {pipeline_mode = #tpu.pipeline_mode<synchronous>, transform_indices = @transform_5, window_bounds = array<i64: 128>}, {transform_indices = @transform_6, window_bounds = array<i64: 2000, 128>}]} {
    %get3A = arith.constant 0 : index
    %get3A_0 = arith.constant 0 : index
    %get3A_1 = arith.constant 0 : index
    %get3A_2 = vector.load %arg2[%get3A, %get3A_0, %get3A_1] : memref<1x2000x128xf32, #tpu.memory_space<vmem>>, vector<1x2000x128xf32>
    %get3A_3 = vector.shape_cast %get3A_2 : vector<1x2000x128xf32> to vector<2000x128xf32>
    %get3A_4 = arith.constant 0 : index
    %get3A_5 = arith.constant 0 : index
    %get3A_6 = arith.constant 0 : index
    %get3A_7 = vector.load %arg3[%get3A_4, %get3A_5, %get3A_6] : memref<1x2000x128xf32, #tpu.memory_space<vmem>>, vector<1x2000x128xf32>
    %get3A_8 = vector.shape_cast %get3A_7 : vector<1x2000x128xf32> to vector<2000x128xf32>
    %add3A = arith.addf %get3A_3, %get3A_8 : vector<2000x128xf32>
    %get3A_9 = arith.constant 0 : index
    %get3A_10 = arith.constant 0 : index
    %get3A_11 = vector.load %arg1[%get3A_9, %get3A_10] : memref<2000x128xf32, #tpu.memory_space<vmem>>, vector<2000x128xf32>
    %get3A_12 = arith.constant 0 : index
    %get3A_13 = arith.constant 0 : index
    %get3A_14 = vector.load %arg4[%get3A_12, %get3A_13] : memref<128x128xf32, #tpu.memory_space<vmem>>, vector<128x128xf32>
    %dot_general3A = arith.constant dense<0.000000e+00> : vector<2000x128xf32>
    %dot_general3A_15 = tpu.matmul %get3A_11, %get3A_14, %dot_general3A {dimension_numbers = #tpu.dot_dimension_numbers<[1], [0], [0], [1], [0, 0, 1, 1], [], []>, transpose_lhs_hint = false} : vector<2000x128xf32>, vector<128x128xf32>, vector<2000x128xf32> -> vector<2000x128xf32>
    %get3A_16 = arith.constant 0 : index
    %get3A_17 = arith.constant 0 : index
    %get3A_18 = vector.load %arg5[%get3A_16, %get3A_17] : memref<128x128xf32, #tpu.memory_space<vmem>>, vector<128x128xf32>
    %dot_general3A_19 = arith.constant dense<0.000000e+00> : vector<2000x128xf32>
    %dot_general3A_20 = tpu.matmul %add3A, %get3A_18, %dot_general3A_19 {dimension_numbers = #tpu.dot_dimension_numbers<[1], [0], [0], [1], [0, 0, 1, 1], [], []>, transpose_lhs_hint = false} : vector<2000x128xf32>, vector<128x128xf32>, vector<2000x128xf32> -> vector<2000x128xf32>
    %add3A_21 = arith.addf %dot_general3A_15, %dot_general3A_20 : vector<2000x128xf32>
    %get3A_22 = arith.constant 0 : index
    %get3A_23 = vector.load %arg6[%get3A_22] : memref<128xf32, #tpu.memory_space<vmem>>, vector<128xf32>
    %broadcast_in_dim3A = vector.shape_cast %get3A_23 : vector<128xf32> to vector<1x128xf32>
    %add3A_24 = vector.broadcast %broadcast_in_dim3A : vector<1x128xf32> to vector<2000x128xf32>
    %add3A_25 = arith.addf %add3A_21, %add3A_24 : vector<2000x128xf32>
    %max3A = arith.constant 0.000000e+00 : f32
    %max3A_26 = vector.broadcast %max3A : f32 to vector<2000x128xf32>
    %max3A_27 = arith.maximumf %add3A_25, %max3A_26 : vector<2000x128xf32>
    %swap3A = arith.constant 0 : index
    %swap3A_28 = arith.constant 0 : index
    %swap3A_29 = vector.load %arg7[%swap3A, %swap3A_28] : memref<2000x128xf32, #tpu.memory_space<vmem>>, vector<2000x128xf32>
    tpu.vector_store %arg7[%swap3A, %swap3A_28], %max3A_27 {strides = array<i32>} : memref<2000x128xf32, #tpu.memory_space<vmem>>, vector<2000x128xf32>,
    return
  }
  func.func @transform_0(%arg0: i32) -> (i32, i32) {
    %c0_i32 = arith.constant 0 : i32
    %c0_i32_0 = arith.constant 0 : i32
    return %arg0, %c0_i32 : i32, i32
  }
  func.func @transform_1(%arg0: i32) -> (i32, i32, i32) {
    %c0_i32 = arith.constant 0 : i32
    %c0_i32_0 = arith.constant 0 : i32
    %c0_i32_1 = arith.constant 0 : i32
    return %c0_i32, %arg0, %c0_i32_0 : i32, i32, i32
  }
  func.func @transform_2(%arg0: i32) -> (i32, i32, i32) {
    %c1_i32 = arith.constant 1 : i32
    %c0_i32 = arith.constant 0 : i32
    %c0_i32_0 = arith.constant 0 : i32
    return %c1_i32, %arg0, %c0_i32 : i32, i32, i32
  }
  func.func @transform_3(%arg0: i32) -> (i32, i32) {
    %c0_i32 = arith.constant 0 : i32
    %c0_i32_0 = arith.constant 0 : i32
    %c0_i32_1 = arith.constant 0 : i32
    return %c0_i32, %c0_i32_0 : i32, i32
  }
  func.func @transform_4(%arg0: i32) -> (i32, i32) {
    %c0_i32 = arith.constant 0 : i32
    %c0_i32_0 = arith.constant 0 : i32
    %c0_i32_1 = arith.constant 0 : i32
    return %c0_i32, %c0_i32_0 : i32, i32
  }
  func.func @transform_5(%arg0: i32) -> i32 {
    %c0_i32 = arith.constant 0 : i32
    %c0_i32_0 = arith.constant 0 : i32
    return %c0_i32 : i32
  }
  func.func @transform_6(%arg0: i32) -> (i32, i32) {
    %c0_i32 = arith.constant 0 : i32
    %c0_i32_0 = arith.constant 0 : i32
    return %arg0, %c0_i32 : i32, i32
  }
}

module attributes {stable_mosaic.version = 14 : i64} {
  func.func @_head_body(%arg0: i32, %arg1: memref<1024x128xf32, #tpu.memory_space<vmem>>, %arg2: memref<1x1024x128xf32, #tpu.memory_space<vmem>>, %arg3: memref<1x1024x128xf32, #tpu.memory_space<vmem>>, %arg4: memref<128x128xf32, #tpu.memory_space<vmem>>, %arg5: memref<128x128xf32, #tpu.memory_space<vmem>>, %arg6: memref<128xf32, #tpu.memory_space<vmem>>, %arg7: memref<128x128xf32, #tpu.memory_space<vmem>>, %arg8: memref<128xf32, #tpu.memory_space<vmem>>, %arg9: memref<1024x128xf32, #tpu.memory_space<vmem>>) attributes {dimension_semantics = [#tpu.dimension_semantics<arbitrary>], iteration_bounds = array<i64: 1>, scalar_prefetch = 0 : i64, scratch_operands = 0 : i64, tpu.core_type = #tpu.core_type<tc>, window_params = [{transform_indices = @transform_0, window_bounds = array<i64: 1024, 128>}, {transform_indices = @transform_1, window_bounds = array<i64: 1, 1024, 128>}, {transform_indices = @transform_2, window_bounds = array<i64: 1, 1024, 128>}, {pipeline_mode = #tpu.pipeline_mode<synchronous>, transform_indices = @transform_3, window_bounds = array<i64: 128, 128>}, {pipeline_mode = #tpu.pipeline_mode<synchronous>, transform_indices = @transform_4, window_bounds = array<i64: 128, 128>}, {pipeline_mode = #tpu.pipeline_mode<synchronous>, transform_indices = @transform_5, window_bounds = array<i64: 128>}, {pipeline_mode = #tpu.pipeline_mode<synchronous>, transform_indices = @transform_6, window_bounds = array<i64: 128, 128>}, {pipeline_mode = #tpu.pipeline_mode<synchronous>, transform_indices = @transform_7, window_bounds = array<i64: 128>}, {pipeline_mode = #tpu.pipeline_mode<synchronous>, transform_indices = @transform_8, window_bounds = array<i64: 1024, 128>}]} {
    %get3A = arith.constant 0 : index
    %get3A_0 = arith.constant 0 : index
    %get3A_1 = arith.constant 0 : index
    %get3A_2 = vector.load %arg2[%get3A, %get3A_0, %get3A_1] : memref<1x1024x128xf32, #tpu.memory_space<vmem>>, vector<1x1024x128xf32>
    %get3A_3 = vector.shape_cast %get3A_2 : vector<1x1024x128xf32> to vector<1024x128xf32>
    %get3A_4 = arith.constant 0 : index
    %get3A_5 = arith.constant 0 : index
    %get3A_6 = arith.constant 0 : index
    %get3A_7 = vector.load %arg3[%get3A_4, %get3A_5, %get3A_6] : memref<1x1024x128xf32, #tpu.memory_space<vmem>>, vector<1x1024x128xf32>
    %get3A_8 = vector.shape_cast %get3A_7 : vector<1x1024x128xf32> to vector<1024x128xf32>
    %add3A = arith.addf %get3A_3, %get3A_8 : vector<1024x128xf32>
    %get3A_9 = arith.constant 0 : index
    %get3A_10 = arith.constant 0 : index
    %get3A_11 = vector.load %arg1[%get3A_9, %get3A_10] : memref<1024x128xf32, #tpu.memory_space<vmem>>, vector<1024x128xf32>
    %get3A_12 = arith.constant 0 : index
    %get3A_13 = arith.constant 0 : index
    %get3A_14 = vector.load %arg4[%get3A_12, %get3A_13] : memref<128x128xf32, #tpu.memory_space<vmem>>, vector<128x128xf32>
    %dot_general3A = arith.constant dense<0.000000e+00> : vector<1024x128xf32>
    %dot_general3A_15 = tpu.matmul %get3A_11, %get3A_14, %dot_general3A {dimension_numbers = #tpu.dot_dimension_numbers<[1], [0], [0], [1], [0, 0, 1, 1], [], []>, transpose_lhs_hint = false} : vector<1024x128xf32>, vector<128x128xf32>, vector<1024x128xf32> -> vector<1024x128xf32>
    %get3A_16 = arith.constant 0 : index
    %get3A_17 = arith.constant 0 : index
    %get3A_18 = vector.load %arg5[%get3A_16, %get3A_17] : memref<128x128xf32, #tpu.memory_space<vmem>>, vector<128x128xf32>
    %dot_general3A_19 = arith.constant dense<0.000000e+00> : vector<1024x128xf32>
    %dot_general3A_20 = tpu.matmul %add3A, %get3A_18, %dot_general3A_19 {dimension_numbers = #tpu.dot_dimension_numbers<[1], [0], [0], [1], [0, 0, 1, 1], [], []>, transpose_lhs_hint = false} : vector<1024x128xf32>, vector<128x128xf32>, vector<1024x128xf32> -> vector<1024x128xf32>
    %add3A_21 = arith.addf %dot_general3A_15, %dot_general3A_20 : vector<1024x128xf32>
    %get3A_22 = arith.constant 0 : index
    %get3A_23 = vector.load %arg6[%get3A_22] : memref<128xf32, #tpu.memory_space<vmem>>, vector<128xf32>
    %broadcast_in_dim3A = vector.shape_cast %get3A_23 : vector<128xf32> to vector<1x128xf32>
    %add3A_24 = vector.broadcast %broadcast_in_dim3A : vector<1x128xf32> to vector<1024x128xf32>
    %add3A_25 = arith.addf %add3A_21, %add3A_24 : vector<1024x128xf32>
    %max3A = arith.constant 0.000000e+00 : f32
    %max3A_26 = vector.broadcast %max3A : f32 to vector<1024x128xf32>
    %max3A_27 = arith.maximumf %add3A_25, %max3A_26 : vector<1024x128xf32>
    %get3A_28 = arith.constant 0 : index
    %get3A_29 = arith.constant 0 : index
    %get3A_30 = vector.load %arg7[%get3A_28, %get3A_29] : memref<128x128xf32, #tpu.memory_space<vmem>>, vector<128x128xf32>
    %dot_general3A_31 = arith.constant dense<0.000000e+00> : vector<1024x128xf32>
    %dot_general3A_32 = tpu.matmul %max3A_27, %get3A_30, %dot_general3A_31 {dimension_numbers = #tpu.dot_dimension_numbers<[1], [0], [0], [1], [0, 0, 1, 1], [], []>, transpose_lhs_hint = false} : vector<1024x128xf32>, vector<128x128xf32>, vector<1024x128xf32> -> vector<1024x128xf32>
    %get3A_33 = arith.constant 0 : index
    %get3A_34 = vector.load %arg8[%get3A_33] : memref<128xf32, #tpu.memory_space<vmem>>, vector<128xf32>
    %broadcast_in_dim3A_35 = vector.shape_cast %get3A_34 : vector<128xf32> to vector<1x128xf32>
    %add3A_36 = vector.broadcast %broadcast_in_dim3A_35 : vector<1x128xf32> to vector<1024x128xf32>
    %add3A_37 = arith.addf %dot_general3A_32, %add3A_36 : vector<1024x128xf32>
    %swap3A = arith.constant 0 : index
    %swap3A_38 = arith.constant 0 : index
    %swap3A_39 = vector.load %arg9[%swap3A, %swap3A_38] : memref<1024x128xf32, #tpu.memory_space<vmem>>, vector<1024x128xf32>
    tpu.vector_store %arg9[%swap3A, %swap3A_38], %add3A_37 {strides = array<i32>} : memref<1024x128xf32, #tpu.memory_space<vmem>>, vector<1024x128xf32>,
    return
  }
  func.func @transform_0(%arg0: i32) -> (i32, i32) {
    %c0_i32 = arith.constant 0 : i32
    %c0_i32_0 = arith.constant 0 : i32
    %c0_i32_1 = arith.constant 0 : i32
    return %c0_i32, %c0_i32_0 : i32, i32
  }
  func.func @transform_1(%arg0: i32) -> (i32, i32, i32) {
    %c0_i32 = arith.constant 0 : i32
    %c0_i32_0 = arith.constant 0 : i32
    %c0_i32_1 = arith.constant 0 : i32
    %c0_i32_2 = arith.constant 0 : i32
    return %c0_i32, %c0_i32_0, %c0_i32_1 : i32, i32, i32
  }
  func.func @transform_2(%arg0: i32) -> (i32, i32, i32) {
    %c1_i32 = arith.constant 1 : i32
    %c0_i32 = arith.constant 0 : i32
    %c0_i32_0 = arith.constant 0 : i32
    %c0_i32_1 = arith.constant 0 : i32
    return %c1_i32, %c0_i32, %c0_i32_0 : i32, i32, i32
  }
  func.func @transform_3(%arg0: i32) -> (i32, i32) {
    %c0_i32 = arith.constant 0 : i32
    %c0_i32_0 = arith.constant 0 : i32
    %c0_i32_1 = arith.constant 0 : i32
    return %c0_i32, %c0_i32_0 : i32, i32
  }
  func.func @transform_4(%arg0: i32) -> (i32, i32) {
    %c0_i32 = arith.constant 0 : i32
    %c0_i32_0 = arith.constant 0 : i32
    %c0_i32_1 = arith.constant 0 : i32
    return %c0_i32, %c0_i32_0 : i32, i32
  }
  func.func @transform_5(%arg0: i32) -> i32 {
    %c0_i32 = arith.constant 0 : i32
    %c0_i32_0 = arith.constant 0 : i32
    return %c0_i32 : i32
  }
  func.func @transform_6(%arg0: i32) -> (i32, i32) {
    %c0_i32 = arith.constant 0 : i32
    %c0_i32_0 = arith.constant 0 : i32
    %c0_i32_1 = arith.constant 0 : i32
    return %c0_i32, %c0_i32_0 : i32, i32
  }
  func.func @transform_7(%arg0: i32) -> i32 {
    %c0_i32 = arith.constant 0 : i32
    %c0_i32_0 = arith.constant 0 : i32
    return %c0_i32 : i32
  }
  func.func @transform_8(%arg0: i32) -> (i32, i32) {
    %c0_i32 = arith.constant 0 : i32
    %c0_i32_0 = arith.constant 0 : i32
    %c0_i32_1 = arith.constant 0 : i32
    return %c0_i32, %c0_i32_0 : i32, i32
  }
}

</mosaic_0001>

<sc_bundles>
// kernel: kernel.10.cloned.1.call-start
scs
__scs_entry_jumppad:
0x0: {  	(pc) =	sbr.rel $0x88, $3  }
0x1: {  	(tag) =	ssettag $0x0;
	lr =	simm.s32 $0x1  }
0x2: {  	[smem:$0x3F8C] =	sst lr;
	_ =	strace $0xD0000000  }
0x3: {  	_ = 	snop  }
0x4: {  	_ = 	snop  }
0x5: {  	_ = 	snop  }
0x6: {  	_ = 	snop  }
0x7: {  	_ = 	snop  }
__scs_overlays_trampoline_lowered:
0x8: {  	[smem:$0x3F9B] =	sst s0  }
0x9: {  	[smem:$0x3F9C] =	sst s1  }
0xa: {  	[smem:$0x3F9D] =	sst s2  }
0xb: {  	[smem:$0x3F9E] =	sst s3  }
0xc: {  	[smem:$0x3F9F] =	sst s4  }
0xd: {  	[smem:$0x3FA0] =	sst s5  }
0xe: {  	[smem:$0x3FA1] =	sst s6  }
0xf: {  	[smem:$0x3FA2] =	sst s7  }
0x10: {  	[smem:$0x3FA3] =	sst s8  }
0x11: {  	[smem:$0x3FA4] =	sst s9;
	s0 =	simm.s32 @!p0 $0x0  }
0x12: {  	s1 =	sld [smem:$0x3F8A];
	s0 =	simm.s32 @p0 $0x1  }
0x13: {  	[smem:$0x3FA5] =	sst s0;
	s0 =	simm.s32 @!p1 $0x0  }
0x14: {  	s2 =	sld [smem:$0x3F89];
	s0 =	simm.s32 @p1 $0x1  }
0x15: {  	[smem:$0x3FA6] =	sst s0;
	s0 =	simm.s32 @!p2 $0x0  }
0x16: {  	s3 =	sld [smem:$0x3FDB];
	s0 =	simm.s32 @p2 $0x1  }
0x17: {  	s4 =	simm.s32 $0x1BF5;
	[smem:$0x3FA8] =	sst s0  }
0x18: {  	s0 =	sld [smem:$0x3F8B];
	_ =	swait.ge [sflag:s4], $0x0  }
0x19: {  	s7 =	sld [smem:$0x3F8C]  }
0x1a: {  	s8 =	sadd.s32 $0xFFFFE003, lr  }
0x1b: {  	s9 =	sadd.s32 $0xFFFFFEF7, lr;
	s5 =	simm.s32 $0xFFFFFFFF;
	p2 =	slt.u32 s8, $0xFFFFF086  }
0x1c: {  	p1 =	slt.u32 s9, $0xF7A;
	s5 =	simm.s32 @!p2 $0x0  }
0x1d: {  	s5 =	simm.s32 @p1 $0x1;
	p0 =	seq.s32 s7, s2  }
0x1e: {  	s7 =	smul.u32 @!p0 $0xF7A, s2;
	p2 =	seq.s32 @!p0 s5, $0x0  }
0x1f: {  	s9 =	smul.u32 $0xF7A, s1;
	s8 =	simm.s32 @!p0 $0x1BF5;
	p2 =	por !p2, p0  }
0x20: {  	[sflag:s8] =	ssyncset.s32 @!p0 $0xFFFFF086;
	s6 =	sadd.s32 @!p0 s3, s7;
	s7 =	simm.s32 @!p0 $0x108  }
0x21: {  	s3 =	sadd.s32 s3, s9;
	s6 =	sadd.s32 @!p0 $0x88, s6;
	s7 =	simm.s32 @p2 $0x1082  }
0x22: {  	[simem:s7], [sflag:s8] =	dma.local @!p0 [hbm:s6], $0xF7A  }
0x23: {  	s9 =	sor.u32 $0xD0000000, s2;
	s6 =	simm.s32 $0x108;
	_ =	swait.ge @!p0 [sflag:s8], $0x0  }
0x24: {  	s3 =	sadd.s32 $0x88, s3;
	s6 =	simm.s32 @!p1 $0x1082;
	[sflag:s4] =	ssyncset.s32 $0xFFFFF086  }
0x25: {  	[simem:s6], [sflag:s4] =	dma.local [hbm:s3], $0xF7A  }
0x26: {  	[smem:$0x3F8C] =	sst s1;
	(tag) =	ssettag s2;
	_ =	strace s9  }
0x27: {  	s1 =	sld [smem:$0x3F9C]  }
0x28: {  	s2 =	sld [smem:$0x3F9D]  }
0x29: {  	s4 =	sld [smem:$0x3F9F]  }
0x2a: {  	p0 =	seq.s32 s5, $0x0;
	s5 =	sld [smem:$0x3FA0]  }
0x2b: {  	s6 =	sld [smem:$0x3FA1]  }
0x2c: {  	s7 =	sld [smem:$0x3FA2]  }
0x2d: {  	s3 =	simm.s32 $0x108;
	s8 =	sld [smem:$0x3FA3]  }
0x2e: {  	s3 =	simm.s32 @!p0 $0x1082;
	s9 =	sld [smem:$0x3FA4]  }
0x2f: {  	lr =	sadd.s32 s0, s3;
	s0 =	sld [smem:$0x3F9B]  }
0x30: {  	s3 =	sld [smem:$0x3F9E]  }
0x31: {  	[smem:$0x3FA7] =	sst s10  }
0x32: {  	s10 =	sld [smem:$0x3FA5];
	_ =	sdelay $0x3  }
0x33: {  	p0 =	seq.s32 s10, $0x1;
	s10 =	sld [smem:$0x3FA7];
	_ =	sdelay $0x3  }
0x34: {  	[smem:$0x3FA7] =	sst s10  }
0x35: {  	s10 =	sld [smem:$0x3FA6];
	_ =	sdelay $0x3  }
0x36: {  	p1 =	seq.s32 s10, $0x1;
	s10 =	sld [smem:$0x3FA7];
	_ =	sdelay $0x3  }
0x37: {  	[smem:$0x3FA7] =	sst s10  }
0x38: {  	s10 =	sld [smem:$0x3FA8]  }
0x39: {  	_ = 	snop;
	(pc) =	sbr.ind lr, $3  }
0x3a: {  	_ = 	snop  }
0x3b: {  	_ = 	snop  }
0x3c: {  	p2 =	seq.s32 s10, $0x1;
	s10 =	sld [smem:$0x3FA7]  }
0x3d: {  	_ =	shalt  }
0x3e: {  	_ =	shalt  }
0x3f: {  	_ =	shalt  }
0x40: {  	_ =	shalt  }
0x41: {  	_ =	shalt  }
0x42: {  	_ =	shalt  }
0x43: {  	_ =	shalt  }
0x44: {  	_ =	shalt  }
0x45: {  	_ =	shalt  }
0x46: {  	_ =	shalt  }
0x47: {  	_ =	shalt  }
0x48: {  	_ =	shalt  }
0x49: {  	_ =	shalt  }
0x4a: {  	_ =	shalt  }
0x4b: {  	_ =	shalt  }
0x4c: {  	_ =	shalt  }
0x4d: {  	_ =	shalt  }
0x4e: {  	_ =	shalt  }
0x4f: {  	_ =	shalt  }
0x50: {  	_ =	shalt  }
0x51: {  	_ =	shalt  }
0x52: {  	_ =	shalt  }
0x53: {  	_ =	shalt  }
0x54: {  	_ =	shalt  }
0x55: {  	_ =	shalt  }
0x56: {  	_ =	shalt  }
0x57: {  	_ =	shalt  }
0x58: {  	_ =	shalt  }
0x59: {  	_ =	shalt  }
0x5a: {  	_ =	shalt  }
0x5b: {  	_ =	shalt  }
0x5c: {  	_ =	shalt  }
0x5d: {  	_ =	shalt  }
0x5e: {  	_ =	shalt  }
0x5f: {  	_ =	shalt  }
0x60: {  	_ =	shalt  }
0x61: {  	_ =	shalt  }
0x62: {  	_ =	shalt  }
0x63: {  	_ =	shalt  }
0x64: {  	_ =	shalt  }
0x65: {  	_ =	shalt  }
0x66: {  	_ =	shalt  }
0x67: {  	_ =	shalt  }
0x68: {  	_ =	shalt  }
0x69: {  	_ =	shalt  }
0x6a: {  	_ =	shalt  }
0x6b: {  	_ =	shalt  }
0x6c: {  	_ =	shalt  }
0x6d: {  	_ =	shalt  }
0x6e: {  	_ =	shalt  }
0x6f: {  	_ =	shalt  }
0x70: {  	_ =	shalt  }
0x71: {  	_ =	shalt  }
0x72: {  	_ =	shalt  }
0x73: {  	_ =	shalt  }
0x74: {  	_ =	shalt  }
0x75: {  	_ =	shalt  }
0x76: {  	_ =	shalt  }
0x77: {  	_ =	shalt  }
0x78: {  	_ =	shalt  }
0x79: {  	_ =	shalt  }
0x7a: {  	_ =	shalt  }
0x7b: {  	_ =	shalt  }
0x7c: {  	_ =	shalt  }
0x7d: {  	_ =	shalt  }
0x7e: {  	_ =	shalt  }
0x7f: {  	_ =	shalt  }
0x80: {  	_ =	shalt  }
0x81: {  	_ =	shalt  }
0x82: {  	_ =	shalt  }
0x83: {  	_ =	shalt  }
0x84: {  	_ =	shalt  }
0x85: {  	_ =	shalt  }
0x86: {  	_ =	shalt  }
0x87: {  	_ =	shalt  }
.Lfunc_end0:
.L_simem_size_0:
called_computation.1_lowered:
.L_overlay_start_0:
0x88: {  	s2 =	sld [smem:$0x3FD9]  }
0x89: {  	s3 =	sld [smem:$0x3FFE];
	_ =	sdelay $0x1  }
0x8a: {  	s1 =	srdreg.scid  }
0x8b: {  	s0 =	sand.u32 $0x1, s1  }
0x8c: {  	s17 =	sshll.u32 s0, $0xA;
	s2 =	sadd.s32 s3, s2  }
0x8d: {  	s2 =	sadd.s32 s2, s17  }
0x8e: {  	[smem:$0x3FB3] =	sst s2  }
0x8f: {  	_ = 	snop  }
0x90: {  	s2 =	sld [smem:$0x3FD0];
	(tm) =	ssettm $0x1  }
0x91: {  	s18 =	sld [smem:$0x3FFB];
	_ =	sdelay $0x3  }
0x92: {  	_ =	strace s18  }
0x93: {  	s3 =	sld [smem:$0x3FFC];
	_ =	sdelay $0x3  }
0x94: {  	_ =	strace s3  }
0x95: {  	s3 =	sld [smem:$0x3FFD];
	_ =	sdelay $0x3  }
0x96: {  	_ =	strace s3  }
0x97: {  	_ =	strace $0x8FFFFFFF  }
0x98: {  	s19 =	sld [smem:$0x3FDB];
	_ =	sdelay $0x1  }
0x99: {  	s4 =	simm.s32 $_scs_section_size  }
0x9a: {  	s5 =	simm.s32 $_size__tile_overlayer_lowered;
	s6 =	simm.s32 $_tile_overlayer_lowered  }
0x9b: {  	s22 =	simm.s32 $0x1BFF;
	s21 =	sshll.u32 s6, $0x1;
	s3 =	sadd.s32 s4, s19  }
0x9c: {  	s7 =	simm.s32 $0x0;
	s20 =	sshll.u32 s5, $0x1;
	s5 =	sadd.s32 s21, s3  }
0x9d: {  	[timem:s7], [sflag:s22] =	dma.local [hbm:s5], s20  }
0x9e: {  	_ =	swait.ge [sflag:s22], s20  }
0x9f: {  	s4 =	ssub.s32 $0x0, s20;
	[sflag:s22] =	ssyncset.done $0x0  }
0xa0: {  	[sflag:s22] =	ssyncadd.s32 s4;
	_ =	sdelay $0x1  }
0xa1: {  	s23 =	simm.s32 $0x1B8B  }
0xa2: {  	_ =	swait.ge [sflag:s23], $0x1  }
0xa3: {  	[sflag:s23] =	ssyncset.done $0x0  }
0xa4: {  	s25 =	simm.s32 $0x1B8E;
	s24 =	sld [smem:$0x3FFE];
	[sflag:s23] =	ssyncadd.s32 $0xFFFFFFFF  }
0xa5: {  	s26 =	simm.s32 $execute0_lowered;
	[smem:$0x3FD2] =	sst s25  }
0xa6: {  	s5 =	sshll.u32 s26, $0x1;
	_ =	strace $0x80000049;
	[dreg:$0x1] =	wrdreg $0xFFFFFFFF  }
0xa7: {  	s28 =	simm.s32 $_size_execute0_lowered;
	s3 =	sadd.s32 s3, s5;
	[dreg:$0x0] =	wrdreg $0x0  }
0xa8: {  	s5 =	sshll.u32 s28, $0x1;
	[dreg:$0x2] =	wrdreg s3  }
0xa9: {  	[dreg:$0x3] =	wrdreg s5  }
0xaa: {  	[dreg:$0x4] =	wrdreg $0xC0  }
0xab: {  	_ =	task [dreg:s7], $0x5FFFF  }
0xac: {  	[dreg:$0x1] =	wrdreg $0xFFFFFFFF  }
0xad: {  	[dreg:$0x0] =	wrdreg $0x60  }
0xae: {  	[dreg:$0x2] =	wrdreg s24  }
0xaf: {  	[dreg:$0x3] =	wrdreg s2  }
0xb0: {  	[dreg:$0x4] =	wrdreg $0x17F800  }
0xb1: {  	[dreg:$0x5] =	wrdreg $0x9  }
0xb2: {  	_ =	task.clear_ibuf [dreg:s7], $0x6FFFF;
	_ =	strace $0x90000049  }
0xb3: {  	s29 =	simm.s32 $0x9;
	_ =	strace $0x8000004B  }
0xb4: {  	_ =	swait.ge [sflag:s29], $0x1  }
0xb5: {  	[sflag:s29] =	ssyncadd.s32 $0xFFFFFFFF  }
0xb6: {  	_ =	strace $0x9000004B  }
0xb7: {  	_ =	sfence  }
0xb8: {  	s30 =	sld [smem:$0x0];
	_ =	sdelay $0x2  }
0xb9: {  	s31 =	sshll.u32 s1, $0xD;
	s1 =	sshrl.u32 s1, $0x2  }
0xba: {  	s3 =	sand.u32 $0x4000, s31;
	s1 =	sadd.s32 s1, s30  }
0xbb: {  	s0 =	sor.u32 s3, s0;
	s1 =	sshll.u32 s1, $0x11  }
0xbc: {  	s0 =	sor.u32 s1, s0  }
0xbd: {  	s0 =	sadd.s32 $0x8F2B, s0  }
0xbe: {  	[sflag:s0] =	ssyncadd.remote.s32 $0x1  }
0xbf: {  	_ =	sfence.sel $0xFFFF  }
0xc0: {  	[dreg:$0x0] =	wrdreg $0xFFFFFFFF;
	(pc) =	sbr.abs _section_cstart, $3  }
0xc1: {  	[dreg:$0x1] =	wrdreg $0xFFFFFFFF  }
0xc2: {  	_ =	task.clear_ibuf [dreg:s7], $0x2FFFF;
	_ =	strace $0x9FFFFFFF  }
0xc3: {  	(tm) =	ssettm $0x7FFFFFFF  }
tec
execute0_lowered:
.L_overlay_start_1:
0x0: {  	(tag) =	ssettag $0x1  }
0x1: {  	s0 =	rddreg [dreg:$0x0]  }
0x2: {  	s2 =	rddreg [dreg:$0x2];
	s1 =	srdreg.scid  }
0x3: {  	s12 =	stileid.u32;
	s15 =	simm.s32 $0x2780;
	s16 =	simm.s32 $0x2800  }
0x4: {  	s17 =	simm.s32 $0x4F80;
	s21 =	simm.s32 $0x0;
	s1 =	sand.u32 $0x1, s1  }
0x5: {  	s3 =	sshrl.u32 s12, $0x2;
	s4 =	sshll.u32 s12, $0x8;
	s25 =	sshll.u32 s12, $0xA  }
0x6: {  	s9 =	smul.u32 $0x9000, s12;
	s29 =	sshll.u32 s12, $0x6;
	s30 =	sshll.u32 s12, $0xD  }
0x7: {  	s12 =	simm.s32 $0xD;
	s5 =	smul.u32 $0x13C00, s3;
	s6 =	sshll.u32 s1, $0x7  }
0x8: {  	s7 =	sand.u32 $0x300, s4;
	s4 =	simm.s32 $0x0;
	s3 =	sshll.u32 s3, $0xA  }
0x9: {  	s8 =	ssub.s32 $0x2, s1;
	s1 =	sshll.u32 s1, $0xE;
	s31 =	sadd.s32 s30, s2  }
0xa: {  	s6 =	sor.u32 s6, s7;
	[smem:$0x7FF] =	sst s4;
	s26 =	sshrl.u32 s8, $0x1  }
0xb: {  	s28 =	sshrl.u32 s9, $0x2;
	s20 =	sshrl.u32 s31, $0x3;
	s5 =	sor.u32 s5, s6  }
0xc: {  	_ =	strace $0x8000004A;
	s3 =	sor.u32 s3, s6;
	s10 =	ssub.s32 s8, s26  }
.Ltmp0:
0xd: {  	s11 =	sadd.s32 s28, s2;
	s6 =	sor.u32 $0x1C0D, s29;
	(pc) =	sbr.rel .LBB2_1-.Ltmp0, $4  }
0xe: {  	s24 =	sshrl.u32 s5, $0x3;
	s5 =	sadd.s32 $0x4400, s0;
	s3 =	sshrl.u32 s3, $0x3  }
0xf: {  	v0 =	vlaneseq.u32;
	s7 =	sadd.s32 s24, s0;
	s3 =	sadd.s32 s3, s0;
	s0 =	sadd.s32 s25, s0  }
0x10: {  	v1 =	vor.u32 $0x10, v0;
	s10 =	smax.u32 s10, $0x1;
	s11 =	sshrl.u32 s11, $0x3;
	s0 =	sadd.s32 s1, s0  }
0x11: {  	v2 =	vor.u32 $0x20, v0;
	v3 =	vor.u32 $0x30, v0;
	v4 =	vor.u32 $0x40, v0;
	s7 =	sadd.s32 $0x8D400, s7;
	s8 =	sadd.s32 $0x97200, s3;
	s9 =	sadd.s32 $0x2B600, s0  }
.LBB2_13:
0x12: {  	s21 =	sadd.s32 $0x1, s21  }
0x13: {  	p0 =	sne.s32 s21, s10  }
.Ltmp1:
0x14: {  	[bflag:$0x0] =	sbarrier.arrive $0xFFFF;
	(pc) =	sbr.rel @!p0 .LBB2_14-.Ltmp1, $4  }
0x15: {  	[hbm:s9], [sflag:s6] =	dma.local [spmem:s20], $0x400  }
0x16: {  	_ =	swait.ge [sflag:s12], $0x400  }
0x17: {  	[sflag:s12] =	ssyncset.done $0x0  }
0x18: {  	[sflag:s12] =	ssyncadd.s32 $0xFFFFFC00  }
.LBB2_1:
0x19: {  	s0 =	rddreg [dreg:$0x1]  }
0x1a: {  	[spmem:s11], [sflag:s6] =	dma.local [hbm:s0], $0x480  }
0x1b: {  	_ =	swait.ge [sflag:s12], $0x480  }
0x1c: {  	[sflag:s12] =	ssyncset.done $0x0  }
0x1d: {  	[sflag:s12] =	ssyncadd.s32 $0xFFFFFB80  }
0x1e: {  	s31 =	simm.s32 $0x80;
	s1 =	simm.s32 $0x400;
	[bflag:$0x0] =	sbarrier.arrive $0xFFFF  }
0x1f: {  	[tilespmem:s4], [sflag:$0xD] =	stream.strided.gather [hbm4b:s7+s31], $0x2780, s1, s31, $0x38;
	[tilespmem:$0x1A380] =	vst v63  }
0x20: {  	_ =	swait.ge [sflag:s12], $0x2780  }
0x21: {  	[sflag:s12] =	ssyncset.done $0x0  }
0x22: {  	[sflag:s12] =	ssyncadd.s32 $0xFFFFD880  }
0x23: {  	[tilespmem:s15], [sflag:$0xD] =	stream.linear.gather [hbm4b:s8+s4], $0x80, $0x38;
	[tilespmem:$0x1A380] =	vst v63  }
0x24: {  	_ =	swait.ge [sflag:s12], $0x80  }
0x25: {  	[sflag:s12] =	ssyncset.done $0x0  }
0x26: {  	[sflag:s12] =	ssyncadd.s32 $0xFFFFFF80  }
0x27: {  	v5 =	vld [tilespmem:$0x2780];
	_ =	sdelay $0x4  }
0x28: {  	v5 =	vxor.u32 $0x80000000, v5  }
0x29: {  	(xrf0) =	vmax.scan.msk.u32 $0xffff, v5;
	_ =	sdelay $0x5  }
0x2a: {  	v5, _, _ =	vpop (xrf0)  }
0x2b: {  	(v2sf) =	vpush v5, $0xF;
	_ =	sdelay $0xe  }
0x2c: {  	s22 =	spop (v2sf)  }
0x2d: {  	s23 =	sxor.u32 $0x80000000, s22  }
0x2e: {  	p0 =	slt.s32 s23, $0x1  }
.Ltmp2:
0x2f: {  	_ = 	snop;
	(pc) =	sbr.rel @p0 .LBB2_5-.Ltmp2, $2  }
0x30: {  	_ =	sdelay $0x2  }
0x31: {  	s3 =	simm.s32 $0x20;
	p1 =	por $0x0, $0x0  }
0x32: {  	v5 =	vld [tilespmem:s3+$0xFFFFFFE0]  }
0x33: {  	v6 =	vor.u32 s4, v0;
	s0 =	simm.s32 $0x0  }
0x34: {  	v7 =	vor.u32 s0, v0;
	_ =	sdelay $0x2  }
0x35: {  	v8 =	vand.u32 $0xFFFF, v5  }
0x36: {  	v5 =	vshra.s32 v5, $0x10;
	[tilespmem:v6+s16+$0x0] =	vst.idx.msk $0xffff, v8  }
0x37: {  	[tilespmem:v7+s17+$0x0] =	vst.idx.msk $0xffff, v5  }
0x38: {  	s1 =	simm.s32 $0x10;
	v5 =	vld [tilespmem:s3+$0xFFFFFFF0]  }
0x39: {  	v6 =	vor.u32 s1, v0  }
0x3a: {  	v7 =	vor.u32 s0, v1;
	_ =	sdelay $0x2  }
0x3b: {  	v8 =	vand.u32 $0xFFFF, v5  }
0x3c: {  	v5 =	vshra.s32 v5, $0x10;
	[tilespmem:v6+s16+$0x0] =	vst.idx.msk $0xffff, v8  }
0x3d: {  	[tilespmem:v7+s17+$0x0] =	vst.idx.msk $0xffff, v5  }
0x3e: {  	s29 =	simm.s32 $0x20;
	v5 =	vld [tilespmem:s3+$0x0]  }
0x3f: {  	v6 =	vor.u32 s29, v0  }
0x40: {  	v7 =	vor.u32 s0, v2;
	_ =	sdelay $0x2  }
0x41: {  	v8 =	vand.u32 $0xFFFF, v5  }
0x42: {  	v5 =	vshra.s32 v5, $0x10;
	[tilespmem:v6+s16+$0x0] =	vst.idx.msk $0xffff, v8  }
0x43: {  	[tilespmem:v7+s17+$0x0] =	vst.idx.msk $0xffff, v5  }
0x44: {  	s30 =	simm.s32 $0x30;
	v5 =	vld [tilespmem:s3+$0x10]  }
0x45: {  	v6 =	vor.u32 s30, v0  }
0x46: {  	v7 =	vor.u32 s0, v3;
	_ =	sdelay $0x2  }
0x47: {  	v8 =	vand.u32 $0xFFFF, v5  }
0x48: {  	v5 =	vshra.s32 v5, $0x10;
	[tilespmem:v6+s16+$0x0] =	vst.idx.msk $0xffff, v8  }
0x49: {  	[tilespmem:v7+s17+$0x0] =	vst.idx.msk $0xffff, v5  }
0x4a: {  	s31 =	simm.s32 $0x40;
	v6 =	vld [tilespmem:s3+$0x20]  }
0x4b: {  	p1 =	sne.s32 s23, $0x1;
	v7 =	vor.u32 s31, v0  }
.Ltmp3:
0x4c: {  	_ = 	snop;
	(pc) =	sbr.rel @!p1 .LBB2_4-.Ltmp3, $3  }
0x4d: {  	v5 =	vor.u32 s0, v4;
	_ =	sdelay $0x1  }
0x4e: {  	v8 =	vand.u32 $0xFFFF, v6  }
0x4f: {  	s24 =	simm.s32 $0x1;
	s0 =	simm.s32 $0x0;
	v6 =	vshra.s32 v6, $0x10;
	[tilespmem:v7+s16+$0x0] =	vst.idx.msk $0xffff, v8  }
.LBB2_3:
0x50: {  	s0 =	sadd.s32 $0x50, s0  }
0x51: {  	[tilespmem:v5+s17+$0x0] =	vst.idx.msk $0xffff, v6;
	s3 =	sadd.s32 $0x50, s3;
	s1 =	smov.u32 s24;
	s24 =	sadd.s32 $0x1, s24  }
0x52: {  	v5 =	vld [tilespmem:s3+$0xFFFFFFE0];
	p1 =	sne.s32 s23, s24  }
0x53: {  	v6 =	vor.u32 s0, v0;
	s25 =	sshll.u32 s1, $0x7  }
0x54: {  	v7 =	vor.u32 s25, v0;
	_ =	sdelay $0x2  }
0x55: {  	v8 =	vand.u32 $0xFFFF, v5  }
0x56: {  	v5 =	vshra.s32 v5, $0x10;
	[tilespmem:v6+s16+$0x0] =	vst.idx.msk $0xffff, v8  }
0x57: {  	[tilespmem:v7+s17+$0x0] =	vst.idx.msk $0xffff, v5  }
0x58: {  	s1 =	sadd.s32 $0x10, s0;
	v5 =	vld [tilespmem:s3+$0xFFFFFFF0]  }
0x59: {  	v6 =	vor.u32 s1, v0  }
0x5a: {  	v7 =	vor.u32 s25, v1;
	_ =	sdelay $0x2  }
0x5b: {  	v8 =	vand.u32 $0xFFFF, v5  }
0x5c: {  	v5 =	vshra.s32 v5, $0x10;
	[tilespmem:v6+s16+$0x0] =	vst.idx.msk $0xffff, v8  }
0x5d: {  	[tilespmem:v7+s17+$0x0] =	vst.idx.msk $0xffff, v5  }
0x5e: {  	s1 =	sadd.s32 $0x20, s0;
	v5 =	vld [tilespmem:s3+$0x0]  }
0x5f: {  	v6 =	vor.u32 s1, v0  }
0x60: {  	v7 =	vor.u32 s25, v2;
	_ =	sdelay $0x2  }
0x61: {  	v8 =	vand.u32 $0xFFFF, v5  }
0x62: {  	v5 =	vshra.s32 v5, $0x10;
	[tilespmem:v6+s16+$0x0] =	vst.idx.msk $0xffff, v8  }
0x63: {  	[tilespmem:v7+s17+$0x0] =	vst.idx.msk $0xffff, v5  }
0x64: {  	s1 =	sadd.s32 $0x30, s0;
	v5 =	vld [tilespmem:s3+$0x10]  }
0x65: {  	v6 =	vor.u32 s1, v0  }
0x66: {  	v7 =	vor.u32 s25, v3;
	_ =	sdelay $0x2  }
0x67: {  	v8 =	vand.u32 $0xFFFF, v5  }
0x68: {  	v5 =	vshra.s32 v5, $0x10;
	[tilespmem:v6+s16+$0x0] =	vst.idx.msk $0xffff, v8  }
0x69: {  	[tilespmem:v7+s17+$0x0] =	vst.idx.msk $0xffff, v5  }
0x6a: {  	s1 =	sadd.s32 $0x40, s0;
	v6 =	vld [tilespmem:s3+$0x20]  }
0x6b: {  	v7 =	vor.u32 s1, v0  }
.Ltmp4:
0x6c: {  	v5 =	vor.u32 s25, v4;
	(pc) =	sbr.rel @p1 .LBB2_3-.Ltmp4, $3  }
0x6d: {  	_ =	sdelay $0x1  }
0x6e: {  	v8 =	vand.u32 $0xFFFF, v6  }
0x6f: {  	v6 =	vshra.s32 v6, $0x10;
	[tilespmem:v7+s16+$0x0] =	vst.idx.msk $0xffff, v8  }
.LBB2_4:
0x70: {  	_ =	sdelay $0x3  }
0x71: {  	[tilespmem:v5+s17+$0x0] =	vst.idx.msk $0xffff, v6;
	s0 =	simm.s32 $0x50;
	s1 =	simm.s32 $0x8F80;
	p2 =	seq.s32 s22, $0x80000001  }
0x72: {  	[tilespmem:s1], [sflag:$0x1] =	stream.indirect.gather [hbm4b:s5+s0], $0x80, s16, s0, $0xb8;
	[tilespmem:$0x1A380] =	vst v63  }
0x73: {  	s0 =	simm.s32 @!p2 $0x50;
	p1 =	slt.u32 @!p2 s23, $0x3  }
0x74: {  	s1 =	simm.s32 @!p2 $0x2850;
	s3 =	simm.s32 @!p2 $0xB780;
	p3 =	por p1, p2  }
0x75: {  	[tilespmem:s3], [sflag:$0x2] =	stream.indirect.gather @!p2 [hbm4b:s5+s0], $0x80, s1, s0, $0xb8;
	[tilespmem:$0x1A380] =	vst v63  }
0x76: {  	s0 =	simm.s32 @!p3 $0x50;
	p4 =	seq.s32 @!p3 s22, $0x80000003  }
0x77: {  	s1 =	simm.s32 @!p3 $0x28A0;
	s3 =	simm.s32 @!p3 $0xDF80;
	p5 =	por @!p2 p4, p1  }
0x78: {  	[tilespmem:s3], [sflag:$0x3] =	stream.indirect.gather @!p3 [hbm4b:s5+s0], $0x80, s1, s0, $0xb8;
	[tilespmem:$0x1A380] =	vst v63  }
0x79: {  	p4 =	por @!p2 !p4, p1;
	p5 =	por p5, p2  }
0x7a: {  	s0 =	simm.s32 @!p5 $0x50;
	s1 =	simm.s32 @!p5 $0x28F0;
	s3 =	simm.s32 @!p5 $0x10780  }
0x7b: {  	[tilespmem:s3], [sflag:$0x4] =	stream.indirect.gather @!p5 [hbm4b:s5+s0], $0x80, s1, s0, $0xb8;
	[tilespmem:$0x1A380] =	vst v63  }
0x7c: {  	p3 =	por @!p3 $0x1, $0x1;
	p4 =	por !p4, p2;
	p5 =	por @!p5 $0x1, $0x1  }
0x7d: {  	p6 =	por @!p2 $0x1, $0x1;
	p1 =	por !p1, p2;
	p3 =	por @!p4 p5, p5  }
0x7e: {  	p3 =	por @!p1 p6, p6;
	p1 =	por $0x0, $0x0  }
0x7f: {  	p1 =	por @!p2 p3, p3  }
.LBB2_5:
0x80: {  	s31 =	sadd.s32 $0x80000005, s22  }
0x81: {  	s1 =	smulhi.u32 $0x2AAAAAAB, s31;
	s3 =	sshra.s32 s31, $0x1F  }
0x82: {  	s3 =	smul.u32 $0x2AAAAAAB, s3;
	_ =	sdelay $0x1  }
0x83: {  	s1 =	sadd.s32 s3, s1  }
0x84: {  	s3 =	sshrl.u32 s1, $0x1F  }
0x85: {  	s1 =	sadd.s32 s3, s1  }
0x86: {  	s3 =	smul.u32 $0xFFFFFFFA, s1  }
0x87: {  	s18 =	ssub.s32 $0x7FFFFFFB, s22  }
0x88: {  	s0 =	simm.s32 @!p1 $0x0;
	p2 =	slt.s32 s31, $0x1;
	p3 =	sne.s32 s3, s18  }
0x89: {  	s0 =	simm.s32 @p1 $0x1;
	p2 =	por !p2, !p3  }
0x8a: {  	[smem:$0x7FD] =	sst s0;
	s0 =	simm.s32 $0x1;
	p2 =	por !p2, !p2  }
0x8b: {  	s0 =	simm.s32 @!p2 $0x0  }
0x8c: {  	s24 =	ssub.s32 s1, s0  }
0x8d: {  	p2 =	slt.s32 s24, $0x1  }
.Ltmp5:
0x8e: {  	_ = 	snop;
	(pc) =	sbr.rel @p2 .LBB2_9-.Ltmp5, $1  }
0x8f: {  	_ =	sdelay $0x3  }
0x90: {  	p2 =	sle.s32 s23, $0x0  }
0x91: {  	s0 =	simm.s32 $0x4F80;
	s1 =	simm.s32 @!p2 $0x1  }
0x92: {  	p3 =	por @!p2 $0x1, $0x1;
	p4 =	sle.s32 @!p2 s23, $0x4;
	_ =	swait.ge @!p2 [sflag:s1], $0x2800  }
0x93: {  	s3 =	simm.s32 @!p2 $0x8F80;
	p3 =	por p3, p2;
	[sflag:s1] =	ssyncset.done @!p2 $0x0  }
0x94: {  	s18 =	simm.s32 @!p3 $0xB;
	[sflag:s1] =	ssyncadd.s32 @!p2 $0xFFFFD800;
	s1 =	simm.s32 @!p2 $0x50  }
0x95: {  	[spmem:s2] =	stream.indirect.scatter.add.f32 @!p2 [tilespmem:s3], [sflag:$0x7], $0x80, s0, s1, $0xb8;
	[tilespmem:$0x1A380] =	vst v63  }
0x96: {  	p4 =	por p4, p2;
	_ =	swait.ge @!p3 [sflag:s18], $0x2800  }
0x97: {  	s0 =	simm.s32 @!p4 $0x50;
	s1 =	simm.s32 @!p4 $0x12F80;
	[sflag:s18] =	ssyncset.done @!p3 $0x0  }
0x98: {  	s3 =	simm.s32 @!p4 $0x2940;
	p2 =	sle.s32 s23, $0x1;
	[sflag:s18] =	ssyncadd.s32 @!p3 $0xFFFFD800  }
0x99: {  	[tilespmem:s1], [sflag:$0x5] =	stream.indirect.gather @!p4 [hbm4b:s5+s0], $0x80, s3, s0, $0xb8;
	[tilespmem:$0x1A380] =	vst v63  }
0x9a: {  	p3 =	por @!p2 $0x1, $0x1;
	s0 =	simm.s32 @!p2 $0x2  }
0x9b: {  	s18 =	simm.s32 @!p2 $0x5000;
	s1 =	simm.s32 @!p2 $0x50;
	_ =	swait.ge @!p2 [sflag:s0], $0x2800  }
0x9c: {  	s3 =	simm.s32 @!p2 $0xB780;
	p3 =	por p3, p2;
	[sflag:s0] =	ssyncset.done @!p2 $0x0  }
0x9d: {  	p4 =	sle.s32 @!p2 s23, $0x5;
	[sflag:s0] =	ssyncadd.s32 @!p2 $0xFFFFD800;
	s0 =	simm.s32 @!p3 $0xC  }
0x9e: {  	[spmem:s2] =	stream.indirect.scatter.add.f32 @!p2 [tilespmem:s3], [sflag:$0x8], $0x80, s18, s1, $0xb8;
	[tilespmem:$0x1A380] =	vst v63  }
0x9f: {  	p4 =	por p4, p2;
	_ =	swait.ge @!p3 [sflag:s0], $0x2800  }
0xa0: {  	s25 =	simm.s32 $0x2990;
	s1 =	simm.s32 @!p4 $0x50;
	[sflag:s0] =	ssyncset.done @!p3 $0x0  }
0xa1: {  	p2 =	sle.s32 s23, $0x2;
	[sflag:s0] =	ssyncadd.s32 @!p3 $0xFFFFD800;
	s0 =	simm.s32 @!p4 $0x15780  }
0xa2: {  	[tilespmem:s0], [sflag:$0x6] =	stream.indirect.gather @!p4 [hbm4b:s5+s1], $0x80, s25, s1, $0xb8;
	[tilespmem:$0x1A380] =	vst v63  }
0xa3: {  	s26 =	simm.s32 $0x1;
	s3 =	simm.s32 @!p2 $0x5080;
	s0 =	simm.s32 @!p2 $0x3  }
0xa4: {  	s18 =	simm.s32 @!p2 $0xDF80;
	p3 =	por @!p2 $0x0, $0x0;
	_ =	swait.ge @!p2 [sflag:s0], $0x2800  }
0xa5: {  	s1 =	simm.s32 @!p2 $0x50;
	p4 =	por p3, p2;
	[sflag:s0] =	ssyncset.done @!p2 $0x0  }
0xa6: {  	p3 =	sle.s32 @!p2 s23, $0x6;
	s19 =	simm.s32 @!p4 $0x7;
	[sflag:s0] =	ssyncadd.s32 @!p2 $0xFFFFD800  }
0xa7: {  	[spmem:s2] =	stream.indirect.scatter.add.f32 @!p2 [tilespmem:s18], [sflag:$0x9], $0x80, s3, s1, $0xb8;
	[tilespmem:$0x1A380] =	vst v63  }
0xa8: {  	s28 =	simm.s32 $0x2B70;
	p2 =	por p3, p2;
	_ =	swait.ge @!p4 [sflag:s19], $0x2800  }
0xa9: {  	p3 =	sle.s32 s23, $0x3;
	s0 =	simm.s32 @!p2 $0x29E0;
	[sflag:s19] =	ssyncset.done @!p4 $0x0  }
0xaa: {  	s1 =	simm.s32 @!p2 $0x50;
	s3 =	simm.s32 @!p2 $0x8F80;
	[sflag:s19] =	ssyncadd.s32 @!p4 $0xFFFFD800  }
0xab: {  	[tilespmem:s3], [sflag:$0x1] =	stream.indirect.gather @!p2 [hbm4b:s5+s1], $0x80, s0, s1, $0xb8;
	[tilespmem:$0x1A380] =	vst v63  }
0xac: {  	s29 =	simm.s32 $0x6;
	s18 =	simm.s32 @!p3 $0x5100;
	s0 =	simm.s32 @!p3 $0x4  }
0xad: {  	p5 =	sle.s32 @!p3 s23, $0x7;
	p4 =	por @!p3 $0x0, $0x0;
	_ =	swait.ge @!p3 [sflag:s0], $0x2800  }
0xae: {  	s1 =	simm.s32 @!p3 $0x50;
	p4 =	por p4, p3;
	[sflag:s0] =	ssyncset.done @!p3 $0x0  }
0xaf: {  	s3 =	simm.s32 @!p3 $0x10780;
	[sflag:s0] =	ssyncadd.s32 @!p3 $0xFFFFD800;
	s0 =	simm.s32 @!p4 $0x8  }
0xb0: {  	[spmem:s2] =	stream.indirect.scatter.add.f32 @!p3 [tilespmem:s3], [sflag:$0xA], $0x80, s18, s1, $0xb8;
	[tilespmem:$0x1A380] =	vst v63  }
0xb1: {  	s30 =	simm.s32 $0x5280;
	p5 =	por p5, p3;
	_ =	swait.ge @!p4 [sflag:s0], $0x2800  }
0xb2: {  	s1 =	simm.s32 @!p5 $0x2A30;
	p3 =	sle.s32 s23, $0x4;
	[sflag:s0] =	ssyncset.done @!p4 $0x0  }
0xb3: {  	s3 =	simm.s32 @!p5 $0xB780;
	[sflag:s0] =	ssyncadd.s32 @!p4 $0xFFFFD800;
	s0 =	simm.s32 @!p5 $0x50  }
0xb4: {  	[tilespmem:s3], [sflag:$0x2] =	stream.indirect.gather @!p5 [hbm4b:s5+s0], $0x80, s1, s0, $0xb8;
	[tilespmem:$0x1A380] =	vst v63  }
0xb5: {  	s18 =	simm.s32 @!p3 $0x5180;
	p4 =	por @!p3 $0x0, $0x0;
	s0 =	simm.s32 @!p3 $0x5  }
0xb6: {  	s1 =	simm.s32 @!p3 $0x50;
	s3 =	simm.s32 @!p3 $0x12F80;
	_ =	swait.ge @!p3 [sflag:s0], $0x2800  }
0xb7: {  	p4 =	por p4, p3;
	p5 =	sle.s32 @!p3 s23, $0x8;
	[sflag:s0] =	ssyncset.done @!p3 $0x0  }
0xb8: {  	p5 =	por p5, p3;
	[sflag:s0] =	ssyncadd.s32 @!p3 $0xFFFFD800;
	s0 =	simm.s32 @!p4 $0x9  }
0xb9: {  	[spmem:s2] =	stream.indirect.scatter.add.f32 @!p3 [tilespmem:s3], [sflag:$0xB], $0x80, s18, s1, $0xb8;
	[tilespmem:$0x1A380] =	vst v63  }
0xba: {  	p2 =	sne.s32 s24, $0x1;
	s1 =	simm.s32 @!p5 $0x2A80;
	_ =	swait.ge @!p4 [sflag:s0], $0x2800  }
0xbb: {  	p3 =	sle.s32 s23, $0x5;
	s3 =	simm.s32 @!p5 $0xDF80;
	[sflag:s0] =	ssyncset.done @!p4 $0x0  }
.Ltmp6:
0xbc: {  	[sflag:s0] =	ssyncadd.s32 @!p4 $0xFFFFD800;
	s0 =	simm.s32 @!p5 $0x50;
	(pc) =	sbr.rel @!p2 .LBB2_8-.Ltmp6, $4  }
0xbd: {  	[tilespmem:s3], [sflag:$0x3] =	stream.indirect.gather @!p5 [hbm4b:s5+s0], $0x80, s1, s0, $0xb8;
	[tilespmem:$0x1A380] =	vst v63  }
0xbe: {  	s18 =	simm.s32 @!p3 $0x50;
	s19 =	simm.s32 @!p3 $0x15780;
	s0 =	simm.s32 @!p3 $0x6  }
0xbf: {  	p4 =	por @!p3 $0x0, $0x0;
	s3 =	simm.s32 @!p3 $0x9;
	_ =	swait.ge @!p3 [sflag:s0], $0x2800  }
0xc0: {  	s1 =	simm.s32 @!p3 $0x5200;
	p4 =	por p4, p3;
	[sflag:s0] =	ssyncset.done @!p3 $0x0  }
.LBB2_7:
0xc1: {  	[sflag:s0] =	ssyncadd.s32 @!p3 $0xFFFFD800;
	s13 =	simm.s32 @!p4 $0xA;
	p2 =	sge.s32 @!p3 s3, s23  }
0xc2: {  	s0 =	smov.u32 s26;
	s3 =	smov.u32 s29;
	s31 =	smov.u32 s30  }
0xc3: {  	[spmem:s2] =	stream.indirect.scatter.add.f32 @!p3 [tilespmem:s19], [sflag:$0xC], $0x80, s1, s18, $0xb8;
	[tilespmem:$0x1A380] =	vst v63  }
0xc4: {  	s26 =	sadd.s32 $0x1, s26;
	p3 =	por p2, p3;
	_ =	swait.ge @!p4 [sflag:s13], $0x2800  }
0xc5: {  	s1 =	sadd.s32 @!p3 $0x140, s25;
	s18 =	simm.s32 @!p3 $0x10780;
	[sflag:s13] =	ssyncset.done @!p4 $0x0  }
0xc6: {  	p2 =	sne.s32 s24, s26;
	[sflag:s13] =	ssyncadd.s32 @!p4 $0xFFFFD800;
	s13 =	simm.s32 @!p3 $0x50  }
0xc7: {  	[tilespmem:s18], [sflag:$0x4] =	stream.indirect.gather @!p3 [hbm4b:s5+s13], $0x80, s1, s13, $0xb8;
	[tilespmem:$0x1A380] =	vst v63  }
0xc8: {  	s25 =	smov.u32 s28;
	p3 =	sge.s32 s29, s23  }
0xc9: {  	s28 =	sadd.s32 $0x1E0, s28;
	s1 =	simm.s32 @!p3 $0x1  }
0xca: {  	p4 =	slt.s32 @!p3 s29, $0x2;
	s13 =	sadd.s32 @!p3 $0x4, s29;
	s29 =	sadd.s32 $0x6, s29  }
0xcb: {  	p5 =	sge.s32 @!p3 s13, s23;
	p4 =	por p4, p3;
	_ =	swait.ge @!p3 [sflag:s1], $0x2800  }
0xcc: {  	s13 =	simm.s32 @!p3 $0x8F80;
	s18 =	simm.s32 @!p4 $0xB;
	[sflag:s1] =	ssyncset.done @!p3 $0x0  }
0xcd: {  	p5 =	por p5, p3;
	[sflag:s1] =	ssyncadd.s32 @!p3 $0xFFFFD800;
	s1 =	simm.s32 @!p3 $0x50  }
0xce: {  	[spmem:s2] =	stream.indirect.scatter.add.f32 @!p3 [tilespmem:s13], [sflag:$0x7], $0x80, s30, s1, $0xb8;
	[tilespmem:$0x1A380] =	vst v63  }
0xcf: {  	s19 =	simm.s32 @!p5 $0x12F80;
	s1 =	sadd.s32 $0x1, s3;
	_ =	swait.ge @!p4 [sflag:s18], $0x2800  }
0xd0: {  	s13 =	simm.s32 @!p5 $0x50;
	p3 =	sge.s32 s1, s23;
	[sflag:s18] =	ssyncset.done @!p4 $0x0  }
0xd1: {  	s1 =	simm.s32 @!p3 $0x2;
	[sflag:s18] =	ssyncadd.s32 @!p4 $0xFFFFD800;
	s18 =	sadd.s32 @!p5 $0xFFFFFFB0, s25  }
0xd2: {  	[tilespmem:s19], [sflag:$0x5] =	stream.indirect.gather @!p5 [hbm4b:s5+s13], $0x80, s18, s13, $0xb8;
	[tilespmem:$0x1A380] =	vst v63  }
0xd3: {  	s14 =	sadd.s32 @!p3 $0x80, s30;
	p4 =	slt.s32 @!p3 s3, $0x1;
	s13 =	sadd.s32 @!p3 $0x5, s3  }
0xd4: {  	s18 =	simm.s32 @!p3 $0x50;
	s19 =	simm.s32 @!p3 $0xB780;
	_ =	swait.ge @!p3 [sflag:s1], $0x2800  }
0xd5: {  	p4 =	por p4, p3;
	p5 =	sge.s32 @!p3 s13, s23;
	[sflag:s1] =	ssyncset.done @!p3 $0x0  }
0xd6: {  	s13 =	sadd.s32 $0x2, s3;
	[sflag:s1] =	ssyncadd.s32 @!p3 $0xFFFFD800;
	s1 =	simm.s32 @!p4 $0xC  }
0xd7: {  	[spmem:s2] =	stream.indirect.scatter.add.f32 @!p3 [tilespmem:s19], [sflag:$0x8], $0x80, s14, s18, $0xb8;
	[tilespmem:$0x1A380] =	vst v63  }
0xd8: {  	p5 =	por p5, p3;
	p3 =	sge.s32 s13, s23;
	_ =	swait.ge @!p4 [sflag:s1], $0x2800  }
0xd9: {  	s14 =	simm.s32 @!p5 $0x50;
	s13 =	sadd.s32 @!p3 $0x6, s3;
	[sflag:s1] =	ssyncset.done @!p4 $0x0  }
0xda: {  	s18 =	simm.s32 @!p3 $0xDF80;
	[sflag:s1] =	ssyncadd.s32 @!p4 $0xFFFFD800;
	s1 =	simm.s32 @!p5 $0x15780  }
0xdb: {  	[tilespmem:s1], [sflag:$0x6] =	stream.indirect.gather @!p5 [hbm4b:s5+s14], $0x80, s25, s14, $0xb8;
	[tilespmem:$0x1A380] =	vst v63  }
0xdc: {  	p4 =	sgt.u32 @!p3 s0, $0x15555554;
	s1 =	simm.s32 @!p3 $0x3;
	s14 =	simm.s32 @!p3 $0x50  }
0xdd: {  	s0 =	sadd.s32 @!p3 $0x100, s30;
	p4 =	por p4, p3;
	_ =	swait.ge @!p3 [sflag:s1], $0x2800  }
0xde: {  	p5 =	sge.s32 @!p3 s13, s23;
	s19 =	simm.s32 @!p4 $0x7;
	[sflag:s1] =	ssyncset.done @!p3 $0x0  }
0xdf: {  	s30 =	sadd.s32 $0x300, s30;
	p5 =	por p5, p3;
	[sflag:s1] =	ssyncadd.s32 @!p3 $0xFFFFD800  }
0xe0: {  	[spmem:s2] =	stream.indirect.scatter.add.f32 @!p3 [tilespmem:s18], [sflag:$0x9], $0x80, s0, s14, $0xb8;
	[tilespmem:$0x1A380] =	vst v63  }
0xe1: {  	s13 =	simm.s32 @!p5 $0x50;
	s0 =	sadd.s32 $0x3, s3;
	_ =	swait.ge @!p4 [sflag:s19], $0x2800  }
0xe2: {  	s1 =	sadd.s32 @!p5 $0x50, s25;
	p3 =	sge.s32 s0, s23;
	[sflag:s19] =	ssyncset.done @!p4 $0x0  }
0xe3: {  	s14 =	simm.s32 @!p5 $0x8F80;
	s18 =	sadd.s32 @!p3 $0x180, s31;
	[sflag:s19] =	ssyncadd.s32 @!p4 $0xFFFFD800  }
0xe4: {  	[tilespmem:s14], [sflag:$0x1] =	stream.indirect.gather @!p5 [hbm4b:s5+s13], $0x80, s1, s13, $0xb8;
	[tilespmem:$0x1A380] =	vst v63  }
0xe5: {  	p4 =	slt.s32 @!p3 s0, $0x2;
	s0 =	sadd.s32 @!p3 $0x7, s3;
	s1 =	simm.s32 @!p3 $0x4  }
0xe6: {  	s13 =	simm.s32 @!p3 $0x50;
	s14 =	simm.s32 @!p3 $0x10780;
	_ =	swait.ge @!p3 [sflag:s1], $0x2800  }
0xe7: {  	p4 =	por p4, p3;
	p5 =	sge.s32 @!p3 s0, s23;
	[sflag:s1] =	ssyncset.done @!p3 $0x0  }
0xe8: {  	p5 =	por p5, p3;
	[sflag:s1] =	ssyncadd.s32 @!p3 $0xFFFFD800;
	s1 =	simm.s32 @!p4 $0x8  }
0xe9: {  	[spmem:s2] =	stream.indirect.scatter.add.f32 @!p3 [tilespmem:s14], [sflag:$0xA], $0x80, s18, s13, $0xb8;
	[tilespmem:$0x1A380] =	vst v63  }
0xea: {  	s0 =	sadd.s32 $0x4, s3;
	s13 =	sadd.s32 @!p5 $0xA0, s25;
	_ =	swait.ge @!p4 [sflag:s1], $0x2800  }
0xeb: {  	p3 =	sge.s32 s0, s23;
	s14 =	simm.s32 @!p5 $0xB780;
	[sflag:s1] =	ssyncset.done @!p4 $0x0  }
0xec: {  	s18 =	sadd.s32 @!p3 $0x200, s31;
	[sflag:s1] =	ssyncadd.s32 @!p4 $0xFFFFD800;
	s1 =	simm.s32 @!p5 $0x50  }
0xed: {  	[tilespmem:s14], [sflag:$0x2] =	stream.indirect.gather @!p5 [hbm4b:s5+s1], $0x80, s13, s1, $0xb8;
	[tilespmem:$0x1A380] =	vst v63  }
0xee: {  	p4 =	slt.s32 @!p3 s0, $0x2;
	s0 =	sadd.s32 @!p3 $0x8, s3;
	s1 =	simm.s32 @!p3 $0x5  }
0xef: {  	s13 =	simm.s32 @!p3 $0x50;
	s14 =	simm.s32 @!p3 $0x12F80;
	_ =	swait.ge @!p3 [sflag:s1], $0x2800  }
0xf0: {  	p4 =	por p4, p3;
	p5 =	sge.s32 @!p3 s0, s23;
	[sflag:s1] =	ssyncset.done @!p3 $0x0  }
0xf1: {  	p5 =	por p5, p3;
	[sflag:s1] =	ssyncadd.s32 @!p3 $0xFFFFD800;
	s1 =	simm.s32 @!p4 $0x9  }
0xf2: {  	[spmem:s2] =	stream.indirect.scatter.add.f32 @!p3 [tilespmem:s14], [sflag:$0xB], $0x80, s18, s13, $0xb8;
	[tilespmem:$0x1A380] =	vst v63  }
0xf3: {  	s0 =	sadd.s32 @!p5 $0xF0, s25;
	s13 =	sadd.s32 $0x5, s3;
	_ =	swait.ge @!p4 [sflag:s1], $0x2800  }
0xf4: {  	s14 =	simm.s32 @!p5 $0xDF80;
	p3 =	sge.s32 s13, s23;
	[sflag:s1] =	ssyncset.done @!p4 $0x0  }
.Ltmp7:
0xf5: {  	[sflag:s1] =	ssyncadd.s32 @!p4 $0xFFFFD800;
	s1 =	simm.s32 @!p5 $0x50;
	(pc) =	sbr.rel @p2 .LBB2_7-.Ltmp7, $4  }
0xf6: {  	[tilespmem:s14], [sflag:$0x3] =	stream.indirect.gather @!p5 [hbm4b:s5+s1], $0x80, s0, s1, $0xb8;
	[tilespmem:$0x1A380] =	vst v63  }
0xf7: {  	s3 =	sadd.s32 @!p3 $0x9, s3;
	p4 =	slt.s32 @!p3 s13, $0x2;
	s0 =	simm.s32 @!p3 $0x6  }
0xf8: {  	s18 =	simm.s32 @!p3 $0x50;
	s19 =	simm.s32 @!p3 $0x15780;
	_ =	swait.ge @!p3 [sflag:s0], $0x2800  }
0xf9: {  	s1 =	sadd.s32 @!p3 $0x280, s31;
	p4 =	por p4, p3;
	[sflag:s0] =	ssyncset.done @!p3 $0x0  }
.LBB2_8:
0xfa: {  	[sflag:s0] =	ssyncadd.s32 @!p3 $0xFFFFD800;
	s0 =	simm.s32 @!p4 $0xA;
	p2 =	sge.s32 @!p3 s3, s23  }
0xfb: {  	[spmem:s2] =	stream.indirect.scatter.add.f32 @!p3 [tilespmem:s19], [sflag:$0xC], $0x80, s1, s18, $0xb8;
	[tilespmem:$0x1A380] =	vst v63  }
0xfc: {  	p2 =	por p2, p3;
	_ =	swait.ge @!p4 [sflag:s0], $0x2800  }
0xfd: {  	s1 =	sadd.s32 @!p2 $0x140, s25;
	[sflag:s0] =	ssyncset.done @!p4 $0x0  }
0xfe: {  	s3 =	simm.s32 @!p2 $0x10780;
	[sflag:s0] =	ssyncadd.s32 @!p4 $0xFFFFD800;
	s0 =	simm.s32 @!p2 $0x50  }
0xff: {  	[tilespmem:s3], [sflag:$0x4] =	stream.indirect.gather @!p2 [hbm4b:s5+s0], $0x80, s1, s0, $0xb8;
	[tilespmem:$0x1A380] =	vst v63  }
.LBB2_9:
0x100: {  	s0 =	sadd.s32 $0x7FFFFFFF, s22  }
0x101: {  	s1 =	smulhi.u32 $0x2AAAAAAB, s0;
	s3 =	sshra.s32 s0, $0x1F  }
0x102: {  	s3 =	smul.u32 $0x2AAAAAAB, s3;
	_ =	sdelay $0x1  }
0x103: {  	s1 =	sadd.s32 s3, s1  }
0x104: {  	s3 =	sshrl.u32 s1, $0x1F  }
0x105: {  	s1 =	sadd.s32 s3, s1  }
0x106: {  	s1 =	smul.u32 $0x6, s1;
	_ =	sdelay $0x1  }
0x107: {  	s0 =	ssub.s32 s0, s1  }
0x108: {  	p2 =	slt.s32 s0, $0x0;
	s1 =	sadd.s32 $0x6, s0  }
0x109: {  	s0 =	smov.u32 @p2 s1  }
0x10a: {  	p2 =	seq.s32 @!p0 s0, $0x0  }
0x10b: {  	p0 =	por p0, !p2  }
0x10c: {  	p2 =	slt.s32 @p0 s23, $0x1  }
0x10d: {  	p3 =	por p2, !p0  }
0x10e: {  	p3 =	seq.s32 @!p3 s0, $0x1  }
0x10f: {  	p2 =	por @p0 p2, !p3  }
0x110: {  	p2 =	por !p0, !p2  }
0x111: {  	p3 =	slt.s32 @!p2 s23, $0x1  }
0x112: {  	p4 =	por p3, p2  }
0x113: {  	p4 =	seq.s32 @!p4 s0, $0x2  }
0x114: {  	p3 =	por @!p2 p3, !p4  }
0x115: {  	p3 =	por p2, !p3  }
0x116: {  	p4 =	slt.s32 @!p3 s23, $0x1  }
0x117: {  	p5 =	por p4, p3  }
0x118: {  	p5 =	seq.s32 @!p5 s0, $0x3  }
0x119: {  	p4 =	por @!p3 p4, !p5  }
0x11a: {  	p4 =	por p3, !p4  }
0x11b: {  	p5 =	slt.s32 @!p4 s23, $0x1  }
0x11c: {  	p6 =	por p5, p4  }
0x11d: {  	p6 =	seq.s32 @!p6 s0, $0x4  }
0x11e: {  	p5 =	por @!p4 p5, !p6  }
0x11f: {  	p5 =	por p4, !p5  }
0x120: {  	p6 =	slt.s32 @!p5 s23, $0x1  }
0x121: {  	p1 =	por p6, p5  }
0x122: {  	p1 =	sne.s32 @!p1 s0, $0x5  }
0x123: {  	p1 =	por @!p5 p6, p1  }
0x124: {  	p1 =	por p5, !p1  }
.Ltmp8:
0x125: {  	_ = 	snop;
	(pc) =	sbr.rel @!p1 .LBB2_11-.Ltmp8, $1  }
0x126: {  	_ =	sdelay $0x3  }
0x127: {  	s0 =	simm.s32 $0x7  }
0x128: {  	s0 =	simm.s32 @p0 $0x8  }
0x129: {  	s0 =	simm.s32 @!p2 $0x9  }
0x12a: {  	s0 =	simm.s32 @!p3 $0xA  }
0x12b: {  	s0 =	simm.s32 @!p4 $0xB  }
0x12c: {  	s0 =	simm.s32 @!p5 $0xC  }
0x12d: {  	_ =	swait.ge [sflag:s0], $0x2800  }
0x12e: {  	[sflag:s0] =	ssyncset.done $0x0  }
0x12f: {  	[sflag:s0] =	ssyncadd.s32 $0xFFFFD800  }
.LBB2_11:
0x130: {  	s0 =	sadd.s32 $0x7FFFFFFE, s22  }
0x131: {  	s1 =	smulhi.u32 $0x2AAAAAAB, s0;
	s3 =	sshra.s32 s0, $0x1F  }
0x132: {  	s3 =	smul.u32 $0x2AAAAAAB, s3;
	_ =	sdelay $0x1  }
0x133: {  	s1 =	sadd.s32 s3, s1  }
0x134: {  	s3 =	sshrl.u32 s1, $0x1F  }
0x135: {  	s1 =	sadd.s32 s3, s1  }
0x136: {  	s1 =	smul.u32 $0x6, s1;
	_ =	sdelay $0x1  }
0x137: {  	s31 =	sld [smem:$0x7FD];
	s0 =	ssub.s32 s0, s1  }
0x138: {  	p0 =	slt.s32 s0, $0x0;
	s1 =	sadd.s32 $0x6, s0  }
0x139: {  	s0 =	smov.u32 @p0 s1  }
0x13a: {  	p6 =	seq.s32 s31, $0x1;
	p0 =	seq.s32 s0, $0x0  }
0x13b: {  	p0 =	por !p0, !p6  }
0x13c: {  	p0 =	por !p0, !p0  }
0x13d: {  	p1 =	seq.s32 @!p0 s0, $0x1  }
0x13e: {  	p1 =	por @!p0 !p1, !p6  }
0x13f: {  	p1 =	por @!p0 !p1, !p1  }
0x140: {  	p2 =	por p0, p1  }
0x141: {  	p1 =	seq.s32 @!p2 s0, $0x2  }
0x142: {  	p1 =	por @!p2 !p1, !p6  }
0x143: {  	p1 =	por @!p2 !p1, !p1  }
0x144: {  	p3 =	por p2, p1  }
0x145: {  	p1 =	seq.s32 @!p3 s0, $0x3  }
0x146: {  	p1 =	por @!p3 !p1, !p6  }
0x147: {  	p1 =	por @!p3 !p1, !p1  }
0x148: {  	p4 =	por p3, p1  }
0x149: {  	p1 =	seq.s32 @!p4 s0, $0x4  }
0x14a: {  	p1 =	por @!p4 !p1, !p6  }
0x14b: {  	p1 =	por @!p4 !p1, !p1  }
0x14c: {  	p5 =	por p4, p1  }
0x14d: {  	p1 =	sne.s32 @!p5 s0, $0x5;
	p6 =	por @!p5 !p6, !p6  }
0x14e: {  	p1 =	por @!p5 p1, p6  }
0x14f: {  	p1 =	por p5, !p1  }
.Ltmp9:
0x150: {  	_ = 	snop;
	(pc) =	sbr.rel @!p1 .LBB2_13-.Ltmp9, $1  }
0x151: {  	_ =	sdelay $0x3  }
0x152: {  	s0 =	simm.s32 @!p0 $0x8  }
0x153: {  	s0 =	simm.s32 @p0 $0x7  }
0x154: {  	s0 =	simm.s32 @!p2 $0x9  }
0x155: {  	s0 =	simm.s32 @!p3 $0xA  }
.Ltmp10:
0x156: {  	s0 =	simm.s32 @!p4 $0xB;
	(pc) =	sbr.rel .LBB2_13-.Ltmp10, $4  }
0x157: {  	s0 =	simm.s32 @!p5 $0xC  }
0x158: {  	_ =	swait.ge [sflag:s0], $0x2800  }
0x159: {  	[sflag:s0] =	ssyncset.done $0x0  }
0x15a: {  	[sflag:s0] =	ssyncadd.s32 $0xFFFFD800  }
.LBB2_14:
0x15b: {  	_ =	sfence.sel $0x180000  }
0x15c: {  	[bflag:$0x0] =	sbarrier.arrive $0xFFFF  }
0x15d: {  	_ =	strace $0x9000004A  }
0x15e: {  	s0 =	stileid.u32;
	[bflag:$0x2] =	sbarrier.arrive $0xFFFF  }
0x15f: {  	p0 =	sne.s32 s0, $0x0;
	s0 =	rddreg [dreg:$0x3]  }
0x160: {  	s0 =	sadd.s32 @!p0 $0x100000, s0  }
0x161: {  	[sflag:s0] =	ssyncadd.tile.s32 @!p0 $0x1;
	_ =	shalt  }
.Lfunc_end2:
_tile_overlayer_lowered:
.L_overlay_start_2:
0x162: {  	(tag) =	ssettag $0x2  }
0x163: {  	s0 =	rddreg [dreg:$0x0];
	s2 =	stileid.u32  }
0x164: {  	s1 =	rddreg [dreg:$0x1];
	p0 =	sne.s32 s2, $0x0  }
0x165: {  	s3 =	rddreg [dreg:$0x2];
	[bflag:$0x3] =	sbarrier.arrive $0xFFFF;
	s2 =	simm.s32 @!p0 $0x1C0D  }
0x166: {  	[timem:s3], [sflag:s2] =	dma.local @!p0 [hbm:s0], s1  }
0x167: {  	s0 =	simm.s32 @!p0 $0xD  }
0x168: {  	_ =	swait.ge @!p0 [sflag:s0], s1  }
0x169: {  	s1 =	ssub.s32 @!p0 $0x0, s1;
	[sflag:s0] =	ssyncset.done @!p0 $0x0  }
0x16a: {  	[sflag:s0] =	ssyncadd.s32 @!p0 s1  }
0x16b: {  	[bflag:$0x3] =	sbarrier.arrive $0xFFFF  }
0x16c: {  	_ =	shalt  }

// kernel: kernel.7.cloned.1.call-start
scs
__scs_entry_jumppad:
0x0: {  	(pc) =	sbr.rel $0x88, $3  }
0x1: {  	(tag) =	ssettag $0x0;
	lr =	simm.s32 $0x1  }
0x2: {  	[smem:$0x3F8C] =	sst lr;
	_ =	strace $0xD0000000  }
0x3: {  	_ = 	snop  }
0x4: {  	_ = 	snop  }
0x5: {  	_ = 	snop  }
0x6: {  	_ = 	snop  }
0x7: {  	_ = 	snop  }
__scs_overlays_trampoline_lowered:
0x8: {  	[smem:$0x3F9B] =	sst s0  }
0x9: {  	[smem:$0x3F9C] =	sst s1  }
0xa: {  	[smem:$0x3F9D] =	sst s2  }
0xb: {  	[smem:$0x3F9E] =	sst s3  }
0xc: {  	[smem:$0x3F9F] =	sst s4  }
0xd: {  	[smem:$0x3FA0] =	sst s5  }
0xe: {  	[smem:$0x3FA1] =	sst s6  }
0xf: {  	[smem:$0x3FA2] =	sst s7  }
0x10: {  	[smem:$0x3FA3] =	sst s8  }
0x11: {  	[smem:$0x3FA4] =	sst s9;
	s0 =	simm.s32 @!p0 $0x0  }
0x12: {  	s1 =	sld [smem:$0x3F8A];
	s0 =	simm.s32 @p0 $0x1  }
0x13: {  	[smem:$0x3FA5] =	sst s0;
	s0 =	simm.s32 @!p1 $0x0  }
0x14: {  	s2 =	sld [smem:$0x3F89];
	s0 =	simm.s32 @p1 $0x1  }
0x15: {  	[smem:$0x3FA6] =	sst s0;
	s0 =	simm.s32 @!p2 $0x0  }
0x16: {  	s3 =	sld [smem:$0x3FDB];
	s0 =	simm.s32 @p2 $0x1  }
0x17: {  	s4 =	simm.s32 $0x1BF5;
	[smem:$0x3FA8] =	sst s0  }
0x18: {  	s0 =	sld [smem:$0x3F8B];
	_ =	swait.ge [sflag:s4], $0x0  }
0x19: {  	s7 =	sld [smem:$0x3F8C]  }
0x1a: {  	s8 =	sadd.s32 $0xFFFFE003, lr  }
0x1b: {  	s9 =	sadd.s32 $0xFFFFFEF7, lr;
	s5 =	simm.s32 $0xFFFFFFFF;
	p2 =	slt.u32 s8, $0xFFFFF086  }
0x1c: {  	p1 =	slt.u32 s9, $0xF7A;
	s5 =	simm.s32 @!p2 $0x0  }
0x1d: {  	s5 =	simm.s32 @p1 $0x1;
	p0 =	seq.s32 s7, s2  }
0x1e: {  	s7 =	smul.u32 @!p0 $0xF7A, s2;
	p2 =	seq.s32 @!p0 s5, $0x0  }
0x1f: {  	s9 =	smul.u32 $0xF7A, s1;
	s8 =	simm.s32 @!p0 $0x1BF5;
	p2 =	por !p2, p0  }
0x20: {  	[sflag:s8] =	ssyncset.s32 @!p0 $0xFFFFF086;
	s6 =	sadd.s32 @!p0 s3, s7;
	s7 =	simm.s32 @!p0 $0x108  }
0x21: {  	s3 =	sadd.s32 s3, s9;
	s6 =	sadd.s32 @!p0 $0x88, s6;
	s7 =	simm.s32 @p2 $0x1082  }
0x22: {  	[simem:s7], [sflag:s8] =	dma.local @!p0 [hbm:s6], $0xF7A  }
0x23: {  	s9 =	sor.u32 $0xD0000000, s2;
	s6 =	simm.s32 $0x108;
	_ =	swait.ge @!p0 [sflag:s8], $0x0  }
0x24: {  	s3 =	sadd.s32 $0x88, s3;
	s6 =	simm.s32 @!p1 $0x1082;
	[sflag:s4] =	ssyncset.s32 $0xFFFFF086  }
0x25: {  	[simem:s6], [sflag:s4] =	dma.local [hbm:s3], $0xF7A  }
0x26: {  	[smem:$0x3F8C] =	sst s1;
	(tag) =	ssettag s2;
	_ =	strace s9  }
0x27: {  	s1 =	sld [smem:$0x3F9C]  }
0x28: {  	s2 =	sld [smem:$0x3F9D]  }
0x29: {  	s4 =	sld [smem:$0x3F9F]  }
0x2a: {  	p0 =	seq.s32 s5, $0x0;
	s5 =	sld [smem:$0x3FA0]  }
0x2b: {  	s6 =	sld [smem:$0x3FA1]  }
0x2c: {  	s7 =	sld [smem:$0x3FA2]  }
0x2d: {  	s3 =	simm.s32 $0x108;
	s8 =	sld [smem:$0x3FA3]  }
0x2e: {  	s3 =	simm.s32 @!p0 $0x1082;
	s9 =	sld [smem:$0x3FA4]  }
0x2f: {  	lr =	sadd.s32 s0, s3;
	s0 =	sld [smem:$0x3F9B]  }
0x30: {  	s3 =	sld [smem:$0x3F9E]  }
0x31: {  	[smem:$0x3FA7] =	sst s10  }
0x32: {  	s10 =	sld [smem:$0x3FA5];
	_ =	sdelay $0x3  }
0x33: {  	p0 =	seq.s32 s10, $0x1;
	s10 =	sld [smem:$0x3FA7];
	_ =	sdelay $0x3  }
0x34: {  	[smem:$0x3FA7] =	sst s10  }
0x35: {  	s10 =	sld [smem:$0x3FA6];
	_ =	sdelay $0x3  }
0x36: {  	p1 =	seq.s32 s10, $0x1;
	s10 =	sld [smem:$0x3FA7];
	_ =	sdelay $0x3  }
0x37: {  	[smem:$0x3FA7] =	sst s10  }
0x38: {  	s10 =	sld [smem:$0x3FA8]  }
0x39: {  	_ = 	snop;
	(pc) =	sbr.ind lr, $3  }
0x3a: {  	_ = 	snop  }
0x3b: {  	_ = 	snop  }
0x3c: {  	p2 =	seq.s32 s10, $0x1;
	s10 =	sld [smem:$0x3FA7]  }
0x3d: {  	_ =	shalt  }
0x3e: {  	_ =	shalt  }
0x3f: {  	_ =	shalt  }
0x40: {  	_ =	shalt  }
0x41: {  	_ =	shalt  }
0x42: {  	_ =	shalt  }
0x43: {  	_ =	shalt  }
0x44: {  	_ =	shalt  }
0x45: {  	_ =	shalt  }
0x46: {  	_ =	shalt  }
0x47: {  	_ =	shalt  }
0x48: {  	_ =	shalt  }
0x49: {  	_ =	shalt  }
0x4a: {  	_ =	shalt  }
0x4b: {  	_ =	shalt  }
0x4c: {  	_ =	shalt  }
0x4d: {  	_ =	shalt  }
0x4e: {  	_ =	shalt  }
0x4f: {  	_ =	shalt  }
0x50: {  	_ =	shalt  }
0x51: {  	_ =	shalt  }
0x52: {  	_ =	shalt  }
0x53: {  	_ =	shalt  }
0x54: {  	_ =	shalt  }
0x55: {  	_ =	shalt  }
0x56: {  	_ =	shalt  }
0x57: {  	_ =	shalt  }
0x58: {  	_ =	shalt  }
0x59: {  	_ =	shalt  }
0x5a: {  	_ =	shalt  }
0x5b: {  	_ =	shalt  }
0x5c: {  	_ =	shalt  }
0x5d: {  	_ =	shalt  }
0x5e: {  	_ =	shalt  }
0x5f: {  	_ =	shalt  }
0x60: {  	_ =	shalt  }
0x61: {  	_ =	shalt  }
0x62: {  	_ =	shalt  }
0x63: {  	_ =	shalt  }
0x64: {  	_ =	shalt  }
0x65: {  	_ =	shalt  }
0x66: {  	_ =	shalt  }
0x67: {  	_ =	shalt  }
0x68: {  	_ =	shalt  }
0x69: {  	_ =	shalt  }
0x6a: {  	_ =	shalt  }
0x6b: {  	_ =	shalt  }
0x6c: {  	_ =	shalt  }
0x6d: {  	_ =	shalt  }
0x6e: {  	_ =	shalt  }
0x6f: {  	_ =	shalt  }
0x70: {  	_ =	shalt  }
0x71: {  	_ =	shalt  }
0x72: {  	_ =	shalt  }
0x73: {  	_ =	shalt  }
0x74: {  	_ =	shalt  }
0x75: {  	_ =	shalt  }
0x76: {  	_ =	shalt  }
0x77: {  	_ =	shalt  }
0x78: {  	_ =	shalt  }
0x79: {  	_ =	shalt  }
0x7a: {  	_ =	shalt  }
0x7b: {  	_ =	shalt  }
0x7c: {  	_ =	shalt  }
0x7d: {  	_ =	shalt  }
0x7e: {  	_ =	shalt  }
0x7f: {  	_ =	shalt  }
0x80: {  	_ =	shalt  }
0x81: {  	_ =	shalt  }
0x82: {  	_ =	shalt  }
0x83: {  	_ =	shalt  }
0x84: {  	_ =	shalt  }
0x85: {  	_ =	shalt  }
0x86: {  	_ =	shalt  }
0x87: {  	_ =	shalt  }
.Lfunc_end0:
.L_simem_size_0:
called_computation_lowered:
.L_overlay_start_0:
0x88: {  	s2 =	sld [smem:$0x3FD9]  }
0x89: {  	s3 =	sld [smem:$0x3FFE];
	_ =	sdelay $0x1  }
0x8a: {  	s1 =	srdreg.scid  }
0x8b: {  	s0 =	sand.u32 $0x1, s1  }
0x8c: {  	s17 =	sshll.u32 s0, $0xA;
	s2 =	sadd.s32 s3, s2  }
0x8d: {  	s2 =	sadd.s32 s2, s17  }
0x8e: {  	[smem:$0x3FB3] =	sst s2  }
0x8f: {  	_ = 	snop  }
0x90: {  	s2 =	sld [smem:$0x3FD0];
	(tm) =	ssettm $0x1  }
0x91: {  	s18 =	sld [smem:$0x3FFB];
	_ =	sdelay $0x3  }
0x92: {  	_ =	strace s18  }
0x93: {  	s3 =	sld [smem:$0x3FFC];
	_ =	sdelay $0x3  }
0x94: {  	_ =	strace s3  }
0x95: {  	s3 =	sld [smem:$0x3FFD];
	_ =	sdelay $0x3  }
0x96: {  	_ =	strace s3  }
0x97: {  	_ =	strace $0x8FFFFFFF  }
0x98: {  	s19 =	sld [smem:$0x3FDB];
	_ =	sdelay $0x1  }
0x99: {  	s4 =	simm.s32 $_scs_section_size  }
0x9a: {  	s5 =	simm.s32 $_size__tile_overlayer_lowered;
	s6 =	simm.s32 $_tile_overlayer_lowered  }
0x9b: {  	s22 =	simm.s32 $0x1BFF;
	s21 =	sshll.u32 s6, $0x1;
	s3 =	sadd.s32 s4, s19  }
0x9c: {  	s7 =	simm.s32 $0x0;
	s20 =	sshll.u32 s5, $0x1;
	s5 =	sadd.s32 s21, s3  }
0x9d: {  	[timem:s7], [sflag:s22] =	dma.local [hbm:s5], s20  }
0x9e: {  	_ =	swait.ge [sflag:s22], s20  }
0x9f: {  	s4 =	ssub.s32 $0x0, s20;
	[sflag:s22] =	ssyncset.done $0x0  }
0xa0: {  	[sflag:s22] =	ssyncadd.s32 s4;
	_ =	sdelay $0x1  }
0xa1: {  	s23 =	simm.s32 $0x1B8B  }
0xa2: {  	_ =	swait.ge [sflag:s23], $0x1  }
0xa3: {  	[sflag:s23] =	ssyncset.done $0x0  }
0xa4: {  	s25 =	simm.s32 $0x1B8E;
	s24 =	sld [smem:$0x3FFE];
	[sflag:s23] =	ssyncadd.s32 $0xFFFFFFFF  }
0xa5: {  	s26 =	simm.s32 $execute0_lowered;
	[smem:$0x3FD2] =	sst s25  }
0xa6: {  	s5 =	sshll.u32 s26, $0x1;
	_ =	strace $0x80000046;
	[dreg:$0x1] =	wrdreg $0xFFFFFFFF  }
0xa7: {  	s28 =	simm.s32 $_size_execute0_lowered;
	s3 =	sadd.s32 s3, s5;
	[dreg:$0x0] =	wrdreg $0x0  }
0xa8: {  	s5 =	sshll.u32 s28, $0x1;
	[dreg:$0x2] =	wrdreg s3  }
0xa9: {  	[dreg:$0x3] =	wrdreg s5  }
0xaa: {  	[dreg:$0x4] =	wrdreg $0xC0  }
0xab: {  	_ =	task [dreg:s7], $0x5FFFF  }
0xac: {  	[dreg:$0x1] =	wrdreg $0xFFFFFFFF  }
0xad: {  	[dreg:$0x0] =	wrdreg $0x60  }
0xae: {  	[dreg:$0x2] =	wrdreg s24  }
0xaf: {  	[dreg:$0x3] =	wrdreg s2  }
0xb0: {  	[dreg:$0x4] =	wrdreg $0xA3000  }
0xb1: {  	[dreg:$0x5] =	wrdreg $0x9  }
0xb2: {  	_ =	task.clear_ibuf [dreg:s7], $0x6FFFF;
	_ =	strace $0x90000046  }
0xb3: {  	s29 =	simm.s32 $0x9;
	_ =	strace $0x80000048  }
0xb4: {  	_ =	swait.ge [sflag:s29], $0x1  }
0xb5: {  	[sflag:s29] =	ssyncadd.s32 $0xFFFFFFFF  }
0xb6: {  	_ =	strace $0x90000048  }
0xb7: {  	_ =	sfence  }
0xb8: {  	s30 =	sld [smem:$0x0];
	_ =	sdelay $0x2  }
0xb9: {  	s31 =	sshll.u32 s1, $0xD;
	s1 =	sshrl.u32 s1, $0x2  }
0xba: {  	s3 =	sand.u32 $0x4000, s31;
	s1 =	sadd.s32 s1, s30  }
0xbb: {  	s0 =	sor.u32 s3, s0;
	s1 =	sshll.u32 s1, $0x11  }
0xbc: {  	s0 =	sor.u32 s1, s0  }
0xbd: {  	s0 =	sadd.s32 $0x8F2B, s0  }
0xbe: {  	[sflag:s0] =	ssyncadd.remote.s32 $0x1  }
0xbf: {  	_ =	sfence.sel $0xFFFF  }
0xc0: {  	[dreg:$0x0] =	wrdreg $0xFFFFFFFF;
	(pc) =	sbr.abs _section_cstart, $3  }
0xc1: {  	[dreg:$0x1] =	wrdreg $0xFFFFFFFF  }
0xc2: {  	_ =	task.clear_ibuf [dreg:s7], $0x2FFFF;
	_ =	strace $0x9FFFFFFF  }
0xc3: {  	(tm) =	ssettm $0x7FFFFFFF  }
tec
execute0_lowered:
.L_overlay_start_1:
0x0: {  	(tag) =	ssettag $0x1  }
0x1: {  	s0 =	rddreg [dreg:$0x0]  }
0x2: {  	s3 =	rddreg [dreg:$0x2]  }
0x3: {  	s1 =	srdreg.scid;
	s16 =	stileid.u32;
	s4 =	simm.s32 $0x0  }
0x4: {  	s28 =	simm.s32 $0x300;
	s29 =	simm.s32 $0x2B00;
	s30 =	simm.s32 $0x1  }
0x5: {  	s31 =	simm.s32 $0x7B00;
	s1 =	sand.u32 $0x1, s1;
	s2 =	sshll.u32 s16, $0x1  }
0x6: {  	s8 =	sshrl.u32 s16, $0x2;
	[smem:$0x7FF] =	sst s4;
	s18 =	smul.u32 $0x50000, s16  }
0x7: {  	s5 =	sadd.s32 $0x18000, s0;
	s7 =	sadd.s32 $0x4400, s0;
	s14 =	smul.u32 $0x14000, s16  }
0x8: {  	s11 =	sadd.s32 $0x3F200, s0;
	s20 =	sadd.s32 $0x12C000, s3;
	s25 =	smul.u32 $0x4E20, s16  }
0x9: {  	p0 =	seq.s32 s16, $0xF;
	s16 =	simm.s32 $0x0;
	s9 =	smul.u32 $0x13C00, s8  }
0xa: {  	s2 =	sor.u32 s1, s2;
	_ =	strace $0x80000047;
	s22 =	smul.u32 $0x138800, s1  }
0xb: {  	s8 =	sshll.u32 s8, $0xA;
	s12 =	ssub.s32 $0x2, s1;
	s1 =	smul.u32 $0x2710, s1  }
0xc: {  	[dreg:$0xb] =	wrdreg s20;
	s6 =	sshll.u32 s2, $0x7;
	s2 =	smul.u32 $0x2710, s2  }
0xd: {  	s19 =	sshrl.u32 s12, $0x1;
	s10 =	sand.u32 $0x380, s6;
	s6 =	sadd.s32 $0xE200, s0  }
0xe: {  	s1 =	sadd.s32 s1, s25;
	s17 =	sshrl.u32 s22, $0x3;
	s9 =	sor.u32 s9, s10  }
0xf: {  	s8 =	sor.u32 s8, s10;
	s10 =	sshrl.u32 s18, $0x2;
	s2 =	sshrl.u32 s2, $0x3  }
0x10: {  	s18 =	sadd.s32 $0x140, s1;
	s20 =	sadd.s32 $0xA0, s1;
	s25 =	sadd.s32 $0xF0, s1  }
0x11: {  	s9 =	sshrl.u32 s9, $0x3;
	s8 =	sshrl.u32 s8, $0x3;
	s10 =	sadd.s32 s10, s3  }
0x12: {  	s21 =	sadd.s32 s6, s2;
	s23 =	sadd.s32 $0xA, s2;
	[dreg:$0x16] =	wrdreg s25  }
0x13: {  	s13 =	sadd.s32 $0x14, s2;
	s2 =	sadd.s32 s7, s2;
	[dreg:$0xa] =	wrdreg s10  }
0x14: {  	s25 =	simm.s32 $0x200;
	s9 =	sadd.s32 s9, s0;
	[dreg:$0xc] =	wrdreg s21  }
0x15: {  	s0 =	sadd.s32 s8, s0;
	s15 =	sadd.s32 s6, s23;
	[dreg:$0xf] =	wrdreg s2  }
0x16: {  	s8 =	ssub.s32 s12, s19;
	s24 =	sadd.s32 s6, s13;
	[dreg:$0xd] =	wrdreg s15  }
0x17: {  	s26 =	sadd.s32 s7, s13;
	s12 =	sadd.s32 s7, s23;
	[dreg:$0xe] =	wrdreg s24  }
0x18: {  	s13 =	sadd.s32 s14, s22;
	s22 =	sshrl.u32 s20, $0x3;
	[dreg:$0x10] =	wrdreg s12  }
0x19: {  	s10 =	simm.s32 $0xC;
	[dreg:$0x4] =	wrdreg s26;
	s9 =	sadd.s32 $0x8D400, s9  }
0x1a: {  	s2 =	sshrl.u32 s13, $0x3;
	s0 =	sadd.s32 $0x97200, s0;
	s15 =	sadd.s32 $0x190, s1  }
0x1b: {  	s23 =	sadd.s32 s22, s7;
	s24 =	smax.u32 s8, $0x1;
	[dreg:$0x11] =	wrdreg s9  }
0x1c: {  	s22 =	simm.s32 $0x80;
	s26 =	simm.s32 $0x280;
	[dreg:$0x12] =	wrdreg s0  }
0x1d: {  	s1 =	simm.s32 $0x2;
	s8 =	simm.s32 $0x7;
	[dreg:$0x15] =	wrdreg s24  }
0x1e: {  	s12 =	simm.s32 $0x8;
	s14 =	sadd.s32 s11, s2;
	[dreg:$0x8] =	wrdreg s23  }
0x1f: {  	s0 =	sshrl.u32 s15, $0x3;
	s2 =	sadd.s32 s11, s17;
	[dreg:$0x9] =	wrdreg s26  }
0x20: {  	s9 =	sshrl.u32 s18, $0x3;
	[dreg:$0x13] =	wrdreg s14;
	s0 =	sadd.s32 s0, s6  }
0x21: {  	s23 =	simm.s32 $0x100;
	s19 =	sadd.s32 s9, s7;
	[dreg:$0x5] =	wrdreg s0  }
0x22: {  	s24 =	simm.s32 $0x180;
	s2 =	sadd.s32 $0x25800, s2;
	[dreg:$0x6] =	wrdreg s19  }
0x23: {  	v0 =	vlaneseq.u32;
	s26 =	simm.s32 $0x50;
	s21 =	sadd.s32 s9, s6;
	[dreg:$0x14] =	wrdreg s2  }
0x24: {  	v1 =	vimm.s32 $0x0;
	v2 =	vimm.s32 $0x4000000;
	v3 =	vor.u32 $0x10, v0;
	s11 =	simm.s32 $0x5;
	s9 =	simm.s32 $0x3;
	[dreg:$0x7] =	wrdreg s21  }
0x25: {  	v4 =	vor.u32 $0x20, v0;
	v5 =	vor.u32 $0x30, v0;
	v6 =	vor.u32 $0x40, v0;
	s21 =	simm.s32 $0xD;
	s0 =	simm.s32 $0x5300;
	s2 =	simm.s32 $0x4  }
.LBB2_1:
0x26: {  	s13 =	rddreg [dreg:$0xb]  }
0x27: {  	s15 =	rddreg [dreg:$0x1];
	s17 =	sshrl.u32 @p0 s13, $0x3  }
0x28: {  	s13 =	simm.s32 @p0 $0x1FCD;
	[dreg:$0x17] =	wrdreg s17  }
0x29: {  	[spmem:s17], [sflag:s13] =	dma.local @p0 [hbm:s15], $0x1900  }
0x2a: {  	s13 =	simm.s32 @p0 $0xD  }
0x2b: {  	s14 =	stileid.u32;
	_ =	swait.ge @p0 [sflag:s13], $0x1900  }
0x2c: {  	s14 =	sshll.u32 @!p0 s14, $0x6;
	[sflag:s13] =	ssyncset.done @p0 $0x0  }
0x2d: {  	s14 =	sor.u32 @!p0 $0x1C0D, s14;
	[sflag:s13] =	ssyncadd.s32 @p0 $0xFFFFE700;
	s13 =	rddreg [dreg:$0xa]  }
0x2e: {  	[dreg:$0x18] =	wrdreg s14;
	s19 =	sshrl.u32 @!p0 s13, $0x3;
	s13 =	simm.s32 @!p0 $0xD  }
0x2f: {  	[spmem:s19], [sflag:s14] =	dma.local @!p0 [hbm:s15], $0x2800  }
0x30: {  	_ =	swait.ge @!p0 [sflag:s13], $0x2800  }
0x31: {  	[sflag:s13] =	ssyncset.done @!p0 $0x0  }
0x32: {  	[sflag:s13] =	ssyncadd.s32 @!p0 $0xFFFFD800  }
0x33: {  	[bflag:$0x0] =	sbarrier.arrive $0xFFFF  }
0x34: {  	s14 =	rddreg [dreg:$0xc]  }
0x35: {  	[tilespmem:s4], [sflag:$0xD] =	stream.linear.gather [hbm4b:s14+s4], $0x50, $0x38;
	[tilespmem:$0x1DB80] =	vst v63  }
0x36: {  	_ =	swait.ge [sflag:s21], $0x50  }
0x37: {  	[sflag:s21] =	ssyncset.done $0x0  }
0x38: {  	s15 =	rddreg [dreg:$0xd];
	[sflag:s21] =	ssyncadd.s32 $0xFFFFFFB0  }
0x39: {  	[tilespmem:s22], [sflag:$0xD] =	stream.linear.gather [hbm4b:s15+s4], $0x50, $0x38;
	[tilespmem:$0x1DB80] =	vst v63  }
0x3a: {  	_ =	swait.ge [sflag:s21], $0x50  }
0x3b: {  	[sflag:s21] =	ssyncset.done $0x0  }
0x3c: {  	s17 =	rddreg [dreg:$0xe];
	[sflag:s21] =	ssyncadd.s32 $0xFFFFFFB0  }
0x3d: {  	[tilespmem:s23], [sflag:$0xD] =	stream.linear.gather [hbm4b:s17+s4], $0x50, $0x38;
	[tilespmem:$0x1DB80] =	vst v63  }
0x3e: {  	_ =	swait.ge [sflag:s21], $0x50  }
0x3f: {  	[sflag:s21] =	ssyncset.done $0x0  }
0x40: {  	s18 =	rddreg [dreg:$0xf];
	[sflag:s21] =	ssyncadd.s32 $0xFFFFFFB0  }
0x41: {  	[tilespmem:s24], [sflag:$0xD] =	stream.linear.gather [hbm4b:s18+s4], $0x50, $0x38;
	[tilespmem:$0x1DB80] =	vst v63  }
0x42: {  	_ =	swait.ge [sflag:s21], $0x50  }
0x43: {  	[sflag:s21] =	ssyncset.done $0x0  }
0x44: {  	s20 =	rddreg [dreg:$0x10];
	[sflag:s21] =	ssyncadd.s32 $0xFFFFFFB0  }
0x45: {  	[tilespmem:s25], [sflag:$0xD] =	stream.linear.gather [hbm4b:s20+s4], $0x50, $0x38;
	[tilespmem:$0x1DB80] =	vst v63  }
0x46: {  	_ =	swait.ge [sflag:s21], $0x50  }
0x47: {  	[sflag:s21] =	ssyncset.done $0x0  }
0x48: {  	[sflag:s21] =	ssyncadd.s32 $0xFFFFFFB0  }
0x49: {  	[tilespmem:s28], [sflag:$0x1] =	stream.indirect.gather [hbm4b:s5+s26], $0x80, s4, s26, $0xb8;
	[tilespmem:$0x1DB80] =	vst v63  }
0x4a: {  	s13 =	simm.s32 $0x0;
	s20 =	rddreg [dreg:$0x16]  }
0x4b: {  	v7 =	vimm.s32 $0x0;
	[tilespmem:s29], [sflag:$0x2] =	stream.indirect.gather [hbm4b:s5+s26], $0x80, s22, s26, $0xb8;
	[tilespmem:$0x1DB80] =	vst v63  }
.LBB2_2:
0x4c: {  	_ =	swait.ge [sflag:s30], $0x2800  }
0x4d: {  	p1 =	seq.s32 s13, $0x0;
	[sflag:s30] =	ssyncset.done $0x0  }
0x4e: {  	s14 =	simm.s32 @!p1 $0xA;
	[sflag:s30] =	ssyncadd.s32 $0xFFFFD800  }
0x4f: {  	_ =	swait.ge @!p1 [sflag:s14], $0x50  }
0x50: {  	[sflag:s14] =	ssyncset.done @!p1 $0x0  }
0x51: {  	[sflag:s14] =	ssyncadd.s32 @!p1 $0xFFFFFFB0  }
0x52: {  	[spmem:s3] =	stream.indirect.scatter.add.f32 [tilespmem:s28], [sflag:$0x4], $0x80, s24, s26, $0xb8;
	[tilespmem:$0x1DB80] =	vst v63  }
0x53: {  	v8 =	vld [tilespmem:$0x180];
	_ =	sdelay $0x4  }
0x54: {  	vm0 =	vlt.s32 v8, $0x400  }
0x55: {  	v9 =	vsel vm0, $0x1, v1  }
0x56: {  	(xrf0) =	vadd.scan.msk.s32 $0xffff, v9;
	_ =	sdelay $0x5  }
0x57: {  	v9, _, _ =	vpop (xrf0)  }
0x58: {  	v10 =	vld [tilespmem:$0x0];
	v9 =	vadd.s32 v9, v7  }
0x59: {  	v9 =	vadd.s32 $0xFFFFFFFF, v9;
	_ =	sdelay $0x2  }
0x5a: {  	v8 =	vshll.u32 v8, $0x10  }
0x5b: {  	v8 =	vor.u32 v10, v8  }
0x5c: {  	[tilespmem:v9+s31+$0x0] =	vst.idx.msk vm0, v8  }
0x5d: {  	v8 =	vld [tilespmem:$0x190];
	_ =	sdelay $0x4  }
0x5e: {  	vm1 =	vlt.s32 v8, $0x400  }
0x5f: {  	v60 =	vsel vm1, $0x1, v1  }
0x60: {  	(xrf0) =	vadd.scan.msk.s32 $0xffff, v60;
	_ =	sdelay $0x3  }
0x61: {  	v61 =	vmpcnt.ones.xlane vm0;
	_ =	sdelay $0x1  }
0x62: {  	v7 =	vadd.s32 v7, v61;
	v62, _, _ =	vpop (xrf0)  }
0x63: {  	v63 =	vld [tilespmem:$0x10];
	v9 =	vadd.s32 v62, v7  }
0x64: {  	v9 =	vadd.s32 $0xFFFFFFFF, v9;
	_ =	sdelay $0x2  }
0x65: {  	v8 =	vshll.u32 v8, $0x10  }
0x66: {  	v8 =	vor.u32 v63, v8  }
0x67: {  	[tilespmem:v9+s31+$0x0] =	vst.idx.msk vm1, v8  }
0x68: {  	v8 =	vld [tilespmem:$0x1A0];
	_ =	sdelay $0x4  }
0x69: {  	vm4 =	vlt.s32 v8, $0x400  }
0x6a: {  	v12 =	vsel vm4, $0x1, v1  }
0x6b: {  	(xrf0) =	vadd.scan.msk.s32 $0xffff, v12;
	_ =	sdelay $0x3  }
0x6c: {  	v13 =	vmpcnt.ones.xlane vm1;
	_ =	sdelay $0x1  }
0x6d: {  	v7 =	vadd.s32 v7, v13;
	v14, _, _ =	vpop (xrf0)  }
0x6e: {  	v15 =	vld [tilespmem:$0x20];
	v9 =	vadd.s32 v14, v7  }
0x6f: {  	v9 =	vadd.s32 $0xFFFFFFFF, v9;
	_ =	sdelay $0x2  }
0x70: {  	v8 =	vshll.u32 v8, $0x10  }
0x71: {  	v8 =	vor.u32 v15, v8  }
0x72: {  	[tilespmem:v9+s31+$0x0] =	vst.idx.msk vm4, v8  }
0x73: {  	v8 =	vld [tilespmem:$0x1B0];
	_ =	sdelay $0x4  }
0x74: {  	vm5 =	vlt.s32 v8, $0x400  }
0x75: {  	v16 =	vsel vm5, $0x1, v1  }
0x76: {  	(xrf0) =	vadd.scan.msk.s32 $0xffff, v16;
	_ =	sdelay $0x3  }
0x77: {  	v17 =	vmpcnt.ones.xlane vm4;
	_ =	sdelay $0x1  }
0x78: {  	v7 =	vadd.s32 v7, v17;
	v18, _, _ =	vpop (xrf0)  }
0x79: {  	v19 =	vld [tilespmem:$0x30];
	v9 =	vadd.s32 v18, v7  }
0x7a: {  	v9 =	vadd.s32 $0xFFFFFFFF, v9;
	_ =	sdelay $0x2  }
0x7b: {  	v8 =	vshll.u32 v8, $0x10  }
0x7c: {  	v8 =	vor.u32 v19, v8  }
0x7d: {  	[tilespmem:v9+s31+$0x0] =	vst.idx.msk vm5, v8  }
0x7e: {  	v8 =	vld [tilespmem:$0x1C0];
	_ =	sdelay $0x4  }
0x7f: {  	vm6 =	vlt.s32 v8, $0x400  }
0x80: {  	v20 =	vsel vm6, $0x1, v1  }
0x81: {  	(xrf0) =	vadd.scan.msk.s32 $0xffff, v20;
	_ =	sdelay $0x3  }
0x82: {  	v21 =	vmpcnt.ones.xlane vm5;
	_ =	sdelay $0x1  }
0x83: {  	v7 =	vadd.s32 v7, v21;
	v22, _, _ =	vpop (xrf0)  }
0x84: {  	v23 =	vld [tilespmem:$0x40];
	v9 =	vadd.s32 v22, v7  }
0x85: {  	v9 =	vadd.s32 $0xFFFFFFFF, v9;
	_ =	sdelay $0x2  }
0x86: {  	v8 =	vshll.u32 v8, $0x10  }
0x87: {  	s14 =	sshrl.u32 s20, $0x3;
	v8 =	vor.u32 v23, v8  }
0x88: {  	s15 =	sadd.s32 s6, s14;
	[tilespmem:v9+s31+$0x0] =	vst.idx.msk vm6, v8  }
0x89: {  	[tilespmem:s4], [sflag:$0x7] =	stream.linear.gather [hbm4b:s15+s4], $0x50, $0x38;
	[tilespmem:$0x1DB80] =	vst v63  }
0x8a: {  	s18 =	simm.s32 @p1 $0x280;
	s17 =	rddreg [dreg:$0x4];
	s15 =	simm.s32 @p1 $0x0  }
0x8b: {  	[tilespmem:s18], [sflag:$0xC] =	stream.linear.gather @p1 [hbm4b:s17+s15], $0x50, $0x38;
	[tilespmem:$0x1DB80] =	vst v63  }
0x8c: {  	s15 =	simm.s32 @!p1 $0x6  }
0x8d: {  	_ =	swait.ge @!p1 [sflag:s15], $0x2800  }
0x8e: {  	s18 =	simm.s32 @!p1 $0x280;
	s17 =	rddreg [dreg:$0x8];
	[sflag:s15] =	ssyncset.done @!p1 $0x0  }
0x8f: {  	[sflag:s15] =	ssyncadd.s32 @!p1 $0xFFFFD800;
	s15 =	sadd.s32 @!p1 s13, s17;
	s17 =	simm.s32 @!p1 $0x0  }
0x90: {  	[tilespmem:s18], [sflag:$0xC] =	stream.linear.gather @!p1 [hbm4b:s15+s17], $0x50, $0x38;
	[tilespmem:$0x1DB80] =	vst v63  }
0x91: {  	s15 =	simm.s32 @!p1 $0x9  }
0x92: {  	_ =	swait.ge @!p1 [sflag:s15], $0x50  }
0x93: {  	[sflag:s15] =	ssyncset.done @!p1 $0x0  }
0x94: {  	[sflag:s15] =	ssyncadd.s32 @!p1 $0xFFFFFFB0  }
0x95: {  	[tilespmem:s0], [sflag:$0x3] =	stream.indirect.gather [hbm4b:s5+s26], $0x80, s23, s26, $0xb8;
	[tilespmem:$0x1DB80] =	vst v63  }
0x96: {  	_ =	swait.ge [sflag:s1], $0x2800  }
0x97: {  	[sflag:s1] =	ssyncset.done $0x0  }
0x98: {  	s15 =	simm.s32 @!p1 $0xB;
	[sflag:s1] =	ssyncadd.s32 $0xFFFFD800  }
0x99: {  	_ =	swait.ge @!p1 [sflag:s15], $0x50  }
0x9a: {  	[sflag:s15] =	ssyncset.done @!p1 $0x0  }
0x9b: {  	[sflag:s15] =	ssyncadd.s32 @!p1 $0xFFFFFFB0  }
0x9c: {  	[spmem:s3] =	stream.indirect.scatter.add.f32 [tilespmem:s29], [sflag:$0x5], $0x80, s25, s26, $0xb8;
	[tilespmem:$0x1DB80] =	vst v63  }
0x9d: {  	v8 =	vld [tilespmem:$0x200];
	_ =	sdelay $0x4  }
0x9e: {  	vm7 =	vlt.s32 v8, $0x400  }
0x9f: {  	v24 =	vsel vm7, $0x1, v1  }
0xa0: {  	(xrf0) =	vadd.scan.msk.s32 $0xffff, v24;
	_ =	sdelay $0x3  }
0xa1: {  	v25 =	vmpcnt.ones.xlane vm6;
	_ =	sdelay $0x1  }
0xa2: {  	v7 =	vadd.s32 v7, v25;
	v26, _, _ =	vpop (xrf0)  }
0xa3: {  	v27 =	vld [tilespmem:$0x80];
	v9 =	vadd.s32 v26, v7  }
0xa4: {  	v9 =	vadd.s32 $0xFFFFFFFF, v9;
	_ =	sdelay $0x2  }
0xa5: {  	v8 =	vshll.u32 v8, $0x10  }
0xa6: {  	v8 =	vor.u32 v27, v8  }
0xa7: {  	[tilespmem:v9+s31+$0x0] =	vst.idx.msk vm7, v8  }
0xa8: {  	v8 =	vld [tilespmem:$0x210];
	_ =	sdelay $0x4  }
0xa9: {  	vm8 =	vlt.s32 v8, $0x400  }
0xaa: {  	v28 =	vsel vm8, $0x1, v1  }
0xab: {  	(xrf0) =	vadd.scan.msk.s32 $0xffff, v28;
	_ =	sdelay $0x3  }
0xac: {  	v29 =	vmpcnt.ones.xlane vm7;
	_ =	sdelay $0x1  }
0xad: {  	v7 =	vadd.s32 v7, v29;
	v30, _, _ =	vpop (xrf0)  }
0xae: {  	v31 =	vld [tilespmem:$0x90];
	v9 =	vadd.s32 v30, v7  }
0xaf: {  	v9 =	vadd.s32 $0xFFFFFFFF, v9;
	_ =	sdelay $0x2  }
0xb0: {  	v8 =	vshll.u32 v8, $0x10  }
0xb1: {  	v8 =	vor.u32 v31, v8  }
0xb2: {  	[tilespmem:v9+s31+$0x0] =	vst.idx.msk vm8, v8  }
0xb3: {  	v8 =	vld [tilespmem:$0x220];
	_ =	sdelay $0x4  }
0xb4: {  	vm9 =	vlt.s32 v8, $0x400  }
0xb5: {  	v32 =	vsel vm9, $0x1, v1  }
0xb6: {  	(xrf0) =	vadd.scan.msk.s32 $0xffff, v32;
	_ =	sdelay $0x3  }
0xb7: {  	v33 =	vmpcnt.ones.xlane vm8;
	_ =	sdelay $0x1  }
0xb8: {  	v7 =	vadd.s32 v7, v33;
	v34, _, _ =	vpop (xrf0)  }
0xb9: {  	v35 =	vld [tilespmem:$0xA0];
	v9 =	vadd.s32 v34, v7  }
0xba: {  	v9 =	vadd.s32 $0xFFFFFFFF, v9;
	_ =	sdelay $0x2  }
0xbb: {  	v8 =	vshll.u32 v8, $0x10  }
0xbc: {  	v8 =	vor.u32 v35, v8  }
0xbd: {  	[tilespmem:v9+s31+$0x0] =	vst.idx.msk vm9, v8  }
0xbe: {  	v8 =	vld [tilespmem:$0x230];
	_ =	sdelay $0x4  }
0xbf: {  	vm2 =	vlt.s32 v8, $0x400  }
0xc0: {  	v36 =	vsel vm2, $0x1, v1  }
0xc1: {  	(xrf0) =	vadd.scan.msk.s32 $0xffff, v36;
	_ =	sdelay $0x3  }
0xc2: {  	v37 =	vmpcnt.ones.xlane vm9;
	_ =	sdelay $0x1  }
0xc3: {  	v7 =	vadd.s32 v7, v37;
	v38, _, _ =	vpop (xrf0)  }
0xc4: {  	v39 =	vld [tilespmem:$0xB0];
	v9 =	vadd.s32 v38, v7  }
0xc5: {  	v9 =	vadd.s32 $0xFFFFFFFF, v9;
	_ =	sdelay $0x2  }
0xc6: {  	v8 =	vshll.u32 v8, $0x10  }
0xc7: {  	v8 =	vor.u32 v39, v8  }
0xc8: {  	[tilespmem:v9+s31+$0x0] =	vst.idx.msk vm2, v8  }
0xc9: {  	v8 =	vld [tilespmem:$0x240];
	_ =	sdelay $0x4  }
0xca: {  	vm10 =	vlt.s32 v8, $0x400  }
0xcb: {  	v40 =	vsel vm10, $0x1, v1  }
0xcc: {  	(xrf0) =	vadd.scan.msk.s32 $0xffff, v40;
	_ =	sdelay $0x3  }
0xcd: {  	v41 =	vmpcnt.ones.xlane vm2;
	_ =	sdelay $0x1  }
0xce: {  	v7 =	vadd.s32 v7, v41;
	v42, _, _ =	vpop (xrf0)  }
0xcf: {  	v43 =	vld [tilespmem:$0xC0];
	v9 =	vadd.s32 v42, v7  }
0xd0: {  	v9 =	vadd.s32 $0xFFFFFFFF, v9;
	_ =	sdelay $0x2  }
0xd1: {  	v8 =	vshll.u32 v8, $0x10  }
0xd2: {  	s18 =	rddreg [dreg:$0x7];
	v8 =	vor.u32 v43, v8  }
0xd3: {  	s15 =	sadd.s32 s13, s18;
	[tilespmem:v9+s31+$0x0] =	vst.idx.msk vm10, v8  }
0xd4: {  	[tilespmem:s22], [sflag:$0x8] =	stream.linear.gather [hbm4b:s15+s4], $0x50, $0x38;
	[tilespmem:$0x1DB80] =	vst v63  }
0xd5: {  	_ =	swait.ge [sflag:s2], $0x2800  }
0xd6: {  	[sflag:s2] =	ssyncset.done $0x0  }
0xd7: {  	s14 =	sadd.s32 s7, s14;
	[sflag:s2] =	ssyncadd.s32 $0xFFFFD800  }
0xd8: {  	[tilespmem:s24], [sflag:$0xA] =	stream.linear.gather [hbm4b:s14+s4], $0x50, $0x38;
	[tilespmem:$0x1DB80] =	vst v63  }
0xd9: {  	_ =	swait.ge [sflag:s8], $0x50  }
0xda: {  	[sflag:s8] =	ssyncset.done $0x0  }
0xdb: {  	[sflag:s8] =	ssyncadd.s32 $0xFFFFFFB0  }
0xdc: {  	[tilespmem:s28], [sflag:$0x1] =	stream.indirect.gather [hbm4b:s5+s26], $0x80, s4, s26, $0xb8;
	[tilespmem:$0x1DB80] =	vst v63  }
0xdd: {  	_ =	swait.ge [sflag:s9], $0x2800  }
0xde: {  	[sflag:s9] =	ssyncset.done $0x0  }
0xdf: {  	[sflag:s9] =	ssyncadd.s32 $0xFFFFD800  }
0xe0: {  	_ =	swait.ge [sflag:s10], $0x50  }
0xe1: {  	[sflag:s10] =	ssyncset.done $0x0  }
0xe2: {  	s17 =	rddreg [dreg:$0x9];
	[sflag:s10] =	ssyncadd.s32 $0xFFFFFFB0  }
0xe3: {  	[spmem:s3] =	stream.indirect.scatter.add.f32 [tilespmem:s0], [sflag:$0x6], $0x80, s17, s26, $0xb8;
	[tilespmem:$0x1DB80] =	vst v63  }
0xe4: {  	v8 =	vld [tilespmem:$0x280];
	_ =	sdelay $0x4  }
0xe5: {  	vm11 =	vlt.s32 v8, $0x400  }
0xe6: {  	v44 =	vsel vm11, $0x1, v1  }
0xe7: {  	(xrf0) =	vadd.scan.msk.s32 $0xffff, v44;
	_ =	sdelay $0x3  }
0xe8: {  	v45 =	vmpcnt.ones.xlane vm10;
	_ =	sdelay $0x1  }
0xe9: {  	v7 =	vadd.s32 v7, v45;
	v46, _, _ =	vpop (xrf0)  }
0xea: {  	v47 =	vld [tilespmem:$0x100];
	v9 =	vadd.s32 v46, v7  }
0xeb: {  	v9 =	vadd.s32 $0xFFFFFFFF, v9;
	_ =	sdelay $0x2  }
0xec: {  	v8 =	vshll.u32 v8, $0x10  }
0xed: {  	v8 =	vor.u32 v47, v8  }
0xee: {  	[tilespmem:v9+s31+$0x0] =	vst.idx.msk vm11, v8  }
0xef: {  	v8 =	vld [tilespmem:$0x290];
	_ =	sdelay $0x4  }
0xf0: {  	vm12 =	vlt.s32 v8, $0x400  }
0xf1: {  	v48 =	vsel vm12, $0x1, v1  }
0xf2: {  	(xrf0) =	vadd.scan.msk.s32 $0xffff, v48;
	_ =	sdelay $0x3  }
0xf3: {  	v49 =	vmpcnt.ones.xlane vm11;
	_ =	sdelay $0x1  }
0xf4: {  	v7 =	vadd.s32 v7, v49;
	v50, _, _ =	vpop (xrf0)  }
0xf5: {  	v51 =	vld [tilespmem:$0x110];
	v9 =	vadd.s32 v50, v7  }
0xf6: {  	v9 =	vadd.s32 $0xFFFFFFFF, v9;
	_ =	sdelay $0x2  }
0xf7: {  	v8 =	vshll.u32 v8, $0x10  }
0xf8: {  	v8 =	vor.u32 v51, v8  }
0xf9: {  	[tilespmem:v9+s31+$0x0] =	vst.idx.msk vm12, v8  }
0xfa: {  	v8 =	vld [tilespmem:$0x2A0];
	_ =	sdelay $0x4  }
0xfb: {  	vm13 =	vlt.s32 v8, $0x400  }
0xfc: {  	v52 =	vsel vm13, $0x1, v1  }
0xfd: {  	(xrf0) =	vadd.scan.msk.s32 $0xffff, v52;
	_ =	sdelay $0x3  }
0xfe: {  	v53 =	vmpcnt.ones.xlane vm12;
	_ =	sdelay $0x1  }
0xff: {  	v7 =	vadd.s32 v7, v53;
	v54, _, _ =	vpop (xrf0)  }
0x100: {  	v55 =	vld [tilespmem:$0x120];
	v9 =	vadd.s32 v54, v7  }
0x101: {  	v9 =	vadd.s32 $0xFFFFFFFF, v9;
	_ =	sdelay $0x2  }
0x102: {  	v8 =	vshll.u32 v8, $0x10  }
0x103: {  	v8 =	vor.u32 v55, v8  }
0x104: {  	[tilespmem:v9+s31+$0x0] =	vst.idx.msk vm13, v8  }
0x105: {  	v8 =	vld [tilespmem:$0x2B0];
	_ =	sdelay $0x4  }
0x106: {  	vm14 =	vlt.s32 v8, $0x400  }
0x107: {  	v56 =	vsel vm14, $0x1, v1  }
0x108: {  	(xrf0) =	vadd.scan.msk.s32 $0xffff, v56;
	_ =	sdelay $0x3  }
0x109: {  	v57 =	vmpcnt.ones.xlane vm13;
	_ =	sdelay $0x1  }
0x10a: {  	v7 =	vadd.s32 v7, v57;
	v58, _, _ =	vpop (xrf0)  }
0x10b: {  	v59 =	vld [tilespmem:$0x130];
	v9 =	vadd.s32 v58, v7  }
0x10c: {  	v9 =	vadd.s32 $0xFFFFFFFF, v9;
	_ =	sdelay $0x2  }
0x10d: {  	v8 =	vshll.u32 v8, $0x10  }
0x10e: {  	v8 =	vor.u32 v59, v8  }
0x10f: {  	[tilespmem:v9+s31+$0x0] =	vst.idx.msk vm14, v8  }
0x110: {  	v8 =	vld [tilespmem:$0x2C0];
	_ =	sdelay $0x4  }
0x111: {  	vm15 =	vlt.s32 v8, $0x400  }
0x112: {  	v60 =	vsel vm15, $0x1, v1  }
0x113: {  	(xrf0) =	vadd.scan.msk.s32 $0xffff, v60;
	_ =	sdelay $0x3  }
0x114: {  	v61 =	vmpcnt.ones.xlane vm14;
	_ =	sdelay $0x1  }
0x115: {  	v7 =	vadd.s32 v7, v61;
	v62, _, _ =	vpop (xrf0)  }
0x116: {  	v63 =	vld [tilespmem:$0x140];
	v9 =	vadd.s32 v62, v7  }
0x117: {  	v9 =	vadd.s32 $0xFFFFFFFF, v9;
	_ =	sdelay $0x2  }
0x118: {  	v8 =	vshll.u32 v8, $0x10  }
0x119: {  	p1 =	seq.s32 s13, $0x4B0;
	s14 =	rddreg [dreg:$0x5];
	v8 =	vor.u32 v63, v8  }
0x11a: {  	s15 =	simm.s32 @!p1 $0x0;
	s14 =	sadd.s32 @!p1 s13, s14;
	s17 =	simm.s32 @!p1 $0x100;
	[tilespmem:v9+s31+$0x0] =	vst.idx.msk vm15, v8  }
0x11b: {  	[tilespmem:s17], [sflag:$0x9] =	stream.linear.gather @!p1 [hbm4b:s14+s15], $0x50, $0x38;
	[tilespmem:$0x1DB80] =	vst v63  }
0x11c: {  	_ =	swait.ge [sflag:s11], $0x2800  }
0x11d: {  	s18 =	rddreg [dreg:$0x6];
	[sflag:s11] =	ssyncset.done $0x0  }
0x11e: {  	[sflag:s11] =	ssyncadd.s32 $0xFFFFD800;
	s14 =	sadd.s32 s13, s18;
	s13 =	sadd.s32 $0x1E, s13  }
0x11f: {  	[tilespmem:s25], [sflag:$0xB] =	stream.linear.gather [hbm4b:s14+s4], $0x50, $0x38;
	[tilespmem:$0x1DB80] =	vst v63  }
0x120: {  	p1 =	sne.s32 s13, $0x4CE  }
.Ltmp0:
0x121: {  	_ = 	snop;
	(pc) =	sbr.rel @p1 .LBB2_2-.Ltmp0, $4  }
0x122: {  	_ =	swait.ge [sflag:s12], $0x50  }
0x123: {  	v8 =	vmpcnt.ones.xlane vm15;
	[sflag:s12] =	ssyncset.done $0x0  }
0x124: {  	s20 =	sadd.s32 $0xF0, s20;
	[sflag:s12] =	ssyncadd.s32 $0xFFFFFFB0  }
0x125: {  	v7 =	vadd.s32 v7, v8;
	[tilespmem:s29], [sflag:$0x2] =	stream.indirect.gather [hbm4b:s5+s26], $0x80, s22, s26, $0xb8;
	[tilespmem:$0x1DB80] =	vst v63  }
0x126: {  	_ =	swait.ge [sflag:s30], $0x2800  }
0x127: {  	[sflag:s30] =	ssyncset.done $0x0  }
0x128: {  	s13 =	simm.s32 $0xA;
	[sflag:s30] =	ssyncadd.s32 $0xFFFFD800  }
0x129: {  	_ =	swait.ge [sflag:s13], $0x50  }
0x12a: {  	[sflag:s13] =	ssyncset.done $0x0  }
0x12b: {  	[sflag:s13] =	ssyncadd.s32 $0xFFFFFFB0  }
0x12c: {  	[spmem:s3] =	stream.indirect.scatter.add.f32 [tilespmem:s28], [sflag:$0x4], $0x80, s24, s26, $0xb8;
	[tilespmem:$0x1DB80] =	vst v63  }
0x12d: {  	v8 =	vld [tilespmem:$0x180];
	_ =	sdelay $0x4  }
0x12e: {  	vm0 =	vlt.s32 v8, $0x400  }
0x12f: {  	v9 =	vsel vm0, $0x1, v1  }
0x130: {  	(xrf0) =	vadd.scan.msk.s32 $0xffff, v9;
	_ =	sdelay $0x5  }
0x131: {  	v9, _, _ =	vpop (xrf0)  }
0x132: {  	v10 =	vld [tilespmem:$0x0];
	v9 =	vadd.s32 v9, v7  }
0x133: {  	v9 =	vadd.s32 $0xFFFFFFFF, v9;
	_ =	sdelay $0x2  }
0x134: {  	v8 =	vshll.u32 v8, $0x10  }
0x135: {  	v8 =	vor.u32 v10, v8  }
0x136: {  	[tilespmem:v9+s31+$0x0] =	vst.idx.msk vm0, v8  }
0x137: {  	v8 =	vld [tilespmem:$0x190];
	_ =	sdelay $0x4  }
0x138: {  	vm1 =	vlt.s32 v8, $0x400  }
0x139: {  	v26 =	vsel vm1, $0x1, v1  }
0x13a: {  	(xrf0) =	vadd.scan.msk.s32 $0xffff, v26;
	_ =	sdelay $0x3  }
0x13b: {  	v27 =	vmpcnt.ones.xlane vm0;
	_ =	sdelay $0x1  }
0x13c: {  	v7 =	vadd.s32 v7, v27;
	v28, _, _ =	vpop (xrf0)  }
0x13d: {  	v29 =	vld [tilespmem:$0x10];
	v9 =	vadd.s32 v28, v7  }
0x13e: {  	v9 =	vadd.s32 $0xFFFFFFFF, v9;
	_ =	sdelay $0x2  }
0x13f: {  	v8 =	vshll.u32 v8, $0x10  }
0x140: {  	v8 =	vor.u32 v29, v8  }
0x141: {  	[tilespmem:v9+s31+$0x0] =	vst.idx.msk vm1, v8  }
0x142: {  	v8 =	vld [tilespmem:$0x1A0];
	_ =	sdelay $0x4  }
0x143: {  	vm8 =	vlt.s32 v8, $0x400  }
0x144: {  	v30 =	vsel vm8, $0x1, v1  }
0x145: {  	(xrf0) =	vadd.scan.msk.s32 $0xffff, v30;
	_ =	sdelay $0x3  }
0x146: {  	v31 =	vmpcnt.ones.xlane vm1;
	_ =	sdelay $0x1  }
0x147: {  	v7 =	vadd.s32 v7, v31;
	v32, _, _ =	vpop (xrf0)  }
0x148: {  	v33 =	vld [tilespmem:$0x20];
	v9 =	vadd.s32 v32, v7  }
0x149: {  	v9 =	vadd.s32 $0xFFFFFFFF, v9;
	_ =	sdelay $0x2  }
0x14a: {  	v8 =	vshll.u32 v8, $0x10  }
0x14b: {  	v8 =	vor.u32 v33, v8  }
0x14c: {  	[tilespmem:v9+s31+$0x0] =	vst.idx.msk vm8, v8  }
0x14d: {  	v8 =	vld [tilespmem:$0x1B0];
	_ =	sdelay $0x4  }
0x14e: {  	vm9 =	vlt.s32 v8, $0x400  }
0x14f: {  	v34 =	vsel vm9, $0x1, v1  }
0x150: {  	(xrf0) =	vadd.scan.msk.s32 $0xffff, v34;
	_ =	sdelay $0x3  }
0x151: {  	v35 =	vmpcnt.ones.xlane vm8;
	_ =	sdelay $0x1  }
0x152: {  	v7 =	vadd.s32 v7, v35;
	v36, _, _ =	vpop (xrf0)  }
0x153: {  	v37 =	vld [tilespmem:$0x30];
	v9 =	vadd.s32 v36, v7  }
0x154: {  	v9 =	vadd.s32 $0xFFFFFFFF, v9;
	_ =	sdelay $0x2  }
0x155: {  	v8 =	vshll.u32 v8, $0x10  }
0x156: {  	v8 =	vor.u32 v37, v8  }
0x157: {  	[tilespmem:v9+s31+$0x0] =	vst.idx.msk vm9, v8  }
0x158: {  	v8 =	vld [tilespmem:$0x1C0];
	_ =	sdelay $0x4  }
0x159: {  	vm10 =	vlt.s32 v8, $0x400  }
0x15a: {  	v38 =	vsel vm10, $0x1, v1  }
0x15b: {  	(xrf0) =	vadd.scan.msk.s32 $0xffff, v38;
	_ =	sdelay $0x3  }
0x15c: {  	v39 =	vmpcnt.ones.xlane vm9;
	_ =	sdelay $0x1  }
0x15d: {  	v7 =	vadd.s32 v7, v39;
	v40, _, _ =	vpop (xrf0)  }
0x15e: {  	v41 =	vld [tilespmem:$0x40];
	v9 =	vadd.s32 v40, v7  }
0x15f: {  	v9 =	vadd.s32 $0xFFFFFFFF, v9;
	_ =	sdelay $0x2  }
0x160: {  	v8 =	vshll.u32 v8, $0x10  }
0x161: {  	v8 =	vor.u32 v41, v8  }
0x162: {  	s17 =	simm.s32 $0x6;
	[tilespmem:v9+s31+$0x0] =	vst.idx.msk vm10, v8  }
0x163: {  	_ =	swait.ge [sflag:s17], $0x2800  }
0x164: {  	[sflag:s17] =	ssyncset.done $0x0  }
0x165: {  	[sflag:s17] =	ssyncadd.s32 $0xFFFFD800  }
0x166: {  	_ =	swait.ge [sflag:s1], $0x2800  }
0x167: {  	[sflag:s1] =	ssyncset.done $0x0  }
0x168: {  	s18 =	simm.s32 $0xB;
	[sflag:s1] =	ssyncadd.s32 $0xFFFFD800  }
0x169: {  	_ =	swait.ge [sflag:s18], $0x50  }
0x16a: {  	[sflag:s18] =	ssyncset.done $0x0  }
0x16b: {  	[sflag:s18] =	ssyncadd.s32 $0xFFFFFFB0  }
0x16c: {  	[spmem:s3] =	stream.indirect.scatter.add.f32 [tilespmem:s29], [sflag:$0x5], $0x80, s25, s26, $0xb8;
	[tilespmem:$0x1DB80] =	vst v63  }
0x16d: {  	v8 =	vld [tilespmem:$0x200];
	_ =	sdelay $0x4  }
0x16e: {  	vm11 =	vlt.s32 v8, $0x400  }
0x16f: {  	v42 =	vsel vm11, $0x1, v1  }
0x170: {  	(xrf0) =	vadd.scan.msk.s32 $0xffff, v42;
	_ =	sdelay $0x3  }
0x171: {  	v43 =	vmpcnt.ones.xlane vm10;
	_ =	sdelay $0x1  }
0x172: {  	v7 =	vadd.s32 v7, v43;
	v44, _, _ =	vpop (xrf0)  }
0x173: {  	v45 =	vld [tilespmem:$0x80];
	v9 =	vadd.s32 v44, v7  }
0x174: {  	v9 =	vadd.s32 $0xFFFFFFFF, v9;
	_ =	sdelay $0x2  }
0x175: {  	v8 =	vshll.u32 v8, $0x10  }
0x176: {  	v8 =	vor.u32 v45, v8  }
0x177: {  	[tilespmem:v9+s31+$0x0] =	vst.idx.msk vm11, v8  }
0x178: {  	v8 =	vld [tilespmem:$0x210];
	_ =	sdelay $0x4  }
0x179: {  	vm12 =	vlt.s32 v8, $0x400  }
0x17a: {  	v46 =	vsel vm12, $0x1, v1  }
0x17b: {  	(xrf0) =	vadd.scan.msk.s32 $0xffff, v46;
	_ =	sdelay $0x3  }
0x17c: {  	v47 =	vmpcnt.ones.xlane vm11;
	_ =	sdelay $0x1  }
0x17d: {  	v7 =	vadd.s32 v7, v47;
	v48, _, _ =	vpop (xrf0)  }
0x17e: {  	v49 =	vld [tilespmem:$0x90];
	v9 =	vadd.s32 v48, v7  }
0x17f: {  	v9 =	vadd.s32 $0xFFFFFFFF, v9;
	_ =	sdelay $0x2  }
0x180: {  	v8 =	vshll.u32 v8, $0x10  }
0x181: {  	v8 =	vor.u32 v49, v8  }
0x182: {  	[tilespmem:v9+s31+$0x0] =	vst.idx.msk vm12, v8  }
0x183: {  	v8 =	vld [tilespmem:$0x220];
	_ =	sdelay $0x4  }
0x184: {  	vm13 =	vlt.s32 v8, $0x400  }
0x185: {  	v50 =	vsel vm13, $0x1, v1  }
0x186: {  	(xrf0) =	vadd.scan.msk.s32 $0xffff, v50;
	_ =	sdelay $0x3  }
0x187: {  	v51 =	vmpcnt.ones.xlane vm12;
	_ =	sdelay $0x1  }
0x188: {  	v7 =	vadd.s32 v7, v51;
	v52, _, _ =	vpop (xrf0)  }
0x189: {  	v53 =	vld [tilespmem:$0xA0];
	v9 =	vadd.s32 v52, v7  }
0x18a: {  	v9 =	vadd.s32 $0xFFFFFFFF, v9;
	_ =	sdelay $0x2  }
0x18b: {  	v8 =	vshll.u32 v8, $0x10  }
0x18c: {  	v8 =	vor.u32 v53, v8  }
0x18d: {  	[tilespmem:v9+s31+$0x0] =	vst.idx.msk vm13, v8  }
0x18e: {  	v8 =	vld [tilespmem:$0x230];
	_ =	sdelay $0x4  }
0x18f: {  	vm14 =	vlt.s32 v8, $0x400  }
0x190: {  	v54 =	vsel vm14, $0x1, v1  }
0x191: {  	(xrf0) =	vadd.scan.msk.s32 $0xffff, v54;
	_ =	sdelay $0x3  }
0x192: {  	v55 =	vmpcnt.ones.xlane vm13;
	_ =	sdelay $0x1  }
0x193: {  	v7 =	vadd.s32 v7, v55;
	v56, _, _ =	vpop (xrf0)  }
0x194: {  	v57 =	vld [tilespmem:$0xB0];
	v9 =	vadd.s32 v56, v7  }
0x195: {  	v9 =	vadd.s32 $0xFFFFFFFF, v9;
	_ =	sdelay $0x2  }
0x196: {  	v8 =	vshll.u32 v8, $0x10  }
0x197: {  	v8 =	vor.u32 v57, v8  }
0x198: {  	[tilespmem:v9+s31+$0x0] =	vst.idx.msk vm14, v8  }
0x199: {  	v8 =	vld [tilespmem:$0x240];
	_ =	sdelay $0x4  }
0x19a: {  	vm15 =	vlt.s32 v8, $0x400  }
0x19b: {  	v58 =	vsel vm15, $0x1, v1  }
0x19c: {  	(xrf0) =	vadd.scan.msk.s32 $0xffff, v58;
	_ =	sdelay $0x3  }
0x19d: {  	v59 =	vmpcnt.ones.xlane vm14;
	_ =	sdelay $0x1  }
0x19e: {  	v7 =	vadd.s32 v7, v59;
	v60, _, _ =	vpop (xrf0)  }
0x19f: {  	v61 =	vld [tilespmem:$0xC0];
	v9 =	vadd.s32 v60, v7  }
0x1a0: {  	v9 =	vadd.s32 $0xFFFFFFFF, v9;
	_ =	sdelay $0x2  }
0x1a1: {  	v8 =	vshll.u32 v8, $0x10  }
0x1a2: {  	v8 =	vor.u32 v61, v8  }
0x1a3: {  	[tilespmem:v9+s31+$0x0] =	vst.idx.msk vm15, v8  }
0x1a4: {  	v8 =	vmpcnt.ones.xlane vm15;
	_ =	swait.ge [sflag:s2], $0x2800  }
0x1a5: {  	[sflag:s2] =	ssyncset.done $0x0  }
0x1a6: {  	v7 =	vadd.s32 v7, v8;
	[sflag:s2] =	ssyncadd.s32 $0xFFFFD800  }
0x1a7: {  	v8 =	vxor.u32 $0x80000000, v7;
	_ =	swait.ge [sflag:s11], $0x2800  }
0x1a8: {  	(xrf0) =	vmax.scan.msk.u32 $0xffff, v8;
	_ =	sdelay $0x5  }
0x1a9: {  	v8, _, _ =	vpop (xrf0)  }
0x1aa: {  	(v2sf) =	vpush v8, $0xF;
	_ =	sdelay $0xe  }
0x1ab: {  	s20 =	spop (v2sf)  }
0x1ac: {  	s14 =	sadd.s32 $0x8000004F, s20  }
0x1ad: {  	s15 =	smulhi.u32 $0x66666667, s14;
	s17 =	sshra.s32 s14, $0x1F  }
0x1ae: {  	s17 =	smul.u32 $0x66666667, s17;
	_ =	sdelay $0x1  }
0x1af: {  	s15 =	sadd.s32 s17, s15  }
0x1b0: {  	v8 =	vadd.s32 v0, v7;
	s17 =	sshrl.u32 s15, $0x1F;
	s15 =	sshra.s32 s15, $0x5  }
0x1b1: {  	v62 =	vadd.s32 v3, v7;
	s15 =	sadd.s32 s17, s15  }
0x1b2: {  	v63 =	vadd.s32 v4, v7;
	s17 =	smul.u32 $0xFFFFFFB0, s15  }
0x1b3: {  	v11 =	vadd.s32 v5, v7;
	[sflag:s11] =	ssyncset.done $0x0;
	s13 =	ssub.s32 $0x7FFFFFB1, s20  }
0x1b4: {  	[sflag:s11] =	ssyncadd.s32 $0xFFFFD800;
	v7 =	vadd.s32 v6, v7;
	p2 =	slt.s32 s14, $0x1;
	p1 =	sne.s32 s17, s13  }
0x1b5: {  	[tilespmem:v8+s31+$0x0] =	vst.idx.msk $0xffff, v2;
	p1 =	por !p2, !p1  }
0x1b6: {  	[tilespmem:v62+s31+$0x0] =	vst.idx.msk $0xffff, v2;
	s13 =	simm.s32 $0x1;
	p1 =	por !p1, !p1  }
0x1b7: {  	[tilespmem:v63+s31+$0x0] =	vst.idx.msk $0xffff, v2;
	s13 =	simm.s32 @!p1 $0x0  }
0x1b8: {  	[tilespmem:v11+s31+$0x0] =	vst.idx.msk $0xffff, v2;
	s13 =	ssub.s32 s15, s13  }
0x1b9: {  	[tilespmem:v7+s31+$0x0] =	vst.idx.msk $0xffff, v2;
	v7 =	vmov s13  }
0x1ba: {  	s14 =	rddreg [dreg:$0x11];
	s15 =	simm.s32 $0x400;
	[tilespmem:$0xA280] =	vst v7  }
0x1bb: {  	[hbm4b:s14+s22] =	stream.strided.scatter [tilespmem:s31], [sflag:$0xD], $0x2780, s15, s22, $0x38;
	[tilespmem:$0x1DB80] =	vst v63  }
0x1bc: {  	_ =	swait.ge [sflag:s21], $0x2780  }
0x1bd: {  	[sflag:s21] =	ssyncset.done $0x0  }
0x1be: {  	s18 =	simm.s32 $0xA280;
	s17 =	rddreg [dreg:$0x12];
	[sflag:s21] =	ssyncadd.s32 $0xFFFFD880  }
0x1bf: {  	[hbm4b:s17+s4] =	stream.linear.scatter [tilespmem:s18], [sflag:$0xD], $0x80, $0x38;
	[tilespmem:$0x1DB80] =	vst v63  }
0x1c0: {  	_ =	swait.ge [sflag:s21], $0x80  }
0x1c1: {  	[sflag:s21] =	ssyncset.done $0x0  }
0x1c2: {  	[sflag:s21] =	ssyncadd.s32 $0xFFFFFF80  }
0x1c3: {  	[bflag:$0x0] =	sbarrier.arrive $0xFFFF  }
0x1c4: {  	s14 =	rddreg [dreg:$0x14]  }
0x1c5: {  	s13 =	simm.s32 @p0 $0x1FCD;
	s15 =	rddreg [dreg:$0x17]  }
0x1c6: {  	[hbm:s14], [sflag:s13] =	dma.local @p0 [spmem:s15], $0x1900  }
0x1c7: {  	s13 =	simm.s32 @p0 $0xD  }
0x1c8: {  	_ =	swait.ge @p0 [sflag:s13], $0x1900  }
0x1c9: {  	[sflag:s13] =	ssyncset.done @p0 $0x0;
	s14 =	rddreg [dreg:$0x18]  }
0x1ca: {  	[sflag:s13] =	ssyncadd.s32 @p0 $0xFFFFE700;
	s13 =	rddreg [dreg:$0x13]  }
0x1cb: {  	[hbm:s13], [sflag:s14] =	dma.local @!p0 [spmem:s19], $0x2800  }
0x1cc: {  	s13 =	simm.s32 @!p0 $0xD  }
0x1cd: {  	_ =	swait.ge @!p0 [sflag:s13], $0x2800  }
0x1ce: {  	s16 =	sadd.s32 $0x1, s16;
	s20 =	rddreg [dreg:$0x15]  }
0x1cf: {  	p1 =	sne.s32 s16, s20  }
.Ltmp1:
0x1d0: {  	_ = 	snop;
	(pc) =	sbr.rel @p1 .LBB2_1-.Ltmp1, $3  }
0x1d1: {  	_ =	sdelay $0x1  }
0x1d2: {  	[sflag:s13] =	ssyncset.done @!p0 $0x0  }
0x1d3: {  	[sflag:s13] =	ssyncadd.s32 @!p0 $0xFFFFD800  }
0x1d4: {  	_ =	sfence.sel $0x180000  }
0x1d5: {  	[bflag:$0x0] =	sbarrier.arrive $0xFFFF  }
0x1d6: {  	_ =	strace $0x90000047  }
0x1d7: {  	s0 =	stileid.u32;
	[bflag:$0x2] =	sbarrier.arrive $0xFFFF  }
0x1d8: {  	p0 =	sne.s32 s0, $0x0;
	s0 =	rddreg [dreg:$0x3]  }
0x1d9: {  	s0 =	sadd.s32 @!p0 $0x100000, s0  }
0x1da: {  	[sflag:s0] =	ssyncadd.tile.s32 @!p0 $0x1;
	_ =	shalt  }
.Lfunc_end2:
_tile_overlayer_lowered:
.L_overlay_start_2:
0x1db: {  	(tag) =	ssettag $0x2  }
0x1dc: {  	s0 =	rddreg [dreg:$0x0];
	s2 =	stileid.u32  }
0x1dd: {  	s1 =	rddreg [dreg:$0x1];
	p0 =	sne.s32 s2, $0x0  }
0x1de: {  	s3 =	rddreg [dreg:$0x2];
	[bflag:$0x3] =	sbarrier.arrive $0xFFFF;
	s2 =	simm.s32 @!p0 $0x1C0D  }
0x1df: {  	[timem:s3], [sflag:s2] =	dma.local @!p0 [hbm:s0], s1  }
0x1e0: {  	s0 =	simm.s32 @!p0 $0xD  }
0x1e1: {  	_ =	swait.ge @!p0 [sflag:s0], s1  }
0x1e2: {  	s1 =	ssub.s32 @!p0 $0x0, s1;
	[sflag:s0] =	ssyncset.done @!p0 $0x0  }
0x1e3: {  	[sflag:s0] =	ssyncadd.s32 @!p0 s1  }
0x1e4: {  	[bflag:$0x3] =	sbarrier.arrive $0xFFFF  }
0x1e5: {  	_ =	shalt  }

</sc_bundles>
